<compile_context>
chip_gen: v7x
topology: tpu7x:2x2x1
jax: 0.10.2.dev20260603
libtpu: 0.0.44.dev20260713+nightly
codegen_flags: <defaults>
</compile_context>

<pallas_src>
import functools

import jax
import jax.numpy as jnp
from jax import lax
from jax.experimental import pallas as pl
from jax.experimental.pallas import tpu as pltpu
from jax.experimental.pallas import tpu_sc as plsc

VOCAB = 100000
EMBED = 64
BATCH = 1024
CTX = 50

BT = 32
NBB = BATCH // BT

_NC, _NS = 2, 16
_NW = _NC * _NS
_ROWS_PER_W = BATCH // _NW
_LANES = 16
_CHUNKS = EMBED // _LANES
_GRP = 8
_NGRP = _ROWS_PER_W // _GRP


def _sc_gather_mean_body(ctx_hbm, table_hbm, out_hbm, idx_v, rows_v, out_v, sem):
    wid = lax.axis_index("s") * _NC + lax.axis_index("c")
    base = wid * _ROWS_PER_W
    pltpu.sync_copy(ctx_hbm.at[pl.ds(base, _ROWS_PER_W)], idx_v)

    def fire(g, buf):
        for i in range(_GRP):
            pltpu.async_copy(table_hbm.at[idx_v.at[g * _GRP + i]],
                             rows_v.at[buf, i], sem)

    def drain_and_accumulate(g, buf):
        for i in range(_GRP):
            pltpu.make_async_copy(table_hbm.at[idx_v.at[0]],
                                  rows_v.at[buf, i], sem).wait()
        for i in range(_GRP):
            def acc_body(c, acc):
                return tuple(acc[k] + rows_v[buf, i, c, pl.ds(k * _LANES, _LANES)]
                             for k in range(_CHUNKS))
            zero = tuple(jnp.zeros((_LANES,), jnp.float32)
                         for _ in range(_CHUNKS))
            acc = lax.fori_loop(0, CTX, acc_body, zero)
            for k in range(_CHUNKS):
                out_v[g * _GRP + i, pl.ds(k * _LANES, _LANES)] = (
                    acc[k] * (1.0 / CTX))

    fire(0, 0)
    for g in range(_NGRP):
        if g + 1 < _NGRP:
            fire(g + 1, (g + 1) % 2)
        drain_and_accumulate(g, g % 2)

    pltpu.sync_copy(out_v, out_hbm.at[pl.ds(base, _ROWS_PER_W)])


@functools.cache
def _sc_gather_mean():
    return pl.kernel(
        _sc_gather_mean_body,
        mesh=plsc.VectorSubcoreMesh(core_axis_name="c", subcore_axis_name="s",
                                    num_cores=_NC, num_subcores=_NS),
        out_type=jax.ShapeDtypeStruct((BATCH, EMBED), jnp.float32),
        scratch_types=[
            pltpu.VMEM((_ROWS_PER_W, CTX), jnp.int32),
            pltpu.VMEM((2, _GRP, CTX, EMBED), jnp.float32),
            pltpu.VMEM((_ROWS_PER_W, EMBED), jnp.float32),
            pltpu.SemaphoreType.DMA,
        ],
        compiler_params=pltpu.CompilerParams(use_tc_tiling_on_sc=False),
    )


def _softmax_body(x_ref, w_ref, b_ref, out_ref):
    logits = jnp.dot(x_ref[...], w_ref[...],
                     preferred_element_type=jnp.float32) + b_ref[...]
    e = jnp.exp(logits)
    s = jnp.sum(e, axis=1, keepdims=True)
    out_ref[...] = e * (1.0 / s)


def kernel(context_words, emb_table, W_out, b_out):
    ctx_avg = _sc_gather_mean()(context_words, emb_table)
    b2 = b_out.reshape(1, VOCAB)

    out = pl.pallas_call(
        _softmax_body,
        grid=(NBB,),
        in_specs=[
            pl.BlockSpec((BT, EMBED), lambda i: (i, 0)),
            pl.BlockSpec((EMBED, VOCAB), lambda i: (0, 0)),
            pl.BlockSpec((1, VOCAB), lambda i: (0, 0)),
        ],
        out_specs=pl.BlockSpec((BT, VOCAB), lambda i: (i, 0)),
        out_shape=jax.ShapeDtypeStruct((BATCH, VOCAB), jnp.float32),
        compiler_params=pltpu.CompilerParams(
            dimension_semantics=("parallel",),
            vmem_limit_bytes=64 * 1024 * 1024),
    )(ctx_avg, W_out, b2)
    return out

# --- scband reference (transcript-rebuilt; emitter-appended) ---
"""Pipeline reference for scband-cbowmodel-44667659878998 (READ-ONLY COPY).

The authoritative reference and input builder live on the scoring server;
editing this copy changes nothing except your own understanding.
"""

import jax, jax.numpy as jnp
import numpy as np

VOCAB = 100000
EMBED = 64
BATCH = 1024
CTX = 50


def setup_inputs(seed: int = 0) -> dict:
    key = jax.random.key(seed)
    k1, k2, k3 = jax.random.split(key, 3)
    context_words = jax.random.randint(k1, (BATCH, CTX), 0, VOCAB, dtype=jnp.int32)
    emb_table = jax.random.normal(k2, (VOCAB, EMBED), dtype=jnp.float32) * 0.05
    W_out = jax.random.normal(k3, (EMBED, VOCAB), dtype=jnp.float32) * 0.05
    b_out = jnp.zeros((VOCAB,), dtype=jnp.float32)
    return {"context_words": context_words, "emb_table": emb_table, "W_out": W_out, "b_out": b_out}


def reference(context_words, emb_table, W_out, b_out):
    # Embedding lookup: [B, CTX] -> [B, CTX, EMBED]
    embedded_context = jnp.take(emb_table, context_words, axis=0)
    # CBOW average over context window
    context_avg = jnp.mean(embedded_context, axis=1)
    # Dense output layer with softmax activation over vocab
    logits = context_avg @ W_out + b_out
    output = jax.nn.softmax(logits, axis=-1)
    return output

if __name__ == "__main__":
    import jax
    _d = setup_inputs()
    print(jax.jit(kernel)(*tuple(_d.values())))

</pallas_src>

<mosaic_0001>
#map = affine_map<(d0, d1) -> (0, 0)>
module attributes {stable_mosaic.version = 14 : i64} {
  func.func @_sc_gather_mean_body(%arg0: i32, %arg1: i32, %arg2: memref<1024x50xi32, #tpu.memory_space<hbm>>, %arg3: memref<100000x64xf32, #tpu.memory_space<hbm>>, %arg4: memref<1024x64xf32, #tpu.memory_space<hbm>>, %arg5: memref<32x50xi32, #tpu.memory_space<vmem>>, %arg6: memref<2x8x50x64xf32, #tpu.memory_space<vmem>>, %arg7: memref<32x64xf32, #tpu.memory_space<vmem>>, %arg8: memref<!tpu.dma_semaphore, #tpu.memory_space<semaphore_mem>>) attributes {dimension_semantics = [#tpu.dimension_semantics<core_parallel>, #tpu.dimension_semantics<subcore_parallel>], iteration_bounds = array<i64: 2, 16>, scalar_prefetch = 0 : i64, scratch_operands = 4 : i64, tpu.core_type = #tpu.core_type<sc_vector_subcore>, window_params = [{transform_indices = #map}, {transform_indices = #map}, {transform_indices = #map}]} {
    %mul3A = arith.constant 2 : i32
    %mul3A_0 = arith.muli %arg1, %mul3A : i32
    %add3A = arith.addi %mul3A_0, %arg0 : i32
    %mul3A_1 = arith.constant 32 : i32
    %mul3A_2 = arith.muli %add3A, %mul3A_1 : i32
    "tpu.region"() ({
      %run_scoped3A = tpu.sem_alloc : memref<!tpu.dma_semaphore, #tpu.memory_space<semaphore_mem>>
      %dma_start3A_2430 = arith.constant 0 : i32
      %dma_start3A_2431 = tpu.memref_slice %arg2[%mul3A_2, %dma_start3A_2430] : memref<1024x50xi32, #tpu.memory_space<hbm>> -> memref<32x50xi32, #tpu.memory_space<hbm>>
      %dma_start3A_2432 = arith.constant 0 : i32
      %dma_start3A_2433 = tpu.memref_slice %arg2[%mul3A_2, %dma_start3A_2432] : memref<1024x50xi32, #tpu.memory_space<hbm>> -> memref<32x50xi32, #tpu.memory_space<hbm>>
      tpu.enqueue_dma source(%dma_start3A_2433 : memref<32x50xi32, #tpu.memory_space<hbm>>) target(%arg5 : memref<32x50xi32, #tpu.memory_space<vmem>>) target_semaphore(%run_scoped3A : memref<!tpu.dma_semaphore, #tpu.memory_space<semaphore_mem>>)
      %dma_wait3A_2434 = arith.constant 0 : i32
      %dma_wait3A_2435 = tpu.memref_slice %arg2[%mul3A_2, %dma_wait3A_2434] : memref<1024x50xi32, #tpu.memory_space<hbm>> -> memref<32x50xi32, #tpu.memory_space<hbm>>
      %dma_wait3A_2436 = arith.constant 0 : i32
      %dma_wait3A_2437 = tpu.memref_slice %arg2[%mul3A_2, %dma_wait3A_2436] : memref<1024x50xi32, #tpu.memory_space<hbm>> -> memref<32x50xi32, #tpu.memory_space<hbm>>
      tpu.wait_dma2 semaphore(%run_scoped3A : memref<!tpu.dma_semaphore, #tpu.memory_space<semaphore_mem>>) src(%dma_wait3A_2437 : memref<32x50xi32, #tpu.memory_space<hbm>>) dst(%arg5 : memref<32x50xi32, #tpu.memory_space<vmem>>)
      tpu.yield
    }) : () -> ()
    %dma_start3A = arith.constant 0 : i32
    %dma_start3A_3 = arith.constant 0 : i32
    %dma_start3A_4 = arith.constant 0 : i32
    %dma_start3A_5 = arith.constant 0 : i32
    %dma_start3A_6 = arith.constant 0 : i32
    %dma_start3A_7 = tpu.memref_slice %arg6[%dma_start3A_3, %dma_start3A_4, %dma_start3A_5, %dma_start3A_6] : memref<2x8x50x64xf32, #tpu.memory_space<vmem>> -> memref<1x1x50x64xf32, #tpu.memory_space<vmem>>
    %dma_start3A_8 = tpu.memref_squeeze %dma_start3A_7 : memref<1x1x50x64xf32, #tpu.memory_space<vmem>> -> memref<50x64xf32, #tpu.memory_space<vmem>>
    %dma_start3A_9 = arith.constant 0 : i32
    %dma_start3A_10 = tpu.memref_slice %arg5[%dma_start3A, %dma_start3A_9] : memref<32x50xi32, #tpu.memory_space<vmem>> -> memref<1x50xi32, #tpu.memory_space<vmem>>
    %dma_start3A_11 = tpu.memref_squeeze %dma_start3A_10 : memref<1x50xi32, #tpu.memory_space<vmem>> -> memref<50xi32, #tpu.memory_space<vmem>>
    %dma_start3A_12 = arith.constant 0 : i32
    %dma_start3A_13 = arith.constant 0 : i32
    %dma_start3A_14 = tpu.memref_slice %arg3[%dma_start3A_12, %dma_start3A_13] : memref<100000x64xf32, #tpu.memory_space<hbm>> -> memref<100000x64xf32, #tpu.memory_space<hbm>>
    tpu.enqueue_indirect_dma source(%dma_start3A_14 : memref<100000x64xf32, #tpu.memory_space<hbm>>) target(%dma_start3A_8 : memref<50x64xf32, #tpu.memory_space<vmem>>) offsets(%dma_start3A_11 : memref<50xi32, #tpu.memory_space<vmem>>) semaphore(%arg8 : memref<!tpu.dma_semaphore, #tpu.memory_space<semaphore_mem>>)
    %dma_start3A_15 = arith.constant 1 : i32
    %dma_start3A_16 = arith.constant 0 : i32
    %dma_start3A_17 = arith.constant 1 : i32
    %dma_start3A_18 = arith.constant 0 : i32
    %dma_start3A_19 = arith.constant 0 : i32
    %dma_start3A_20 = tpu.memref_slice %arg6[%dma_start3A_16, %dma_start3A_17, %dma_start3A_18, %dma_start3A_19] : memref<2x8x50x64xf32, #tpu.memory_space<vmem>> -> memref<1x1x50x64xf32, #tpu.memory_space<vmem>>
    %dma_start3A_21 = tpu.memref_squeeze %dma_start3A_20 : memref<1x1x50x64xf32, #tpu.memory_space<vmem>> -> memref<50x64xf32, #tpu.memory_space<vmem>>
    %dma_start3A_22 = arith.constant 0 : i32
    %dma_start3A_23 = tpu.memref_slice %arg5[%dma_start3A_15, %dma_start3A_22] : memref<32x50xi32, #tpu.memory_space<vmem>> -> memref<1x50xi32, #tpu.memory_space<vmem>>
    %dma_start3A_24 = tpu.memref_squeeze %dma_start3A_23 : memref<1x50xi32, #tpu.memory_space<vmem>> -> memref<50xi32, #tpu.memory_space<vmem>>
    %dma_start3A_25 = arith.constant 0 : i32
    %dma_start3A_26 = arith.constant 0 : i32
    %dma_start3A_27 = tpu.memref_slice %arg3[%dma_start3A_25, %dma_start3A_26] : memref<100000x64xf32, #tpu.memory_space<hbm>> -> memref<100000x64xf32, #tpu.memory_space<hbm>>
    tpu.enqueue_indirect_dma source(%dma_start3A_27 : memref<100000x64xf32, #tpu.memory_space<hbm>>) target(%dma_start3A_21 : memref<50x64xf32, #tpu.memory_space<vmem>>) offsets(%dma_start3A_24 : memref<50xi32, #tpu.memory_space<vmem>>) semaphore(%arg8 : memref<!tpu.dma_semaphore, #tpu.memory_space<semaphore_mem>>)
    %dma_start3A_28 = arith.constant 2 : i32
    %dma_start3A_29 = arith.constant 0 : i32
    %dma_start3A_30 = arith.constant 2 : i32
    %dma_start3A_31 = arith.constant 0 : i32
    %dma_start3A_32 = arith.constant 0 : i32
    %dma_start3A_33 = tpu.memref_slice %arg6[%dma_start3A_29, %dma_start3A_30, %dma_start3A_31, %dma_start3A_32] : memref<2x8x50x64xf32, #tpu.memory_space<vmem>> -> memref<1x1x50x64xf32, #tpu.memory_space<vmem>>
    %dma_start3A_34 = tpu.memref_squeeze %dma_start3A_33 : memref<1x1x50x64xf32, #tpu.memory_space<vmem>> -> memref<50x64xf32, #tpu.memory_space<vmem>>
    %dma_start3A_35 = arith.constant 0 : i32
    %dma_start3A_36 = tpu.memref_slice %arg5[%dma_start3A_28, %dma_start3A_35] : memref<32x50xi32, #tpu.memory_space<vmem>> -> memref<1x50xi32, #tpu.memory_space<vmem>>
    %dma_start3A_37 = tpu.memref_squeeze %dma_start3A_36 : memref<1x50xi32, #tpu.memory_space<vmem>> -> memref<50xi32, #tpu.memory_space<vmem>>
    %dma_start3A_38 = arith.constant 0 : i32
    %dma_start3A_39 = arith.constant 0 : i32
    %dma_start3A_40 = tpu.memref_slice %arg3[%dma_start3A_38, %dma_start3A_39] : memref<100000x64xf32, #tpu.memory_space<hbm>> -> memref<100000x64xf32, #tpu.memory_space<hbm>>
    tpu.enqueue_indirect_dma source(%dma_start3A_40 : memref<100000x64xf32, #tpu.memory_space<hbm>>) target(%dma_start3A_34 : memref<50x64xf32, #tpu.memory_space<vmem>>) offsets(%dma_start3A_37 : memref<50xi32, #tpu.memory_space<vmem>>) semaphore(%arg8 : memref<!tpu.dma_semaphore, #tpu.memory_space<semaphore_mem>>)
    %dma_start3A_41 = arith.constant 3 : i32
    %dma_start3A_42 = arith.constant 0 : i32
    %dma_start3A_43 = arith.constant 3 : i32
    %dma_start3A_44 = arith.constant 0 : i32
    %dma_start3A_45 = arith.constant 0 : i32
    %dma_start3A_46 = tpu.memref_slice %arg6[%dma_start3A_42, %dma_start3A_43, %dma_start3A_44, %dma_start3A_45] : memref<2x8x50x64xf32, #tpu.memory_space<vmem>> -> memref<1x1x50x64xf32, #tpu.memory_space<vmem>>
    %dma_start3A_47 = tpu.memref_squeeze %dma_start3A_46 : memref<1x1x50x64xf32, #tpu.memory_space<vmem>> -> memref<50x64xf32, #tpu.memory_space<vmem>>
    %dma_start3A_48 = arith.constant 0 : i32
    %dma_start3A_49 = tpu.memref_slice %arg5[%dma_start3A_41, %dma_start3A_48] : memref<32x50xi32, #tpu.memory_space<vmem>> -> memref<1x50xi32, #tpu.memory_space<vmem>>
    %dma_start3A_50 = tpu.memref_squeeze %dma_start3A_49 : memref<1x50xi32, #tpu.memory_space<vmem>> -> memref<50xi32, #tpu.memory_space<vmem>>
    %dma_start3A_51 = arith.constant 0 : i32
    %dma_start3A_52 = arith.constant 0 : i32
    %dma_start3A_53 = tpu.memref_slice %arg3[%dma_start3A_51, %dma_start3A_52] : memref<100000x64xf32, #tpu.memory_space<hbm>> -> memref<100000x64xf32, #tpu.memory_space<hbm>>
    tpu.enqueue_indirect_dma source(%dma_start3A_53 : memref<100000x64xf32, #tpu.memory_space<hbm>>) target(%dma_start3A_47 : memref<50x64xf32, #tpu.memory_space<vmem>>) offsets(%dma_start3A_50 : memref<50xi32, #tpu.memory_space<vmem>>) semaphore(%arg8 : memref<!tpu.dma_semaphore, #tpu.memory_space<semaphore_mem>>)
    %dma_start3A_54 = arith.constant 4 : i32
    %dma_start3A_55 = arith.constant 0 : i32
    %dma_start3A_56 = arith.constant 4 : i32
    %dma_start3A_57 = arith.constant 0 : i32
    %dma_start3A_58 = arith.constant 0 : i32
    %dma_start3A_59 = tpu.memref_slice %arg6[%dma_start3A_55, %dma_start3A_56, %dma_start3A_57, %dma_start3A_58] : memref<2x8x50x64xf32, #tpu.memory_space<vmem>> -> memref<1x1x50x64xf32, #tpu.memory_space<vmem>>
    %dma_start3A_60 = tpu.memref_squeeze %dma_start3A_59 : memref<1x1x50x64xf32, #tpu.memory_space<vmem>> -> memref<50x64xf32, #tpu.memory_space<vmem>>
    %dma_start3A_61 = arith.constant 0 : i32
    %dma_start3A_62 = tpu.memref_slice %arg5[%dma_start3A_54, %dma_start3A_61] : memref<32x50xi32, #tpu.memory_space<vmem>> -> memref<1x50xi32, #tpu.memory_space<vmem>>
    %dma_start3A_63 = tpu.memref_squeeze %dma_start3A_62 : memref<1x50xi32, #tpu.memory_space<vmem>> -> memref<50xi32, #tpu.memory_space<vmem>>
    %dma_start3A_64 = arith.constant 0 : i32
    %dma_start3A_65 = arith.constant 0 : i32
    %dma_start3A_66 = tpu.memref_slice %arg3[%dma_start3A_64, %dma_start3A_65] : memref<100000x64xf32, #tpu.memory_space<hbm>> -> memref<100000x64xf32, #tpu.memory_space<hbm>>
    tpu.enqueue_indirect_dma source(%dma_start3A_66 : memref<100000x64xf32, #tpu.memory_space<hbm>>) target(%dma_start3A_60 : memref<50x64xf32, #tpu.memory_space<vmem>>) offsets(%dma_start3A_63 : memref<50xi32, #tpu.memory_space<vmem>>) semaphore(%arg8 : memref<!tpu.dma_semaphore, #tpu.memory_space<semaphore_mem>>)
    %dma_start3A_67 = arith.constant 5 : i32
    %dma_start3A_68 = arith.constant 0 : i32
    %dma_start3A_69 = arith.constant 5 : i32
    %dma_start3A_70 = arith.constant 0 : i32
    %dma_start3A_71 = arith.constant 0 : i32
    %dma_start3A_72 = tpu.memref_slice %arg6[%dma_start3A_68, %dma_start3A_69, %dma_start3A_70, %dma_start3A_71] : memref<2x8x50x64xf32, #tpu.memory_space<vmem>> -> memref<1x1x50x64xf32, #tpu.memory_space<vmem>>
    %dma_start3A_73 = tpu.memref_squeeze %dma_start3A_72 : memref<1x1x50x64xf32, #tpu.memory_space<vmem>> -> memref<50x64xf32, #tpu.memory_space<vmem>>
    %dma_start3A_74 = arith.constant 0 : i32
    %dma_start3A_75 = tpu.memref_slice %arg5[%dma_start3A_67, %dma_start3A_74] : memref<32x50xi32, #tpu.memory_space<vmem>> -> memref<1x50xi32, #tpu.memory_space<vmem>>
    %dma_start3A_76 = tpu.memref_squeeze %dma_start3A_75 : memref<1x50xi32, #tpu.memory_space<vmem>> -> memref<50xi32, #tpu.memory_space<vmem>>
    %dma_start3A_77 = arith.constant 0 : i32
    %dma_start3A_78 = arith.constant 0 : i32
    %dma_start3A_79 = tpu.memref_slice %arg3[%dma_start3A_77, %dma_start3A_78] : memref<100000x64xf32, #tpu.memory_space<hbm>> -> memref<100000x64xf32, #tpu.memory_space<hbm>>
    tpu.enqueue_indirect_dma source(%dma_start3A_79 : memref<100000x64xf32, #tpu.memory_space<hbm>>) target(%dma_start3A_73 : memref<50x64xf32, #tpu.memory_space<vmem>>) offsets(%dma_start3A_76 : memref<50xi32, #tpu.memory_space<vmem>>) semaphore(%arg8 : memref<!tpu.dma_semaphore, #tpu.memory_space<semaphore_mem>>)
    %dma_start3A_80 = arith.constant 6 : i32
    %dma_start3A_81 = arith.constant 0 : i32
    %dma_start3A_82 = arith.constant 6 : i32
    %dma_start3A_83 = arith.constant 0 : i32
    %dma_start3A_84 = arith.constant 0 : i32
    %dma_start3A_85 = tpu.memref_slice %arg6[%dma_start3A_81, %dma_start3A_82, %dma_start3A_83, %dma_start3A_84] : memref<2x8x50x64xf32, #tpu.memory_space<vmem>> -> memref<1x1x50x64xf32, #tpu.memory_space<vmem>>
    %dma_start3A_86 = tpu.memref_squeeze %dma_start3A_85 : memref<1x1x50x64xf32, #tpu.memory_space<vmem>> -> memref<50x64xf32, #tpu.memory_space<vmem>>
    %dma_start3A_87 = arith.constant 0 : i32
    %dma_start3A_88 = tpu.memref_slice %arg5[%dma_start3A_80, %dma_start3A_87] : memref<32x50xi32, #tpu.memory_space<vmem>> -> memref<1x50xi32, #tpu.memory_space<vmem>>
    %dma_start3A_89 = tpu.memref_squeeze %dma_start3A_88 : memref<1x50xi32, #tpu.memory_space<vmem>> -> memref<50xi32, #tpu.memory_space<vmem>>
    %dma_start3A_90 = arith.constant 0 : i32
    %dma_start3A_91 = arith.constant 0 : i32
    %dma_start3A_92 = tpu.memref_slice %arg3[%dma_start3A_90, %dma_start3A_91] : memref<100000x64xf32, #tpu.memory_space<hbm>> -> memref<100000x64xf32, #tpu.memory_space<hbm>>
    tpu.enqueue_indirect_dma source(%dma_start3A_92 : memref<100000x64xf32, #tpu.memory_space<hbm>>) target(%dma_start3A_86 : memref<50x64xf32, #tpu.memory_space<vmem>>) offsets(%dma_start3A_89 : memref<50xi32, #tpu.memory_space<vmem>>) semaphore(%arg8 : memref<!tpu.dma_semaphore, #tpu.memory_space<semaphore_mem>>)
    %dma_start3A_93 = arith.constant 7 : i32
    %dma_start3A_94 = arith.constant 0 : i32
    %dma_start3A_95 = arith.constant 7 : i32
    %dma_start3A_96 = arith.constant 0 : i32
    %dma_start3A_97 = arith.constant 0 : i32
    %dma_start3A_98 = tpu.memref_slice %arg6[%dma_start3A_94, %dma_start3A_95, %dma_start3A_96, %dma_start3A_97] : memref<2x8x50x64xf32, #tpu.memory_space<vmem>> -> memref<1x1x50x64xf32, #tpu.memory_space<vmem>>
    %dma_start3A_99 = tpu.memref_squeeze %dma_start3A_98 : memref<1x1x50x64xf32, #tpu.memory_space<vmem>> -> memref<50x64xf32, #tpu.memory_space<vmem>>
    %dma_start3A_100 = arith.constant 0 : i32
    %dma_start3A_101 = tpu.memref_slice %arg5[%dma_start3A_93, %dma_start3A_100] : memref<32x50xi32, #tpu.memory_space<vmem>> -> memref<1x50xi32, #tpu.memory_space<vmem>>
    %dma_start3A_102 = tpu.memref_squeeze %dma_start3A_101 : memref<1x50xi32, #tpu.memory_space<vmem>> -> memref<50xi32, #tpu.memory_space<vmem>>
    %dma_start3A_103 = arith.constant 0 : i32
    %dma_start3A_104 = arith.constant 0 : i32
    %dma_start3A_105 = tpu.memref_slice %arg3[%dma_start3A_103, %dma_start3A_104] : memref<100000x64xf32, #tpu.memory_space<hbm>> -> memref<100000x64xf32, #tpu.memory_space<hbm>>
    tpu.enqueue_indirect_dma source(%dma_start3A_105 : memref<100000x64xf32, #tpu.memory_space<hbm>>) target(%dma_start3A_99 : memref<50x64xf32, #tpu.memory_space<vmem>>) offsets(%dma_start3A_102 : memref<50xi32, #tpu.memory_space<vmem>>) semaphore(%arg8 : memref<!tpu.dma_semaphore, #tpu.memory_space<semaphore_mem>>)
    %dma_start3A_106 = arith.constant 8 : i32
    %dma_start3A_107 = arith.constant 1 : i32
    %dma_start3A_108 = arith.constant 0 : i32
    %dma_start3A_109 = arith.constant 0 : i32
    %dma_start3A_110 = arith.constant 0 : i32
    %dma_start3A_111 = tpu.memref_slice %arg6[%dma_start3A_107, %dma_start3A_108, %dma_start3A_109, %dma_start3A_110] : memref<2x8x50x64xf32, #tpu.memory_space<vmem>> -> memref<1x1x50x64xf32, #tpu.memory_space<vmem>>
    %dma_start3A_112 = tpu.memref_squeeze %dma_start3A_111 : memref<1x1x50x64xf32, #tpu.memory_space<vmem>> -> memref<50x64xf32, #tpu.memory_space<vmem>>
    %dma_start3A_113 = arith.constant 0 : i32
    %dma_start3A_114 = tpu.memref_slice %arg5[%dma_start3A_106, %dma_start3A_113] : memref<32x50xi32, #tpu.memory_space<vmem>> -> memref<1x50xi32, #tpu.memory_space<vmem>>
    %dma_start3A_115 = tpu.memref_squeeze %dma_start3A_114 : memref<1x50xi32, #tpu.memory_space<vmem>> -> memref<50xi32, #tpu.memory_space<vmem>>
    %dma_start3A_116 = arith.constant 0 : i32
    %dma_start3A_117 = arith.constant 0 : i32
    %dma_start3A_118 = tpu.memref_slice %arg3[%dma_start3A_116, %dma_start3A_117] : memref<100000x64xf32, #tpu.memory_space<hbm>> -> memref<100000x64xf32, #tpu.memory_space<hbm>>
    tpu.enqueue_indirect_dma source(%dma_start3A_118 : memref<100000x64xf32, #tpu.memory_space<hbm>>) target(%dma_start3A_112 : memref<50x64xf32, #tpu.memory_space<vmem>>) offsets(%dma_start3A_115 : memref<50xi32, #tpu.memory_space<vmem>>) semaphore(%arg8 : memref<!tpu.dma_semaphore, #tpu.memory_space<semaphore_mem>>)
    %dma_start3A_119 = arith.constant 9 : i32
    %dma_start3A_120 = arith.constant 1 : i32
    %dma_start3A_121 = arith.constant 1 : i32
    %dma_start3A_122 = arith.constant 0 : i32
    %dma_start3A_123 = arith.constant 0 : i32
    %dma_start3A_124 = tpu.memref_slice %arg6[%dma_start3A_120, %dma_start3A_121, %dma_start3A_122, %dma_start3A_123] : memref<2x8x50x64xf32, #tpu.memory_space<vmem>> -> memref<1x1x50x64xf32, #tpu.memory_space<vmem>>
    %dma_start3A_125 = tpu.memref_squeeze %dma_start3A_124 : memref<1x1x50x64xf32, #tpu.memory_space<vmem>> -> memref<50x64xf32, #tpu.memory_space<vmem>>
    %dma_start3A_126 = arith.constant 0 : i32
    %dma_start3A_127 = tpu.memref_slice %arg5[%dma_start3A_119, %dma_start3A_126] : memref<32x50xi32, #tpu.memory_space<vmem>> -> memref<1x50xi32, #tpu.memory_space<vmem>>
    %dma_start3A_128 = tpu.memref_squeeze %dma_start3A_127 : memref<1x50xi32, #tpu.memory_space<vmem>> -> memref<50xi32, #tpu.memory_space<vmem>>
    %dma_start3A_129 = arith.constant 0 : i32
    %dma_start3A_130 = arith.constant 0 : i32
    %dma_start3A_131 = tpu.memref_slice %arg3[%dma_start3A_129, %dma_start3A_130] : memref<100000x64xf32, #tpu.memory_space<hbm>> -> memref<100000x64xf32, #tpu.memory_space<hbm>>
    tpu.enqueue_indirect_dma source(%dma_start3A_131 : memref<100000x64xf32, #tpu.memory_space<hbm>>) target(%dma_start3A_125 : memref<50x64xf32, #tpu.memory_space<vmem>>) offsets(%dma_start3A_128 : memref<50xi32, #tpu.memory_space<vmem>>) semaphore(%arg8 : memref<!tpu.dma_semaphore, #tpu.memory_space<semaphore_mem>>)
    %dma_start3A_132 = arith.constant 10 : i32
    %dma_start3A_133 = arith.constant 1 : i32
    %dma_start3A_134 = arith.constant 2 : i32
    %dma_start3A_135 = arith.constant 0 : i32
    %dma_start3A_136 = arith.constant 0 : i32
    %dma_start3A_137 = tpu.memref_slice %arg6[%dma_start3A_133, %dma_start3A_134, %dma_start3A_135, %dma_start3A_136] : memref<2x8x50x64xf32, #tpu.memory_space<vmem>> -> memref<1x1x50x64xf32, #tpu.memory_space<vmem>>
    %dma_start3A_138 = tpu.memref_squeeze %dma_start3A_137 : memref<1x1x50x64xf32, #tpu.memory_space<vmem>> -> memref<50x64xf32, #tpu.memory_space<vmem>>
    %dma_start3A_139 = arith.constant 0 : i32
    %dma_start3A_140 = tpu.memref_slice %arg5[%dma_start3A_132, %dma_start3A_139] : memref<32x50xi32, #tpu.memory_space<vmem>> -> memref<1x50xi32, #tpu.memory_space<vmem>>
    %dma_start3A_141 = tpu.memref_squeeze %dma_start3A_140 : memref<1x50xi32, #tpu.memory_space<vmem>> -> memref<50xi32, #tpu.memory_space<vmem>>
    %dma_start3A_142 = arith.constant 0 : i32
    %dma_start3A_143 = arith.constant 0 : i32
    %dma_start3A_144 = tpu.memref_slice %arg3[%dma_start3A_142, %dma_start3A_143] : memref<100000x64xf32, #tpu.memory_space<hbm>> -> memref<100000x64xf32, #tpu.memory_space<hbm>>
    tpu.enqueue_indirect_dma source(%dma_start3A_144 : memref<100000x64xf32, #tpu.memory_space<hbm>>) target(%dma_start3A_138 : memref<50x64xf32, #tpu.memory_space<vmem>>) offsets(%dma_start3A_141 : memref<50xi32, #tpu.memory_space<vmem>>) semaphore(%arg8 : memref<!tpu.dma_semaphore, #tpu.memory_space<semaphore_mem>>)
    %dma_start3A_145 = arith.constant 11 : i32
    %dma_start3A_146 = arith.constant 1 : i32
    %dma_start3A_147 = arith.constant 3 : i32
    %dma_start3A_148 = arith.constant 0 : i32
    %dma_start3A_149 = arith.constant 0 : i32
    %dma_start3A_150 = tpu.memref_slice %arg6[%dma_start3A_146, %dma_start3A_147, %dma_start3A_148, %dma_start3A_149] : memref<2x8x50x64xf32, #tpu.memory_space<vmem>> -> memref<1x1x50x64xf32, #tpu.memory_space<vmem>>
    %dma_start3A_151 = tpu.memref_squeeze %dma_start3A_150 : memref<1x1x50x64xf32, #tpu.memory_space<vmem>> -> memref<50x64xf32, #tpu.memory_space<vmem>>
    %dma_start3A_152 = arith.constant 0 : i32
    %dma_start3A_153 = tpu.memref_slice %arg5[%dma_start3A_145, %dma_start3A_152] : memref<32x50xi32, #tpu.memory_space<vmem>> -> memref<1x50xi32, #tpu.memory_space<vmem>>
    %dma_start3A_154 = tpu.memref_squeeze %dma_start3A_153 : memref<1x50xi32, #tpu.memory_space<vmem>> -> memref<50xi32, #tpu.memory_space<vmem>>
    %dma_start3A_155 = arith.constant 0 : i32
    %dma_start3A_156 = arith.constant 0 : i32
    %dma_start3A_157 = tpu.memref_slice %arg3[%dma_start3A_155, %dma_start3A_156] : memref<100000x64xf32, #tpu.memory_space<hbm>> -> memref<100000x64xf32, #tpu.memory_space<hbm>>
    tpu.enqueue_indirect_dma source(%dma_start3A_157 : memref<100000x64xf32, #tpu.memory_space<hbm>>) target(%dma_start3A_151 : memref<50x64xf32, #tpu.memory_space<vmem>>) offsets(%dma_start3A_154 : memref<50xi32, #tpu.memory_space<vmem>>) semaphore(%arg8 : memref<!tpu.dma_semaphore, #tpu.memory_space<semaphore_mem>>)
    %dma_start3A_158 = arith.constant 12 : i32
    %dma_start3A_159 = arith.constant 1 : i32
    %dma_start3A_160 = arith.constant 4 : i32
    %dma_start3A_161 = arith.constant 0 : i32
    %dma_start3A_162 = arith.constant 0 : i32
    %dma_start3A_163 = tpu.memref_slice %arg6[%dma_start3A_159, %dma_start3A_160, %dma_start3A_161, %dma_start3A_162] : memref<2x8x50x64xf32, #tpu.memory_space<vmem>> -> memref<1x1x50x64xf32, #tpu.memory_space<vmem>>
    %dma_start3A_164 = tpu.memref_squeeze %dma_start3A_163 : memref<1x1x50x64xf32, #tpu.memory_space<vmem>> -> memref<50x64xf32, #tpu.memory_space<vmem>>
    %dma_start3A_165 = arith.constant 0 : i32
    %dma_start3A_166 = tpu.memref_slice %arg5[%dma_start3A_158, %dma_start3A_165] : memref<32x50xi32, #tpu.memory_space<vmem>> -> memref<1x50xi32, #tpu.memory_space<vmem>>
    %dma_start3A_167 = tpu.memref_squeeze %dma_start3A_166 : memref<1x50xi32, #tpu.memory_space<vmem>> -> memref<50xi32, #tpu.memory_space<vmem>>
    %dma_start3A_168 = arith.constant 0 : i32
    %dma_start3A_169 = arith.constant 0 : i32
    %dma_start3A_170 = tpu.memref_slice %arg3[%dma_start3A_168, %dma_start3A_169] : memref<100000x64xf32, #tpu.memory_space<hbm>> -> memref<100000x64xf32, #tpu.memory_space<hbm>>
    tpu.enqueue_indirect_dma source(%dma_start3A_170 : memref<100000x64xf32, #tpu.memory_space<hbm>>) target(%dma_start3A_164 : memref<50x64xf32, #tpu.memory_space<vmem>>) offsets(%dma_start3A_167 : memref<50xi32, #tpu.memory_space<vmem>>) semaphore(%arg8 : memref<!tpu.dma_semaphore, #tpu.memory_space<semaphore_mem>>)
    %dma_start3A_171 = arith.constant 13 : i32
    %dma_start3A_172 = arith.constant 1 : i32
    %dma_start3A_173 = arith.constant 5 : i32
    %dma_start3A_174 = arith.constant 0 : i32
    %dma_start3A_175 = arith.constant 0 : i32
    %dma_start3A_176 = tpu.memref_slice %arg6[%dma_start3A_172, %dma_start3A_173, %dma_start3A_174, %dma_start3A_175] : memref<2x8x50x64xf32, #tpu.memory_space<vmem>> -> memref<1x1x50x64xf32, #tpu.memory_space<vmem>>
    %dma_start3A_177 = tpu.memref_squeeze %dma_start3A_176 : memref<1x1x50x64xf32, #tpu.memory_space<vmem>> -> memref<50x64xf32, #tpu.memory_space<vmem>>
    %dma_start3A_178 = arith.constant 0 : i32
    %dma_start3A_179 = tpu.memref_slice %arg5[%dma_start3A_171, %dma_start3A_178] : memref<32x50xi32, #tpu.memory_space<vmem>> -> memref<1x50xi32, #tpu.memory_space<vmem>>
    %dma_start3A_180 = tpu.memref_squeeze %dma_start3A_179 : memref<1x50xi32, #tpu.memory_space<vmem>> -> memref<50xi32, #tpu.memory_space<vmem>>
    %dma_start3A_181 = arith.constant 0 : i32
    %dma_start3A_182 = arith.constant 0 : i32
    %dma_start3A_183 = tpu.memref_slice %arg3[%dma_start3A_181, %dma_start3A_182] : memref<100000x64xf32, #tpu.memory_space<hbm>> -> memref<100000x64xf32, #tpu.memory_space<hbm>>
    tpu.enqueue_indirect_dma source(%dma_start3A_183 : memref<100000x64xf32, #tpu.memory_space<hbm>>) target(%dma_start3A_177 : memref<50x64xf32, #tpu.memory_space<vmem>>) offsets(%dma_start3A_180 : memref<50xi32, #tpu.memory_space<vmem>>) semaphore(%arg8 : memref<!tpu.dma_semaphore, #tpu.memory_space<semaphore_mem>>)
    %dma_start3A_184 = arith.constant 14 : i32
    %dma_start3A_185 = arith.constant 1 : i32
    %dma_start3A_186 = arith.constant 6 : i32
    %dma_start3A_187 = arith.constant 0 : i32
    %dma_start3A_188 = arith.constant 0 : i32
    %dma_start3A_189 = tpu.memref_slice %arg6[%dma_start3A_185, %dma_start3A_186, %dma_start3A_187, %dma_start3A_188] : memref<2x8x50x64xf32, #tpu.memory_space<vmem>> -> memref<1x1x50x64xf32, #tpu.memory_space<vmem>>
    %dma_start3A_190 = tpu.memref_squeeze %dma_start3A_189 : memref<1x1x50x64xf32, #tpu.memory_space<vmem>> -> memref<50x64xf32, #tpu.memory_space<vmem>>
    %dma_start3A_191 = arith.constant 0 : i32
    %dma_start3A_192 = tpu.memref_slice %arg5[%dma_start3A_184, %dma_start3A_191] : memref<32x50xi32, #tpu.memory_space<vmem>> -> memref<1x50xi32, #tpu.memory_space<vmem>>
    %dma_start3A_193 = tpu.memref_squeeze %dma_start3A_192 : memref<1x50xi32, #tpu.memory_space<vmem>> -> memref<50xi32, #tpu.memory_space<vmem>>
    %dma_start3A_194 = arith.constant 0 : i32
    %dma_start3A_195 = arith.constant 0 : i32
    %dma_start3A_196 = tpu.memref_slice %arg3[%dma_start3A_194, %dma_start3A_195] : memref<100000x64xf32, #tpu.memory_space<hbm>> -> memref<100000x64xf32, #tpu.memory_space<hbm>>
    tpu.enqueue_indirect_dma source(%dma_start3A_196 : memref<100000x64xf32, #tpu.memory_space<hbm>>) target(%dma_start3A_190 : memref<50x64xf32, #tpu.memory_space<vmem>>) offsets(%dma_start3A_193 : memref<50xi32, #tpu.memory_space<vmem>>) semaphore(%arg8 : memref<!tpu.dma_semaphore, #tpu.memory_space<semaphore_mem>>)
    %dma_start3A_197 = arith.constant 15 : i32
    %dma_start3A_198 = arith.constant 1 : i32
    %dma_start3A_199 = arith.constant 7 : i32
    %dma_start3A_200 = arith.constant 0 : i32
    %dma_start3A_201 = arith.constant 0 : i32
    %dma_start3A_202 = tpu.memref_slice %arg6[%dma_start3A_198, %dma_start3A_199, %dma_start3A_200, %dma_start3A_201] : memref<2x8x50x64xf32, #tpu.memory_space<vmem>> -> memref<1x1x50x64xf32, #tpu.memory_space<vmem>>
    %dma_start3A_203 = tpu.memref_squeeze %dma_start3A_202 : memref<1x1x50x64xf32, #tpu.memory_space<vmem>> -> memref<50x64xf32, #tpu.memory_space<vmem>>
    %dma_start3A_204 = arith.constant 0 : i32
    %dma_start3A_205 = tpu.memref_slice %arg5[%dma_start3A_197, %dma_start3A_204] : memref<32x50xi32, #tpu.memory_space<vmem>> -> memref<1x50xi32, #tpu.memory_space<vmem>>
    %dma_start3A_206 = tpu.memref_squeeze %dma_start3A_205 : memref<1x50xi32, #tpu.memory_space<vmem>> -> memref<50xi32, #tpu.memory_space<vmem>>
    %dma_start3A_207 = arith.constant 0 : i32
    %dma_start3A_208 = arith.constant 0 : i32
    %dma_start3A_209 = tpu.memref_slice %arg3[%dma_start3A_207, %dma_start3A_208] : memref<100000x64xf32, #tpu.memory_space<hbm>> -> memref<100000x64xf32, #tpu.memory_space<hbm>>
    tpu.enqueue_indirect_dma source(%dma_start3A_209 : memref<100000x64xf32, #tpu.memory_space<hbm>>) target(%dma_start3A_203 : memref<50x64xf32, #tpu.memory_space<vmem>>) offsets(%dma_start3A_206 : memref<50xi32, #tpu.memory_space<vmem>>) semaphore(%arg8 : memref<!tpu.dma_semaphore, #tpu.memory_space<semaphore_mem>>)
    %dma_wait3A = arith.constant 0 : i32
    %dma_wait3A_210 = arith.constant 0 : i32
    %dma_wait3A_211 = arith.constant 0 : i32
    %dma_wait3A_212 = arith.constant 0 : i32
    %dma_wait3A_213 = arith.constant 0 : i32
    %dma_wait3A_214 = tpu.memref_slice %arg6[%dma_wait3A_210, %dma_wait3A_211, %dma_wait3A_212, %dma_wait3A_213] : memref<2x8x50x64xf32, #tpu.memory_space<vmem>> -> memref<1x1x50x64xf32, #tpu.memory_space<vmem>>
    %dma_wait3A_215 = tpu.memref_squeeze %dma_wait3A_214 : memref<1x1x50x64xf32, #tpu.memory_space<vmem>> -> memref<50x64xf32, #tpu.memory_space<vmem>>
    %dma_wait3A_216 = arith.constant 0 : i32
    %dma_wait3A_217 = tpu.memref_slice %arg5[%dma_wait3A, %dma_wait3A_216] : memref<32x50xi32, #tpu.memory_space<vmem>> -> memref<1x50xi32, #tpu.memory_space<vmem>>
    %dma_wait3A_218 = tpu.memref_squeeze %dma_wait3A_217 : memref<1x50xi32, #tpu.memory_space<vmem>> -> memref<50xi32, #tpu.memory_space<vmem>>
    %dma_wait3A_219 = arith.constant 0 : i32
    %dma_wait3A_220 = arith.constant 0 : i32
    %dma_wait3A_221 = tpu.memref_slice %arg3[%dma_wait3A_219, %dma_wait3A_220] : memref<100000x64xf32, #tpu.memory_space<hbm>> -> memref<100000x64xf32, #tpu.memory_space<hbm>>
    tpu.wait_indirect_dma semaphore(%arg8 : memref<!tpu.dma_semaphore, #tpu.memory_space<semaphore_mem>>) src(%dma_wait3A_221 : memref<100000x64xf32, #tpu.memory_space<hbm>>) dst(%dma_wait3A_215 : memref<50x64xf32, #tpu.memory_space<vmem>>)
    %dma_wait3A_222 = arith.constant 0 : i32
    %dma_wait3A_223 = arith.constant 0 : i32
    %dma_wait3A_224 = arith.constant 1 : i32
    %dma_wait3A_225 = arith.constant 0 : i32
    %dma_wait3A_226 = arith.constant 0 : i32
    %dma_wait3A_227 = tpu.memref_slice %arg6[%dma_wait3A_223, %dma_wait3A_224, %dma_wait3A_225, %dma_wait3A_226] : memref<2x8x50x64xf32, #tpu.memory_space<vmem>> -> memref<1x1x50x64xf32, #tpu.memory_space<vmem>>
    %dma_wait3A_228 = tpu.memref_squeeze %dma_wait3A_227 : memref<1x1x50x64xf32, #tpu.memory_space<vmem>> -> memref<50x64xf32, #tpu.memory_space<vmem>>
    %dma_wait3A_229 = arith.constant 0 : i32
    %dma_wait3A_230 = tpu.memref_slice %arg5[%dma_wait3A_222, %dma_wait3A_229] : memref<32x50xi32, #tpu.memory_space<vmem>> -> memref<1x50xi32, #tpu.memory_space<vmem>>
    %dma_wait3A_231 = tpu.memref_squeeze %dma_wait3A_230 : memref<1x50xi32, #tpu.memory_space<vmem>> -> memref<50xi32, #tpu.memory_space<vmem>>
    %dma_wait3A_232 = arith.constant 0 : i32
    %dma_wait3A_233 = arith.constant 0 : i32
    %dma_wait3A_234 = tpu.memref_slice %arg3[%dma_wait3A_232, %dma_wait3A_233] : memref<100000x64xf32, #tpu.memory_space<hbm>> -> memref<100000x64xf32, #tpu.memory_space<hbm>>
    tpu.wait_indirect_dma semaphore(%arg8 : memref<!tpu.dma_semaphore, #tpu.memory_space<semaphore_mem>>) src(%dma_wait3A_234 : memref<100000x64xf32, #tpu.memory_space<hbm>>) dst(%dma_wait3A_228 : memref<50x64xf32, #tpu.memory_space<vmem>>)
    %dma_wait3A_235 = arith.constant 0 : i32
    %dma_wait3A_236 = arith.constant 0 : i32
    %dma_wait3A_237 = arith.constant 2 : i32
    %dma_wait3A_238 = arith.constant 0 : i32
    %dma_wait3A_239 = arith.constant 0 : i32
    %dma_wait3A_240 = tpu.memref_slice %arg6[%dma_wait3A_236, %dma_wait3A_237, %dma_wait3A_238, %dma_wait3A_239] : memref<2x8x50x64xf32, #tpu.memory_space<vmem>> -> memref<1x1x50x64xf32, #tpu.memory_space<vmem>>
    %dma_wait3A_241 = tpu.memref_squeeze %dma_wait3A_240 : memref<1x1x50x64xf32, #tpu.memory_space<vmem>> -> memref<50x64xf32, #tpu.memory_space<vmem>>
    %dma_wait3A_242 = arith.constant 0 : i32
    %dma_wait3A_243 = tpu.memref_slice %arg5[%dma_wait3A_235, %dma_wait3A_242] : memref<32x50xi32, #tpu.memory_space<vmem>> -> memref<1x50xi32, #tpu.memory_space<vmem>>
    %dma_wait3A_244 = tpu.memref_squeeze %dma_wait3A_243 : memref<1x50xi32, #tpu.memory_space<vmem>> -> memref<50xi32, #tpu.memory_space<vmem>>
    %dma_wait3A_245 = arith.constant 0 : i32
    %dma_wait3A_246 = arith.constant 0 : i32
    %dma_wait3A_247 = tpu.memref_slice %arg3[%dma_wait3A_245, %dma_wait3A_246] : memref<100000x64xf32, #tpu.memory_space<hbm>> -> memref<100000x64xf32, #tpu.memory_space<hbm>>
    tpu.wait_indirect_dma semaphore(%arg8 : memref<!tpu.dma_semaphore, #tpu.memory_space<semaphore_mem>>) src(%dma_wait3A_247 : memref<100000x64xf32, #tpu.memory_space<hbm>>) dst(%dma_wait3A_241 : memref<50x64xf32, #tpu.memory_space<vmem>>)
    %dma_wait3A_248 = arith.constant 0 : i32
    %dma_wait3A_249 = arith.constant 0 : i32
    %dma_wait3A_250 = arith.constant 3 : i32
    %dma_wait3A_251 = arith.constant 0 : i32
    %dma_wait3A_252 = arith.constant 0 : i32
    %dma_wait3A_253 = tpu.memref_slice %arg6[%dma_wait3A_249, %dma_wait3A_250, %dma_wait3A_251, %dma_wait3A_252] : memref<2x8x50x64xf32, #tpu.memory_space<vmem>> -> memref<1x1x50x64xf32, #tpu.memory_space<vmem>>
    %dma_wait3A_254 = tpu.memref_squeeze %dma_wait3A_253 : memref<1x1x50x64xf32, #tpu.memory_space<vmem>> -> memref<50x64xf32, #tpu.memory_space<vmem>>
    %dma_wait3A_255 = arith.constant 0 : i32
    %dma_wait3A_256 = tpu.memref_slice %arg5[%dma_wait3A_248, %dma_wait3A_255] : memref<32x50xi32, #tpu.memory_space<vmem>> -> memref<1x50xi32, #tpu.memory_space<vmem>>
    %dma_wait3A_257 = tpu.memref_squeeze %dma_wait3A_256 : memref<1x50xi32, #tpu.memory_space<vmem>> -> memref<50xi32, #tpu.memory_space<vmem>>
    %dma_wait3A_258 = arith.constant 0 : i32
    %dma_wait3A_259 = arith.constant 0 : i32
    %dma_wait3A_260 = tpu.memref_slice %arg3[%dma_wait3A_258, %dma_wait3A_259] : memref<100000x64xf32, #tpu.memory_space<hbm>> -> memref<100000x64xf32, #tpu.memory_space<hbm>>
    tpu.wait_indirect_dma semaphore(%arg8 : memref<!tpu.dma_semaphore, #tpu.memory_space<semaphore_mem>>) src(%dma_wait3A_260 : memref<100000x64xf32, #tpu.memory_space<hbm>>) dst(%dma_wait3A_254 : memref<50x64xf32, #tpu.memory_space<vmem>>)
    %dma_wait3A_261 = arith.constant 0 : i32
    %dma_wait3A_262 = arith.constant 0 : i32
    %dma_wait3A_263 = arith.constant 4 : i32
    %dma_wait3A_264 = arith.constant 0 : i32
    %dma_wait3A_265 = arith.constant 0 : i32
    %dma_wait3A_266 = tpu.memref_slice %arg6[%dma_wait3A_262, %dma_wait3A_263, %dma_wait3A_264, %dma_wait3A_265] : memref<2x8x50x64xf32, #tpu.memory_space<vmem>> -> memref<1x1x50x64xf32, #tpu.memory_space<vmem>>
    %dma_wait3A_267 = tpu.memref_squeeze %dma_wait3A_266 : memref<1x1x50x64xf32, #tpu.memory_space<vmem>> -> memref<50x64xf32, #tpu.memory_space<vmem>>
    %dma_wait3A_268 = arith.constant 0 : i32
    %dma_wait3A_269 = tpu.memref_slice %arg5[%dma_wait3A_261, %dma_wait3A_268] : memref<32x50xi32, #tpu.memory_space<vmem>> -> memref<1x50xi32, #tpu.memory_space<vmem>>
    %dma_wait3A_270 = tpu.memref_squeeze %dma_wait3A_269 : memref<1x50xi32, #tpu.memory_space<vmem>> -> memref<50xi32, #tpu.memory_space<vmem>>
    %dma_wait3A_271 = arith.constant 0 : i32
    %dma_wait3A_272 = arith.constant 0 : i32
    %dma_wait3A_273 = tpu.memref_slice %arg3[%dma_wait3A_271, %dma_wait3A_272] : memref<100000x64xf32, #tpu.memory_space<hbm>> -> memref<100000x64xf32, #tpu.memory_space<hbm>>
    tpu.wait_indirect_dma semaphore(%arg8 : memref<!tpu.dma_semaphore, #tpu.memory_space<semaphore_mem>>) src(%dma_wait3A_273 : memref<100000x64xf32, #tpu.memory_space<hbm>>) dst(%dma_wait3A_267 : memref<50x64xf32, #tpu.memory_space<vmem>>)
    %dma_wait3A_274 = arith.constant 0 : i32
    %dma_wait3A_275 = arith.constant 0 : i32
    %dma_wait3A_276 = arith.constant 5 : i32
    %dma_wait3A_277 = arith.constant 0 : i32
    %dma_wait3A_278 = arith.constant 0 : i32
    %dma_wait3A_279 = tpu.memref_slice %arg6[%dma_wait3A_275, %dma_wait3A_276, %dma_wait3A_277, %dma_wait3A_278] : memref<2x8x50x64xf32, #tpu.memory_space<vmem>> -> memref<1x1x50x64xf32, #tpu.memory_space<vmem>>
    %dma_wait3A_280 = tpu.memref_squeeze %dma_wait3A_279 : memref<1x1x50x64xf32, #tpu.memory_space<vmem>> -> memref<50x64xf32, #tpu.memory_space<vmem>>
    %dma_wait3A_281 = arith.constant 0 : i32
    %dma_wait3A_282 = tpu.memref_slice %arg5[%dma_wait3A_274, %dma_wait3A_281] : memref<32x50xi32, #tpu.memory_space<vmem>> -> memref<1x50xi32, #tpu.memory_space<vmem>>
    %dma_wait3A_283 = tpu.memref_squeeze %dma_wait3A_282 : memref<1x50xi32, #tpu.memory_space<vmem>> -> memref<50xi32, #tpu.memory_space<vmem>>
    %dma_wait3A_284 = arith.constant 0 : i32
    %dma_wait3A_285 = arith.constant 0 : i32
    %dma_wait3A_286 = tpu.memref_slice %arg3[%dma_wait3A_284, %dma_wait3A_285] : memref<100000x64xf32, #tpu.memory_space<hbm>> -> memref<100000x64xf32, #tpu.memory_space<hbm>>
    tpu.wait_indirect_dma semaphore(%arg8 : memref<!tpu.dma_semaphore, #tpu.memory_space<semaphore_mem>>) src(%dma_wait3A_286 : memref<100000x64xf32, #tpu.memory_space<hbm>>) dst(%dma_wait3A_280 : memref<50x64xf32, #tpu.memory_space<vmem>>)
    %dma_wait3A_287 = arith.constant 0 : i32
    %dma_wait3A_288 = arith.constant 0 : i32
    %dma_wait3A_289 = arith.constant 6 : i32
    %dma_wait3A_290 = arith.constant 0 : i32
    %dma_wait3A_291 = arith.constant 0 : i32
    %dma_wait3A_292 = tpu.memref_slice %arg6[%dma_wait3A_288, %dma_wait3A_289, %dma_wait3A_290, %dma_wait3A_291] : memref<2x8x50x64xf32, #tpu.memory_space<vmem>> -> memref<1x1x50x64xf32, #tpu.memory_space<vmem>>
    %dma_wait3A_293 = tpu.memref_squeeze %dma_wait3A_292 : memref<1x1x50x64xf32, #tpu.memory_space<vmem>> -> memref<50x64xf32, #tpu.memory_space<vmem>>
    %dma_wait3A_294 = arith.constant 0 : i32
    %dma_wait3A_295 = tpu.memref_slice %arg5[%dma_wait3A_287, %dma_wait3A_294] : memref<32x50xi32, #tpu.memory_space<vmem>> -> memref<1x50xi32, #tpu.memory_space<vmem>>
    %dma_wait3A_296 = tpu.memref_squeeze %dma_wait3A_295 : memref<1x50xi32, #tpu.memory_space<vmem>> -> memref<50xi32, #tpu.memory_space<vmem>>
    %dma_wait3A_297 = arith.constant 0 : i32
    %dma_wait3A_298 = arith.constant 0 : i32
    %dma_wait3A_299 = tpu.memref_slice %arg3[%dma_wait3A_297, %dma_wait3A_298] : memref<100000x64xf32, #tpu.memory_space<hbm>> -> memref<100000x64xf32, #tpu.memory_space<hbm>>
    tpu.wait_indirect_dma semaphore(%arg8 : memref<!tpu.dma_semaphore, #tpu.memory_space<semaphore_mem>>) src(%dma_wait3A_299 : memref<100000x64xf32, #tpu.memory_space<hbm>>) dst(%dma_wait3A_293 : memref<50x64xf32, #tpu.memory_space<vmem>>)
    %dma_wait3A_300 = arith.constant 0 : i32
    %dma_wait3A_301 = arith.constant 0 : i32
    %dma_wait3A_302 = arith.constant 7 : i32
    %dma_wait3A_303 = arith.constant 0 : i32
    %dma_wait3A_304 = arith.constant 0 : i32
    %dma_wait3A_305 = tpu.memref_slice %arg6[%dma_wait3A_301, %dma_wait3A_302, %dma_wait3A_303, %dma_wait3A_304] : memref<2x8x50x64xf32, #tpu.memory_space<vmem>> -> memref<1x1x50x64xf32, #tpu.memory_space<vmem>>
    %dma_wait3A_306 = tpu.memref_squeeze %dma_wait3A_305 : memref<1x1x50x64xf32, #tpu.memory_space<vmem>> -> memref<50x64xf32, #tpu.memory_space<vmem>>
    %dma_wait3A_307 = arith.constant 0 : i32
    %dma_wait3A_308 = tpu.memref_slice %arg5[%dma_wait3A_300, %dma_wait3A_307] : memref<32x50xi32, #tpu.memory_space<vmem>> -> memref<1x50xi32, #tpu.memory_space<vmem>>
    %dma_wait3A_309 = tpu.memref_squeeze %dma_wait3A_308 : memref<1x50xi32, #tpu.memory_space<vmem>> -> memref<50xi32, #tpu.memory_space<vmem>>
    %dma_wait3A_310 = arith.constant 0 : i32
    %dma_wait3A_311 = arith.constant 0 : i32
    %dma_wait3A_312 = tpu.memref_slice %arg3[%dma_wait3A_310, %dma_wait3A_311] : memref<100000x64xf32, #tpu.memory_space<hbm>> -> memref<100000x64xf32, #tpu.memory_space<hbm>>
    tpu.wait_indirect_dma semaphore(%arg8 : memref<!tpu.dma_semaphore, #tpu.memory_space<semaphore_mem>>) src(%dma_wait3A_312 : memref<100000x64xf32, #tpu.memory_space<hbm>>) dst(%dma_wait3A_306 : memref<50x64xf32, #tpu.memory_space<vmem>>)
    %broadcast_in_dim3A = arith.constant 0.000000e+00 : f32
    %broadcast_in_dim3A_313 = vector.broadcast %broadcast_in_dim3A : f32 to vector<16xf32>
    %broadcast_in_dim3A_314 = arith.constant 0.000000e+00 : f32
    %broadcast_in_dim3A_315 = vector.broadcast %broadcast_in_dim3A_314 : f32 to vector<16xf32>
    %broadcast_in_dim3A_316 = arith.constant 0.000000e+00 : f32
    %broadcast_in_dim3A_317 = vector.broadcast %broadcast_in_dim3A_316 : f32 to vector<16xf32>
    %broadcast_in_dim3A_318 = arith.constant 0.000000e+00 : f32
    %broadcast_in_dim3A_319 = vector.broadcast %broadcast_in_dim3A_318 : f32 to vector<16xf32>
    %scan3A = arith.constant 0 : i32
    %scan3A_320 = arith.constant 50 : i32
    %scan3A_321 = arith.addi %scan3A, %scan3A_320 : i32
    %scan3A_322 = arith.constant 1 : i32
    %scan3A_323:4 = scf.for %scan3A_2430 = %scan3A to %scan3A_321 step %scan3A_322 iter_args(%scan3A_2431 = %broadcast_in_dim3A_313, %scan3A_2432 = %broadcast_in_dim3A_315, %scan3A_2433 = %broadcast_in_dim3A_317, %scan3A_2434 = %broadcast_in_dim3A_319) -> (vector<16xf32>, vector<16xf32>, vector<16xf32>, vector<16xf32>)  : i32 {
      %get3A = arith.constant 0 : i32
      %get3A_2435 = arith.constant 0 : i32
      %get3A_2436 = arith.index_cast %get3A : i32 to index
      %get3A_2437 = arith.index_cast %get3A_2435 : i32 to index
      %get3A_2438 = arith.index_cast %scan3A_2430 : i32 to index
      %get3A_2439 = arith.constant 0 : index
      %get3A_2440 = tpu.vector_load %arg6[%get3A_2436, %get3A_2437, %get3A_2438, %get3A_2439] {strides = array<i32>} : memref<2x8x50x64xf32, #tpu.memory_space<vmem>>, vector<1x1x1x16xf32>,
      %get3A_2441 = vector.shape_cast %get3A_2440 : vector<1x1x1x16xf32> to vector<16xf32>
      %add3A_2442 = arith.addf %scan3A_2431, %get3A_2441 : vector<16xf32>
      %get3A_2443 = arith.constant 0 : i32
      %get3A_2444 = arith.constant 0 : i32
      %get3A_2445 = arith.index_cast %get3A_2443 : i32 to index
      %get3A_2446 = arith.index_cast %get3A_2444 : i32 to index
      %get3A_2447 = arith.index_cast %scan3A_2430 : i32 to index
      %get3A_2448 = arith.constant 16 : index
      %get3A_2449 = tpu.vector_load %arg6[%get3A_2445, %get3A_2446, %get3A_2447, %get3A_2448] {strides = array<i32>} : memref<2x8x50x64xf32, #tpu.memory_space<vmem>>, vector<1x1x1x16xf32>,
      %get3A_2450 = vector.shape_cast %get3A_2449 : vector<1x1x1x16xf32> to vector<16xf32>
      %add3A_2451 = arith.addf %scan3A_2432, %get3A_2450 : vector<16xf32>
      %get3A_2452 = arith.constant 0 : i32
      %get3A_2453 = arith.constant 0 : i32
      %get3A_2454 = arith.index_cast %get3A_2452 : i32 to index
      %get3A_2455 = arith.index_cast %get3A_2453 : i32 to index
      %get3A_2456 = arith.index_cast %scan3A_2430 : i32 to index
      %get3A_2457 = arith.constant 32 : index
      %get3A_2458 = tpu.vector_load %arg6[%get3A_2454, %get3A_2455, %get3A_2456, %get3A_2457] {strides = array<i32>} : memref<2x8x50x64xf32, #tpu.memory_space<vmem>>, vector<1x1x1x16xf32>,
      %get3A_2459 = vector.shape_cast %get3A_2458 : vector<1x1x1x16xf32> to vector<16xf32>
      %add3A_2460 = arith.addf %scan3A_2433, %get3A_2459 : vector<16xf32>
      %get3A_2461 = arith.constant 0 : i32
      %get3A_2462 = arith.constant 0 : i32
      %get3A_2463 = arith.index_cast %get3A_2461 : i32 to index
      %get3A_2464 = arith.index_cast %get3A_2462 : i32 to index
      %get3A_2465 = arith.index_cast %scan3A_2430 : i32 to index
      %get3A_2466 = arith.constant 48 : index
      %get3A_2467 = tpu.vector_load %arg6[%get3A_2463, %get3A_2464, %get3A_2465, %get3A_2466] {strides = array<i32>} : memref<2x8x50x64xf32, #tpu.memory_space<vmem>>, vector<1x1x1x16xf32>,
      %get3A_2468 = vector.shape_cast %get3A_2467 : vector<1x1x1x16xf32> to vector<16xf32>
      %add3A_2469 = arith.addf %scan3A_2434, %get3A_2468 : vector<16xf32>
      scf.yield %add3A_2442, %add3A_2451, %add3A_2460, %add3A_2469 : vector<16xf32>, vector<16xf32>, vector<16xf32>, vector<16xf32>
    }
    %scan3A_324 = arith.constant 50 : i32
    %mul3A_325 = arith.constant 2.000000e-02 : f32
    %mul3A_326 = vector.broadcast %mul3A_325 : f32 to vector<16xf32>
    %mul3A_327 = arith.mulf %scan3A_323#0, %mul3A_326 : vector<16xf32>
    %swap3A = arith.constant 0 : i32
    %swap3A_328 = arith.index_cast %swap3A : i32 to index
    %swap3A_329 = arith.constant 0 : index
    %swap3A_330 = tpu.vector_load %arg7[%swap3A_328, %swap3A_329] {strides = array<i32>} : memref<32x64xf32, #tpu.memory_space<vmem>>, vector<1x16xf32>,
    %swap3A_331 = vector.shape_cast %swap3A_330 : vector<1x16xf32> to vector<16xf32>
    %swap3A_332 = vector.shape_cast %mul3A_327 : vector<16xf32> to vector<1x16xf32>
    tpu.vector_store %arg7[%swap3A_328, %swap3A_329], %swap3A_332 {strides = array<i32>} : memref<32x64xf32, #tpu.memory_space<vmem>>, vector<1x16xf32>,
    %mul3A_333 = arith.constant 2.000000e-02 : f32
    %mul3A_334 = vector.broadcast %mul3A_333 : f32 to vector<16xf32>
    %mul3A_335 = arith.mulf %scan3A_323#1, %mul3A_334 : vector<16xf32>
    %swap3A_336 = arith.constant 0 : i32
    %swap3A_337 = arith.index_cast %swap3A_336 : i32 to index
    %swap3A_338 = arith.constant 16 : index
    %swap3A_339 = tpu.vector_load %arg7[%swap3A_337, %swap3A_338] {strides = array<i32>} : memref<32x64xf32, #tpu.memory_space<vmem>>, vector<1x16xf32>,
    %swap3A_340 = vector.shape_cast %swap3A_339 : vector<1x16xf32> to vector<16xf32>
    %swap3A_341 = vector.shape_cast %mul3A_335 : vector<16xf32> to vector<1x16xf32>
    tpu.vector_store %arg7[%swap3A_337, %swap3A_338], %swap3A_341 {strides = array<i32>} : memref<32x64xf32, #tpu.memory_space<vmem>>, vector<1x16xf32>,
    %mul3A_342 = arith.constant 2.000000e-02 : f32
    %mul3A_343 = vector.broadcast %mul3A_342 : f32 to vector<16xf32>
    %mul3A_344 = arith.mulf %scan3A_323#2, %mul3A_343 : vector<16xf32>
    %swap3A_345 = arith.constant 0 : i32
    %swap3A_346 = arith.index_cast %swap3A_345 : i32 to index
    %swap3A_347 = arith.constant 32 : index
    %swap3A_348 = tpu.vector_load %arg7[%swap3A_346, %swap3A_347] {strides = array<i32>} : memref<32x64xf32, #tpu.memory_space<vmem>>, vector<1x16xf32>,
    %swap3A_349 = vector.shape_cast %swap3A_348 : vector<1x16xf32> to vector<16xf32>
    %swap3A_350 = vector.shape_cast %mul3A_344 : vector<16xf32> to vector<1x16xf32>
    tpu.vector_store %arg7[%swap3A_346, %swap3A_347], %swap3A_350 {strides = array<i32>} : memref<32x64xf32, #tpu.memory_space<vmem>>, vector<1x16xf32>,
    %mul3A_351 = arith.constant 2.000000e-02 : f32
    %mul3A_352 = vector.broadcast %mul3A_351 : f32 to vector<16xf32>
    %mul3A_353 = arith.mulf %scan3A_323#3, %mul3A_352 : vector<16xf32>
    %swap3A_354 = arith.constant 0 : i32
    %swap3A_355 = arith.index_cast %swap3A_354 : i32 to index
    %swap3A_356 = arith.constant 48 : index
    %swap3A_357 = tpu.vector_load %arg7[%swap3A_355, %swap3A_356] {strides = array<i32>} : memref<32x64xf32, #tpu.memory_space<vmem>>, vector<1x16xf32>,
    %swap3A_358 = vector.shape_cast %swap3A_357 : vector<1x16xf32> to vector<16xf32>
    %swap3A_359 = vector.shape_cast %mul3A_353 : vector<16xf32> to vector<1x16xf32>
    tpu.vector_store %arg7[%swap3A_355, %swap3A_356], %swap3A_359 {strides = array<i32>} : memref<32x64xf32, #tpu.memory_space<vmem>>, vector<1x16xf32>,
    %broadcast_in_dim3A_360 = arith.constant 0.000000e+00 : f32
    %broadcast_in_dim3A_361 = vector.broadcast %broadcast_in_dim3A_360 : f32 to vector<16xf32>
    %broadcast_in_dim3A_362 = arith.constant 0.000000e+00 : f32
    %broadcast_in_dim3A_363 = vector.broadcast %broadcast_in_dim3A_362 : f32 to vector<16xf32>
    %broadcast_in_dim3A_364 = arith.constant 0.000000e+00 : f32
    %broadcast_in_dim3A_365 = vector.broadcast %broadcast_in_dim3A_364 : f32 to vector<16xf32>
    %broadcast_in_dim3A_366 = arith.constant 0.000000e+00 : f32
    %broadcast_in_dim3A_367 = vector.broadcast %broadcast_in_dim3A_366 : f32 to vector<16xf32>
    %scan3A_368 = arith.constant 0 : i32
    %scan3A_369 = arith.constant 50 : i32
    %scan3A_370 = arith.addi %scan3A_368, %scan3A_369 : i32
    %scan3A_371 = arith.constant 1 : i32
    %scan3A_372:4 = scf.for %scan3A_2430 = %scan3A_368 to %scan3A_370 step %scan3A_371 iter_args(%scan3A_2431 = %broadcast_in_dim3A_361, %scan3A_2432 = %broadcast_in_dim3A_363, %scan3A_2433 = %broadcast_in_dim3A_365, %scan3A_2434 = %broadcast_in_dim3A_367) -> (vector<16xf32>, vector<16xf32>, vector<16xf32>, vector<16xf32>)  : i32 {
      %get3A = arith.constant 0 : i32
      %get3A_2435 = arith.constant 1 : i32
      %get3A_2436 = arith.index_cast %get3A : i32 to index
      %get3A_2437 = arith.index_cast %get3A_2435 : i32 to index
      %get3A_2438 = arith.index_cast %scan3A_2430 : i32 to index
      %get3A_2439 = arith.constant 0 : index
      %get3A_2440 = tpu.vector_load %arg6[%get3A_2436, %get3A_2437, %get3A_2438, %get3A_2439] {strides = array<i32>} : memref<2x8x50x64xf32, #tpu.memory_space<vmem>>, vector<1x1x1x16xf32>,
      %get3A_2441 = vector.shape_cast %get3A_2440 : vector<1x1x1x16xf32> to vector<16xf32>
      %add3A_2442 = arith.addf %scan3A_2431, %get3A_2441 : vector<16xf32>
      %get3A_2443 = arith.constant 0 : i32
      %get3A_2444 = arith.constant 1 : i32
      %get3A_2445 = arith.index_cast %get3A_2443 : i32 to index
      %get3A_2446 = arith.index_cast %get3A_2444 : i32 to index
      %get3A_2447 = arith.index_cast %scan3A_2430 : i32 to index
      %get3A_2448 = arith.constant 16 : index
      %get3A_2449 = tpu.vector_load %arg6[%get3A_2445, %get3A_2446, %get3A_2447, %get3A_2448] {strides = array<i32>} : memref<2x8x50x64xf32, #tpu.memory_space<vmem>>, vector<1x1x1x16xf32>,
      %get3A_2450 = vector.shape_cast %get3A_2449 : vector<1x1x1x16xf32> to vector<16xf32>
      %add3A_2451 = arith.addf %scan3A_2432, %get3A_2450 : vector<16xf32>
      %get3A_2452 = arith.constant 0 : i32
      %get3A_2453 = arith.constant 1 : i32
      %get3A_2454 = arith.index_cast %get3A_2452 : i32 to index
      %get3A_2455 = arith.index_cast %get3A_2453 : i32 to index
      %get3A_2456 = arith.index_cast %scan3A_2430 : i32 to index
      %get3A_2457 = arith.constant 32 : index
      %get3A_2458 = tpu.vector_load %arg6[%get3A_2454, %get3A_2455, %get3A_2456, %get3A_2457] {strides = array<i32>} : memref<2x8x50x64xf32, #tpu.memory_space<vmem>>, vector<1x1x1x16xf32>,
      %get3A_2459 = vector.shape_cast %get3A_2458 : vector<1x1x1x16xf32> to vector<16xf32>
      %add3A_2460 = arith.addf %scan3A_2433, %get3A_2459 : vector<16xf32>
      %get3A_2461 = arith.constant 0 : i32
      %get3A_2462 = arith.constant 1 : i32
      %get3A_2463 = arith.index_cast %get3A_2461 : i32 to index
      %get3A_2464 = arith.index_cast %get3A_2462 : i32 to index
      %get3A_2465 = arith.index_cast %scan3A_2430 : i32 to index
      %get3A_2466 = arith.constant 48 : index
      %get3A_2467 = tpu.vector_load %arg6[%get3A_2463, %get3A_2464, %get3A_2465, %get3A_2466] {strides = array<i32>} : memref<2x8x50x64xf32, #tpu.memory_space<vmem>>, vector<1x1x1x16xf32>,
      %get3A_2468 = vector.shape_cast %get3A_2467 : vector<1x1x1x16xf32> to vector<16xf32>
      %add3A_2469 = arith.addf %scan3A_2434, %get3A_2468 : vector<16xf32>
      scf.yield %add3A_2442, %add3A_2451, %add3A_2460, %add3A_2469 : vector<16xf32>, vector<16xf32>, vector<16xf32>, vector<16xf32>
    }
    %scan3A_373 = arith.constant 50 : i32
    %mul3A_374 = arith.constant 2.000000e-02 : f32
    %mul3A_375 = vector.broadcast %mul3A_374 : f32 to vector<16xf32>
    %mul3A_376 = arith.mulf %scan3A_372#0, %mul3A_375 : vector<16xf32>
    %swap3A_377 = arith.constant 1 : i32
    %swap3A_378 = arith.index_cast %swap3A_377 : i32 to index
    %swap3A_379 = arith.constant 0 : index
    %swap3A_380 = tpu.vector_load %arg7[%swap3A_378, %swap3A_379] {strides = array<i32>} : memref<32x64xf32, #tpu.memory_space<vmem>>, vector<1x16xf32>,
    %swap3A_381 = vector.shape_cast %swap3A_380 : vector<1x16xf32> to vector<16xf32>
    %swap3A_382 = vector.shape_cast %mul3A_376 : vector<16xf32> to vector<1x16xf32>
    tpu.vector_store %arg7[%swap3A_378, %swap3A_379], %swap3A_382 {strides = array<i32>} : memref<32x64xf32, #tpu.memory_space<vmem>>, vector<1x16xf32>,
    %mul3A_383 = arith.constant 2.000000e-02 : f32
    %mul3A_384 = vector.broadcast %mul3A_383 : f32 to vector<16xf32>
    %mul3A_385 = arith.mulf %scan3A_372#1, %mul3A_384 : vector<16xf32>
    %swap3A_386 = arith.constant 1 : i32
    %swap3A_387 = arith.index_cast %swap3A_386 : i32 to index
    %swap3A_388 = arith.constant 16 : index
    %swap3A_389 = tpu.vector_load %arg7[%swap3A_387, %swap3A_388] {strides = array<i32>} : memref<32x64xf32, #tpu.memory_space<vmem>>, vector<1x16xf32>,
    %swap3A_390 = vector.shape_cast %swap3A_389 : vector<1x16xf32> to vector<16xf32>
    %swap3A_391 = vector.shape_cast %mul3A_385 : vector<16xf32> to vector<1x16xf32>
    tpu.vector_store %arg7[%swap3A_387, %swap3A_388], %swap3A_391 {strides = array<i32>} : memref<32x64xf32, #tpu.memory_space<vmem>>, vector<1x16xf32>,
    %mul3A_392 = arith.constant 2.000000e-02 : f32
    %mul3A_393 = vector.broadcast %mul3A_392 : f32 to vector<16xf32>
    %mul3A_394 = arith.mulf %scan3A_372#2, %mul3A_393 : vector<16xf32>
    %swap3A_395 = arith.constant 1 : i32
    %swap3A_396 = arith.index_cast %swap3A_395 : i32 to index
    %swap3A_397 = arith.constant 32 : index
    %swap3A_398 = tpu.vector_load %arg7[%swap3A_396, %swap3A_397] {strides = array<i32>} : memref<32x64xf32, #tpu.memory_space<vmem>>, vector<1x16xf32>,
    %swap3A_399 = vector.shape_cast %swap3A_398 : vector<1x16xf32> to vector<16xf32>
    %swap3A_400 = vector.shape_cast %mul3A_394 : vector<16xf32> to vector<1x16xf32>
    tpu.vector_store %arg7[%swap3A_396, %swap3A_397], %swap3A_400 {strides = array<i32>} : memref<32x64xf32, #tpu.memory_space<vmem>>, vector<1x16xf32>,
    %mul3A_401 = arith.constant 2.000000e-02 : f32
    %mul3A_402 = vector.broadcast %mul3A_401 : f32 to vector<16xf32>
    %mul3A_403 = arith.mulf %scan3A_372#3, %mul3A_402 : vector<16xf32>
    %swap3A_404 = arith.constant 1 : i32
    %swap3A_405 = arith.index_cast %swap3A_404 : i32 to index
    %swap3A_406 = arith.constant 48 : index
    %swap3A_407 = tpu.vector_load %arg7[%swap3A_405, %swap3A_406] {strides = array<i32>} : memref<32x64xf32, #tpu.memory_space<vmem>>, vector<1x16xf32>,
    %swap3A_408 = vector.shape_cast %swap3A_407 : vector<1x16xf32> to vector<16xf32>
    %swap3A_409 = vector.shape_cast %mul3A_403 : vector<16xf32> to vector<1x16xf32>
    tpu.vector_store %arg7[%swap3A_405, %swap3A_406], %swap3A_409 {strides = array<i32>} : memref<32x64xf32, #tpu.memory_space<vmem>>, vector<1x16xf32>,
    %broadcast_in_dim3A_410 = arith.constant 0.000000e+00 : f32
    %broadcast_in_dim3A_411 = vector.broadcast %broadcast_in_dim3A_410 : f32 to vector<16xf32>
    %broadcast_in_dim3A_412 = arith.constant 0.000000e+00 : f32
    %broadcast_in_dim3A_413 = vector.broadcast %broadcast_in_dim3A_412 : f32 to vector<16xf32>
    %broadcast_in_dim3A_414 = arith.constant 0.000000e+00 : f32
    %broadcast_in_dim3A_415 = vector.broadcast %broadcast_in_dim3A_414 : f32 to vector<16xf32>
    %broadcast_in_dim3A_416 = arith.constant 0.000000e+00 : f32
    %broadcast_in_dim3A_417 = vector.broadcast %broadcast_in_dim3A_416 : f32 to vector<16xf32>
    %scan3A_418 = arith.constant 0 : i32
    %scan3A_419 = arith.constant 50 : i32
    %scan3A_420 = arith.addi %scan3A_418, %scan3A_419 : i32
    %scan3A_421 = arith.constant 1 : i32
    %scan3A_422:4 = scf.for %scan3A_2430 = %scan3A_418 to %scan3A_420 step %scan3A_421 iter_args(%scan3A_2431 = %broadcast_in_dim3A_411, %scan3A_2432 = %broadcast_in_dim3A_413, %scan3A_2433 = %broadcast_in_dim3A_415, %scan3A_2434 = %broadcast_in_dim3A_417) -> (vector<16xf32>, vector<16xf32>, vector<16xf32>, vector<16xf32>)  : i32 {
      %get3A = arith.constant 0 : i32
      %get3A_2435 = arith.constant 2 : i32
      %get3A_2436 = arith.index_cast %get3A : i32 to index
      %get3A_2437 = arith.index_cast %get3A_2435 : i32 to index
      %get3A_2438 = arith.index_cast %scan3A_2430 : i32 to index
      %get3A_2439 = arith.constant 0 : index
      %get3A_2440 = tpu.vector_load %arg6[%get3A_2436, %get3A_2437, %get3A_2438, %get3A_2439] {strides = array<i32>} : memref<2x8x50x64xf32, #tpu.memory_space<vmem>>, vector<1x1x1x16xf32>,
      %get3A_2441 = vector.shape_cast %get3A_2440 : vector<1x1x1x16xf32> to vector<16xf32>
      %add3A_2442 = arith.addf %scan3A_2431, %get3A_2441 : vector<16xf32>
      %get3A_2443 = arith.constant 0 : i32
      %get3A_2444 = arith.constant 2 : i32
      %get3A_2445 = arith.index_cast %get3A_2443 : i32 to index
      %get3A_2446 = arith.index_cast %get3A_2444 : i32 to index
      %get3A_2447 = arith.index_cast %scan3A_2430 : i32 to index
      %get3A_2448 = arith.constant 16 : index
      %get3A_2449 = tpu.vector_load %arg6[%get3A_2445, %get3A_2446, %get3A_2447, %get3A_2448] {strides = array<i32>} : memref<2x8x50x64xf32, #tpu.memory_space<vmem>>, vector<1x1x1x16xf32>,
      %get3A_2450 = vector.shape_cast %get3A_2449 : vector<1x1x1x16xf32> to vector<16xf32>
      %add3A_2451 = arith.addf %scan3A_2432, %get3A_2450 : vector<16xf32>
      %get3A_2452 = arith.constant 0 : i32
      %get3A_2453 = arith.constant 2 : i32
      %get3A_2454 = arith.index_cast %get3A_2452 : i32 to index
      %get3A_2455 = arith.index_cast %get3A_2453 : i32 to index
      %get3A_2456 = arith.index_cast %scan3A_2430 : i32 to index
      %get3A_2457 = arith.constant 32 : index
      %get3A_2458 = tpu.vector_load %arg6[%get3A_2454, %get3A_2455, %get3A_2456, %get3A_2457] {strides = array<i32>} : memref<2x8x50x64xf32, #tpu.memory_space<vmem>>, vector<1x1x1x16xf32>,
      %get3A_2459 = vector.shape_cast %get3A_2458 : vector<1x1x1x16xf32> to vector<16xf32>
      %add3A_2460 = arith.addf %scan3A_2433, %get3A_2459 : vector<16xf32>
      %get3A_2461 = arith.constant 0 : i32
      %get3A_2462 = arith.constant 2 : i32
      %get3A_2463 = arith.index_cast %get3A_2461 : i32 to index
      %get3A_2464 = arith.index_cast %get3A_2462 : i32 to index
      %get3A_2465 = arith.index_cast %scan3A_2430 : i32 to index
      %get3A_2466 = arith.constant 48 : index
      %get3A_2467 = tpu.vector_load %arg6[%get3A_2463, %get3A_2464, %get3A_2465, %get3A_2466] {strides = array<i32>} : memref<2x8x50x64xf32, #tpu.memory_space<vmem>>, vector<1x1x1x16xf32>,
      %get3A_2468 = vector.shape_cast %get3A_2467 : vector<1x1x1x16xf32> to vector<16xf32>
      %add3A_2469 = arith.addf %scan3A_2434, %get3A_2468 : vector<16xf32>
      scf.yield %add3A_2442, %add3A_2451, %add3A_2460, %add3A_2469 : vector<16xf32>, vector<16xf32>, vector<16xf32>, vector<16xf32>
    }
    %scan3A_423 = arith.constant 50 : i32
    %mul3A_424 = arith.constant 2.000000e-02 : f32
    %mul3A_425 = vector.broadcast %mul3A_424 : f32 to vector<16xf32>
    %mul3A_426 = arith.mulf %scan3A_422#0, %mul3A_425 : vector<16xf32>
    %swap3A_427 = arith.constant 2 : i32
    %swap3A_428 = arith.index_cast %swap3A_427 : i32 to index
    %swap3A_429 = arith.constant 0 : index
    %swap3A_430 = tpu.vector_load %arg7[%swap3A_428, %swap3A_429] {strides = array<i32>} : memref<32x64xf32, #tpu.memory_space<vmem>>, vector<1x16xf32>,
    %swap3A_431 = vector.shape_cast %swap3A_430 : vector<1x16xf32> to vector<16xf32>
    %swap3A_432 = vector.shape_cast %mul3A_426 : vector<16xf32> to vector<1x16xf32>
    tpu.vector_store %arg7[%swap3A_428, %swap3A_429], %swap3A_432 {strides = array<i32>} : memref<32x64xf32, #tpu.memory_space<vmem>>, vector<1x16xf32>,
    %mul3A_433 = arith.constant 2.000000e-02 : f32
    %mul3A_434 = vector.broadcast %mul3A_433 : f32 to vector<16xf32>
    %mul3A_435 = arith.mulf %scan3A_422#1, %mul3A_434 : vector<16xf32>
    %swap3A_436 = arith.constant 2 : i32
    %swap3A_437 = arith.index_cast %swap3A_436 : i32 to index
    %swap3A_438 = arith.constant 16 : index
    %swap3A_439 = tpu.vector_load %arg7[%swap3A_437, %swap3A_438] {strides = array<i32>} : memref<32x64xf32, #tpu.memory_space<vmem>>, vector<1x16xf32>,
    %swap3A_440 = vector.shape_cast %swap3A_439 : vector<1x16xf32> to vector<16xf32>
    %swap3A_441 = vector.shape_cast %mul3A_435 : vector<16xf32> to vector<1x16xf32>
    tpu.vector_store %arg7[%swap3A_437, %swap3A_438], %swap3A_441 {strides = array<i32>} : memref<32x64xf32, #tpu.memory_space<vmem>>, vector<1x16xf32>,
    %mul3A_442 = arith.constant 2.000000e-02 : f32
    %mul3A_443 = vector.broadcast %mul3A_442 : f32 to vector<16xf32>
    %mul3A_444 = arith.mulf %scan3A_422#2, %mul3A_443 : vector<16xf32>
    %swap3A_445 = arith.constant 2 : i32
    %swap3A_446 = arith.index_cast %swap3A_445 : i32 to index
    %swap3A_447 = arith.constant 32 : index
    %swap3A_448 = tpu.vector_load %arg7[%swap3A_446, %swap3A_447] {strides = array<i32>} : memref<32x64xf32, #tpu.memory_space<vmem>>, vector<1x16xf32>,
    %swap3A_449 = vector.shape_cast %swap3A_448 : vector<1x16xf32> to vector<16xf32>
    %swap3A_450 = vector.shape_cast %mul3A_444 : vector<16xf32> to vector<1x16xf32>
    tpu.vector_store %arg7[%swap3A_446, %swap3A_447], %swap3A_450 {strides = array<i32>} : memref<32x64xf32, #tpu.memory_space<vmem>>, vector<1x16xf32>,
    %mul3A_451 = arith.constant 2.000000e-02 : f32
    %mul3A_452 = vector.broadcast %mul3A_451 : f32 to vector<16xf32>
    %mul3A_453 = arith.mulf %scan3A_422#3, %mul3A_452 : vector<16xf32>
    %swap3A_454 = arith.constant 2 : i32
    %swap3A_455 = arith.index_cast %swap3A_454 : i32 to index
    %swap3A_456 = arith.constant 48 : index
    %swap3A_457 = tpu.vector_load %arg7[%swap3A_455, %swap3A_456] {strides = array<i32>} : memref<32x64xf32, #tpu.memory_space<vmem>>, vector<1x16xf32>,
    %swap3A_458 = vector.shape_cast %swap3A_457 : vector<1x16xf32> to vector<16xf32>
    %swap3A_459 = vector.shape_cast %mul3A_453 : vector<16xf32> to vector<1x16xf32>
    tpu.vector_store %arg7[%swap3A_455, %swap3A_456], %swap3A_459 {strides = array<i32>} : memref<32x64xf32, #tpu.memory_space<vmem>>, vector<1x16xf32>,
    %broadcast_in_dim3A_460 = arith.constant 0.000000e+00 : f32
    %broadcast_in_dim3A_461 = vector.broadcast %broadcast_in_dim3A_460 : f32 to vector<16xf32>
    %broadcast_in_dim3A_462 = arith.constant 0.000000e+00 : f32
    %broadcast_in_dim3A_463 = vector.broadcast %broadcast_in_dim3A_462 : f32 to vector<16xf32>
    %broadcast_in_dim3A_464 = arith.constant 0.000000e+00 : f32
    %broadcast_in_dim3A_465 = vector.broadcast %broadcast_in_dim3A_464 : f32 to vector<16xf32>
    %broadcast_in_dim3A_466 = arith.constant 0.000000e+00 : f32
    %broadcast_in_dim3A_467 = vector.broadcast %broadcast_in_dim3A_466 : f32 to vector<16xf32>
    %scan3A_468 = arith.constant 0 : i32
    %scan3A_469 = arith.constant 50 : i32
    %scan3A_470 = arith.addi %scan3A_468, %scan3A_469 : i32
    %scan3A_471 = arith.constant 1 : i32
    %scan3A_472:4 = scf.for %scan3A_2430 = %scan3A_468 to %scan3A_470 step %scan3A_471 iter_args(%scan3A_2431 = %broadcast_in_dim3A_461, %scan3A_2432 = %broadcast_in_dim3A_463, %scan3A_2433 = %broadcast_in_dim3A_465, %scan3A_2434 = %broadcast_in_dim3A_467) -> (vector<16xf32>, vector<16xf32>, vector<16xf32>, vector<16xf32>)  : i32 {
      %get3A = arith.constant 0 : i32
      %get3A_2435 = arith.constant 3 : i32
      %get3A_2436 = arith.index_cast %get3A : i32 to index
      %get3A_2437 = arith.index_cast %get3A_2435 : i32 to index
      %get3A_2438 = arith.index_cast %scan3A_2430 : i32 to index
      %get3A_2439 = arith.constant 0 : index
      %get3A_2440 = tpu.vector_load %arg6[%get3A_2436, %get3A_2437, %get3A_2438, %get3A_2439] {strides = array<i32>} : memref<2x8x50x64xf32, #tpu.memory_space<vmem>>, vector<1x1x1x16xf32>,
      %get3A_2441 = vector.shape_cast %get3A_2440 : vector<1x1x1x16xf32> to vector<16xf32>
      %add3A_2442 = arith.addf %scan3A_2431, %get3A_2441 : vector<16xf32>
      %get3A_2443 = arith.constant 0 : i32
      %get3A_2444 = arith.constant 3 : i32
      %get3A_2445 = arith.index_cast %get3A_2443 : i32 to index
      %get3A_2446 = arith.index_cast %get3A_2444 : i32 to index
      %get3A_2447 = arith.index_cast %scan3A_2430 : i32 to index
      %get3A_2448 = arith.constant 16 : index
      %get3A_2449 = tpu.vector_load %arg6[%get3A_2445, %get3A_2446, %get3A_2447, %get3A_2448] {strides = array<i32>} : memref<2x8x50x64xf32, #tpu.memory_space<vmem>>, vector<1x1x1x16xf32>,
      %get3A_2450 = vector.shape_cast %get3A_2449 : vector<1x1x1x16xf32> to vector<16xf32>
      %add3A_2451 = arith.addf %scan3A_2432, %get3A_2450 : vector<16xf32>
      %get3A_2452 = arith.constant 0 : i32
      %get3A_2453 = arith.constant 3 : i32
      %get3A_2454 = arith.index_cast %get3A_2452 : i32 to index
      %get3A_2455 = arith.index_cast %get3A_2453 : i32 to index
      %get3A_2456 = arith.index_cast %scan3A_2430 : i32 to index
      %get3A_2457 = arith.constant 32 : index
      %get3A_2458 = tpu.vector_load %arg6[%get3A_2454, %get3A_2455, %get3A_2456, %get3A_2457] {strides = array<i32>} : memref<2x8x50x64xf32, #tpu.memory_space<vmem>>, vector<1x1x1x16xf32>,
      %get3A_2459 = vector.shape_cast %get3A_2458 : vector<1x1x1x16xf32> to vector<16xf32>
      %add3A_2460 = arith.addf %scan3A_2433, %get3A_2459 : vector<16xf32>
      %get3A_2461 = arith.constant 0 : i32
      %get3A_2462 = arith.constant 3 : i32
      %get3A_2463 = arith.index_cast %get3A_2461 : i32 to index
      %get3A_2464 = arith.index_cast %get3A_2462 : i32 to index
      %get3A_2465 = arith.index_cast %scan3A_2430 : i32 to index
      %get3A_2466 = arith.constant 48 : index
      %get3A_2467 = tpu.vector_load %arg6[%get3A_2463, %get3A_2464, %get3A_2465, %get3A_2466] {strides = array<i32>} : memref<2x8x50x64xf32, #tpu.memory_space<vmem>>, vector<1x1x1x16xf32>,
      %get3A_2468 = vector.shape_cast %get3A_2467 : vector<1x1x1x16xf32> to vector<16xf32>
      %add3A_2469 = arith.addf %scan3A_2434, %get3A_2468 : vector<16xf32>
      scf.yield %add3A_2442, %add3A_2451, %add3A_2460, %add3A_2469 : vector<16xf32>, vector<16xf32>, vector<16xf32>, vector<16xf32>
    }
    %scan3A_473 = arith.constant 50 : i32
    %mul3A_474 = arith.constant 2.000000e-02 : f32
    %mul3A_475 = vector.broadcast %mul3A_474 : f32 to vector<16xf32>
    %mul3A_476 = arith.mulf %scan3A_472#0, %mul3A_475 : vector<16xf32>
    %swap3A_477 = arith.constant 3 : i32
    %swap3A_478 = arith.index_cast %swap3A_477 : i32 to index
    %swap3A_479 = arith.constant 0 : index
    %swap3A_480 = tpu.vector_load %arg7[%swap3A_478, %swap3A_479] {strides = array<i32>} : memref<32x64xf32, #tpu.memory_space<vmem>>, vector<1x16xf32>,
    %swap3A_481 = vector.shape_cast %swap3A_480 : vector<1x16xf32> to vector<16xf32>
    %swap3A_482 = vector.shape_cast %mul3A_476 : vector<16xf32> to vector<1x16xf32>
    tpu.vector_store %arg7[%swap3A_478, %swap3A_479], %swap3A_482 {strides = array<i32>} : memref<32x64xf32, #tpu.memory_space<vmem>>, vector<1x16xf32>,
    %mul3A_483 = arith.constant 2.000000e-02 : f32
    %mul3A_484 = vector.broadcast %mul3A_483 : f32 to vector<16xf32>
    %mul3A_485 = arith.mulf %scan3A_472#1, %mul3A_484 : vector<16xf32>
    %swap3A_486 = arith.constant 3 : i32
    %swap3A_487 = arith.index_cast %swap3A_486 : i32 to index
    %swap3A_488 = arith.constant 16 : index
    %swap3A_489 = tpu.vector_load %arg7[%swap3A_487, %swap3A_488] {strides = array<i32>} : memref<32x64xf32, #tpu.memory_space<vmem>>, vector<1x16xf32>,
    %swap3A_490 = vector.shape_cast %swap3A_489 : vector<1x16xf32> to vector<16xf32>
    %swap3A_491 = vector.shape_cast %mul3A_485 : vector<16xf32> to vector<1x16xf32>
    tpu.vector_store %arg7[%swap3A_487, %swap3A_488], %swap3A_491 {strides = array<i32>} : memref<32x64xf32, #tpu.memory_space<vmem>>, vector<1x16xf32>,
    %mul3A_492 = arith.constant 2.000000e-02 : f32
    %mul3A_493 = vector.broadcast %mul3A_492 : f32 to vector<16xf32>
    %mul3A_494 = arith.mulf %scan3A_472#2, %mul3A_493 : vector<16xf32>
    %swap3A_495 = arith.constant 3 : i32
    %swap3A_496 = arith.index_cast %swap3A_495 : i32 to index
    %swap3A_497 = arith.constant 32 : index
    %swap3A_498 = tpu.vector_load %arg7[%swap3A_496, %swap3A_497] {strides = array<i32>} : memref<32x64xf32, #tpu.memory_space<vmem>>, vector<1x16xf32>,
    %swap3A_499 = vector.shape_cast %swap3A_498 : vector<1x16xf32> to vector<16xf32>
    %swap3A_500 = vector.shape_cast %mul3A_494 : vector<16xf32> to vector<1x16xf32>
    tpu.vector_store %arg7[%swap3A_496, %swap3A_497], %swap3A_500 {strides = array<i32>} : memref<32x64xf32, #tpu.memory_space<vmem>>, vector<1x16xf32>,
    %mul3A_501 = arith.constant 2.000000e-02 : f32
    %mul3A_502 = vector.broadcast %mul3A_501 : f32 to vector<16xf32>
    %mul3A_503 = arith.mulf %scan3A_472#3, %mul3A_502 : vector<16xf32>
    %swap3A_504 = arith.constant 3 : i32
    %swap3A_505 = arith.index_cast %swap3A_504 : i32 to index
    %swap3A_506 = arith.constant 48 : index
    %swap3A_507 = tpu.vector_load %arg7[%swap3A_505, %swap3A_506] {strides = array<i32>} : memref<32x64xf32, #tpu.memory_space<vmem>>, vector<1x16xf32>,
    %swap3A_508 = vector.shape_cast %swap3A_507 : vector<1x16xf32> to vector<16xf32>
    %swap3A_509 = vector.shape_cast %mul3A_503 : vector<16xf32> to vector<1x16xf32>
    tpu.vector_store %arg7[%swap3A_505, %swap3A_506], %swap3A_509 {strides = array<i32>} : memref<32x64xf32, #tpu.memory_space<vmem>>, vector<1x16xf32>,
    %broadcast_in_dim3A_510 = arith.constant 0.000000e+00 : f32
    %broadcast_in_dim3A_511 = vector.broadcast %broadcast_in_dim3A_510 : f32 to vector<16xf32>
    %broadcast_in_dim3A_512 = arith.constant 0.000000e+00 : f32
    %broadcast_in_dim3A_513 = vector.broadcast %broadcast_in_dim3A_512 : f32 to vector<16xf32>
    %broadcast_in_dim3A_514 = arith.constant 0.000000e+00 : f32
    %broadcast_in_dim3A_515 = vector.broadcast %broadcast_in_dim3A_514 : f32 to vector<16xf32>
    %broadcast_in_dim3A_516 = arith.constant 0.000000e+00 : f32
    %broadcast_in_dim3A_517 = vector.broadcast %broadcast_in_dim3A_516 : f32 to vector<16xf32>
    %scan3A_518 = arith.constant 0 : i32
    %scan3A_519 = arith.constant 50 : i32
    %scan3A_520 = arith.addi %scan3A_518, %scan3A_519 : i32
    %scan3A_521 = arith.constant 1 : i32
    %scan3A_522:4 = scf.for %scan3A_2430 = %scan3A_518 to %scan3A_520 step %scan3A_521 iter_args(%scan3A_2431 = %broadcast_in_dim3A_511, %scan3A_2432 = %broadcast_in_dim3A_513, %scan3A_2433 = %broadcast_in_dim3A_515, %scan3A_2434 = %broadcast_in_dim3A_517) -> (vector<16xf32>, vector<16xf32>, vector<16xf32>, vector<16xf32>)  : i32 {
      %get3A = arith.constant 0 : i32
      %get3A_2435 = arith.constant 4 : i32
      %get3A_2436 = arith.index_cast %get3A : i32 to index
      %get3A_2437 = arith.index_cast %get3A_2435 : i32 to index
      %get3A_2438 = arith.index_cast %scan3A_2430 : i32 to index
      %get3A_2439 = arith.constant 0 : index
      %get3A_2440 = tpu.vector_load %arg6[%get3A_2436, %get3A_2437, %get3A_2438, %get3A_2439] {strides = array<i32>} : memref<2x8x50x64xf32, #tpu.memory_space<vmem>>, vector<1x1x1x16xf32>,
      %get3A_2441 = vector.shape_cast %get3A_2440 : vector<1x1x1x16xf32> to vector<16xf32>
      %add3A_2442 = arith.addf %scan3A_2431, %get3A_2441 : vector<16xf32>
      %get3A_2443 = arith.constant 0 : i32
      %get3A_2444 = arith.constant 4 : i32
      %get3A_2445 = arith.index_cast %get3A_2443 : i32 to index
      %get3A_2446 = arith.index_cast %get3A_2444 : i32 to index
      %get3A_2447 = arith.index_cast %scan3A_2430 : i32 to index
      %get3A_2448 = arith.constant 16 : index
      %get3A_2449 = tpu.vector_load %arg6[%get3A_2445, %get3A_2446, %get3A_2447, %get3A_2448] {strides = array<i32>} : memref<2x8x50x64xf32, #tpu.memory_space<vmem>>, vector<1x1x1x16xf32>,
      %get3A_2450 = vector.shape_cast %get3A_2449 : vector<1x1x1x16xf32> to vector<16xf32>
      %add3A_2451 = arith.addf %scan3A_2432, %get3A_2450 : vector<16xf32>
      %get3A_2452 = arith.constant 0 : i32
      %get3A_2453 = arith.constant 4 : i32
      %get3A_2454 = arith.index_cast %get3A_2452 : i32 to index
      %get3A_2455 = arith.index_cast %get3A_2453 : i32 to index
      %get3A_2456 = arith.index_cast %scan3A_2430 : i32 to index
      %get3A_2457 = arith.constant 32 : index
      %get3A_2458 = tpu.vector_load %arg6[%get3A_2454, %get3A_2455, %get3A_2456, %get3A_2457] {strides = array<i32>} : memref<2x8x50x64xf32, #tpu.memory_space<vmem>>, vector<1x1x1x16xf32>,
      %get3A_2459 = vector.shape_cast %get3A_2458 : vector<1x1x1x16xf32> to vector<16xf32>
      %add3A_2460 = arith.addf %scan3A_2433, %get3A_2459 : vector<16xf32>
      %get3A_2461 = arith.constant 0 : i32
      %get3A_2462 = arith.constant 4 : i32
      %get3A_2463 = arith.index_cast %get3A_2461 : i32 to index
      %get3A_2464 = arith.index_cast %get3A_2462 : i32 to index
      %get3A_2465 = arith.index_cast %scan3A_2430 : i32 to index
      %get3A_2466 = arith.constant 48 : index
      %get3A_2467 = tpu.vector_load %arg6[%get3A_2463, %get3A_2464, %get3A_2465, %get3A_2466] {strides = array<i32>} : memref<2x8x50x64xf32, #tpu.memory_space<vmem>>, vector<1x1x1x16xf32>,
      %get3A_2468 = vector.shape_cast %get3A_2467 : vector<1x1x1x16xf32> to vector<16xf32>
      %add3A_2469 = arith.addf %scan3A_2434, %get3A_2468 : vector<16xf32>
      scf.yield %add3A_2442, %add3A_2451, %add3A_2460, %add3A_2469 : vector<16xf32>, vector<16xf32>, vector<16xf32>, vector<16xf32>
    }
    %scan3A_523 = arith.constant 50 : i32
    %mul3A_524 = arith.constant 2.000000e-02 : f32
    %mul3A_525 = vector.broadcast %mul3A_524 : f32 to vector<16xf32>
    %mul3A_526 = arith.mulf %scan3A_522#0, %mul3A_525 : vector<16xf32>
    %swap3A_527 = arith.constant 4 : i32
    %swap3A_528 = arith.index_cast %swap3A_527 : i32 to index
    %swap3A_529 = arith.constant 0 : index
    %swap3A_530 = tpu.vector_load %arg7[%swap3A_528, %swap3A_529] {strides = array<i32>} : memref<32x64xf32, #tpu.memory_space<vmem>>, vector<1x16xf32>,
    %swap3A_531 = vector.shape_cast %swap3A_530 : vector<1x16xf32> to vector<16xf32>
    %swap3A_532 = vector.shape_cast %mul3A_526 : vector<16xf32> to vector<1x16xf32>
    tpu.vector_store %arg7[%swap3A_528, %swap3A_529], %swap3A_532 {strides = array<i32>} : memref<32x64xf32, #tpu.memory_space<vmem>>, vector<1x16xf32>,
    %mul3A_533 = arith.constant 2.000000e-02 : f32
    %mul3A_534 = vector.broadcast %mul3A_533 : f32 to vector<16xf32>
    %mul3A_535 = arith.mulf %scan3A_522#1, %mul3A_534 : vector<16xf32>
    %swap3A_536 = arith.constant 4 : i32
    %swap3A_537 = arith.index_cast %swap3A_536 : i32 to index
    %swap3A_538 = arith.constant 16 : index
    %swap3A_539 = tpu.vector_load %arg7[%swap3A_537, %swap3A_538] {strides = array<i32>} : memref<32x64xf32, #tpu.memory_space<vmem>>, vector<1x16xf32>,
    %swap3A_540 = vector.shape_cast %swap3A_539 : vector<1x16xf32> to vector<16xf32>
    %swap3A_541 = vector.shape_cast %mul3A_535 : vector<16xf32> to vector<1x16xf32>
    tpu.vector_store %arg7[%swap3A_537, %swap3A_538], %swap3A_541 {strides = array<i32>} : memref<32x64xf32, #tpu.memory_space<vmem>>, vector<1x16xf32>,
    %mul3A_542 = arith.constant 2.000000e-02 : f32
    %mul3A_543 = vector.broadcast %mul3A_542 : f32 to vector<16xf32>
    %mul3A_544 = arith.mulf %scan3A_522#2, %mul3A_543 : vector<16xf32>
    %swap3A_545 = arith.constant 4 : i32
    %swap3A_546 = arith.index_cast %swap3A_545 : i32 to index
    %swap3A_547 = arith.constant 32 : index
    %swap3A_548 = tpu.vector_load %arg7[%swap3A_546, %swap3A_547] {strides = array<i32>} : memref<32x64xf32, #tpu.memory_space<vmem>>, vector<1x16xf32>,
    %swap3A_549 = vector.shape_cast %swap3A_548 : vector<1x16xf32> to vector<16xf32>
    %swap3A_550 = vector.shape_cast %mul3A_544 : vector<16xf32> to vector<1x16xf32>
    tpu.vector_store %arg7[%swap3A_546, %swap3A_547], %swap3A_550 {strides = array<i32>} : memref<32x64xf32, #tpu.memory_space<vmem>>, vector<1x16xf32>,
    %mul3A_551 = arith.constant 2.000000e-02 : f32
    %mul3A_552 = vector.broadcast %mul3A_551 : f32 to vector<16xf32>
    %mul3A_553 = arith.mulf %scan3A_522#3, %mul3A_552 : vector<16xf32>
    %swap3A_554 = arith.constant 4 : i32
    %swap3A_555 = arith.index_cast %swap3A_554 : i32 to index
    %swap3A_556 = arith.constant 48 : index
    %swap3A_557 = tpu.vector_load %arg7[%swap3A_555, %swap3A_556] {strides = array<i32>} : memref<32x64xf32, #tpu.memory_space<vmem>>, vector<1x16xf32>,
    %swap3A_558 = vector.shape_cast %swap3A_557 : vector<1x16xf32> to vector<16xf32>
    %swap3A_559 = vector.shape_cast %mul3A_553 : vector<16xf32> to vector<1x16xf32>
    tpu.vector_store %arg7[%swap3A_555, %swap3A_556], %swap3A_559 {strides = array<i32>} : memref<32x64xf32, #tpu.memory_space<vmem>>, vector<1x16xf32>,
    %broadcast_in_dim3A_560 = arith.constant 0.000000e+00 : f32
    %broadcast_in_dim3A_561 = vector.broadcast %broadcast_in_dim3A_560 : f32 to vector<16xf32>
    %broadcast_in_dim3A_562 = arith.constant 0.000000e+00 : f32
    %broadcast_in_dim3A_563 = vector.broadcast %broadcast_in_dim3A_562 : f32 to vector<16xf32>
    %broadcast_in_dim3A_564 = arith.constant 0.000000e+00 : f32
    %broadcast_in_dim3A_565 = vector.broadcast %broadcast_in_dim3A_564 : f32 to vector<16xf32>
    %broadcast_in_dim3A_566 = arith.constant 0.000000e+00 : f32
    %broadcast_in_dim3A_567 = vector.broadcast %broadcast_in_dim3A_566 : f32 to vector<16xf32>
    %scan3A_568 = arith.constant 0 : i32
    %scan3A_569 = arith.constant 50 : i32
    %scan3A_570 = arith.addi %scan3A_568, %scan3A_569 : i32
    %scan3A_571 = arith.constant 1 : i32
    %scan3A_572:4 = scf.for %scan3A_2430 = %scan3A_568 to %scan3A_570 step %scan3A_571 iter_args(%scan3A_2431 = %broadcast_in_dim3A_561, %scan3A_2432 = %broadcast_in_dim3A_563, %scan3A_2433 = %broadcast_in_dim3A_565, %scan3A_2434 = %broadcast_in_dim3A_567) -> (vector<16xf32>, vector<16xf32>, vector<16xf32>, vector<16xf32>)  : i32 {
      %get3A = arith.constant 0 : i32
      %get3A_2435 = arith.constant 5 : i32
      %get3A_2436 = arith.index_cast %get3A : i32 to index
      %get3A_2437 = arith.index_cast %get3A_2435 : i32 to index
      %get3A_2438 = arith.index_cast %scan3A_2430 : i32 to index
      %get3A_2439 = arith.constant 0 : index
      %get3A_2440 = tpu.vector_load %arg6[%get3A_2436, %get3A_2437, %get3A_2438, %get3A_2439] {strides = array<i32>} : memref<2x8x50x64xf32, #tpu.memory_space<vmem>>, vector<1x1x1x16xf32>,
      %get3A_2441 = vector.shape_cast %get3A_2440 : vector<1x1x1x16xf32> to vector<16xf32>
      %add3A_2442 = arith.addf %scan3A_2431, %get3A_2441 : vector<16xf32>
      %get3A_2443 = arith.constant 0 : i32
      %get3A_2444 = arith.constant 5 : i32
      %get3A_2445 = arith.index_cast %get3A_2443 : i32 to index
      %get3A_2446 = arith.index_cast %get3A_2444 : i32 to index
      %get3A_2447 = arith.index_cast %scan3A_2430 : i32 to index
      %get3A_2448 = arith.constant 16 : index
      %get3A_2449 = tpu.vector_load %arg6[%get3A_2445, %get3A_2446, %get3A_2447, %get3A_2448] {strides = array<i32>} : memref<2x8x50x64xf32, #tpu.memory_space<vmem>>, vector<1x1x1x16xf32>,
      %get3A_2450 = vector.shape_cast %get3A_2449 : vector<1x1x1x16xf32> to vector<16xf32>
      %add3A_2451 = arith.addf %scan3A_2432, %get3A_2450 : vector<16xf32>
      %get3A_2452 = arith.constant 0 : i32
      %get3A_2453 = arith.constant 5 : i32
      %get3A_2454 = arith.index_cast %get3A_2452 : i32 to index
      %get3A_2455 = arith.index_cast %get3A_2453 : i32 to index
      %get3A_2456 = arith.index_cast %scan3A_2430 : i32 to index
      %get3A_2457 = arith.constant 32 : index
      %get3A_2458 = tpu.vector_load %arg6[%get3A_2454, %get3A_2455, %get3A_2456, %get3A_2457] {strides = array<i32>} : memref<2x8x50x64xf32, #tpu.memory_space<vmem>>, vector<1x1x1x16xf32>,
      %get3A_2459 = vector.shape_cast %get3A_2458 : vector<1x1x1x16xf32> to vector<16xf32>
      %add3A_2460 = arith.addf %scan3A_2433, %get3A_2459 : vector<16xf32>
      %get3A_2461 = arith.constant 0 : i32
      %get3A_2462 = arith.constant 5 : i32
      %get3A_2463 = arith.index_cast %get3A_2461 : i32 to index
      %get3A_2464 = arith.index_cast %get3A_2462 : i32 to index
      %get3A_2465 = arith.index_cast %scan3A_2430 : i32 to index
      %get3A_2466 = arith.constant 48 : index
      %get3A_2467 = tpu.vector_load %arg6[%get3A_2463, %get3A_2464, %get3A_2465, %get3A_2466] {strides = array<i32>} : memref<2x8x50x64xf32, #tpu.memory_space<vmem>>, vector<1x1x1x16xf32>,
      %get3A_2468 = vector.shape_cast %get3A_2467 : vector<1x1x1x16xf32> to vector<16xf32>
      %add3A_2469 = arith.addf %scan3A_2434, %get3A_2468 : vector<16xf32>
      scf.yield %add3A_2442, %add3A_2451, %add3A_2460, %add3A_2469 : vector<16xf32>, vector<16xf32>, vector<16xf32>, vector<16xf32>
    }
    %scan3A_573 = arith.constant 50 : i32
    %mul3A_574 = arith.constant 2.000000e-02 : f32
    %mul3A_575 = vector.broadcast %mul3A_574 : f32 to vector<16xf32>
    %mul3A_576 = arith.mulf %scan3A_572#0, %mul3A_575 : vector<16xf32>
    %swap3A_577 = arith.constant 5 : i32
    %swap3A_578 = arith.index_cast %swap3A_577 : i32 to index
    %swap3A_579 = arith.constant 0 : index
    %swap3A_580 = tpu.vector_load %arg7[%swap3A_578, %swap3A_579] {strides = array<i32>} : memref<32x64xf32, #tpu.memory_space<vmem>>, vector<1x16xf32>,
    %swap3A_581 = vector.shape_cast %swap3A_580 : vector<1x16xf32> to vector<16xf32>
    %swap3A_582 = vector.shape_cast %mul3A_576 : vector<16xf32> to vector<1x16xf32>
    tpu.vector_store %arg7[%swap3A_578, %swap3A_579], %swap3A_582 {strides = array<i32>} : memref<32x64xf32, #tpu.memory_space<vmem>>, vector<1x16xf32>,
    %mul3A_583 = arith.constant 2.000000e-02 : f32
    %mul3A_584 = vector.broadcast %mul3A_583 : f32 to vector<16xf32>
    %mul3A_585 = arith.mulf %scan3A_572#1, %mul3A_584 : vector<16xf32>
    %swap3A_586 = arith.constant 5 : i32
    %swap3A_587 = arith.index_cast %swap3A_586 : i32 to index
    %swap3A_588 = arith.constant 16 : index
    %swap3A_589 = tpu.vector_load %arg7[%swap3A_587, %swap3A_588] {strides = array<i32>} : memref<32x64xf32, #tpu.memory_space<vmem>>, vector<1x16xf32>,
    %swap3A_590 = vector.shape_cast %swap3A_589 : vector<1x16xf32> to vector<16xf32>
    %swap3A_591 = vector.shape_cast %mul3A_585 : vector<16xf32> to vector<1x16xf32>
    tpu.vector_store %arg7[%swap3A_587, %swap3A_588], %swap3A_591 {strides = array<i32>} : memref<32x64xf32, #tpu.memory_space<vmem>>, vector<1x16xf32>,
    %mul3A_592 = arith.constant 2.000000e-02 : f32
    %mul3A_593 = vector.broadcast %mul3A_592 : f32 to vector<16xf32>
    %mul3A_594 = arith.mulf %scan3A_572#2, %mul3A_593 : vector<16xf32>
    %swap3A_595 = arith.constant 5 : i32
    %swap3A_596 = arith.index_cast %swap3A_595 : i32 to index
    %swap3A_597 = arith.constant 32 : index
    %swap3A_598 = tpu.vector_load %arg7[%swap3A_596, %swap3A_597] {strides = array<i32>} : memref<32x64xf32, #tpu.memory_space<vmem>>, vector<1x16xf32>,
    %swap3A_599 = vector.shape_cast %swap3A_598 : vector<1x16xf32> to vector<16xf32>
    %swap3A_600 = vector.shape_cast %mul3A_594 : vector<16xf32> to vector<1x16xf32>
    tpu.vector_store %arg7[%swap3A_596, %swap3A_597], %swap3A_600 {strides = array<i32>} : memref<32x64xf32, #tpu.memory_space<vmem>>, vector<1x16xf32>,
    %mul3A_601 = arith.constant 2.000000e-02 : f32
    %mul3A_602 = vector.broadcast %mul3A_601 : f32 to vector<16xf32>
    %mul3A_603 = arith.mulf %scan3A_572#3, %mul3A_602 : vector<16xf32>
    %swap3A_604 = arith.constant 5 : i32
    %swap3A_605 = arith.index_cast %swap3A_604 : i32 to index
    %swap3A_606 = arith.constant 48 : index
    %swap3A_607 = tpu.vector_load %arg7[%swap3A_605, %swap3A_606] {strides = array<i32>} : memref<32x64xf32, #tpu.memory_space<vmem>>, vector<1x16xf32>,
    %swap3A_608 = vector.shape_cast %swap3A_607 : vector<1x16xf32> to vector<16xf32>
    %swap3A_609 = vector.shape_cast %mul3A_603 : vector<16xf32> to vector<1x16xf32>
    tpu.vector_store %arg7[%swap3A_605, %swap3A_606], %swap3A_609 {strides = array<i32>} : memref<32x64xf32, #tpu.memory_space<vmem>>, vector<1x16xf32>,
    %broadcast_in_dim3A_610 = arith.constant 0.000000e+00 : f32
    %broadcast_in_dim3A_611 = vector.broadcast %broadcast_in_dim3A_610 : f32 to vector<16xf32>
    %broadcast_in_dim3A_612 = arith.constant 0.000000e+00 : f32
    %broadcast_in_dim3A_613 = vector.broadcast %broadcast_in_dim3A_612 : f32 to vector<16xf32>
    %broadcast_in_dim3A_614 = arith.constant 0.000000e+00 : f32
    %broadcast_in_dim3A_615 = vector.broadcast %broadcast_in_dim3A_614 : f32 to vector<16xf32>
    %broadcast_in_dim3A_616 = arith.constant 0.000000e+00 : f32
    %broadcast_in_dim3A_617 = vector.broadcast %broadcast_in_dim3A_616 : f32 to vector<16xf32>
    %scan3A_618 = arith.constant 0 : i32
    %scan3A_619 = arith.constant 50 : i32
    %scan3A_620 = arith.addi %scan3A_618, %scan3A_619 : i32
    %scan3A_621 = arith.constant 1 : i32
    %scan3A_622:4 = scf.for %scan3A_2430 = %scan3A_618 to %scan3A_620 step %scan3A_621 iter_args(%scan3A_2431 = %broadcast_in_dim3A_611, %scan3A_2432 = %broadcast_in_dim3A_613, %scan3A_2433 = %broadcast_in_dim3A_615, %scan3A_2434 = %broadcast_in_dim3A_617) -> (vector<16xf32>, vector<16xf32>, vector<16xf32>, vector<16xf32>)  : i32 {
      %get3A = arith.constant 0 : i32
      %get3A_2435 = arith.constant 6 : i32
      %get3A_2436 = arith.index_cast %get3A : i32 to index
      %get3A_2437 = arith.index_cast %get3A_2435 : i32 to index
      %get3A_2438 = arith.index_cast %scan3A_2430 : i32 to index
      %get3A_2439 = arith.constant 0 : index
      %get3A_2440 = tpu.vector_load %arg6[%get3A_2436, %get3A_2437, %get3A_2438, %get3A_2439] {strides = array<i32>} : memref<2x8x50x64xf32, #tpu.memory_space<vmem>>, vector<1x1x1x16xf32>,
      %get3A_2441 = vector.shape_cast %get3A_2440 : vector<1x1x1x16xf32> to vector<16xf32>
      %add3A_2442 = arith.addf %scan3A_2431, %get3A_2441 : vector<16xf32>
      %get3A_2443 = arith.constant 0 : i32
      %get3A_2444 = arith.constant 6 : i32
      %get3A_2445 = arith.index_cast %get3A_2443 : i32 to index
      %get3A_2446 = arith.index_cast %get3A_2444 : i32 to index
      %get3A_2447 = arith.index_cast %scan3A_2430 : i32 to index
      %get3A_2448 = arith.constant 16 : index
      %get3A_2449 = tpu.vector_load %arg6[%get3A_2445, %get3A_2446, %get3A_2447, %get3A_2448] {strides = array<i32>} : memref<2x8x50x64xf32, #tpu.memory_space<vmem>>, vector<1x1x1x16xf32>,
      %get3A_2450 = vector.shape_cast %get3A_2449 : vector<1x1x1x16xf32> to vector<16xf32>
      %add3A_2451 = arith.addf %scan3A_2432, %get3A_2450 : vector<16xf32>
      %get3A_2452 = arith.constant 0 : i32
      %get3A_2453 = arith.constant 6 : i32
      %get3A_2454 = arith.index_cast %get3A_2452 : i32 to index
      %get3A_2455 = arith.index_cast %get3A_2453 : i32 to index
      %get3A_2456 = arith.index_cast %scan3A_2430 : i32 to index
      %get3A_2457 = arith.constant 32 : index
      %get3A_2458 = tpu.vector_load %arg6[%get3A_2454, %get3A_2455, %get3A_2456, %get3A_2457] {strides = array<i32>} : memref<2x8x50x64xf32, #tpu.memory_space<vmem>>, vector<1x1x1x16xf32>,
      %get3A_2459 = vector.shape_cast %get3A_2458 : vector<1x1x1x16xf32> to vector<16xf32>
      %add3A_2460 = arith.addf %scan3A_2433, %get3A_2459 : vector<16xf32>
      %get3A_2461 = arith.constant 0 : i32
      %get3A_2462 = arith.constant 6 : i32
      %get3A_2463 = arith.index_cast %get3A_2461 : i32 to index
      %get3A_2464 = arith.index_cast %get3A_2462 : i32 to index
      %get3A_2465 = arith.index_cast %scan3A_2430 : i32 to index
      %get3A_2466 = arith.constant 48 : index
      %get3A_2467 = tpu.vector_load %arg6[%get3A_2463, %get3A_2464, %get3A_2465, %get3A_2466] {strides = array<i32>} : memref<2x8x50x64xf32, #tpu.memory_space<vmem>>, vector<1x1x1x16xf32>,
      %get3A_2468 = vector.shape_cast %get3A_2467 : vector<1x1x1x16xf32> to vector<16xf32>
      %add3A_2469 = arith.addf %scan3A_2434, %get3A_2468 : vector<16xf32>
      scf.yield %add3A_2442, %add3A_2451, %add3A_2460, %add3A_2469 : vector<16xf32>, vector<16xf32>, vector<16xf32>, vector<16xf32>
    }
    %scan3A_623 = arith.constant 50 : i32
    %mul3A_624 = arith.constant 2.000000e-02 : f32
    %mul3A_625 = vector.broadcast %mul3A_624 : f32 to vector<16xf32>
    %mul3A_626 = arith.mulf %scan3A_622#0, %mul3A_625 : vector<16xf32>
    %swap3A_627 = arith.constant 6 : i32
    %swap3A_628 = arith.index_cast %swap3A_627 : i32 to index
    %swap3A_629 = arith.constant 0 : index
    %swap3A_630 = tpu.vector_load %arg7[%swap3A_628, %swap3A_629] {strides = array<i32>} : memref<32x64xf32, #tpu.memory_space<vmem>>, vector<1x16xf32>,
    %swap3A_631 = vector.shape_cast %swap3A_630 : vector<1x16xf32> to vector<16xf32>
    %swap3A_632 = vector.shape_cast %mul3A_626 : vector<16xf32> to vector<1x16xf32>
    tpu.vector_store %arg7[%swap3A_628, %swap3A_629], %swap3A_632 {strides = array<i32>} : memref<32x64xf32, #tpu.memory_space<vmem>>, vector<1x16xf32>,
    %mul3A_633 = arith.constant 2.000000e-02 : f32
    %mul3A_634 = vector.broadcast %mul3A_633 : f32 to vector<16xf32>
    %mul3A_635 = arith.mulf %scan3A_622#1, %mul3A_634 : vector<16xf32>
    %swap3A_636 = arith.constant 6 : i32
    %swap3A_637 = arith.index_cast %swap3A_636 : i32 to index
    %swap3A_638 = arith.constant 16 : index
    %swap3A_639 = tpu.vector_load %arg7[%swap3A_637, %swap3A_638] {strides = array<i32>} : memref<32x64xf32, #tpu.memory_space<vmem>>, vector<1x16xf32>,
    %swap3A_640 = vector.shape_cast %swap3A_639 : vector<1x16xf32> to vector<16xf32>
    %swap3A_641 = vector.shape_cast %mul3A_635 : vector<16xf32> to vector<1x16xf32>
    tpu.vector_store %arg7[%swap3A_637, %swap3A_638], %swap3A_641 {strides = array<i32>} : memref<32x64xf32, #tpu.memory_space<vmem>>, vector<1x16xf32>,
    %mul3A_642 = arith.constant 2.000000e-02 : f32
    %mul3A_643 = vector.broadcast %mul3A_642 : f32 to vector<16xf32>
    %mul3A_644 = arith.mulf %scan3A_622#2, %mul3A_643 : vector<16xf32>
    %swap3A_645 = arith.constant 6 : i32
    %swap3A_646 = arith.index_cast %swap3A_645 : i32 to index
    %swap3A_647 = arith.constant 32 : index
    %swap3A_648 = tpu.vector_load %arg7[%swap3A_646, %swap3A_647] {strides = array<i32>} : memref<32x64xf32, #tpu.memory_space<vmem>>, vector<1x16xf32>,
    %swap3A_649 = vector.shape_cast %swap3A_648 : vector<1x16xf32> to vector<16xf32>
    %swap3A_650 = vector.shape_cast %mul3A_644 : vector<16xf32> to vector<1x16xf32>
    tpu.vector_store %arg7[%swap3A_646, %swap3A_647], %swap3A_650 {strides = array<i32>} : memref<32x64xf32, #tpu.memory_space<vmem>>, vector<1x16xf32>,
    %mul3A_651 = arith.constant 2.000000e-02 : f32
    %mul3A_652 = vector.broadcast %mul3A_651 : f32 to vector<16xf32>
    %mul3A_653 = arith.mulf %scan3A_622#3, %mul3A_652 : vector<16xf32>
    %swap3A_654 = arith.constant 6 : i32
    %swap3A_655 = arith.index_cast %swap3A_654 : i32 to index
    %swap3A_656 = arith.constant 48 : index
    %swap3A_657 = tpu.vector_load %arg7[%swap3A_655, %swap3A_656] {strides = array<i32>} : memref<32x64xf32, #tpu.memory_space<vmem>>, vector<1x16xf32>,
    %swap3A_658 = vector.shape_cast %swap3A_657 : vector<1x16xf32> to vector<16xf32>
    %swap3A_659 = vector.shape_cast %mul3A_653 : vector<16xf32> to vector<1x16xf32>
    tpu.vector_store %arg7[%swap3A_655, %swap3A_656], %swap3A_659 {strides = array<i32>} : memref<32x64xf32, #tpu.memory_space<vmem>>, vector<1x16xf32>,
    %broadcast_in_dim3A_660 = arith.constant 0.000000e+00 : f32
    %broadcast_in_dim3A_661 = vector.broadcast %broadcast_in_dim3A_660 : f32 to vector<16xf32>
    %broadcast_in_dim3A_662 = arith.constant 0.000000e+00 : f32
    %broadcast_in_dim3A_663 = vector.broadcast %broadcast_in_dim3A_662 : f32 to vector<16xf32>
    %broadcast_in_dim3A_664 = arith.constant 0.000000e+00 : f32
    %broadcast_in_dim3A_665 = vector.broadcast %broadcast_in_dim3A_664 : f32 to vector<16xf32>
    %broadcast_in_dim3A_666 = arith.constant 0.000000e+00 : f32
    %broadcast_in_dim3A_667 = vector.broadcast %broadcast_in_dim3A_666 : f32 to vector<16xf32>
    %scan3A_668 = arith.constant 0 : i32
    %scan3A_669 = arith.constant 50 : i32
    %scan3A_670 = arith.addi %scan3A_668, %scan3A_669 : i32
    %scan3A_671 = arith.constant 1 : i32
    %scan3A_672:4 = scf.for %scan3A_2430 = %scan3A_668 to %scan3A_670 step %scan3A_671 iter_args(%scan3A_2431 = %broadcast_in_dim3A_661, %scan3A_2432 = %broadcast_in_dim3A_663, %scan3A_2433 = %broadcast_in_dim3A_665, %scan3A_2434 = %broadcast_in_dim3A_667) -> (vector<16xf32>, vector<16xf32>, vector<16xf32>, vector<16xf32>)  : i32 {
      %get3A = arith.constant 0 : i32
      %get3A_2435 = arith.constant 7 : i32
      %get3A_2436 = arith.index_cast %get3A : i32 to index
      %get3A_2437 = arith.index_cast %get3A_2435 : i32 to index
      %get3A_2438 = arith.index_cast %scan3A_2430 : i32 to index
      %get3A_2439 = arith.constant 0 : index
      %get3A_2440 = tpu.vector_load %arg6[%get3A_2436, %get3A_2437, %get3A_2438, %get3A_2439] {strides = array<i32>} : memref<2x8x50x64xf32, #tpu.memory_space<vmem>>, vector<1x1x1x16xf32>,
      %get3A_2441 = vector.shape_cast %get3A_2440 : vector<1x1x1x16xf32> to vector<16xf32>
      %add3A_2442 = arith.addf %scan3A_2431, %get3A_2441 : vector<16xf32>
      %get3A_2443 = arith.constant 0 : i32
      %get3A_2444 = arith.constant 7 : i32
      %get3A_2445 = arith.index_cast %get3A_2443 : i32 to index
      %get3A_2446 = arith.index_cast %get3A_2444 : i32 to index
      %get3A_2447 = arith.index_cast %scan3A_2430 : i32 to index
      %get3A_2448 = arith.constant 16 : index
      %get3A_2449 = tpu.vector_load %arg6[%get3A_2445, %get3A_2446, %get3A_2447, %get3A_2448] {strides = array<i32>} : memref<2x8x50x64xf32, #tpu.memory_space<vmem>>, vector<1x1x1x16xf32>,
      %get3A_2450 = vector.shape_cast %get3A_2449 : vector<1x1x1x16xf32> to vector<16xf32>
      %add3A_2451 = arith.addf %scan3A_2432, %get3A_2450 : vector<16xf32>
      %get3A_2452 = arith.constant 0 : i32
      %get3A_2453 = arith.constant 7 : i32
      %get3A_2454 = arith.index_cast %get3A_2452 : i32 to index
      %get3A_2455 = arith.index_cast %get3A_2453 : i32 to index
      %get3A_2456 = arith.index_cast %scan3A_2430 : i32 to index
      %get3A_2457 = arith.constant 32 : index
      %get3A_2458 = tpu.vector_load %arg6[%get3A_2454, %get3A_2455, %get3A_2456, %get3A_2457] {strides = array<i32>} : memref<2x8x50x64xf32, #tpu.memory_space<vmem>>, vector<1x1x1x16xf32>,
      %get3A_2459 = vector.shape_cast %get3A_2458 : vector<1x1x1x16xf32> to vector<16xf32>
      %add3A_2460 = arith.addf %scan3A_2433, %get3A_2459 : vector<16xf32>
      %get3A_2461 = arith.constant 0 : i32
      %get3A_2462 = arith.constant 7 : i32
      %get3A_2463 = arith.index_cast %get3A_2461 : i32 to index
      %get3A_2464 = arith.index_cast %get3A_2462 : i32 to index
      %get3A_2465 = arith.index_cast %scan3A_2430 : i32 to index
      %get3A_2466 = arith.constant 48 : index
      %get3A_2467 = tpu.vector_load %arg6[%get3A_2463, %get3A_2464, %get3A_2465, %get3A_2466] {strides = array<i32>} : memref<2x8x50x64xf32, #tpu.memory_space<vmem>>, vector<1x1x1x16xf32>,
      %get3A_2468 = vector.shape_cast %get3A_2467 : vector<1x1x1x16xf32> to vector<16xf32>
      %add3A_2469 = arith.addf %scan3A_2434, %get3A_2468 : vector<16xf32>
      scf.yield %add3A_2442, %add3A_2451, %add3A_2460, %add3A_2469 : vector<16xf32>, vector<16xf32>, vector<16xf32>, vector<16xf32>
    }
    %scan3A_673 = arith.constant 50 : i32
    %mul3A_674 = arith.constant 2.000000e-02 : f32
    %mul3A_675 = vector.broadcast %mul3A_674 : f32 to vector<16xf32>
    %mul3A_676 = arith.mulf %scan3A_672#0, %mul3A_675 : vector<16xf32>
    %swap3A_677 = arith.constant 7 : i32
    %swap3A_678 = arith.index_cast %swap3A_677 : i32 to index
    %swap3A_679 = arith.constant 0 : index
    %swap3A_680 = tpu.vector_load %arg7[%swap3A_678, %swap3A_679] {strides = array<i32>} : memref<32x64xf32, #tpu.memory_space<vmem>>, vector<1x16xf32>,
    %swap3A_681 = vector.shape_cast %swap3A_680 : vector<1x16xf32> to vector<16xf32>
    %swap3A_682 = vector.shape_cast %mul3A_676 : vector<16xf32> to vector<1x16xf32>
    tpu.vector_store %arg7[%swap3A_678, %swap3A_679], %swap3A_682 {strides = array<i32>} : memref<32x64xf32, #tpu.memory_space<vmem>>, vector<1x16xf32>,
    %mul3A_683 = arith.constant 2.000000e-02 : f32
    %mul3A_684 = vector.broadcast %mul3A_683 : f32 to vector<16xf32>
    %mul3A_685 = arith.mulf %scan3A_672#1, %mul3A_684 : vector<16xf32>
    %swap3A_686 = arith.constant 7 : i32
    %swap3A_687 = arith.index_cast %swap3A_686 : i32 to index
    %swap3A_688 = arith.constant 16 : index
    %swap3A_689 = tpu.vector_load %arg7[%swap3A_687, %swap3A_688] {strides = array<i32>} : memref<32x64xf32, #tpu.memory_space<vmem>>, vector<1x16xf32>,
    %swap3A_690 = vector.shape_cast %swap3A_689 : vector<1x16xf32> to vector<16xf32>
    %swap3A_691 = vector.shape_cast %mul3A_685 : vector<16xf32> to vector<1x16xf32>
    tpu.vector_store %arg7[%swap3A_687, %swap3A_688], %swap3A_691 {strides = array<i32>} : memref<32x64xf32, #tpu.memory_space<vmem>>, vector<1x16xf32>,
    %mul3A_692 = arith.constant 2.000000e-02 : f32
    %mul3A_693 = vector.broadcast %mul3A_692 : f32 to vector<16xf32>
    %mul3A_694 = arith.mulf %scan3A_672#2, %mul3A_693 : vector<16xf32>
    %swap3A_695 = arith.constant 7 : i32
    %swap3A_696 = arith.index_cast %swap3A_695 : i32 to index
    %swap3A_697 = arith.constant 32 : index
    %swap3A_698 = tpu.vector_load %arg7[%swap3A_696, %swap3A_697] {strides = array<i32>} : memref<32x64xf32, #tpu.memory_space<vmem>>, vector<1x16xf32>,
    %swap3A_699 = vector.shape_cast %swap3A_698 : vector<1x16xf32> to vector<16xf32>
    %swap3A_700 = vector.shape_cast %mul3A_694 : vector<16xf32> to vector<1x16xf32>
    tpu.vector_store %arg7[%swap3A_696, %swap3A_697], %swap3A_700 {strides = array<i32>} : memref<32x64xf32, #tpu.memory_space<vmem>>, vector<1x16xf32>,
    %mul3A_701 = arith.constant 2.000000e-02 : f32
    %mul3A_702 = vector.broadcast %mul3A_701 : f32 to vector<16xf32>
    %mul3A_703 = arith.mulf %scan3A_672#3, %mul3A_702 : vector<16xf32>
    %swap3A_704 = arith.constant 7 : i32
    %swap3A_705 = arith.index_cast %swap3A_704 : i32 to index
    %swap3A_706 = arith.constant 48 : index
    %swap3A_707 = tpu.vector_load %arg7[%swap3A_705, %swap3A_706] {strides = array<i32>} : memref<32x64xf32, #tpu.memory_space<vmem>>, vector<1x16xf32>,
    %swap3A_708 = vector.shape_cast %swap3A_707 : vector<1x16xf32> to vector<16xf32>
    %swap3A_709 = vector.shape_cast %mul3A_703 : vector<16xf32> to vector<1x16xf32>
    tpu.vector_store %arg7[%swap3A_705, %swap3A_706], %swap3A_709 {strides = array<i32>} : memref<32x64xf32, #tpu.memory_space<vmem>>, vector<1x16xf32>,
    %dma_start3A_710 = arith.constant 16 : i32
    %dma_start3A_711 = arith.constant 0 : i32
    %dma_start3A_712 = arith.constant 0 : i32
    %dma_start3A_713 = arith.constant 0 : i32
    %dma_start3A_714 = arith.constant 0 : i32
    %dma_start3A_715 = tpu.memref_slice %arg6[%dma_start3A_711, %dma_start3A_712, %dma_start3A_713, %dma_start3A_714] : memref<2x8x50x64xf32, #tpu.memory_space<vmem>> -> memref<1x1x50x64xf32, #tpu.memory_space<vmem>>
    %dma_start3A_716 = tpu.memref_squeeze %dma_start3A_715 : memref<1x1x50x64xf32, #tpu.memory_space<vmem>> -> memref<50x64xf32, #tpu.memory_space<vmem>>
    %dma_start3A_717 = arith.constant 0 : i32
    %dma_start3A_718 = tpu.memref_slice %arg5[%dma_start3A_710, %dma_start3A_717] : memref<32x50xi32, #tpu.memory_space<vmem>> -> memref<1x50xi32, #tpu.memory_space<vmem>>
    %dma_start3A_719 = tpu.memref_squeeze %dma_start3A_718 : memref<1x50xi32, #tpu.memory_space<vmem>> -> memref<50xi32, #tpu.memory_space<vmem>>
    %dma_start3A_720 = arith.constant 0 : i32
    %dma_start3A_721 = arith.constant 0 : i32
    %dma_start3A_722 = tpu.memref_slice %arg3[%dma_start3A_720, %dma_start3A_721] : memref<100000x64xf32, #tpu.memory_space<hbm>> -> memref<100000x64xf32, #tpu.memory_space<hbm>>
    tpu.enqueue_indirect_dma source(%dma_start3A_722 : memref<100000x64xf32, #tpu.memory_space<hbm>>) target(%dma_start3A_716 : memref<50x64xf32, #tpu.memory_space<vmem>>) offsets(%dma_start3A_719 : memref<50xi32, #tpu.memory_space<vmem>>) semaphore(%arg8 : memref<!tpu.dma_semaphore, #tpu.memory_space<semaphore_mem>>)
    %dma_start3A_723 = arith.constant 17 : i32
    %dma_start3A_724 = arith.constant 0 : i32
    %dma_start3A_725 = arith.constant 1 : i32
    %dma_start3A_726 = arith.constant 0 : i32
    %dma_start3A_727 = arith.constant 0 : i32
    %dma_start3A_728 = tpu.memref_slice %arg6[%dma_start3A_724, %dma_start3A_725, %dma_start3A_726, %dma_start3A_727] : memref<2x8x50x64xf32, #tpu.memory_space<vmem>> -> memref<1x1x50x64xf32, #tpu.memory_space<vmem>>
    %dma_start3A_729 = tpu.memref_squeeze %dma_start3A_728 : memref<1x1x50x64xf32, #tpu.memory_space<vmem>> -> memref<50x64xf32, #tpu.memory_space<vmem>>
    %dma_start3A_730 = arith.constant 0 : i32
    %dma_start3A_731 = tpu.memref_slice %arg5[%dma_start3A_723, %dma_start3A_730] : memref<32x50xi32, #tpu.memory_space<vmem>> -> memref<1x50xi32, #tpu.memory_space<vmem>>
    %dma_start3A_732 = tpu.memref_squeeze %dma_start3A_731 : memref<1x50xi32, #tpu.memory_space<vmem>> -> memref<50xi32, #tpu.memory_space<vmem>>
    %dma_start3A_733 = arith.constant 0 : i32
    %dma_start3A_734 = arith.constant 0 : i32
    %dma_start3A_735 = tpu.memref_slice %arg3[%dma_start3A_733, %dma_start3A_734] : memref<100000x64xf32, #tpu.memory_space<hbm>> -> memref<100000x64xf32, #tpu.memory_space<hbm>>
    tpu.enqueue_indirect_dma source(%dma_start3A_735 : memref<100000x64xf32, #tpu.memory_space<hbm>>) target(%dma_start3A_729 : memref<50x64xf32, #tpu.memory_space<vmem>>) offsets(%dma_start3A_732 : memref<50xi32, #tpu.memory_space<vmem>>) semaphore(%arg8 : memref<!tpu.dma_semaphore, #tpu.memory_space<semaphore_mem>>)
    %dma_start3A_736 = arith.constant 18 : i32
    %dma_start3A_737 = arith.constant 0 : i32
    %dma_start3A_738 = arith.constant 2 : i32
    %dma_start3A_739 = arith.constant 0 : i32
    %dma_start3A_740 = arith.constant 0 : i32
    %dma_start3A_741 = tpu.memref_slice %arg6[%dma_start3A_737, %dma_start3A_738, %dma_start3A_739, %dma_start3A_740] : memref<2x8x50x64xf32, #tpu.memory_space<vmem>> -> memref<1x1x50x64xf32, #tpu.memory_space<vmem>>
    %dma_start3A_742 = tpu.memref_squeeze %dma_start3A_741 : memref<1x1x50x64xf32, #tpu.memory_space<vmem>> -> memref<50x64xf32, #tpu.memory_space<vmem>>
    %dma_start3A_743 = arith.constant 0 : i32
    %dma_start3A_744 = tpu.memref_slice %arg5[%dma_start3A_736, %dma_start3A_743] : memref<32x50xi32, #tpu.memory_space<vmem>> -> memref<1x50xi32, #tpu.memory_space<vmem>>
    %dma_start3A_745 = tpu.memref_squeeze %dma_start3A_744 : memref<1x50xi32, #tpu.memory_space<vmem>> -> memref<50xi32, #tpu.memory_space<vmem>>
    %dma_start3A_746 = arith.constant 0 : i32
    %dma_start3A_747 = arith.constant 0 : i32
    %dma_start3A_748 = tpu.memref_slice %arg3[%dma_start3A_746, %dma_start3A_747] : memref<100000x64xf32, #tpu.memory_space<hbm>> -> memref<100000x64xf32, #tpu.memory_space<hbm>>
    tpu.enqueue_indirect_dma source(%dma_start3A_748 : memref<100000x64xf32, #tpu.memory_space<hbm>>) target(%dma_start3A_742 : memref<50x64xf32, #tpu.memory_space<vmem>>) offsets(%dma_start3A_745 : memref<50xi32, #tpu.memory_space<vmem>>) semaphore(%arg8 : memref<!tpu.dma_semaphore, #tpu.memory_space<semaphore_mem>>)
    %dma_start3A_749 = arith.constant 19 : i32
    %dma_start3A_750 = arith.constant 0 : i32
    %dma_start3A_751 = arith.constant 3 : i32
    %dma_start3A_752 = arith.constant 0 : i32
    %dma_start3A_753 = arith.constant 0 : i32
    %dma_start3A_754 = tpu.memref_slice %arg6[%dma_start3A_750, %dma_start3A_751, %dma_start3A_752, %dma_start3A_753] : memref<2x8x50x64xf32, #tpu.memory_space<vmem>> -> memref<1x1x50x64xf32, #tpu.memory_space<vmem>>
    %dma_start3A_755 = tpu.memref_squeeze %dma_start3A_754 : memref<1x1x50x64xf32, #tpu.memory_space<vmem>> -> memref<50x64xf32, #tpu.memory_space<vmem>>
    %dma_start3A_756 = arith.constant 0 : i32
    %dma_start3A_757 = tpu.memref_slice %arg5[%dma_start3A_749, %dma_start3A_756] : memref<32x50xi32, #tpu.memory_space<vmem>> -> memref<1x50xi32, #tpu.memory_space<vmem>>
    %dma_start3A_758 = tpu.memref_squeeze %dma_start3A_757 : memref<1x50xi32, #tpu.memory_space<vmem>> -> memref<50xi32, #tpu.memory_space<vmem>>
    %dma_start3A_759 = arith.constant 0 : i32
    %dma_start3A_760 = arith.constant 0 : i32
    %dma_start3A_761 = tpu.memref_slice %arg3[%dma_start3A_759, %dma_start3A_760] : memref<100000x64xf32, #tpu.memory_space<hbm>> -> memref<100000x64xf32, #tpu.memory_space<hbm>>
    tpu.enqueue_indirect_dma source(%dma_start3A_761 : memref<100000x64xf32, #tpu.memory_space<hbm>>) target(%dma_start3A_755 : memref<50x64xf32, #tpu.memory_space<vmem>>) offsets(%dma_start3A_758 : memref<50xi32, #tpu.memory_space<vmem>>) semaphore(%arg8 : memref<!tpu.dma_semaphore, #tpu.memory_space<semaphore_mem>>)
    %dma_start3A_762 = arith.constant 20 : i32
    %dma_start3A_763 = arith.constant 0 : i32
    %dma_start3A_764 = arith.constant 4 : i32
    %dma_start3A_765 = arith.constant 0 : i32
    %dma_start3A_766 = arith.constant 0 : i32
    %dma_start3A_767 = tpu.memref_slice %arg6[%dma_start3A_763, %dma_start3A_764, %dma_start3A_765, %dma_start3A_766] : memref<2x8x50x64xf32, #tpu.memory_space<vmem>> -> memref<1x1x50x64xf32, #tpu.memory_space<vmem>>
    %dma_start3A_768 = tpu.memref_squeeze %dma_start3A_767 : memref<1x1x50x64xf32, #tpu.memory_space<vmem>> -> memref<50x64xf32, #tpu.memory_space<vmem>>
    %dma_start3A_769 = arith.constant 0 : i32
    %dma_start3A_770 = tpu.memref_slice %arg5[%dma_start3A_762, %dma_start3A_769] : memref<32x50xi32, #tpu.memory_space<vmem>> -> memref<1x50xi32, #tpu.memory_space<vmem>>
    %dma_start3A_771 = tpu.memref_squeeze %dma_start3A_770 : memref<1x50xi32, #tpu.memory_space<vmem>> -> memref<50xi32, #tpu.memory_space<vmem>>
    %dma_start3A_772 = arith.constant 0 : i32
    %dma_start3A_773 = arith.constant 0 : i32
    %dma_start3A_774 = tpu.memref_slice %arg3[%dma_start3A_772, %dma_start3A_773] : memref<100000x64xf32, #tpu.memory_space<hbm>> -> memref<100000x64xf32, #tpu.memory_space<hbm>>
    tpu.enqueue_indirect_dma source(%dma_start3A_774 : memref<100000x64xf32, #tpu.memory_space<hbm>>) target(%dma_start3A_768 : memref<50x64xf32, #tpu.memory_space<vmem>>) offsets(%dma_start3A_771 : memref<50xi32, #tpu.memory_space<vmem>>) semaphore(%arg8 : memref<!tpu.dma_semaphore, #tpu.memory_space<semaphore_mem>>)
    %dma_start3A_775 = arith.constant 21 : i32
    %dma_start3A_776 = arith.constant 0 : i32
    %dma_start3A_777 = arith.constant 5 : i32
    %dma_start3A_778 = arith.constant 0 : i32
    %dma_start3A_779 = arith.constant 0 : i32
    %dma_start3A_780 = tpu.memref_slice %arg6[%dma_start3A_776, %dma_start3A_777, %dma_start3A_778, %dma_start3A_779] : memref<2x8x50x64xf32, #tpu.memory_space<vmem>> -> memref<1x1x50x64xf32, #tpu.memory_space<vmem>>
    %dma_start3A_781 = tpu.memref_squeeze %dma_start3A_780 : memref<1x1x50x64xf32, #tpu.memory_space<vmem>> -> memref<50x64xf32, #tpu.memory_space<vmem>>
    %dma_start3A_782 = arith.constant 0 : i32
    %dma_start3A_783 = tpu.memref_slice %arg5[%dma_start3A_775, %dma_start3A_782] : memref<32x50xi32, #tpu.memory_space<vmem>> -> memref<1x50xi32, #tpu.memory_space<vmem>>
    %dma_start3A_784 = tpu.memref_squeeze %dma_start3A_783 : memref<1x50xi32, #tpu.memory_space<vmem>> -> memref<50xi32, #tpu.memory_space<vmem>>
    %dma_start3A_785 = arith.constant 0 : i32
    %dma_start3A_786 = arith.constant 0 : i32
    %dma_start3A_787 = tpu.memref_slice %arg3[%dma_start3A_785, %dma_start3A_786] : memref<100000x64xf32, #tpu.memory_space<hbm>> -> memref<100000x64xf32, #tpu.memory_space<hbm>>
    tpu.enqueue_indirect_dma source(%dma_start3A_787 : memref<100000x64xf32, #tpu.memory_space<hbm>>) target(%dma_start3A_781 : memref<50x64xf32, #tpu.memory_space<vmem>>) offsets(%dma_start3A_784 : memref<50xi32, #tpu.memory_space<vmem>>) semaphore(%arg8 : memref<!tpu.dma_semaphore, #tpu.memory_space<semaphore_mem>>)
    %dma_start3A_788 = arith.constant 22 : i32
    %dma_start3A_789 = arith.constant 0 : i32
    %dma_start3A_790 = arith.constant 6 : i32
    %dma_start3A_791 = arith.constant 0 : i32
    %dma_start3A_792 = arith.constant 0 : i32
    %dma_start3A_793 = tpu.memref_slice %arg6[%dma_start3A_789, %dma_start3A_790, %dma_start3A_791, %dma_start3A_792] : memref<2x8x50x64xf32, #tpu.memory_space<vmem>> -> memref<1x1x50x64xf32, #tpu.memory_space<vmem>>
    %dma_start3A_794 = tpu.memref_squeeze %dma_start3A_793 : memref<1x1x50x64xf32, #tpu.memory_space<vmem>> -> memref<50x64xf32, #tpu.memory_space<vmem>>
    %dma_start3A_795 = arith.constant 0 : i32
    %dma_start3A_796 = tpu.memref_slice %arg5[%dma_start3A_788, %dma_start3A_795] : memref<32x50xi32, #tpu.memory_space<vmem>> -> memref<1x50xi32, #tpu.memory_space<vmem>>
    %dma_start3A_797 = tpu.memref_squeeze %dma_start3A_796 : memref<1x50xi32, #tpu.memory_space<vmem>> -> memref<50xi32, #tpu.memory_space<vmem>>
    %dma_start3A_798 = arith.constant 0 : i32
    %dma_start3A_799 = arith.constant 0 : i32
    %dma_start3A_800 = tpu.memref_slice %arg3[%dma_start3A_798, %dma_start3A_799] : memref<100000x64xf32, #tpu.memory_space<hbm>> -> memref<100000x64xf32, #tpu.memory_space<hbm>>
    tpu.enqueue_indirect_dma source(%dma_start3A_800 : memref<100000x64xf32, #tpu.memory_space<hbm>>) target(%dma_start3A_794 : memref<50x64xf32, #tpu.memory_space<vmem>>) offsets(%dma_start3A_797 : memref<50xi32, #tpu.memory_space<vmem>>) semaphore(%arg8 : memref<!tpu.dma_semaphore, #tpu.memory_space<semaphore_mem>>)
    %dma_start3A_801 = arith.constant 23 : i32
    %dma_start3A_802 = arith.constant 0 : i32
    %dma_start3A_803 = arith.constant 7 : i32
    %dma_start3A_804 = arith.constant 0 : i32
    %dma_start3A_805 = arith.constant 0 : i32
    %dma_start3A_806 = tpu.memref_slice %arg6[%dma_start3A_802, %dma_start3A_803, %dma_start3A_804, %dma_start3A_805] : memref<2x8x50x64xf32, #tpu.memory_space<vmem>> -> memref<1x1x50x64xf32, #tpu.memory_space<vmem>>
    %dma_start3A_807 = tpu.memref_squeeze %dma_start3A_806 : memref<1x1x50x64xf32, #tpu.memory_space<vmem>> -> memref<50x64xf32, #tpu.memory_space<vmem>>
    %dma_start3A_808 = arith.constant 0 : i32
    %dma_start3A_809 = tpu.memref_slice %arg5[%dma_start3A_801, %dma_start3A_808] : memref<32x50xi32, #tpu.memory_space<vmem>> -> memref<1x50xi32, #tpu.memory_space<vmem>>
    %dma_start3A_810 = tpu.memref_squeeze %dma_start3A_809 : memref<1x50xi32, #tpu.memory_space<vmem>> -> memref<50xi32, #tpu.memory_space<vmem>>
    %dma_start3A_811 = arith.constant 0 : i32
    %dma_start3A_812 = arith.constant 0 : i32
    %dma_start3A_813 = tpu.memref_slice %arg3[%dma_start3A_811, %dma_start3A_812] : memref<100000x64xf32, #tpu.memory_space<hbm>> -> memref<100000x64xf32, #tpu.memory_space<hbm>>
    tpu.enqueue_indirect_dma source(%dma_start3A_813 : memref<100000x64xf32, #tpu.memory_space<hbm>>) target(%dma_start3A_807 : memref<50x64xf32, #tpu.memory_space<vmem>>) offsets(%dma_start3A_810 : memref<50xi32, #tpu.memory_space<vmem>>) semaphore(%arg8 : memref<!tpu.dma_semaphore, #tpu.memory_space<semaphore_mem>>)
    %dma_wait3A_814 = arith.constant 0 : i32
    %dma_wait3A_815 = arith.constant 1 : i32
    %dma_wait3A_816 = arith.constant 0 : i32
    %dma_wait3A_817 = arith.constant 0 : i32
    %dma_wait3A_818 = arith.constant 0 : i32
    %dma_wait3A_819 = tpu.memref_slice %arg6[%dma_wait3A_815, %dma_wait3A_816, %dma_wait3A_817, %dma_wait3A_818] : memref<2x8x50x64xf32, #tpu.memory_space<vmem>> -> memref<1x1x50x64xf32, #tpu.memory_space<vmem>>
    %dma_wait3A_820 = tpu.memref_squeeze %dma_wait3A_819 : memref<1x1x50x64xf32, #tpu.memory_space<vmem>> -> memref<50x64xf32, #tpu.memory_space<vmem>>
    %dma_wait3A_821 = arith.constant 0 : i32
    %dma_wait3A_822 = tpu.memref_slice %arg5[%dma_wait3A_814, %dma_wait3A_821] : memref<32x50xi32, #tpu.memory_space<vmem>> -> memref<1x50xi32, #tpu.memory_space<vmem>>
    %dma_wait3A_823 = tpu.memref_squeeze %dma_wait3A_822 : memref<1x50xi32, #tpu.memory_space<vmem>> -> memref<50xi32, #tpu.memory_space<vmem>>
    %dma_wait3A_824 = arith.constant 0 : i32
    %dma_wait3A_825 = arith.constant 0 : i32
    %dma_wait3A_826 = tpu.memref_slice %arg3[%dma_wait3A_824, %dma_wait3A_825] : memref<100000x64xf32, #tpu.memory_space<hbm>> -> memref<100000x64xf32, #tpu.memory_space<hbm>>
    tpu.wait_indirect_dma semaphore(%arg8 : memref<!tpu.dma_semaphore, #tpu.memory_space<semaphore_mem>>) src(%dma_wait3A_826 : memref<100000x64xf32, #tpu.memory_space<hbm>>) dst(%dma_wait3A_820 : memref<50x64xf32, #tpu.memory_space<vmem>>)
    %dma_wait3A_827 = arith.constant 0 : i32
    %dma_wait3A_828 = arith.constant 1 : i32
    %dma_wait3A_829 = arith.constant 1 : i32
    %dma_wait3A_830 = arith.constant 0 : i32
    %dma_wait3A_831 = arith.constant 0 : i32
    %dma_wait3A_832 = tpu.memref_slice %arg6[%dma_wait3A_828, %dma_wait3A_829, %dma_wait3A_830, %dma_wait3A_831] : memref<2x8x50x64xf32, #tpu.memory_space<vmem>> -> memref<1x1x50x64xf32, #tpu.memory_space<vmem>>
    %dma_wait3A_833 = tpu.memref_squeeze %dma_wait3A_832 : memref<1x1x50x64xf32, #tpu.memory_space<vmem>> -> memref<50x64xf32, #tpu.memory_space<vmem>>
    %dma_wait3A_834 = arith.constant 0 : i32
    %dma_wait3A_835 = tpu.memref_slice %arg5[%dma_wait3A_827, %dma_wait3A_834] : memref<32x50xi32, #tpu.memory_space<vmem>> -> memref<1x50xi32, #tpu.memory_space<vmem>>
    %dma_wait3A_836 = tpu.memref_squeeze %dma_wait3A_835 : memref<1x50xi32, #tpu.memory_space<vmem>> -> memref<50xi32, #tpu.memory_space<vmem>>
    %dma_wait3A_837 = arith.constant 0 : i32
    %dma_wait3A_838 = arith.constant 0 : i32
    %dma_wait3A_839 = tpu.memref_slice %arg3[%dma_wait3A_837, %dma_wait3A_838] : memref<100000x64xf32, #tpu.memory_space<hbm>> -> memref<100000x64xf32, #tpu.memory_space<hbm>>
    tpu.wait_indirect_dma semaphore(%arg8 : memref<!tpu.dma_semaphore, #tpu.memory_space<semaphore_mem>>) src(%dma_wait3A_839 : memref<100000x64xf32, #tpu.memory_space<hbm>>) dst(%dma_wait3A_833 : memref<50x64xf32, #tpu.memory_space<vmem>>)
    %dma_wait3A_840 = arith.constant 0 : i32
    %dma_wait3A_841 = arith.constant 1 : i32
    %dma_wait3A_842 = arith.constant 2 : i32
    %dma_wait3A_843 = arith.constant 0 : i32
    %dma_wait3A_844 = arith.constant 0 : i32
    %dma_wait3A_845 = tpu.memref_slice %arg6[%dma_wait3A_841, %dma_wait3A_842, %dma_wait3A_843, %dma_wait3A_844] : memref<2x8x50x64xf32, #tpu.memory_space<vmem>> -> memref<1x1x50x64xf32, #tpu.memory_space<vmem>>
    %dma_wait3A_846 = tpu.memref_squeeze %dma_wait3A_845 : memref<1x1x50x64xf32, #tpu.memory_space<vmem>> -> memref<50x64xf32, #tpu.memory_space<vmem>>
    %dma_wait3A_847 = arith.constant 0 : i32
    %dma_wait3A_848 = tpu.memref_slice %arg5[%dma_wait3A_840, %dma_wait3A_847] : memref<32x50xi32, #tpu.memory_space<vmem>> -> memref<1x50xi32, #tpu.memory_space<vmem>>
    %dma_wait3A_849 = tpu.memref_squeeze %dma_wait3A_848 : memref<1x50xi32, #tpu.memory_space<vmem>> -> memref<50xi32, #tpu.memory_space<vmem>>
    %dma_wait3A_850 = arith.constant 0 : i32
    %dma_wait3A_851 = arith.constant 0 : i32
    %dma_wait3A_852 = tpu.memref_slice %arg3[%dma_wait3A_850, %dma_wait3A_851] : memref<100000x64xf32, #tpu.memory_space<hbm>> -> memref<100000x64xf32, #tpu.memory_space<hbm>>
    tpu.wait_indirect_dma semaphore(%arg8 : memref<!tpu.dma_semaphore, #tpu.memory_space<semaphore_mem>>) src(%dma_wait3A_852 : memref<100000x64xf32, #tpu.memory_space<hbm>>) dst(%dma_wait3A_846 : memref<50x64xf32, #tpu.memory_space<vmem>>)
    %dma_wait3A_853 = arith.constant 0 : i32
    %dma_wait3A_854 = arith.constant 1 : i32
    %dma_wait3A_855 = arith.constant 3 : i32
    %dma_wait3A_856 = arith.constant 0 : i32
    %dma_wait3A_857 = arith.constant 0 : i32
    %dma_wait3A_858 = tpu.memref_slice %arg6[%dma_wait3A_854, %dma_wait3A_855, %dma_wait3A_856, %dma_wait3A_857] : memref<2x8x50x64xf32, #tpu.memory_space<vmem>> -> memref<1x1x50x64xf32, #tpu.memory_space<vmem>>
    %dma_wait3A_859 = tpu.memref_squeeze %dma_wait3A_858 : memref<1x1x50x64xf32, #tpu.memory_space<vmem>> -> memref<50x64xf32, #tpu.memory_space<vmem>>
    %dma_wait3A_860 = arith.constant 0 : i32
    %dma_wait3A_861 = tpu.memref_slice %arg5[%dma_wait3A_853, %dma_wait3A_860] : memref<32x50xi32, #tpu.memory_space<vmem>> -> memref<1x50xi32, #tpu.memory_space<vmem>>
    %dma_wait3A_862 = tpu.memref_squeeze %dma_wait3A_861 : memref<1x50xi32, #tpu.memory_space<vmem>> -> memref<50xi32, #tpu.memory_space<vmem>>
    %dma_wait3A_863 = arith.constant 0 : i32
    %dma_wait3A_864 = arith.constant 0 : i32
    %dma_wait3A_865 = tpu.memref_slice %arg3[%dma_wait3A_863, %dma_wait3A_864] : memref<100000x64xf32, #tpu.memory_space<hbm>> -> memref<100000x64xf32, #tpu.memory_space<hbm>>
    tpu.wait_indirect_dma semaphore(%arg8 : memref<!tpu.dma_semaphore, #tpu.memory_space<semaphore_mem>>) src(%dma_wait3A_865 : memref<100000x64xf32, #tpu.memory_space<hbm>>) dst(%dma_wait3A_859 : memref<50x64xf32, #tpu.memory_space<vmem>>)
    %dma_wait3A_866 = arith.constant 0 : i32
    %dma_wait3A_867 = arith.constant 1 : i32
    %dma_wait3A_868 = arith.constant 4 : i32
    %dma_wait3A_869 = arith.constant 0 : i32
    %dma_wait3A_870 = arith.constant 0 : i32
    %dma_wait3A_871 = tpu.memref_slice %arg6[%dma_wait3A_867, %dma_wait3A_868, %dma_wait3A_869, %dma_wait3A_870] : memref<2x8x50x64xf32, #tpu.memory_space<vmem>> -> memref<1x1x50x64xf32, #tpu.memory_space<vmem>>
    %dma_wait3A_872 = tpu.memref_squeeze %dma_wait3A_871 : memref<1x1x50x64xf32, #tpu.memory_space<vmem>> -> memref<50x64xf32, #tpu.memory_space<vmem>>
    %dma_wait3A_873 = arith.constant 0 : i32
    %dma_wait3A_874 = tpu.memref_slice %arg5[%dma_wait3A_866, %dma_wait3A_873] : memref<32x50xi32, #tpu.memory_space<vmem>> -> memref<1x50xi32, #tpu.memory_space<vmem>>
    %dma_wait3A_875 = tpu.memref_squeeze %dma_wait3A_874 : memref<1x50xi32, #tpu.memory_space<vmem>> -> memref<50xi32, #tpu.memory_space<vmem>>
    %dma_wait3A_876 = arith.constant 0 : i32
    %dma_wait3A_877 = arith.constant 0 : i32
    %dma_wait3A_878 = tpu.memref_slice %arg3[%dma_wait3A_876, %dma_wait3A_877] : memref<100000x64xf32, #tpu.memory_space<hbm>> -> memref<100000x64xf32, #tpu.memory_space<hbm>>
    tpu.wait_indirect_dma semaphore(%arg8 : memref<!tpu.dma_semaphore, #tpu.memory_space<semaphore_mem>>) src(%dma_wait3A_878 : memref<100000x64xf32, #tpu.memory_space<hbm>>) dst(%dma_wait3A_872 : memref<50x64xf32, #tpu.memory_space<vmem>>)
    %dma_wait3A_879 = arith.constant 0 : i32
    %dma_wait3A_880 = arith.constant 1 : i32
    %dma_wait3A_881 = arith.constant 5 : i32
    %dma_wait3A_882 = arith.constant 0 : i32
    %dma_wait3A_883 = arith.constant 0 : i32
    %dma_wait3A_884 = tpu.memref_slice %arg6[%dma_wait3A_880, %dma_wait3A_881, %dma_wait3A_882, %dma_wait3A_883] : memref<2x8x50x64xf32, #tpu.memory_space<vmem>> -> memref<1x1x50x64xf32, #tpu.memory_space<vmem>>
    %dma_wait3A_885 = tpu.memref_squeeze %dma_wait3A_884 : memref<1x1x50x64xf32, #tpu.memory_space<vmem>> -> memref<50x64xf32, #tpu.memory_space<vmem>>
    %dma_wait3A_886 = arith.constant 0 : i32
    %dma_wait3A_887 = tpu.memref_slice %arg5[%dma_wait3A_879, %dma_wait3A_886] : memref<32x50xi32, #tpu.memory_space<vmem>> -> memref<1x50xi32, #tpu.memory_space<vmem>>
    %dma_wait3A_888 = tpu.memref_squeeze %dma_wait3A_887 : memref<1x50xi32, #tpu.memory_space<vmem>> -> memref<50xi32, #tpu.memory_space<vmem>>
    %dma_wait3A_889 = arith.constant 0 : i32
    %dma_wait3A_890 = arith.constant 0 : i32
    %dma_wait3A_891 = tpu.memref_slice %arg3[%dma_wait3A_889, %dma_wait3A_890] : memref<100000x64xf32, #tpu.memory_space<hbm>> -> memref<100000x64xf32, #tpu.memory_space<hbm>>
    tpu.wait_indirect_dma semaphore(%arg8 : memref<!tpu.dma_semaphore, #tpu.memory_space<semaphore_mem>>) src(%dma_wait3A_891 : memref<100000x64xf32, #tpu.memory_space<hbm>>) dst(%dma_wait3A_885 : memref<50x64xf32, #tpu.memory_space<vmem>>)
    %dma_wait3A_892 = arith.constant 0 : i32
    %dma_wait3A_893 = arith.constant 1 : i32
    %dma_wait3A_894 = arith.constant 6 : i32
    %dma_wait3A_895 = arith.constant 0 : i32
    %dma_wait3A_896 = arith.constant 0 : i32
    %dma_wait3A_897 = tpu.memref_slice %arg6[%dma_wait3A_893, %dma_wait3A_894, %dma_wait3A_895, %dma_wait3A_896] : memref<2x8x50x64xf32, #tpu.memory_space<vmem>> -> memref<1x1x50x64xf32, #tpu.memory_space<vmem>>
    %dma_wait3A_898 = tpu.memref_squeeze %dma_wait3A_897 : memref<1x1x50x64xf32, #tpu.memory_space<vmem>> -> memref<50x64xf32, #tpu.memory_space<vmem>>
    %dma_wait3A_899 = arith.constant 0 : i32
    %dma_wait3A_900 = tpu.memref_slice %arg5[%dma_wait3A_892, %dma_wait3A_899] : memref<32x50xi32, #tpu.memory_space<vmem>> -> memref<1x50xi32, #tpu.memory_space<vmem>>
    %dma_wait3A_901 = tpu.memref_squeeze %dma_wait3A_900 : memref<1x50xi32, #tpu.memory_space<vmem>> -> memref<50xi32, #tpu.memory_space<vmem>>
    %dma_wait3A_902 = arith.constant 0 : i32
    %dma_wait3A_903 = arith.constant 0 : i32
    %dma_wait3A_904 = tpu.memref_slice %arg3[%dma_wait3A_902, %dma_wait3A_903] : memref<100000x64xf32, #tpu.memory_space<hbm>> -> memref<100000x64xf32, #tpu.memory_space<hbm>>
    tpu.wait_indirect_dma semaphore(%arg8 : memref<!tpu.dma_semaphore, #tpu.memory_space<semaphore_mem>>) src(%dma_wait3A_904 : memref<100000x64xf32, #tpu.memory_space<hbm>>) dst(%dma_wait3A_898 : memref<50x64xf32, #tpu.memory_space<vmem>>)
    %dma_wait3A_905 = arith.constant 0 : i32
    %dma_wait3A_906 = arith.constant 1 : i32
    %dma_wait3A_907 = arith.constant 7 : i32
    %dma_wait3A_908 = arith.constant 0 : i32
    %dma_wait3A_909 = arith.constant 0 : i32
    %dma_wait3A_910 = tpu.memref_slice %arg6[%dma_wait3A_906, %dma_wait3A_907, %dma_wait3A_908, %dma_wait3A_909] : memref<2x8x50x64xf32, #tpu.memory_space<vmem>> -> memref<1x1x50x64xf32, #tpu.memory_space<vmem>>
    %dma_wait3A_911 = tpu.memref_squeeze %dma_wait3A_910 : memref<1x1x50x64xf32, #tpu.memory_space<vmem>> -> memref<50x64xf32, #tpu.memory_space<vmem>>
    %dma_wait3A_912 = arith.constant 0 : i32
    %dma_wait3A_913 = tpu.memref_slice %arg5[%dma_wait3A_905, %dma_wait3A_912] : memref<32x50xi32, #tpu.memory_space<vmem>> -> memref<1x50xi32, #tpu.memory_space<vmem>>
    %dma_wait3A_914 = tpu.memref_squeeze %dma_wait3A_913 : memref<1x50xi32, #tpu.memory_space<vmem>> -> memref<50xi32, #tpu.memory_space<vmem>>
    %dma_wait3A_915 = arith.constant 0 : i32
    %dma_wait3A_916 = arith.constant 0 : i32
    %dma_wait3A_917 = tpu.memref_slice %arg3[%dma_wait3A_915, %dma_wait3A_916] : memref<100000x64xf32, #tpu.memory_space<hbm>> -> memref<100000x64xf32, #tpu.memory_space<hbm>>
    tpu.wait_indirect_dma semaphore(%arg8 : memref<!tpu.dma_semaphore, #tpu.memory_space<semaphore_mem>>) src(%dma_wait3A_917 : memref<100000x64xf32, #tpu.memory_space<hbm>>) dst(%dma_wait3A_911 : memref<50x64xf32, #tpu.memory_space<vmem>>)
    %broadcast_in_dim3A_918 = arith.constant 0.000000e+00 : f32
    %broadcast_in_dim3A_919 = vector.broadcast %broadcast_in_dim3A_918 : f32 to vector<16xf32>
    %broadcast_in_dim3A_920 = arith.constant 0.000000e+00 : f32
    %broadcast_in_dim3A_921 = vector.broadcast %broadcast_in_dim3A_920 : f32 to vector<16xf32>
    %broadcast_in_dim3A_922 = arith.constant 0.000000e+00 : f32
    %broadcast_in_dim3A_923 = vector.broadcast %broadcast_in_dim3A_922 : f32 to vector<16xf32>
    %broadcast_in_dim3A_924 = arith.constant 0.000000e+00 : f32
    %broadcast_in_dim3A_925 = vector.broadcast %broadcast_in_dim3A_924 : f32 to vector<16xf32>
    %scan3A_926 = arith.constant 0 : i32
    %scan3A_927 = arith.constant 50 : i32
    %scan3A_928 = arith.addi %scan3A_926, %scan3A_927 : i32
    %scan3A_929 = arith.constant 1 : i32
    %scan3A_930:4 = scf.for %scan3A_2430 = %scan3A_926 to %scan3A_928 step %scan3A_929 iter_args(%scan3A_2431 = %broadcast_in_dim3A_919, %scan3A_2432 = %broadcast_in_dim3A_921, %scan3A_2433 = %broadcast_in_dim3A_923, %scan3A_2434 = %broadcast_in_dim3A_925) -> (vector<16xf32>, vector<16xf32>, vector<16xf32>, vector<16xf32>)  : i32 {
      %get3A = arith.constant 1 : i32
      %get3A_2435 = arith.constant 0 : i32
      %get3A_2436 = arith.index_cast %get3A : i32 to index
      %get3A_2437 = arith.index_cast %get3A_2435 : i32 to index
      %get3A_2438 = arith.index_cast %scan3A_2430 : i32 to index
      %get3A_2439 = arith.constant 0 : index
      %get3A_2440 = tpu.vector_load %arg6[%get3A_2436, %get3A_2437, %get3A_2438, %get3A_2439] {strides = array<i32>} : memref<2x8x50x64xf32, #tpu.memory_space<vmem>>, vector<1x1x1x16xf32>,
      %get3A_2441 = vector.shape_cast %get3A_2440 : vector<1x1x1x16xf32> to vector<16xf32>
      %add3A_2442 = arith.addf %scan3A_2431, %get3A_2441 : vector<16xf32>
      %get3A_2443 = arith.constant 1 : i32
      %get3A_2444 = arith.constant 0 : i32
      %get3A_2445 = arith.index_cast %get3A_2443 : i32 to index
      %get3A_2446 = arith.index_cast %get3A_2444 : i32 to index
      %get3A_2447 = arith.index_cast %scan3A_2430 : i32 to index
      %get3A_2448 = arith.constant 16 : index
      %get3A_2449 = tpu.vector_load %arg6[%get3A_2445, %get3A_2446, %get3A_2447, %get3A_2448] {strides = array<i32>} : memref<2x8x50x64xf32, #tpu.memory_space<vmem>>, vector<1x1x1x16xf32>,
      %get3A_2450 = vector.shape_cast %get3A_2449 : vector<1x1x1x16xf32> to vector<16xf32>
      %add3A_2451 = arith.addf %scan3A_2432, %get3A_2450 : vector<16xf32>
      %get3A_2452 = arith.constant 1 : i32
      %get3A_2453 = arith.constant 0 : i32
      %get3A_2454 = arith.index_cast %get3A_2452 : i32 to index
      %get3A_2455 = arith.index_cast %get3A_2453 : i32 to index
      %get3A_2456 = arith.index_cast %scan3A_2430 : i32 to index
      %get3A_2457 = arith.constant 32 : index
      %get3A_2458 = tpu.vector_load %arg6[%get3A_2454, %get3A_2455, %get3A_2456, %get3A_2457] {strides = array<i32>} : memref<2x8x50x64xf32, #tpu.memory_space<vmem>>, vector<1x1x1x16xf32>,
      %get3A_2459 = vector.shape_cast %get3A_2458 : vector<1x1x1x16xf32> to vector<16xf32>
      %add3A_2460 = arith.addf %scan3A_2433, %get3A_2459 : vector<16xf32>
      %get3A_2461 = arith.constant 1 : i32
      %get3A_2462 = arith.constant 0 : i32
      %get3A_2463 = arith.index_cast %get3A_2461 : i32 to index
      %get3A_2464 = arith.index_cast %get3A_2462 : i32 to index
      %get3A_2465 = arith.index_cast %scan3A_2430 : i32 to index
      %get3A_2466 = arith.constant 48 : index
      %get3A_2467 = tpu.vector_load %arg6[%get3A_2463, %get3A_2464, %get3A_2465, %get3A_2466] {strides = array<i32>} : memref<2x8x50x64xf32, #tpu.memory_space<vmem>>, vector<1x1x1x16xf32>,
      %get3A_2468 = vector.shape_cast %get3A_2467 : vector<1x1x1x16xf32> to vector<16xf32>
      %add3A_2469 = arith.addf %scan3A_2434, %get3A_2468 : vector<16xf32>
      scf.yield %add3A_2442, %add3A_2451, %add3A_2460, %add3A_2469 : vector<16xf32>, vector<16xf32>, vector<16xf32>, vector<16xf32>
    }
    %scan3A_931 = arith.constant 50 : i32
    %mul3A_932 = arith.constant 2.000000e-02 : f32
    %mul3A_933 = vector.broadcast %mul3A_932 : f32 to vector<16xf32>
    %mul3A_934 = arith.mulf %scan3A_930#0, %mul3A_933 : vector<16xf32>
    %swap3A_935 = arith.constant 8 : i32
    %swap3A_936 = arith.index_cast %swap3A_935 : i32 to index
    %swap3A_937 = arith.constant 0 : index
    %swap3A_938 = tpu.vector_load %arg7[%swap3A_936, %swap3A_937] {strides = array<i32>} : memref<32x64xf32, #tpu.memory_space<vmem>>, vector<1x16xf32>,
    %swap3A_939 = vector.shape_cast %swap3A_938 : vector<1x16xf32> to vector<16xf32>
    %swap3A_940 = vector.shape_cast %mul3A_934 : vector<16xf32> to vector<1x16xf32>
    tpu.vector_store %arg7[%swap3A_936, %swap3A_937], %swap3A_940 {strides = array<i32>} : memref<32x64xf32, #tpu.memory_space<vmem>>, vector<1x16xf32>,
    %mul3A_941 = arith.constant 2.000000e-02 : f32
    %mul3A_942 = vector.broadcast %mul3A_941 : f32 to vector<16xf32>
    %mul3A_943 = arith.mulf %scan3A_930#1, %mul3A_942 : vector<16xf32>
    %swap3A_944 = arith.constant 8 : i32
    %swap3A_945 = arith.index_cast %swap3A_944 : i32 to index
    %swap3A_946 = arith.constant 16 : index
    %swap3A_947 = tpu.vector_load %arg7[%swap3A_945, %swap3A_946] {strides = array<i32>} : memref<32x64xf32, #tpu.memory_space<vmem>>, vector<1x16xf32>,
    %swap3A_948 = vector.shape_cast %swap3A_947 : vector<1x16xf32> to vector<16xf32>
    %swap3A_949 = vector.shape_cast %mul3A_943 : vector<16xf32> to vector<1x16xf32>
    tpu.vector_store %arg7[%swap3A_945, %swap3A_946], %swap3A_949 {strides = array<i32>} : memref<32x64xf32, #tpu.memory_space<vmem>>, vector<1x16xf32>,
    %mul3A_950 = arith.constant 2.000000e-02 : f32
    %mul3A_951 = vector.broadcast %mul3A_950 : f32 to vector<16xf32>
    %mul3A_952 = arith.mulf %scan3A_930#2, %mul3A_951 : vector<16xf32>
    %swap3A_953 = arith.constant 8 : i32
    %swap3A_954 = arith.index_cast %swap3A_953 : i32 to index
    %swap3A_955 = arith.constant 32 : index
    %swap3A_956 = tpu.vector_load %arg7[%swap3A_954, %swap3A_955] {strides = array<i32>} : memref<32x64xf32, #tpu.memory_space<vmem>>, vector<1x16xf32>,
    %swap3A_957 = vector.shape_cast %swap3A_956 : vector<1x16xf32> to vector<16xf32>
    %swap3A_958 = vector.shape_cast %mul3A_952 : vector<16xf32> to vector<1x16xf32>
    tpu.vector_store %arg7[%swap3A_954, %swap3A_955], %swap3A_958 {strides = array<i32>} : memref<32x64xf32, #tpu.memory_space<vmem>>, vector<1x16xf32>,
    %mul3A_959 = arith.constant 2.000000e-02 : f32
    %mul3A_960 = vector.broadcast %mul3A_959 : f32 to vector<16xf32>
    %mul3A_961 = arith.mulf %scan3A_930#3, %mul3A_960 : vector<16xf32>
    %swap3A_962 = arith.constant 8 : i32
    %swap3A_963 = arith.index_cast %swap3A_962 : i32 to index
    %swap3A_964 = arith.constant 48 : index
    %swap3A_965 = tpu.vector_load %arg7[%swap3A_963, %swap3A_964] {strides = array<i32>} : memref<32x64xf32, #tpu.memory_space<vmem>>, vector<1x16xf32>,
    %swap3A_966 = vector.shape_cast %swap3A_965 : vector<1x16xf32> to vector<16xf32>
    %swap3A_967 = vector.shape_cast %mul3A_961 : vector<16xf32> to vector<1x16xf32>
    tpu.vector_store %arg7[%swap3A_963, %swap3A_964], %swap3A_967 {strides = array<i32>} : memref<32x64xf32, #tpu.memory_space<vmem>>, vector<1x16xf32>,
    %broadcast_in_dim3A_968 = arith.constant 0.000000e+00 : f32
    %broadcast_in_dim3A_969 = vector.broadcast %broadcast_in_dim3A_968 : f32 to vector<16xf32>
    %broadcast_in_dim3A_970 = arith.constant 0.000000e+00 : f32
    %broadcast_in_dim3A_971 = vector.broadcast %broadcast_in_dim3A_970 : f32 to vector<16xf32>
    %broadcast_in_dim3A_972 = arith.constant 0.000000e+00 : f32
    %broadcast_in_dim3A_973 = vector.broadcast %broadcast_in_dim3A_972 : f32 to vector<16xf32>
    %broadcast_in_dim3A_974 = arith.constant 0.000000e+00 : f32
    %broadcast_in_dim3A_975 = vector.broadcast %broadcast_in_dim3A_974 : f32 to vector<16xf32>
    %scan3A_976 = arith.constant 0 : i32
    %scan3A_977 = arith.constant 50 : i32
    %scan3A_978 = arith.addi %scan3A_976, %scan3A_977 : i32
    %scan3A_979 = arith.constant 1 : i32
    %scan3A_980:4 = scf.for %scan3A_2430 = %scan3A_976 to %scan3A_978 step %scan3A_979 iter_args(%scan3A_2431 = %broadcast_in_dim3A_969, %scan3A_2432 = %broadcast_in_dim3A_971, %scan3A_2433 = %broadcast_in_dim3A_973, %scan3A_2434 = %broadcast_in_dim3A_975) -> (vector<16xf32>, vector<16xf32>, vector<16xf32>, vector<16xf32>)  : i32 {
      %get3A = arith.constant 1 : i32
      %get3A_2435 = arith.constant 1 : i32
      %get3A_2436 = arith.index_cast %get3A : i32 to index
      %get3A_2437 = arith.index_cast %get3A_2435 : i32 to index
      %get3A_2438 = arith.index_cast %scan3A_2430 : i32 to index
      %get3A_2439 = arith.constant 0 : index
      %get3A_2440 = tpu.vector_load %arg6[%get3A_2436, %get3A_2437, %get3A_2438, %get3A_2439] {strides = array<i32>} : memref<2x8x50x64xf32, #tpu.memory_space<vmem>>, vector<1x1x1x16xf32>,
      %get3A_2441 = vector.shape_cast %get3A_2440 : vector<1x1x1x16xf32> to vector<16xf32>
      %add3A_2442 = arith.addf %scan3A_2431, %get3A_2441 : vector<16xf32>
      %get3A_2443 = arith.constant 1 : i32
      %get3A_2444 = arith.constant 1 : i32
      %get3A_2445 = arith.index_cast %get3A_2443 : i32 to index
      %get3A_2446 = arith.index_cast %get3A_2444 : i32 to index
      %get3A_2447 = arith.index_cast %scan3A_2430 : i32 to index
      %get3A_2448 = arith.constant 16 : index
      %get3A_2449 = tpu.vector_load %arg6[%get3A_2445, %get3A_2446, %get3A_2447, %get3A_2448] {strides = array<i32>} : memref<2x8x50x64xf32, #tpu.memory_space<vmem>>, vector<1x1x1x16xf32>,
      %get3A_2450 = vector.shape_cast %get3A_2449 : vector<1x1x1x16xf32> to vector<16xf32>
      %add3A_2451 = arith.addf %scan3A_2432, %get3A_2450 : vector<16xf32>
      %get3A_2452 = arith.constant 1 : i32
      %get3A_2453 = arith.constant 1 : i32
      %get3A_2454 = arith.index_cast %get3A_2452 : i32 to index
      %get3A_2455 = arith.index_cast %get3A_2453 : i32 to index
      %get3A_2456 = arith.index_cast %scan3A_2430 : i32 to index
      %get3A_2457 = arith.constant 32 : index
      %get3A_2458 = tpu.vector_load %arg6[%get3A_2454, %get3A_2455, %get3A_2456, %get3A_2457] {strides = array<i32>} : memref<2x8x50x64xf32, #tpu.memory_space<vmem>>, vector<1x1x1x16xf32>,
      %get3A_2459 = vector.shape_cast %get3A_2458 : vector<1x1x1x16xf32> to vector<16xf32>
      %add3A_2460 = arith.addf %scan3A_2433, %get3A_2459 : vector<16xf32>
      %get3A_2461 = arith.constant 1 : i32
      %get3A_2462 = arith.constant 1 : i32
      %get3A_2463 = arith.index_cast %get3A_2461 : i32 to index
      %get3A_2464 = arith.index_cast %get3A_2462 : i32 to index
      %get3A_2465 = arith.index_cast %scan3A_2430 : i32 to index
      %get3A_2466 = arith.constant 48 : index
      %get3A_2467 = tpu.vector_load %arg6[%get3A_2463, %get3A_2464, %get3A_2465, %get3A_2466] {strides = array<i32>} : memref<2x8x50x64xf32, #tpu.memory_space<vmem>>, vector<1x1x1x16xf32>,
      %get3A_2468 = vector.shape_cast %get3A_2467 : vector<1x1x1x16xf32> to vector<16xf32>
      %add3A_2469 = arith.addf %scan3A_2434, %get3A_2468 : vector<16xf32>
      scf.yield %add3A_2442, %add3A_2451, %add3A_2460, %add3A_2469 : vector<16xf32>, vector<16xf32>, vector<16xf32>, vector<16xf32>
    }
    %scan3A_981 = arith.constant 50 : i32
    %mul3A_982 = arith.constant 2.000000e-02 : f32
    %mul3A_983 = vector.broadcast %mul3A_982 : f32 to vector<16xf32>
    %mul3A_984 = arith.mulf %scan3A_980#0, %mul3A_983 : vector<16xf32>
    %swap3A_985 = arith.constant 9 : i32
    %swap3A_986 = arith.index_cast %swap3A_985 : i32 to index
    %swap3A_987 = arith.constant 0 : index
    %swap3A_988 = tpu.vector_load %arg7[%swap3A_986, %swap3A_987] {strides = array<i32>} : memref<32x64xf32, #tpu.memory_space<vmem>>, vector<1x16xf32>,
    %swap3A_989 = vector.shape_cast %swap3A_988 : vector<1x16xf32> to vector<16xf32>
    %swap3A_990 = vector.shape_cast %mul3A_984 : vector<16xf32> to vector<1x16xf32>
    tpu.vector_store %arg7[%swap3A_986, %swap3A_987], %swap3A_990 {strides = array<i32>} : memref<32x64xf32, #tpu.memory_space<vmem>>, vector<1x16xf32>,
    %mul3A_991 = arith.constant 2.000000e-02 : f32
    %mul3A_992 = vector.broadcast %mul3A_991 : f32 to vector<16xf32>
    %mul3A_993 = arith.mulf %scan3A_980#1, %mul3A_992 : vector<16xf32>
    %swap3A_994 = arith.constant 9 : i32
    %swap3A_995 = arith.index_cast %swap3A_994 : i32 to index
    %swap3A_996 = arith.constant 16 : index
    %swap3A_997 = tpu.vector_load %arg7[%swap3A_995, %swap3A_996] {strides = array<i32>} : memref<32x64xf32, #tpu.memory_space<vmem>>, vector<1x16xf32>,
    %swap3A_998 = vector.shape_cast %swap3A_997 : vector<1x16xf32> to vector<16xf32>
    %swap3A_999 = vector.shape_cast %mul3A_993 : vector<16xf32> to vector<1x16xf32>
    tpu.vector_store %arg7[%swap3A_995, %swap3A_996], %swap3A_999 {strides = array<i32>} : memref<32x64xf32, #tpu.memory_space<vmem>>, vector<1x16xf32>,
    %mul3A_1000 = arith.constant 2.000000e-02 : f32
    %mul3A_1001 = vector.broadcast %mul3A_1000 : f32 to vector<16xf32>
    %mul3A_1002 = arith.mulf %scan3A_980#2, %mul3A_1001 : vector<16xf32>
    %swap3A_1003 = arith.constant 9 : i32
    %swap3A_1004 = arith.index_cast %swap3A_1003 : i32 to index
    %swap3A_1005 = arith.constant 32 : index
    %swap3A_1006 = tpu.vector_load %arg7[%swap3A_1004, %swap3A_1005] {strides = array<i32>} : memref<32x64xf32, #tpu.memory_space<vmem>>, vector<1x16xf32>,
    %swap3A_1007 = vector.shape_cast %swap3A_1006 : vector<1x16xf32> to vector<16xf32>
    %swap3A_1008 = vector.shape_cast %mul3A_1002 : vector<16xf32> to vector<1x16xf32>
    tpu.vector_store %arg7[%swap3A_1004, %swap3A_1005], %swap3A_1008 {strides = array<i32>} : memref<32x64xf32, #tpu.memory_space<vmem>>, vector<1x16xf32>,
    %mul3A_1009 = arith.constant 2.000000e-02 : f32
    %mul3A_1010 = vector.broadcast %mul3A_1009 : f32 to vector<16xf32>
    %mul3A_1011 = arith.mulf %scan3A_980#3, %mul3A_1010 : vector<16xf32>
    %swap3A_1012 = arith.constant 9 : i32
    %swap3A_1013 = arith.index_cast %swap3A_1012 : i32 to index
    %swap3A_1014 = arith.constant 48 : index
    %swap3A_1015 = tpu.vector_load %arg7[%swap3A_1013, %swap3A_1014] {strides = array<i32>} : memref<32x64xf32, #tpu.memory_space<vmem>>, vector<1x16xf32>,
    %swap3A_1016 = vector.shape_cast %swap3A_1015 : vector<1x16xf32> to vector<16xf32>
    %swap3A_1017 = vector.shape_cast %mul3A_1011 : vector<16xf32> to vector<1x16xf32>
    tpu.vector_store %arg7[%swap3A_1013, %swap3A_1014], %swap3A_1017 {strides = array<i32>} : memref<32x64xf32, #tpu.memory_space<vmem>>, vector<1x16xf32>,
    %broadcast_in_dim3A_1018 = arith.constant 0.000000e+00 : f32
    %broadcast_in_dim3A_1019 = vector.broadcast %broadcast_in_dim3A_1018 : f32 to vector<16xf32>
    %broadcast_in_dim3A_1020 = arith.constant 0.000000e+00 : f32
    %broadcast_in_dim3A_1021 = vector.broadcast %broadcast_in_dim3A_1020 : f32 to vector<16xf32>
    %broadcast_in_dim3A_1022 = arith.constant 0.000000e+00 : f32
    %broadcast_in_dim3A_1023 = vector.broadcast %broadcast_in_dim3A_1022 : f32 to vector<16xf32>
    %broadcast_in_dim3A_1024 = arith.constant 0.000000e+00 : f32
    %broadcast_in_dim3A_1025 = vector.broadcast %broadcast_in_dim3A_1024 : f32 to vector<16xf32>
    %scan3A_1026 = arith.constant 0 : i32
    %scan3A_1027 = arith.constant 50 : i32
    %scan3A_1028 = arith.addi %scan3A_1026, %scan3A_1027 : i32
    %scan3A_1029 = arith.constant 1 : i32
    %scan3A_1030:4 = scf.for %scan3A_2430 = %scan3A_1026 to %scan3A_1028 step %scan3A_1029 iter_args(%scan3A_2431 = %broadcast_in_dim3A_1019, %scan3A_2432 = %broadcast_in_dim3A_1021, %scan3A_2433 = %broadcast_in_dim3A_1023, %scan3A_2434 = %broadcast_in_dim3A_1025) -> (vector<16xf32>, vector<16xf32>, vector<16xf32>, vector<16xf32>)  : i32 {
      %get3A = arith.constant 1 : i32
      %get3A_2435 = arith.constant 2 : i32
      %get3A_2436 = arith.index_cast %get3A : i32 to index
      %get3A_2437 = arith.index_cast %get3A_2435 : i32 to index
      %get3A_2438 = arith.index_cast %scan3A_2430 : i32 to index
      %get3A_2439 = arith.constant 0 : index
      %get3A_2440 = tpu.vector_load %arg6[%get3A_2436, %get3A_2437, %get3A_2438, %get3A_2439] {strides = array<i32>} : memref<2x8x50x64xf32, #tpu.memory_space<vmem>>, vector<1x1x1x16xf32>,
      %get3A_2441 = vector.shape_cast %get3A_2440 : vector<1x1x1x16xf32> to vector<16xf32>
      %add3A_2442 = arith.addf %scan3A_2431, %get3A_2441 : vector<16xf32>
      %get3A_2443 = arith.constant 1 : i32
      %get3A_2444 = arith.constant 2 : i32
      %get3A_2445 = arith.index_cast %get3A_2443 : i32 to index
      %get3A_2446 = arith.index_cast %get3A_2444 : i32 to index
      %get3A_2447 = arith.index_cast %scan3A_2430 : i32 to index
      %get3A_2448 = arith.constant 16 : index
      %get3A_2449 = tpu.vector_load %arg6[%get3A_2445, %get3A_2446, %get3A_2447, %get3A_2448] {strides = array<i32>} : memref<2x8x50x64xf32, #tpu.memory_space<vmem>>, vector<1x1x1x16xf32>,
      %get3A_2450 = vector.shape_cast %get3A_2449 : vector<1x1x1x16xf32> to vector<16xf32>
      %add3A_2451 = arith.addf %scan3A_2432, %get3A_2450 : vector<16xf32>
      %get3A_2452 = arith.constant 1 : i32
      %get3A_2453 = arith.constant 2 : i32
      %get3A_2454 = arith.index_cast %get3A_2452 : i32 to index
      %get3A_2455 = arith.index_cast %get3A_2453 : i32 to index
      %get3A_2456 = arith.index_cast %scan3A_2430 : i32 to index
      %get3A_2457 = arith.constant 32 : index
      %get3A_2458 = tpu.vector_load %arg6[%get3A_2454, %get3A_2455, %get3A_2456, %get3A_2457] {strides = array<i32>} : memref<2x8x50x64xf32, #tpu.memory_space<vmem>>, vector<1x1x1x16xf32>,
      %get3A_2459 = vector.shape_cast %get3A_2458 : vector<1x1x1x16xf32> to vector<16xf32>
      %add3A_2460 = arith.addf %scan3A_2433, %get3A_2459 : vector<16xf32>
      %get3A_2461 = arith.constant 1 : i32
      %get3A_2462 = arith.constant 2 : i32
      %get3A_2463 = arith.index_cast %get3A_2461 : i32 to index
      %get3A_2464 = arith.index_cast %get3A_2462 : i32 to index
      %get3A_2465 = arith.index_cast %scan3A_2430 : i32 to index
      %get3A_2466 = arith.constant 48 : index
      %get3A_2467 = tpu.vector_load %arg6[%get3A_2463, %get3A_2464, %get3A_2465, %get3A_2466] {strides = array<i32>} : memref<2x8x50x64xf32, #tpu.memory_space<vmem>>, vector<1x1x1x16xf32>,
      %get3A_2468 = vector.shape_cast %get3A_2467 : vector<1x1x1x16xf32> to vector<16xf32>
      %add3A_2469 = arith.addf %scan3A_2434, %get3A_2468 : vector<16xf32>
      scf.yield %add3A_2442, %add3A_2451, %add3A_2460, %add3A_2469 : vector<16xf32>, vector<16xf32>, vector<16xf32>, vector<16xf32>
    }
    %scan3A_1031 = arith.constant 50 : i32
    %mul3A_1032 = arith.constant 2.000000e-02 : f32
    %mul3A_1033 = vector.broadcast %mul3A_1032 : f32 to vector<16xf32>
    %mul3A_1034 = arith.mulf %scan3A_1030#0, %mul3A_1033 : vector<16xf32>
    %swap3A_1035 = arith.constant 10 : i32
    %swap3A_1036 = arith.index_cast %swap3A_1035 : i32 to index
    %swap3A_1037 = arith.constant 0 : index
    %swap3A_1038 = tpu.vector_load %arg7[%swap3A_1036, %swap3A_1037] {strides = array<i32>} : memref<32x64xf32, #tpu.memory_space<vmem>>, vector<1x16xf32>,
    %swap3A_1039 = vector.shape_cast %swap3A_1038 : vector<1x16xf32> to vector<16xf32>
    %swap3A_1040 = vector.shape_cast %mul3A_1034 : vector<16xf32> to vector<1x16xf32>
    tpu.vector_store %arg7[%swap3A_1036, %swap3A_1037], %swap3A_1040 {strides = array<i32>} : memref<32x64xf32, #tpu.memory_space<vmem>>, vector<1x16xf32>,
    %mul3A_1041 = arith.constant 2.000000e-02 : f32
    %mul3A_1042 = vector.broadcast %mul3A_1041 : f32 to vector<16xf32>
    %mul3A_1043 = arith.mulf %scan3A_1030#1, %mul3A_1042 : vector<16xf32>
    %swap3A_1044 = arith.constant 10 : i32
    %swap3A_1045 = arith.index_cast %swap3A_1044 : i32 to index
    %swap3A_1046 = arith.constant 16 : index
    %swap3A_1047 = tpu.vector_load %arg7[%swap3A_1045, %swap3A_1046] {strides = array<i32>} : memref<32x64xf32, #tpu.memory_space<vmem>>, vector<1x16xf32>,
    %swap3A_1048 = vector.shape_cast %swap3A_1047 : vector<1x16xf32> to vector<16xf32>
    %swap3A_1049 = vector.shape_cast %mul3A_1043 : vector<16xf32> to vector<1x16xf32>
    tpu.vector_store %arg7[%swap3A_1045, %swap3A_1046], %swap3A_1049 {strides = array<i32>} : memref<32x64xf32, #tpu.memory_space<vmem>>, vector<1x16xf32>,
    %mul3A_1050 = arith.constant 2.000000e-02 : f32
    %mul3A_1051 = vector.broadcast %mul3A_1050 : f32 to vector<16xf32>
    %mul3A_1052 = arith.mulf %scan3A_1030#2, %mul3A_1051 : vector<16xf32>
    %swap3A_1053 = arith.constant 10 : i32
    %swap3A_1054 = arith.index_cast %swap3A_1053 : i32 to index
    %swap3A_1055 = arith.constant 32 : index
    %swap3A_1056 = tpu.vector_load %arg7[%swap3A_1054, %swap3A_1055] {strides = array<i32>} : memref<32x64xf32, #tpu.memory_space<vmem>>, vector<1x16xf32>,
    %swap3A_1057 = vector.shape_cast %swap3A_1056 : vector<1x16xf32> to vector<16xf32>
    %swap3A_1058 = vector.shape_cast %mul3A_1052 : vector<16xf32> to vector<1x16xf32>
    tpu.vector_store %arg7[%swap3A_1054, %swap3A_1055], %swap3A_1058 {strides = array<i32>} : memref<32x64xf32, #tpu.memory_space<vmem>>, vector<1x16xf32>,
    %mul3A_1059 = arith.constant 2.000000e-02 : f32
    %mul3A_1060 = vector.broadcast %mul3A_1059 : f32 to vector<16xf32>
    %mul3A_1061 = arith.mulf %scan3A_1030#3, %mul3A_1060 : vector<16xf32>
    %swap3A_1062 = arith.constant 10 : i32
    %swap3A_1063 = arith.index_cast %swap3A_1062 : i32 to index
    %swap3A_1064 = arith.constant 48 : index
    %swap3A_1065 = tpu.vector_load %arg7[%swap3A_1063, %swap3A_1064] {strides = array<i32>} : memref<32x64xf32, #tpu.memory_space<vmem>>, vector<1x16xf32>,
    %swap3A_1066 = vector.shape_cast %swap3A_1065 : vector<1x16xf32> to vector<16xf32>
    %swap3A_1067 = vector.shape_cast %mul3A_1061 : vector<16xf32> to vector<1x16xf32>
    tpu.vector_store %arg7[%swap3A_1063, %swap3A_1064], %swap3A_1067 {strides = array<i32>} : memref<32x64xf32, #tpu.memory_space<vmem>>, vector<1x16xf32>,
    %broadcast_in_dim3A_1068 = arith.constant 0.000000e+00 : f32
    %broadcast_in_dim3A_1069 = vector.broadcast %broadcast_in_dim3A_1068 : f32 to vector<16xf32>
    %broadcast_in_dim3A_1070 = arith.constant 0.000000e+00 : f32
    %broadcast_in_dim3A_1071 = vector.broadcast %broadcast_in_dim3A_1070 : f32 to vector<16xf32>
    %broadcast_in_dim3A_1072 = arith.constant 0.000000e+00 : f32
    %broadcast_in_dim3A_1073 = vector.broadcast %broadcast_in_dim3A_1072 : f32 to vector<16xf32>
    %broadcast_in_dim3A_1074 = arith.constant 0.000000e+00 : f32
    %broadcast_in_dim3A_1075 = vector.broadcast %broadcast_in_dim3A_1074 : f32 to vector<16xf32>
    %scan3A_1076 = arith.constant 0 : i32
    %scan3A_1077 = arith.constant 50 : i32
    %scan3A_1078 = arith.addi %scan3A_1076, %scan3A_1077 : i32
    %scan3A_1079 = arith.constant 1 : i32
    %scan3A_1080:4 = scf.for %scan3A_2430 = %scan3A_1076 to %scan3A_1078 step %scan3A_1079 iter_args(%scan3A_2431 = %broadcast_in_dim3A_1069, %scan3A_2432 = %broadcast_in_dim3A_1071, %scan3A_2433 = %broadcast_in_dim3A_1073, %scan3A_2434 = %broadcast_in_dim3A_1075) -> (vector<16xf32>, vector<16xf32>, vector<16xf32>, vector<16xf32>)  : i32 {
      %get3A = arith.constant 1 : i32
      %get3A_2435 = arith.constant 3 : i32
      %get3A_2436 = arith.index_cast %get3A : i32 to index
      %get3A_2437 = arith.index_cast %get3A_2435 : i32 to index
      %get3A_2438 = arith.index_cast %scan3A_2430 : i32 to index
      %get3A_2439 = arith.constant 0 : index
      %get3A_2440 = tpu.vector_load %arg6[%get3A_2436, %get3A_2437, %get3A_2438, %get3A_2439] {strides = array<i32>} : memref<2x8x50x64xf32, #tpu.memory_space<vmem>>, vector<1x1x1x16xf32>,
      %get3A_2441 = vector.shape_cast %get3A_2440 : vector<1x1x1x16xf32> to vector<16xf32>
      %add3A_2442 = arith.addf %scan3A_2431, %get3A_2441 : vector<16xf32>
      %get3A_2443 = arith.constant 1 : i32
      %get3A_2444 = arith.constant 3 : i32
      %get3A_2445 = arith.index_cast %get3A_2443 : i32 to index
      %get3A_2446 = arith.index_cast %get3A_2444 : i32 to index
      %get3A_2447 = arith.index_cast %scan3A_2430 : i32 to index
      %get3A_2448 = arith.constant 16 : index
      %get3A_2449 = tpu.vector_load %arg6[%get3A_2445, %get3A_2446, %get3A_2447, %get3A_2448] {strides = array<i32>} : memref<2x8x50x64xf32, #tpu.memory_space<vmem>>, vector<1x1x1x16xf32>,
      %get3A_2450 = vector.shape_cast %get3A_2449 : vector<1x1x1x16xf32> to vector<16xf32>
      %add3A_2451 = arith.addf %scan3A_2432, %get3A_2450 : vector<16xf32>
      %get3A_2452 = arith.constant 1 : i32
      %get3A_2453 = arith.constant 3 : i32
      %get3A_2454 = arith.index_cast %get3A_2452 : i32 to index
      %get3A_2455 = arith.index_cast %get3A_2453 : i32 to index
      %get3A_2456 = arith.index_cast %scan3A_2430 : i32 to index
      %get3A_2457 = arith.constant 32 : index
      %get3A_2458 = tpu.vector_load %arg6[%get3A_2454, %get3A_2455, %get3A_2456, %get3A_2457] {strides = array<i32>} : memref<2x8x50x64xf32, #tpu.memory_space<vmem>>, vector<1x1x1x16xf32>,
      %get3A_2459 = vector.shape_cast %get3A_2458 : vector<1x1x1x16xf32> to vector<16xf32>
      %add3A_2460 = arith.addf %scan3A_2433, %get3A_2459 : vector<16xf32>
      %get3A_2461 = arith.constant 1 : i32
      %get3A_2462 = arith.constant 3 : i32
      %get3A_2463 = arith.index_cast %get3A_2461 : i32 to index
      %get3A_2464 = arith.index_cast %get3A_2462 : i32 to index
      %get3A_2465 = arith.index_cast %scan3A_2430 : i32 to index
      %get3A_2466 = arith.constant 48 : index
      %get3A_2467 = tpu.vector_load %arg6[%get3A_2463, %get3A_2464, %get3A_2465, %get3A_2466] {strides = array<i32>} : memref<2x8x50x64xf32, #tpu.memory_space<vmem>>, vector<1x1x1x16xf32>,
      %get3A_2468 = vector.shape_cast %get3A_2467 : vector<1x1x1x16xf32> to vector<16xf32>
      %add3A_2469 = arith.addf %scan3A_2434, %get3A_2468 : vector<16xf32>
      scf.yield %add3A_2442, %add3A_2451, %add3A_2460, %add3A_2469 : vector<16xf32>, vector<16xf32>, vector<16xf32>, vector<16xf32>
    }
    %scan3A_1081 = arith.constant 50 : i32
    %mul3A_1082 = arith.constant 2.000000e-02 : f32
    %mul3A_1083 = vector.broadcast %mul3A_1082 : f32 to vector<16xf32>
    %mul3A_1084 = arith.mulf %scan3A_1080#0, %mul3A_1083 : vector<16xf32>
    %swap3A_1085 = arith.constant 11 : i32
    %swap3A_1086 = arith.index_cast %swap3A_1085 : i32 to index
    %swap3A_1087 = arith.constant 0 : index
    %swap3A_1088 = tpu.vector_load %arg7[%swap3A_1086, %swap3A_1087] {strides = array<i32>} : memref<32x64xf32, #tpu.memory_space<vmem>>, vector<1x16xf32>,
    %swap3A_1089 = vector.shape_cast %swap3A_1088 : vector<1x16xf32> to vector<16xf32>
    %swap3A_1090 = vector.shape_cast %mul3A_1084 : vector<16xf32> to vector<1x16xf32>
    tpu.vector_store %arg7[%swap3A_1086, %swap3A_1087], %swap3A_1090 {strides = array<i32>} : memref<32x64xf32, #tpu.memory_space<vmem>>, vector<1x16xf32>,
    %mul3A_1091 = arith.constant 2.000000e-02 : f32
    %mul3A_1092 = vector.broadcast %mul3A_1091 : f32 to vector<16xf32>
    %mul3A_1093 = arith.mulf %scan3A_1080#1, %mul3A_1092 : vector<16xf32>
    %swap3A_1094 = arith.constant 11 : i32
    %swap3A_1095 = arith.index_cast %swap3A_1094 : i32 to index
    %swap3A_1096 = arith.constant 16 : index
    %swap3A_1097 = tpu.vector_load %arg7[%swap3A_1095, %swap3A_1096] {strides = array<i32>} : memref<32x64xf32, #tpu.memory_space<vmem>>, vector<1x16xf32>,
    %swap3A_1098 = vector.shape_cast %swap3A_1097 : vector<1x16xf32> to vector<16xf32>
    %swap3A_1099 = vector.shape_cast %mul3A_1093 : vector<16xf32> to vector<1x16xf32>
    tpu.vector_store %arg7[%swap3A_1095, %swap3A_1096], %swap3A_1099 {strides = array<i32>} : memref<32x64xf32, #tpu.memory_space<vmem>>, vector<1x16xf32>,
    %mul3A_1100 = arith.constant 2.000000e-02 : f32
    %mul3A_1101 = vector.broadcast %mul3A_1100 : f32 to vector<16xf32>
    %mul3A_1102 = arith.mulf %scan3A_1080#2, %mul3A_1101 : vector<16xf32>
    %swap3A_1103 = arith.constant 11 : i32
    %swap3A_1104 = arith.index_cast %swap3A_1103 : i32 to index
    %swap3A_1105 = arith.constant 32 : index
    %swap3A_1106 = tpu.vector_load %arg7[%swap3A_1104, %swap3A_1105] {strides = array<i32>} : memref<32x64xf32, #tpu.memory_space<vmem>>, vector<1x16xf32>,
    %swap3A_1107 = vector.shape_cast %swap3A_1106 : vector<1x16xf32> to vector<16xf32>
    %swap3A_1108 = vector.shape_cast %mul3A_1102 : vector<16xf32> to vector<1x16xf32>
    tpu.vector_store %arg7[%swap3A_1104, %swap3A_1105], %swap3A_1108 {strides = array<i32>} : memref<32x64xf32, #tpu.memory_space<vmem>>, vector<1x16xf32>,
    %mul3A_1109 = arith.constant 2.000000e-02 : f32
    %mul3A_1110 = vector.broadcast %mul3A_1109 : f32 to vector<16xf32>
    %mul3A_1111 = arith.mulf %scan3A_1080#3, %mul3A_1110 : vector<16xf32>
    %swap3A_1112 = arith.constant 11 : i32
    %swap3A_1113 = arith.index_cast %swap3A_1112 : i32 to index
    %swap3A_1114 = arith.constant 48 : index
    %swap3A_1115 = tpu.vector_load %arg7[%swap3A_1113, %swap3A_1114] {strides = array<i32>} : memref<32x64xf32, #tpu.memory_space<vmem>>, vector<1x16xf32>,
    %swap3A_1116 = vector.shape_cast %swap3A_1115 : vector<1x16xf32> to vector<16xf32>
    %swap3A_1117 = vector.shape_cast %mul3A_1111 : vector<16xf32> to vector<1x16xf32>
    tpu.vector_store %arg7[%swap3A_1113, %swap3A_1114], %swap3A_1117 {strides = array<i32>} : memref<32x64xf32, #tpu.memory_space<vmem>>, vector<1x16xf32>,
    %broadcast_in_dim3A_1118 = arith.constant 0.000000e+00 : f32
    %broadcast_in_dim3A_1119 = vector.broadcast %broadcast_in_dim3A_1118 : f32 to vector<16xf32>
    %broadcast_in_dim3A_1120 = arith.constant 0.000000e+00 : f32
    %broadcast_in_dim3A_1121 = vector.broadcast %broadcast_in_dim3A_1120 : f32 to vector<16xf32>
    %broadcast_in_dim3A_1122 = arith.constant 0.000000e+00 : f32
    %broadcast_in_dim3A_1123 = vector.broadcast %broadcast_in_dim3A_1122 : f32 to vector<16xf32>
    %broadcast_in_dim3A_1124 = arith.constant 0.000000e+00 : f32
    %broadcast_in_dim3A_1125 = vector.broadcast %broadcast_in_dim3A_1124 : f32 to vector<16xf32>
    %scan3A_1126 = arith.constant 0 : i32
    %scan3A_1127 = arith.constant 50 : i32
    %scan3A_1128 = arith.addi %scan3A_1126, %scan3A_1127 : i32
    %scan3A_1129 = arith.constant 1 : i32
    %scan3A_1130:4 = scf.for %scan3A_2430 = %scan3A_1126 to %scan3A_1128 step %scan3A_1129 iter_args(%scan3A_2431 = %broadcast_in_dim3A_1119, %scan3A_2432 = %broadcast_in_dim3A_1121, %scan3A_2433 = %broadcast_in_dim3A_1123, %scan3A_2434 = %broadcast_in_dim3A_1125) -> (vector<16xf32>, vector<16xf32>, vector<16xf32>, vector<16xf32>)  : i32 {
      %get3A = arith.constant 1 : i32
      %get3A_2435 = arith.constant 4 : i32
      %get3A_2436 = arith.index_cast %get3A : i32 to index
      %get3A_2437 = arith.index_cast %get3A_2435 : i32 to index
      %get3A_2438 = arith.index_cast %scan3A_2430 : i32 to index
      %get3A_2439 = arith.constant 0 : index
      %get3A_2440 = tpu.vector_load %arg6[%get3A_2436, %get3A_2437, %get3A_2438, %get3A_2439] {strides = array<i32>} : memref<2x8x50x64xf32, #tpu.memory_space<vmem>>, vector<1x1x1x16xf32>,
      %get3A_2441 = vector.shape_cast %get3A_2440 : vector<1x1x1x16xf32> to vector<16xf32>
      %add3A_2442 = arith.addf %scan3A_2431, %get3A_2441 : vector<16xf32>
      %get3A_2443 = arith.constant 1 : i32
      %get3A_2444 = arith.constant 4 : i32
      %get3A_2445 = arith.index_cast %get3A_2443 : i32 to index
      %get3A_2446 = arith.index_cast %get3A_2444 : i32 to index
      %get3A_2447 = arith.index_cast %scan3A_2430 : i32 to index
      %get3A_2448 = arith.constant 16 : index
      %get3A_2449 = tpu.vector_load %arg6[%get3A_2445, %get3A_2446, %get3A_2447, %get3A_2448] {strides = array<i32>} : memref<2x8x50x64xf32, #tpu.memory_space<vmem>>, vector<1x1x1x16xf32>,
      %get3A_2450 = vector.shape_cast %get3A_2449 : vector<1x1x1x16xf32> to vector<16xf32>
      %add3A_2451 = arith.addf %scan3A_2432, %get3A_2450 : vector<16xf32>
      %get3A_2452 = arith.constant 1 : i32
      %get3A_2453 = arith.constant 4 : i32
      %get3A_2454 = arith.index_cast %get3A_2452 : i32 to index
      %get3A_2455 = arith.index_cast %get3A_2453 : i32 to index
      %get3A_2456 = arith.index_cast %scan3A_2430 : i32 to index
      %get3A_2457 = arith.constant 32 : index
      %get3A_2458 = tpu.vector_load %arg6[%get3A_2454, %get3A_2455, %get3A_2456, %get3A_2457] {strides = array<i32>} : memref<2x8x50x64xf32, #tpu.memory_space<vmem>>, vector<1x1x1x16xf32>,
      %get3A_2459 = vector.shape_cast %get3A_2458 : vector<1x1x1x16xf32> to vector<16xf32>
      %add3A_2460 = arith.addf %scan3A_2433, %get3A_2459 : vector<16xf32>
      %get3A_2461 = arith.constant 1 : i32
      %get3A_2462 = arith.constant 4 : i32
      %get3A_2463 = arith.index_cast %get3A_2461 : i32 to index
      %get3A_2464 = arith.index_cast %get3A_2462 : i32 to index
      %get3A_2465 = arith.index_cast %scan3A_2430 : i32 to index
      %get3A_2466 = arith.constant 48 : index
      %get3A_2467 = tpu.vector_load %arg6[%get3A_2463, %get3A_2464, %get3A_2465, %get3A_2466] {strides = array<i32>} : memref<2x8x50x64xf32, #tpu.memory_space<vmem>>, vector<1x1x1x16xf32>,
      %get3A_2468 = vector.shape_cast %get3A_2467 : vector<1x1x1x16xf32> to vector<16xf32>
      %add3A_2469 = arith.addf %scan3A_2434, %get3A_2468 : vector<16xf32>
      scf.yield %add3A_2442, %add3A_2451, %add3A_2460, %add3A_2469 : vector<16xf32>, vector<16xf32>, vector<16xf32>, vector<16xf32>
    }
    %scan3A_1131 = arith.constant 50 : i32
    %mul3A_1132 = arith.constant 2.000000e-02 : f32
    %mul3A_1133 = vector.broadcast %mul3A_1132 : f32 to vector<16xf32>
    %mul3A_1134 = arith.mulf %scan3A_1130#0, %mul3A_1133 : vector<16xf32>
    %swap3A_1135 = arith.constant 12 : i32
    %swap3A_1136 = arith.index_cast %swap3A_1135 : i32 to index
    %swap3A_1137 = arith.constant 0 : index
    %swap3A_1138 = tpu.vector_load %arg7[%swap3A_1136, %swap3A_1137] {strides = array<i32>} : memref<32x64xf32, #tpu.memory_space<vmem>>, vector<1x16xf32>,
    %swap3A_1139 = vector.shape_cast %swap3A_1138 : vector<1x16xf32> to vector<16xf32>
    %swap3A_1140 = vector.shape_cast %mul3A_1134 : vector<16xf32> to vector<1x16xf32>
    tpu.vector_store %arg7[%swap3A_1136, %swap3A_1137], %swap3A_1140 {strides = array<i32>} : memref<32x64xf32, #tpu.memory_space<vmem>>, vector<1x16xf32>,
    %mul3A_1141 = arith.constant 2.000000e-02 : f32
    %mul3A_1142 = vector.broadcast %mul3A_1141 : f32 to vector<16xf32>
    %mul3A_1143 = arith.mulf %scan3A_1130#1, %mul3A_1142 : vector<16xf32>
    %swap3A_1144 = arith.constant 12 : i32
    %swap3A_1145 = arith.index_cast %swap3A_1144 : i32 to index
    %swap3A_1146 = arith.constant 16 : index
    %swap3A_1147 = tpu.vector_load %arg7[%swap3A_1145, %swap3A_1146] {strides = array<i32>} : memref<32x64xf32, #tpu.memory_space<vmem>>, vector<1x16xf32>,
    %swap3A_1148 = vector.shape_cast %swap3A_1147 : vector<1x16xf32> to vector<16xf32>
    %swap3A_1149 = vector.shape_cast %mul3A_1143 : vector<16xf32> to vector<1x16xf32>
    tpu.vector_store %arg7[%swap3A_1145, %swap3A_1146], %swap3A_1149 {strides = array<i32>} : memref<32x64xf32, #tpu.memory_space<vmem>>, vector<1x16xf32>,
    %mul3A_1150 = arith.constant 2.000000e-02 : f32
    %mul3A_1151 = vector.broadcast %mul3A_1150 : f32 to vector<16xf32>
    %mul3A_1152 = arith.mulf %scan3A_1130#2, %mul3A_1151 : vector<16xf32>
    %swap3A_1153 = arith.constant 12 : i32
    %swap3A_1154 = arith.index_cast %swap3A_1153 : i32 to index
    %swap3A_1155 = arith.constant 32 : index
    %swap3A_1156 = tpu.vector_load %arg7[%swap3A_1154, %swap3A_1155] {strides = array<i32>} : memref<32x64xf32, #tpu.memory_space<vmem>>, vector<1x16xf32>,
    %swap3A_1157 = vector.shape_cast %swap3A_1156 : vector<1x16xf32> to vector<16xf32>
    %swap3A_1158 = vector.shape_cast %mul3A_1152 : vector<16xf32> to vector<1x16xf32>
    tpu.vector_store %arg7[%swap3A_1154, %swap3A_1155], %swap3A_1158 {strides = array<i32>} : memref<32x64xf32, #tpu.memory_space<vmem>>, vector<1x16xf32>,
    %mul3A_1159 = arith.constant 2.000000e-02 : f32
    %mul3A_1160 = vector.broadcast %mul3A_1159 : f32 to vector<16xf32>
    %mul3A_1161 = arith.mulf %scan3A_1130#3, %mul3A_1160 : vector<16xf32>
    %swap3A_1162 = arith.constant 12 : i32
    %swap3A_1163 = arith.index_cast %swap3A_1162 : i32 to index
    %swap3A_1164 = arith.constant 48 : index
    %swap3A_1165 = tpu.vector_load %arg7[%swap3A_1163, %swap3A_1164] {strides = array<i32>} : memref<32x64xf32, #tpu.memory_space<vmem>>, vector<1x16xf32>,
    %swap3A_1166 = vector.shape_cast %swap3A_1165 : vector<1x16xf32> to vector<16xf32>
    %swap3A_1167 = vector.shape_cast %mul3A_1161 : vector<16xf32> to vector<1x16xf32>
    tpu.vector_store %arg7[%swap3A_1163, %swap3A_1164], %swap3A_1167 {strides = array<i32>} : memref<32x64xf32, #tpu.memory_space<vmem>>, vector<1x16xf32>,
    %broadcast_in_dim3A_1168 = arith.constant 0.000000e+00 : f32
    %broadcast_in_dim3A_1169 = vector.broadcast %broadcast_in_dim3A_1168 : f32 to vector<16xf32>
    %broadcast_in_dim3A_1170 = arith.constant 0.000000e+00 : f32
    %broadcast_in_dim3A_1171 = vector.broadcast %broadcast_in_dim3A_1170 : f32 to vector<16xf32>
    %broadcast_in_dim3A_1172 = arith.constant 0.000000e+00 : f32
    %broadcast_in_dim3A_1173 = vector.broadcast %broadcast_in_dim3A_1172 : f32 to vector<16xf32>
    %broadcast_in_dim3A_1174 = arith.constant 0.000000e+00 : f32
    %broadcast_in_dim3A_1175 = vector.broadcast %broadcast_in_dim3A_1174 : f32 to vector<16xf32>
    %scan3A_1176 = arith.constant 0 : i32
    %scan3A_1177 = arith.constant 50 : i32
    %scan3A_1178 = arith.addi %scan3A_1176, %scan3A_1177 : i32
    %scan3A_1179 = arith.constant 1 : i32
    %scan3A_1180:4 = scf.for %scan3A_2430 = %scan3A_1176 to %scan3A_1178 step %scan3A_1179 iter_args(%scan3A_2431 = %broadcast_in_dim3A_1169, %scan3A_2432 = %broadcast_in_dim3A_1171, %scan3A_2433 = %broadcast_in_dim3A_1173, %scan3A_2434 = %broadcast_in_dim3A_1175) -> (vector<16xf32>, vector<16xf32>, vector<16xf32>, vector<16xf32>)  : i32 {
      %get3A = arith.constant 1 : i32
      %get3A_2435 = arith.constant 5 : i32
      %get3A_2436 = arith.index_cast %get3A : i32 to index
      %get3A_2437 = arith.index_cast %get3A_2435 : i32 to index
      %get3A_2438 = arith.index_cast %scan3A_2430 : i32 to index
      %get3A_2439 = arith.constant 0 : index
      %get3A_2440 = tpu.vector_load %arg6[%get3A_2436, %get3A_2437, %get3A_2438, %get3A_2439] {strides = array<i32>} : memref<2x8x50x64xf32, #tpu.memory_space<vmem>>, vector<1x1x1x16xf32>,
      %get3A_2441 = vector.shape_cast %get3A_2440 : vector<1x1x1x16xf32> to vector<16xf32>
      %add3A_2442 = arith.addf %scan3A_2431, %get3A_2441 : vector<16xf32>
      %get3A_2443 = arith.constant 1 : i32
      %get3A_2444 = arith.constant 5 : i32
      %get3A_2445 = arith.index_cast %get3A_2443 : i32 to index
      %get3A_2446 = arith.index_cast %get3A_2444 : i32 to index
      %get3A_2447 = arith.index_cast %scan3A_2430 : i32 to index
      %get3A_2448 = arith.constant 16 : index
      %get3A_2449 = tpu.vector_load %arg6[%get3A_2445, %get3A_2446, %get3A_2447, %get3A_2448] {strides = array<i32>} : memref<2x8x50x64xf32, #tpu.memory_space<vmem>>, vector<1x1x1x16xf32>,
      %get3A_2450 = vector.shape_cast %get3A_2449 : vector<1x1x1x16xf32> to vector<16xf32>
      %add3A_2451 = arith.addf %scan3A_2432, %get3A_2450 : vector<16xf32>
      %get3A_2452 = arith.constant 1 : i32
      %get3A_2453 = arith.constant 5 : i32
      %get3A_2454 = arith.index_cast %get3A_2452 : i32 to index
      %get3A_2455 = arith.index_cast %get3A_2453 : i32 to index
      %get3A_2456 = arith.index_cast %scan3A_2430 : i32 to index
      %get3A_2457 = arith.constant 32 : index
      %get3A_2458 = tpu.vector_load %arg6[%get3A_2454, %get3A_2455, %get3A_2456, %get3A_2457] {strides = array<i32>} : memref<2x8x50x64xf32, #tpu.memory_space<vmem>>, vector<1x1x1x16xf32>,
      %get3A_2459 = vector.shape_cast %get3A_2458 : vector<1x1x1x16xf32> to vector<16xf32>
      %add3A_2460 = arith.addf %scan3A_2433, %get3A_2459 : vector<16xf32>
      %get3A_2461 = arith.constant 1 : i32
      %get3A_2462 = arith.constant 5 : i32
      %get3A_2463 = arith.index_cast %get3A_2461 : i32 to index
      %get3A_2464 = arith.index_cast %get3A_2462 : i32 to index
      %get3A_2465 = arith.index_cast %scan3A_2430 : i32 to index
      %get3A_2466 = arith.constant 48 : index
      %get3A_2467 = tpu.vector_load %arg6[%get3A_2463, %get3A_2464, %get3A_2465, %get3A_2466] {strides = array<i32>} : memref<2x8x50x64xf32, #tpu.memory_space<vmem>>, vector<1x1x1x16xf32>,
      %get3A_2468 = vector.shape_cast %get3A_2467 : vector<1x1x1x16xf32> to vector<16xf32>
      %add3A_2469 = arith.addf %scan3A_2434, %get3A_2468 : vector<16xf32>
      scf.yield %add3A_2442, %add3A_2451, %add3A_2460, %add3A_2469 : vector<16xf32>, vector<16xf32>, vector<16xf32>, vector<16xf32>
    }
    %scan3A_1181 = arith.constant 50 : i32
    %mul3A_1182 = arith.constant 2.000000e-02 : f32
    %mul3A_1183 = vector.broadcast %mul3A_1182 : f32 to vector<16xf32>
    %mul3A_1184 = arith.mulf %scan3A_1180#0, %mul3A_1183 : vector<16xf32>
    %swap3A_1185 = arith.constant 13 : i32
    %swap3A_1186 = arith.index_cast %swap3A_1185 : i32 to index
    %swap3A_1187 = arith.constant 0 : index
    %swap3A_1188 = tpu.vector_load %arg7[%swap3A_1186, %swap3A_1187] {strides = array<i32>} : memref<32x64xf32, #tpu.memory_space<vmem>>, vector<1x16xf32>,
    %swap3A_1189 = vector.shape_cast %swap3A_1188 : vector<1x16xf32> to vector<16xf32>
    %swap3A_1190 = vector.shape_cast %mul3A_1184 : vector<16xf32> to vector<1x16xf32>
    tpu.vector_store %arg7[%swap3A_1186, %swap3A_1187], %swap3A_1190 {strides = array<i32>} : memref<32x64xf32, #tpu.memory_space<vmem>>, vector<1x16xf32>,
    %mul3A_1191 = arith.constant 2.000000e-02 : f32
    %mul3A_1192 = vector.broadcast %mul3A_1191 : f32 to vector<16xf32>
    %mul3A_1193 = arith.mulf %scan3A_1180#1, %mul3A_1192 : vector<16xf32>
    %swap3A_1194 = arith.constant 13 : i32
    %swap3A_1195 = arith.index_cast %swap3A_1194 : i32 to index
    %swap3A_1196 = arith.constant 16 : index
    %swap3A_1197 = tpu.vector_load %arg7[%swap3A_1195, %swap3A_1196] {strides = array<i32>} : memref<32x64xf32, #tpu.memory_space<vmem>>, vector<1x16xf32>,
    %swap3A_1198 = vector.shape_cast %swap3A_1197 : vector<1x16xf32> to vector<16xf32>
    %swap3A_1199 = vector.shape_cast %mul3A_1193 : vector<16xf32> to vector<1x16xf32>
    tpu.vector_store %arg7[%swap3A_1195, %swap3A_1196], %swap3A_1199 {strides = array<i32>} : memref<32x64xf32, #tpu.memory_space<vmem>>, vector<1x16xf32>,
    %mul3A_1200 = arith.constant 2.000000e-02 : f32
    %mul3A_1201 = vector.broadcast %mul3A_1200 : f32 to vector<16xf32>
    %mul3A_1202 = arith.mulf %scan3A_1180#2, %mul3A_1201 : vector<16xf32>
    %swap3A_1203 = arith.constant 13 : i32
    %swap3A_1204 = arith.index_cast %swap3A_1203 : i32 to index
    %swap3A_1205 = arith.constant 32 : index
    %swap3A_1206 = tpu.vector_load %arg7[%swap3A_1204, %swap3A_1205] {strides = array<i32>} : memref<32x64xf32, #tpu.memory_space<vmem>>, vector<1x16xf32>,
    %swap3A_1207 = vector.shape_cast %swap3A_1206 : vector<1x16xf32> to vector<16xf32>
    %swap3A_1208 = vector.shape_cast %mul3A_1202 : vector<16xf32> to vector<1x16xf32>
    tpu.vector_store %arg7[%swap3A_1204, %swap3A_1205], %swap3A_1208 {strides = array<i32>} : memref<32x64xf32, #tpu.memory_space<vmem>>, vector<1x16xf32>,
    %mul3A_1209 = arith.constant 2.000000e-02 : f32
    %mul3A_1210 = vector.broadcast %mul3A_1209 : f32 to vector<16xf32>
    %mul3A_1211 = arith.mulf %scan3A_1180#3, %mul3A_1210 : vector<16xf32>
    %swap3A_1212 = arith.constant 13 : i32
    %swap3A_1213 = arith.index_cast %swap3A_1212 : i32 to index
    %swap3A_1214 = arith.constant 48 : index
    %swap3A_1215 = tpu.vector_load %arg7[%swap3A_1213, %swap3A_1214] {strides = array<i32>} : memref<32x64xf32, #tpu.memory_space<vmem>>, vector<1x16xf32>,
    %swap3A_1216 = vector.shape_cast %swap3A_1215 : vector<1x16xf32> to vector<16xf32>
    %swap3A_1217 = vector.shape_cast %mul3A_1211 : vector<16xf32> to vector<1x16xf32>
    tpu.vector_store %arg7[%swap3A_1213, %swap3A_1214], %swap3A_1217 {strides = array<i32>} : memref<32x64xf32, #tpu.memory_space<vmem>>, vector<1x16xf32>,
    %broadcast_in_dim3A_1218 = arith.constant 0.000000e+00 : f32
    %broadcast_in_dim3A_1219 = vector.broadcast %broadcast_in_dim3A_1218 : f32 to vector<16xf32>
    %broadcast_in_dim3A_1220 = arith.constant 0.000000e+00 : f32
    %broadcast_in_dim3A_1221 = vector.broadcast %broadcast_in_dim3A_1220 : f32 to vector<16xf32>
    %broadcast_in_dim3A_1222 = arith.constant 0.000000e+00 : f32
    %broadcast_in_dim3A_1223 = vector.broadcast %broadcast_in_dim3A_1222 : f32 to vector<16xf32>
    %broadcast_in_dim3A_1224 = arith.constant 0.000000e+00 : f32
    %broadcast_in_dim3A_1225 = vector.broadcast %broadcast_in_dim3A_1224 : f32 to vector<16xf32>
    %scan3A_1226 = arith.constant 0 : i32
    %scan3A_1227 = arith.constant 50 : i32
    %scan3A_1228 = arith.addi %scan3A_1226, %scan3A_1227 : i32
    %scan3A_1229 = arith.constant 1 : i32
    %scan3A_1230:4 = scf.for %scan3A_2430 = %scan3A_1226 to %scan3A_1228 step %scan3A_1229 iter_args(%scan3A_2431 = %broadcast_in_dim3A_1219, %scan3A_2432 = %broadcast_in_dim3A_1221, %scan3A_2433 = %broadcast_in_dim3A_1223, %scan3A_2434 = %broadcast_in_dim3A_1225) -> (vector<16xf32>, vector<16xf32>, vector<16xf32>, vector<16xf32>)  : i32 {
      %get3A = arith.constant 1 : i32
      %get3A_2435 = arith.constant 6 : i32
      %get3A_2436 = arith.index_cast %get3A : i32 to index
      %get3A_2437 = arith.index_cast %get3A_2435 : i32 to index
      %get3A_2438 = arith.index_cast %scan3A_2430 : i32 to index
      %get3A_2439 = arith.constant 0 : index
      %get3A_2440 = tpu.vector_load %arg6[%get3A_2436, %get3A_2437, %get3A_2438, %get3A_2439] {strides = array<i32>} : memref<2x8x50x64xf32, #tpu.memory_space<vmem>>, vector<1x1x1x16xf32>,
      %get3A_2441 = vector.shape_cast %get3A_2440 : vector<1x1x1x16xf32> to vector<16xf32>
      %add3A_2442 = arith.addf %scan3A_2431, %get3A_2441 : vector<16xf32>
      %get3A_2443 = arith.constant 1 : i32
      %get3A_2444 = arith.constant 6 : i32
      %get3A_2445 = arith.index_cast %get3A_2443 : i32 to index
      %get3A_2446 = arith.index_cast %get3A_2444 : i32 to index
      %get3A_2447 = arith.index_cast %scan3A_2430 : i32 to index
      %get3A_2448 = arith.constant 16 : index
      %get3A_2449 = tpu.vector_load %arg6[%get3A_2445, %get3A_2446, %get3A_2447, %get3A_2448] {strides = array<i32>} : memref<2x8x50x64xf32, #tpu.memory_space<vmem>>, vector<1x1x1x16xf32>,
      %get3A_2450 = vector.shape_cast %get3A_2449 : vector<1x1x1x16xf32> to vector<16xf32>
      %add3A_2451 = arith.addf %scan3A_2432, %get3A_2450 : vector<16xf32>
      %get3A_2452 = arith.constant 1 : i32
      %get3A_2453 = arith.constant 6 : i32
      %get3A_2454 = arith.index_cast %get3A_2452 : i32 to index
      %get3A_2455 = arith.index_cast %get3A_2453 : i32 to index
      %get3A_2456 = arith.index_cast %scan3A_2430 : i32 to index
      %get3A_2457 = arith.constant 32 : index
      %get3A_2458 = tpu.vector_load %arg6[%get3A_2454, %get3A_2455, %get3A_2456, %get3A_2457] {strides = array<i32>} : memref<2x8x50x64xf32, #tpu.memory_space<vmem>>, vector<1x1x1x16xf32>,
      %get3A_2459 = vector.shape_cast %get3A_2458 : vector<1x1x1x16xf32> to vector<16xf32>
      %add3A_2460 = arith.addf %scan3A_2433, %get3A_2459 : vector<16xf32>
      %get3A_2461 = arith.constant 1 : i32
      %get3A_2462 = arith.constant 6 : i32
      %get3A_2463 = arith.index_cast %get3A_2461 : i32 to index
      %get3A_2464 = arith.index_cast %get3A_2462 : i32 to index
      %get3A_2465 = arith.index_cast %scan3A_2430 : i32 to index
      %get3A_2466 = arith.constant 48 : index
      %get3A_2467 = tpu.vector_load %arg6[%get3A_2463, %get3A_2464, %get3A_2465, %get3A_2466] {strides = array<i32>} : memref<2x8x50x64xf32, #tpu.memory_space<vmem>>, vector<1x1x1x16xf32>,
      %get3A_2468 = vector.shape_cast %get3A_2467 : vector<1x1x1x16xf32> to vector<16xf32>
      %add3A_2469 = arith.addf %scan3A_2434, %get3A_2468 : vector<16xf32>
      scf.yield %add3A_2442, %add3A_2451, %add3A_2460, %add3A_2469 : vector<16xf32>, vector<16xf32>, vector<16xf32>, vector<16xf32>
    }
    %scan3A_1231 = arith.constant 50 : i32
    %mul3A_1232 = arith.constant 2.000000e-02 : f32
    %mul3A_1233 = vector.broadcast %mul3A_1232 : f32 to vector<16xf32>
    %mul3A_1234 = arith.mulf %scan3A_1230#0, %mul3A_1233 : vector<16xf32>
    %swap3A_1235 = arith.constant 14 : i32
    %swap3A_1236 = arith.index_cast %swap3A_1235 : i32 to index
    %swap3A_1237 = arith.constant 0 : index
    %swap3A_1238 = tpu.vector_load %arg7[%swap3A_1236, %swap3A_1237] {strides = array<i32>} : memref<32x64xf32, #tpu.memory_space<vmem>>, vector<1x16xf32>,
    %swap3A_1239 = vector.shape_cast %swap3A_1238 : vector<1x16xf32> to vector<16xf32>
    %swap3A_1240 = vector.shape_cast %mul3A_1234 : vector<16xf32> to vector<1x16xf32>
    tpu.vector_store %arg7[%swap3A_1236, %swap3A_1237], %swap3A_1240 {strides = array<i32>} : memref<32x64xf32, #tpu.memory_space<vmem>>, vector<1x16xf32>,
    %mul3A_1241 = arith.constant 2.000000e-02 : f32
    %mul3A_1242 = vector.broadcast %mul3A_1241 : f32 to vector<16xf32>
    %mul3A_1243 = arith.mulf %scan3A_1230#1, %mul3A_1242 : vector<16xf32>
    %swap3A_1244 = arith.constant 14 : i32
    %swap3A_1245 = arith.index_cast %swap3A_1244 : i32 to index
    %swap3A_1246 = arith.constant 16 : index
    %swap3A_1247 = tpu.vector_load %arg7[%swap3A_1245, %swap3A_1246] {strides = array<i32>} : memref<32x64xf32, #tpu.memory_space<vmem>>, vector<1x16xf32>,
    %swap3A_1248 = vector.shape_cast %swap3A_1247 : vector<1x16xf32> to vector<16xf32>
    %swap3A_1249 = vector.shape_cast %mul3A_1243 : vector<16xf32> to vector<1x16xf32>
    tpu.vector_store %arg7[%swap3A_1245, %swap3A_1246], %swap3A_1249 {strides = array<i32>} : memref<32x64xf32, #tpu.memory_space<vmem>>, vector<1x16xf32>,
    %mul3A_1250 = arith.constant 2.000000e-02 : f32
    %mul3A_1251 = vector.broadcast %mul3A_1250 : f32 to vector<16xf32>
    %mul3A_1252 = arith.mulf %scan3A_1230#2, %mul3A_1251 : vector<16xf32>
    %swap3A_1253 = arith.constant 14 : i32
    %swap3A_1254 = arith.index_cast %swap3A_1253 : i32 to index
    %swap3A_1255 = arith.constant 32 : index
    %swap3A_1256 = tpu.vector_load %arg7[%swap3A_1254, %swap3A_1255] {strides = array<i32>} : memref<32x64xf32, #tpu.memory_space<vmem>>, vector<1x16xf32>,
    %swap3A_1257 = vector.shape_cast %swap3A_1256 : vector<1x16xf32> to vector<16xf32>
    %swap3A_1258 = vector.shape_cast %mul3A_1252 : vector<16xf32> to vector<1x16xf32>
    tpu.vector_store %arg7[%swap3A_1254, %swap3A_1255], %swap3A_1258 {strides = array<i32>} : memref<32x64xf32, #tpu.memory_space<vmem>>, vector<1x16xf32>,
    %mul3A_1259 = arith.constant 2.000000e-02 : f32
    %mul3A_1260 = vector.broadcast %mul3A_1259 : f32 to vector<16xf32>
    %mul3A_1261 = arith.mulf %scan3A_1230#3, %mul3A_1260 : vector<16xf32>
    %swap3A_1262 = arith.constant 14 : i32
    %swap3A_1263 = arith.index_cast %swap3A_1262 : i32 to index
    %swap3A_1264 = arith.constant 48 : index
    %swap3A_1265 = tpu.vector_load %arg7[%swap3A_1263, %swap3A_1264] {strides = array<i32>} : memref<32x64xf32, #tpu.memory_space<vmem>>, vector<1x16xf32>,
    %swap3A_1266 = vector.shape_cast %swap3A_1265 : vector<1x16xf32> to vector<16xf32>
    %swap3A_1267 = vector.shape_cast %mul3A_1261 : vector<16xf32> to vector<1x16xf32>
    tpu.vector_store %arg7[%swap3A_1263, %swap3A_1264], %swap3A_1267 {strides = array<i32>} : memref<32x64xf32, #tpu.memory_space<vmem>>, vector<1x16xf32>,
    %broadcast_in_dim3A_1268 = arith.constant 0.000000e+00 : f32
    %broadcast_in_dim3A_1269 = vector.broadcast %broadcast_in_dim3A_1268 : f32 to vector<16xf32>
    %broadcast_in_dim3A_1270 = arith.constant 0.000000e+00 : f32
    %broadcast_in_dim3A_1271 = vector.broadcast %broadcast_in_dim3A_1270 : f32 to vector<16xf32>
    %broadcast_in_dim3A_1272 = arith.constant 0.000000e+00 : f32
    %broadcast_in_dim3A_1273 = vector.broadcast %broadcast_in_dim3A_1272 : f32 to vector<16xf32>
    %broadcast_in_dim3A_1274 = arith.constant 0.000000e+00 : f32
    %broadcast_in_dim3A_1275 = vector.broadcast %broadcast_in_dim3A_1274 : f32 to vector<16xf32>
    %scan3A_1276 = arith.constant 0 : i32
    %scan3A_1277 = arith.constant 50 : i32
    %scan3A_1278 = arith.addi %scan3A_1276, %scan3A_1277 : i32
    %scan3A_1279 = arith.constant 1 : i32
    %scan3A_1280:4 = scf.for %scan3A_2430 = %scan3A_1276 to %scan3A_1278 step %scan3A_1279 iter_args(%scan3A_2431 = %broadcast_in_dim3A_1269, %scan3A_2432 = %broadcast_in_dim3A_1271, %scan3A_2433 = %broadcast_in_dim3A_1273, %scan3A_2434 = %broadcast_in_dim3A_1275) -> (vector<16xf32>, vector<16xf32>, vector<16xf32>, vector<16xf32>)  : i32 {
      %get3A = arith.constant 1 : i32
      %get3A_2435 = arith.constant 7 : i32
      %get3A_2436 = arith.index_cast %get3A : i32 to index
      %get3A_2437 = arith.index_cast %get3A_2435 : i32 to index
      %get3A_2438 = arith.index_cast %scan3A_2430 : i32 to index
      %get3A_2439 = arith.constant 0 : index
      %get3A_2440 = tpu.vector_load %arg6[%get3A_2436, %get3A_2437, %get3A_2438, %get3A_2439] {strides = array<i32>} : memref<2x8x50x64xf32, #tpu.memory_space<vmem>>, vector<1x1x1x16xf32>,
      %get3A_2441 = vector.shape_cast %get3A_2440 : vector<1x1x1x16xf32> to vector<16xf32>
      %add3A_2442 = arith.addf %scan3A_2431, %get3A_2441 : vector<16xf32>
      %get3A_2443 = arith.constant 1 : i32
      %get3A_2444 = arith.constant 7 : i32
      %get3A_2445 = arith.index_cast %get3A_2443 : i32 to index
      %get3A_2446 = arith.index_cast %get3A_2444 : i32 to index
      %get3A_2447 = arith.index_cast %scan3A_2430 : i32 to index
      %get3A_2448 = arith.constant 16 : index
      %get3A_2449 = tpu.vector_load %arg6[%get3A_2445, %get3A_2446, %get3A_2447, %get3A_2448] {strides = array<i32>} : memref<2x8x50x64xf32, #tpu.memory_space<vmem>>, vector<1x1x1x16xf32>,
      %get3A_2450 = vector.shape_cast %get3A_2449 : vector<1x1x1x16xf32> to vector<16xf32>
      %add3A_2451 = arith.addf %scan3A_2432, %get3A_2450 : vector<16xf32>
      %get3A_2452 = arith.constant 1 : i32
      %get3A_2453 = arith.constant 7 : i32
      %get3A_2454 = arith.index_cast %get3A_2452 : i32 to index
      %get3A_2455 = arith.index_cast %get3A_2453 : i32 to index
      %get3A_2456 = arith.index_cast %scan3A_2430 : i32 to index
      %get3A_2457 = arith.constant 32 : index
      %get3A_2458 = tpu.vector_load %arg6[%get3A_2454, %get3A_2455, %get3A_2456, %get3A_2457] {strides = array<i32>} : memref<2x8x50x64xf32, #tpu.memory_space<vmem>>, vector<1x1x1x16xf32>,
      %get3A_2459 = vector.shape_cast %get3A_2458 : vector<1x1x1x16xf32> to vector<16xf32>
      %add3A_2460 = arith.addf %scan3A_2433, %get3A_2459 : vector<16xf32>
      %get3A_2461 = arith.constant 1 : i32
      %get3A_2462 = arith.constant 7 : i32
      %get3A_2463 = arith.index_cast %get3A_2461 : i32 to index
      %get3A_2464 = arith.index_cast %get3A_2462 : i32 to index
      %get3A_2465 = arith.index_cast %scan3A_2430 : i32 to index
      %get3A_2466 = arith.constant 48 : index
      %get3A_2467 = tpu.vector_load %arg6[%get3A_2463, %get3A_2464, %get3A_2465, %get3A_2466] {strides = array<i32>} : memref<2x8x50x64xf32, #tpu.memory_space<vmem>>, vector<1x1x1x16xf32>,
      %get3A_2468 = vector.shape_cast %get3A_2467 : vector<1x1x1x16xf32> to vector<16xf32>
      %add3A_2469 = arith.addf %scan3A_2434, %get3A_2468 : vector<16xf32>
      scf.yield %add3A_2442, %add3A_2451, %add3A_2460, %add3A_2469 : vector<16xf32>, vector<16xf32>, vector<16xf32>, vector<16xf32>
    }
    %scan3A_1281 = arith.constant 50 : i32
    %mul3A_1282 = arith.constant 2.000000e-02 : f32
    %mul3A_1283 = vector.broadcast %mul3A_1282 : f32 to vector<16xf32>
    %mul3A_1284 = arith.mulf %scan3A_1280#0, %mul3A_1283 : vector<16xf32>
    %swap3A_1285 = arith.constant 15 : i32
    %swap3A_1286 = arith.index_cast %swap3A_1285 : i32 to index
    %swap3A_1287 = arith.constant 0 : index
    %swap3A_1288 = tpu.vector_load %arg7[%swap3A_1286, %swap3A_1287] {strides = array<i32>} : memref<32x64xf32, #tpu.memory_space<vmem>>, vector<1x16xf32>,
    %swap3A_1289 = vector.shape_cast %swap3A_1288 : vector<1x16xf32> to vector<16xf32>
    %swap3A_1290 = vector.shape_cast %mul3A_1284 : vector<16xf32> to vector<1x16xf32>
    tpu.vector_store %arg7[%swap3A_1286, %swap3A_1287], %swap3A_1290 {strides = array<i32>} : memref<32x64xf32, #tpu.memory_space<vmem>>, vector<1x16xf32>,
    %mul3A_1291 = arith.constant 2.000000e-02 : f32
    %mul3A_1292 = vector.broadcast %mul3A_1291 : f32 to vector<16xf32>
    %mul3A_1293 = arith.mulf %scan3A_1280#1, %mul3A_1292 : vector<16xf32>
    %swap3A_1294 = arith.constant 15 : i32
    %swap3A_1295 = arith.index_cast %swap3A_1294 : i32 to index
    %swap3A_1296 = arith.constant 16 : index
    %swap3A_1297 = tpu.vector_load %arg7[%swap3A_1295, %swap3A_1296] {strides = array<i32>} : memref<32x64xf32, #tpu.memory_space<vmem>>, vector<1x16xf32>,
    %swap3A_1298 = vector.shape_cast %swap3A_1297 : vector<1x16xf32> to vector<16xf32>
    %swap3A_1299 = vector.shape_cast %mul3A_1293 : vector<16xf32> to vector<1x16xf32>
    tpu.vector_store %arg7[%swap3A_1295, %swap3A_1296], %swap3A_1299 {strides = array<i32>} : memref<32x64xf32, #tpu.memory_space<vmem>>, vector<1x16xf32>,
    %mul3A_1300 = arith.constant 2.000000e-02 : f32
    %mul3A_1301 = vector.broadcast %mul3A_1300 : f32 to vector<16xf32>
    %mul3A_1302 = arith.mulf %scan3A_1280#2, %mul3A_1301 : vector<16xf32>
    %swap3A_1303 = arith.constant 15 : i32
    %swap3A_1304 = arith.index_cast %swap3A_1303 : i32 to index
    %swap3A_1305 = arith.constant 32 : index
    %swap3A_1306 = tpu.vector_load %arg7[%swap3A_1304, %swap3A_1305] {strides = array<i32>} : memref<32x64xf32, #tpu.memory_space<vmem>>, vector<1x16xf32>,
    %swap3A_1307 = vector.shape_cast %swap3A_1306 : vector<1x16xf32> to vector<16xf32>
    %swap3A_1308 = vector.shape_cast %mul3A_1302 : vector<16xf32> to vector<1x16xf32>
    tpu.vector_store %arg7[%swap3A_1304, %swap3A_1305], %swap3A_1308 {strides = array<i32>} : memref<32x64xf32, #tpu.memory_space<vmem>>, vector<1x16xf32>,
    %mul3A_1309 = arith.constant 2.000000e-02 : f32
    %mul3A_1310 = vector.broadcast %mul3A_1309 : f32 to vector<16xf32>
    %mul3A_1311 = arith.mulf %scan3A_1280#3, %mul3A_1310 : vector<16xf32>
    %swap3A_1312 = arith.constant 15 : i32
    %swap3A_1313 = arith.index_cast %swap3A_1312 : i32 to index
    %swap3A_1314 = arith.constant 48 : index
    %swap3A_1315 = tpu.vector_load %arg7[%swap3A_1313, %swap3A_1314] {strides = array<i32>} : memref<32x64xf32, #tpu.memory_space<vmem>>, vector<1x16xf32>,
    %swap3A_1316 = vector.shape_cast %swap3A_1315 : vector<1x16xf32> to vector<16xf32>
    %swap3A_1317 = vector.shape_cast %mul3A_1311 : vector<16xf32> to vector<1x16xf32>
    tpu.vector_store %arg7[%swap3A_1313, %swap3A_1314], %swap3A_1317 {strides = array<i32>} : memref<32x64xf32, #tpu.memory_space<vmem>>, vector<1x16xf32>,
    %dma_start3A_1318 = arith.constant 24 : i32
    %dma_start3A_1319 = arith.constant 1 : i32
    %dma_start3A_1320 = arith.constant 0 : i32
    %dma_start3A_1321 = arith.constant 0 : i32
    %dma_start3A_1322 = arith.constant 0 : i32
    %dma_start3A_1323 = tpu.memref_slice %arg6[%dma_start3A_1319, %dma_start3A_1320, %dma_start3A_1321, %dma_start3A_1322] : memref<2x8x50x64xf32, #tpu.memory_space<vmem>> -> memref<1x1x50x64xf32, #tpu.memory_space<vmem>>
    %dma_start3A_1324 = tpu.memref_squeeze %dma_start3A_1323 : memref<1x1x50x64xf32, #tpu.memory_space<vmem>> -> memref<50x64xf32, #tpu.memory_space<vmem>>
    %dma_start3A_1325 = arith.constant 0 : i32
    %dma_start3A_1326 = tpu.memref_slice %arg5[%dma_start3A_1318, %dma_start3A_1325] : memref<32x50xi32, #tpu.memory_space<vmem>> -> memref<1x50xi32, #tpu.memory_space<vmem>>
    %dma_start3A_1327 = tpu.memref_squeeze %dma_start3A_1326 : memref<1x50xi32, #tpu.memory_space<vmem>> -> memref<50xi32, #tpu.memory_space<vmem>>
    %dma_start3A_1328 = arith.constant 0 : i32
    %dma_start3A_1329 = arith.constant 0 : i32
    %dma_start3A_1330 = tpu.memref_slice %arg3[%dma_start3A_1328, %dma_start3A_1329] : memref<100000x64xf32, #tpu.memory_space<hbm>> -> memref<100000x64xf32, #tpu.memory_space<hbm>>
    tpu.enqueue_indirect_dma source(%dma_start3A_1330 : memref<100000x64xf32, #tpu.memory_space<hbm>>) target(%dma_start3A_1324 : memref<50x64xf32, #tpu.memory_space<vmem>>) offsets(%dma_start3A_1327 : memref<50xi32, #tpu.memory_space<vmem>>) semaphore(%arg8 : memref<!tpu.dma_semaphore, #tpu.memory_space<semaphore_mem>>)
    %dma_start3A_1331 = arith.constant 25 : i32
    %dma_start3A_1332 = arith.constant 1 : i32
    %dma_start3A_1333 = arith.constant 1 : i32
    %dma_start3A_1334 = arith.constant 0 : i32
    %dma_start3A_1335 = arith.constant 0 : i32
    %dma_start3A_1336 = tpu.memref_slice %arg6[%dma_start3A_1332, %dma_start3A_1333, %dma_start3A_1334, %dma_start3A_1335] : memref<2x8x50x64xf32, #tpu.memory_space<vmem>> -> memref<1x1x50x64xf32, #tpu.memory_space<vmem>>
    %dma_start3A_1337 = tpu.memref_squeeze %dma_start3A_1336 : memref<1x1x50x64xf32, #tpu.memory_space<vmem>> -> memref<50x64xf32, #tpu.memory_space<vmem>>
    %dma_start3A_1338 = arith.constant 0 : i32
    %dma_start3A_1339 = tpu.memref_slice %arg5[%dma_start3A_1331, %dma_start3A_1338] : memref<32x50xi32, #tpu.memory_space<vmem>> -> memref<1x50xi32, #tpu.memory_space<vmem>>
    %dma_start3A_1340 = tpu.memref_squeeze %dma_start3A_1339 : memref<1x50xi32, #tpu.memory_space<vmem>> -> memref<50xi32, #tpu.memory_space<vmem>>
    %dma_start3A_1341 = arith.constant 0 : i32
    %dma_start3A_1342 = arith.constant 0 : i32
    %dma_start3A_1343 = tpu.memref_slice %arg3[%dma_start3A_1341, %dma_start3A_1342] : memref<100000x64xf32, #tpu.memory_space<hbm>> -> memref<100000x64xf32, #tpu.memory_space<hbm>>
    tpu.enqueue_indirect_dma source(%dma_start3A_1343 : memref<100000x64xf32, #tpu.memory_space<hbm>>) target(%dma_start3A_1337 : memref<50x64xf32, #tpu.memory_space<vmem>>) offsets(%dma_start3A_1340 : memref<50xi32, #tpu.memory_space<vmem>>) semaphore(%arg8 : memref<!tpu.dma_semaphore, #tpu.memory_space<semaphore_mem>>)
    %dma_start3A_1344 = arith.constant 26 : i32
    %dma_start3A_1345 = arith.constant 1 : i32
    %dma_start3A_1346 = arith.constant 2 : i32
    %dma_start3A_1347 = arith.constant 0 : i32
    %dma_start3A_1348 = arith.constant 0 : i32
    %dma_start3A_1349 = tpu.memref_slice %arg6[%dma_start3A_1345, %dma_start3A_1346, %dma_start3A_1347, %dma_start3A_1348] : memref<2x8x50x64xf32, #tpu.memory_space<vmem>> -> memref<1x1x50x64xf32, #tpu.memory_space<vmem>>
    %dma_start3A_1350 = tpu.memref_squeeze %dma_start3A_1349 : memref<1x1x50x64xf32, #tpu.memory_space<vmem>> -> memref<50x64xf32, #tpu.memory_space<vmem>>
    %dma_start3A_1351 = arith.constant 0 : i32
    %dma_start3A_1352 = tpu.memref_slice %arg5[%dma_start3A_1344, %dma_start3A_1351] : memref<32x50xi32, #tpu.memory_space<vmem>> -> memref<1x50xi32, #tpu.memory_space<vmem>>
    %dma_start3A_1353 = tpu.memref_squeeze %dma_start3A_1352 : memref<1x50xi32, #tpu.memory_space<vmem>> -> memref<50xi32, #tpu.memory_space<vmem>>
    %dma_start3A_1354 = arith.constant 0 : i32
    %dma_start3A_1355 = arith.constant 0 : i32
    %dma_start3A_1356 = tpu.memref_slice %arg3[%dma_start3A_1354, %dma_start3A_1355] : memref<100000x64xf32, #tpu.memory_space<hbm>> -> memref<100000x64xf32, #tpu.memory_space<hbm>>
    tpu.enqueue_indirect_dma source(%dma_start3A_1356 : memref<100000x64xf32, #tpu.memory_space<hbm>>) target(%dma_start3A_1350 : memref<50x64xf32, #tpu.memory_space<vmem>>) offsets(%dma_start3A_1353 : memref<50xi32, #tpu.memory_space<vmem>>) semaphore(%arg8 : memref<!tpu.dma_semaphore, #tpu.memory_space<semaphore_mem>>)
    %dma_start3A_1357 = arith.constant 27 : i32
    %dma_start3A_1358 = arith.constant 1 : i32
    %dma_start3A_1359 = arith.constant 3 : i32
    %dma_start3A_1360 = arith.constant 0 : i32
    %dma_start3A_1361 = arith.constant 0 : i32
    %dma_start3A_1362 = tpu.memref_slice %arg6[%dma_start3A_1358, %dma_start3A_1359, %dma_start3A_1360, %dma_start3A_1361] : memref<2x8x50x64xf32, #tpu.memory_space<vmem>> -> memref<1x1x50x64xf32, #tpu.memory_space<vmem>>
    %dma_start3A_1363 = tpu.memref_squeeze %dma_start3A_1362 : memref<1x1x50x64xf32, #tpu.memory_space<vmem>> -> memref<50x64xf32, #tpu.memory_space<vmem>>
    %dma_start3A_1364 = arith.constant 0 : i32
    %dma_start3A_1365 = tpu.memref_slice %arg5[%dma_start3A_1357, %dma_start3A_1364] : memref<32x50xi32, #tpu.memory_space<vmem>> -> memref<1x50xi32, #tpu.memory_space<vmem>>
    %dma_start3A_1366 = tpu.memref_squeeze %dma_start3A_1365 : memref<1x50xi32, #tpu.memory_space<vmem>> -> memref<50xi32, #tpu.memory_space<vmem>>
    %dma_start3A_1367 = arith.constant 0 : i32
    %dma_start3A_1368 = arith.constant 0 : i32
    %dma_start3A_1369 = tpu.memref_slice %arg3[%dma_start3A_1367, %dma_start3A_1368] : memref<100000x64xf32, #tpu.memory_space<hbm>> -> memref<100000x64xf32, #tpu.memory_space<hbm>>
    tpu.enqueue_indirect_dma source(%dma_start3A_1369 : memref<100000x64xf32, #tpu.memory_space<hbm>>) target(%dma_start3A_1363 : memref<50x64xf32, #tpu.memory_space<vmem>>) offsets(%dma_start3A_1366 : memref<50xi32, #tpu.memory_space<vmem>>) semaphore(%arg8 : memref<!tpu.dma_semaphore, #tpu.memory_space<semaphore_mem>>)
    %dma_start3A_1370 = arith.constant 28 : i32
    %dma_start3A_1371 = arith.constant 1 : i32
    %dma_start3A_1372 = arith.constant 4 : i32
    %dma_start3A_1373 = arith.constant 0 : i32
    %dma_start3A_1374 = arith.constant 0 : i32
    %dma_start3A_1375 = tpu.memref_slice %arg6[%dma_start3A_1371, %dma_start3A_1372, %dma_start3A_1373, %dma_start3A_1374] : memref<2x8x50x64xf32, #tpu.memory_space<vmem>> -> memref<1x1x50x64xf32, #tpu.memory_space<vmem>>
    %dma_start3A_1376 = tpu.memref_squeeze %dma_start3A_1375 : memref<1x1x50x64xf32, #tpu.memory_space<vmem>> -> memref<50x64xf32, #tpu.memory_space<vmem>>
    %dma_start3A_1377 = arith.constant 0 : i32
    %dma_start3A_1378 = tpu.memref_slice %arg5[%dma_start3A_1370, %dma_start3A_1377] : memref<32x50xi32, #tpu.memory_space<vmem>> -> memref<1x50xi32, #tpu.memory_space<vmem>>
    %dma_start3A_1379 = tpu.memref_squeeze %dma_start3A_1378 : memref<1x50xi32, #tpu.memory_space<vmem>> -> memref<50xi32, #tpu.memory_space<vmem>>
    %dma_start3A_1380 = arith.constant 0 : i32
    %dma_start3A_1381 = arith.constant 0 : i32
    %dma_start3A_1382 = tpu.memref_slice %arg3[%dma_start3A_1380, %dma_start3A_1381] : memref<100000x64xf32, #tpu.memory_space<hbm>> -> memref<100000x64xf32, #tpu.memory_space<hbm>>
    tpu.enqueue_indirect_dma source(%dma_start3A_1382 : memref<100000x64xf32, #tpu.memory_space<hbm>>) target(%dma_start3A_1376 : memref<50x64xf32, #tpu.memory_space<vmem>>) offsets(%dma_start3A_1379 : memref<50xi32, #tpu.memory_space<vmem>>) semaphore(%arg8 : memref<!tpu.dma_semaphore, #tpu.memory_space<semaphore_mem>>)
    %dma_start3A_1383 = arith.constant 29 : i32
    %dma_start3A_1384 = arith.constant 1 : i32
    %dma_start3A_1385 = arith.constant 5 : i32
    %dma_start3A_1386 = arith.constant 0 : i32
    %dma_start3A_1387 = arith.constant 0 : i32
    %dma_start3A_1388 = tpu.memref_slice %arg6[%dma_start3A_1384, %dma_start3A_1385, %dma_start3A_1386, %dma_start3A_1387] : memref<2x8x50x64xf32, #tpu.memory_space<vmem>> -> memref<1x1x50x64xf32, #tpu.memory_space<vmem>>
    %dma_start3A_1389 = tpu.memref_squeeze %dma_start3A_1388 : memref<1x1x50x64xf32, #tpu.memory_space<vmem>> -> memref<50x64xf32, #tpu.memory_space<vmem>>
    %dma_start3A_1390 = arith.constant 0 : i32
    %dma_start3A_1391 = tpu.memref_slice %arg5[%dma_start3A_1383, %dma_start3A_1390] : memref<32x50xi32, #tpu.memory_space<vmem>> -> memref<1x50xi32, #tpu.memory_space<vmem>>
    %dma_start3A_1392 = tpu.memref_squeeze %dma_start3A_1391 : memref<1x50xi32, #tpu.memory_space<vmem>> -> memref<50xi32, #tpu.memory_space<vmem>>
    %dma_start3A_1393 = arith.constant 0 : i32
    %dma_start3A_1394 = arith.constant 0 : i32
    %dma_start3A_1395 = tpu.memref_slice %arg3[%dma_start3A_1393, %dma_start3A_1394] : memref<100000x64xf32, #tpu.memory_space<hbm>> -> memref<100000x64xf32, #tpu.memory_space<hbm>>
    tpu.enqueue_indirect_dma source(%dma_start3A_1395 : memref<100000x64xf32, #tpu.memory_space<hbm>>) target(%dma_start3A_1389 : memref<50x64xf32, #tpu.memory_space<vmem>>) offsets(%dma_start3A_1392 : memref<50xi32, #tpu.memory_space<vmem>>) semaphore(%arg8 : memref<!tpu.dma_semaphore, #tpu.memory_space<semaphore_mem>>)
    %dma_start3A_1396 = arith.constant 30 : i32
    %dma_start3A_1397 = arith.constant 1 : i32
    %dma_start3A_1398 = arith.constant 6 : i32
    %dma_start3A_1399 = arith.constant 0 : i32
    %dma_start3A_1400 = arith.constant 0 : i32
    %dma_start3A_1401 = tpu.memref_slice %arg6[%dma_start3A_1397, %dma_start3A_1398, %dma_start3A_1399, %dma_start3A_1400] : memref<2x8x50x64xf32, #tpu.memory_space<vmem>> -> memref<1x1x50x64xf32, #tpu.memory_space<vmem>>
    %dma_start3A_1402 = tpu.memref_squeeze %dma_start3A_1401 : memref<1x1x50x64xf32, #tpu.memory_space<vmem>> -> memref<50x64xf32, #tpu.memory_space<vmem>>
    %dma_start3A_1403 = arith.constant 0 : i32
    %dma_start3A_1404 = tpu.memref_slice %arg5[%dma_start3A_1396, %dma_start3A_1403] : memref<32x50xi32, #tpu.memory_space<vmem>> -> memref<1x50xi32, #tpu.memory_space<vmem>>
    %dma_start3A_1405 = tpu.memref_squeeze %dma_start3A_1404 : memref<1x50xi32, #tpu.memory_space<vmem>> -> memref<50xi32, #tpu.memory_space<vmem>>
    %dma_start3A_1406 = arith.constant 0 : i32
    %dma_start3A_1407 = arith.constant 0 : i32
    %dma_start3A_1408 = tpu.memref_slice %arg3[%dma_start3A_1406, %dma_start3A_1407] : memref<100000x64xf32, #tpu.memory_space<hbm>> -> memref<100000x64xf32, #tpu.memory_space<hbm>>
    tpu.enqueue_indirect_dma source(%dma_start3A_1408 : memref<100000x64xf32, #tpu.memory_space<hbm>>) target(%dma_start3A_1402 : memref<50x64xf32, #tpu.memory_space<vmem>>) offsets(%dma_start3A_1405 : memref<50xi32, #tpu.memory_space<vmem>>) semaphore(%arg8 : memref<!tpu.dma_semaphore, #tpu.memory_space<semaphore_mem>>)
    %dma_start3A_1409 = arith.constant 31 : i32
    %dma_start3A_1410 = arith.constant 1 : i32
    %dma_start3A_1411 = arith.constant 7 : i32
    %dma_start3A_1412 = arith.constant 0 : i32
    %dma_start3A_1413 = arith.constant 0 : i32
    %dma_start3A_1414 = tpu.memref_slice %arg6[%dma_start3A_1410, %dma_start3A_1411, %dma_start3A_1412, %dma_start3A_1413] : memref<2x8x50x64xf32, #tpu.memory_space<vmem>> -> memref<1x1x50x64xf32, #tpu.memory_space<vmem>>
    %dma_start3A_1415 = tpu.memref_squeeze %dma_start3A_1414 : memref<1x1x50x64xf32, #tpu.memory_space<vmem>> -> memref<50x64xf32, #tpu.memory_space<vmem>>
    %dma_start3A_1416 = arith.constant 0 : i32
    %dma_start3A_1417 = tpu.memref_slice %arg5[%dma_start3A_1409, %dma_start3A_1416] : memref<32x50xi32, #tpu.memory_space<vmem>> -> memref<1x50xi32, #tpu.memory_space<vmem>>
    %dma_start3A_1418 = tpu.memref_squeeze %dma_start3A_1417 : memref<1x50xi32, #tpu.memory_space<vmem>> -> memref<50xi32, #tpu.memory_space<vmem>>
    %dma_start3A_1419 = arith.constant 0 : i32
    %dma_start3A_1420 = arith.constant 0 : i32
    %dma_start3A_1421 = tpu.memref_slice %arg3[%dma_start3A_1419, %dma_start3A_1420] : memref<100000x64xf32, #tpu.memory_space<hbm>> -> memref<100000x64xf32, #tpu.memory_space<hbm>>
    tpu.enqueue_indirect_dma source(%dma_start3A_1421 : memref<100000x64xf32, #tpu.memory_space<hbm>>) target(%dma_start3A_1415 : memref<50x64xf32, #tpu.memory_space<vmem>>) offsets(%dma_start3A_1418 : memref<50xi32, #tpu.memory_space<vmem>>) semaphore(%arg8 : memref<!tpu.dma_semaphore, #tpu.memory_space<semaphore_mem>>)
    %dma_wait3A_1422 = arith.constant 0 : i32
    %dma_wait3A_1423 = arith.constant 0 : i32
    %dma_wait3A_1424 = arith.constant 0 : i32
    %dma_wait3A_1425 = arith.constant 0 : i32
    %dma_wait3A_1426 = arith.constant 0 : i32
    %dma_wait3A_1427 = tpu.memref_slice %arg6[%dma_wait3A_1423, %dma_wait3A_1424, %dma_wait3A_1425, %dma_wait3A_1426] : memref<2x8x50x64xf32, #tpu.memory_space<vmem>> -> memref<1x1x50x64xf32, #tpu.memory_space<vmem>>
    %dma_wait3A_1428 = tpu.memref_squeeze %dma_wait3A_1427 : memref<1x1x50x64xf32, #tpu.memory_space<vmem>> -> memref<50x64xf32, #tpu.memory_space<vmem>>
    %dma_wait3A_1429 = arith.constant 0 : i32
    %dma_wait3A_1430 = tpu.memref_slice %arg5[%dma_wait3A_1422, %dma_wait3A_1429] : memref<32x50xi32, #tpu.memory_space<vmem>> -> memref<1x50xi32, #tpu.memory_space<vmem>>
    %dma_wait3A_1431 = tpu.memref_squeeze %dma_wait3A_1430 : memref<1x50xi32, #tpu.memory_space<vmem>> -> memref<50xi32, #tpu.memory_space<vmem>>
    %dma_wait3A_1432 = arith.constant 0 : i32
    %dma_wait3A_1433 = arith.constant 0 : i32
    %dma_wait3A_1434 = tpu.memref_slice %arg3[%dma_wait3A_1432, %dma_wait3A_1433] : memref<100000x64xf32, #tpu.memory_space<hbm>> -> memref<100000x64xf32, #tpu.memory_space<hbm>>
    tpu.wait_indirect_dma semaphore(%arg8 : memref<!tpu.dma_semaphore, #tpu.memory_space<semaphore_mem>>) src(%dma_wait3A_1434 : memref<100000x64xf32, #tpu.memory_space<hbm>>) dst(%dma_wait3A_1428 : memref<50x64xf32, #tpu.memory_space<vmem>>)
    %dma_wait3A_1435 = arith.constant 0 : i32
    %dma_wait3A_1436 = arith.constant 0 : i32
    %dma_wait3A_1437 = arith.constant 1 : i32
    %dma_wait3A_1438 = arith.constant 0 : i32
    %dma_wait3A_1439 = arith.constant 0 : i32
    %dma_wait3A_1440 = tpu.memref_slice %arg6[%dma_wait3A_1436, %dma_wait3A_1437, %dma_wait3A_1438, %dma_wait3A_1439] : memref<2x8x50x64xf32, #tpu.memory_space<vmem>> -> memref<1x1x50x64xf32, #tpu.memory_space<vmem>>
    %dma_wait3A_1441 = tpu.memref_squeeze %dma_wait3A_1440 : memref<1x1x50x64xf32, #tpu.memory_space<vmem>> -> memref<50x64xf32, #tpu.memory_space<vmem>>
    %dma_wait3A_1442 = arith.constant 0 : i32
    %dma_wait3A_1443 = tpu.memref_slice %arg5[%dma_wait3A_1435, %dma_wait3A_1442] : memref<32x50xi32, #tpu.memory_space<vmem>> -> memref<1x50xi32, #tpu.memory_space<vmem>>
    %dma_wait3A_1444 = tpu.memref_squeeze %dma_wait3A_1443 : memref<1x50xi32, #tpu.memory_space<vmem>> -> memref<50xi32, #tpu.memory_space<vmem>>
    %dma_wait3A_1445 = arith.constant 0 : i32
    %dma_wait3A_1446 = arith.constant 0 : i32
    %dma_wait3A_1447 = tpu.memref_slice %arg3[%dma_wait3A_1445, %dma_wait3A_1446] : memref<100000x64xf32, #tpu.memory_space<hbm>> -> memref<100000x64xf32, #tpu.memory_space<hbm>>
    tpu.wait_indirect_dma semaphore(%arg8 : memref<!tpu.dma_semaphore, #tpu.memory_space<semaphore_mem>>) src(%dma_wait3A_1447 : memref<100000x64xf32, #tpu.memory_space<hbm>>) dst(%dma_wait3A_1441 : memref<50x64xf32, #tpu.memory_space<vmem>>)
    %dma_wait3A_1448 = arith.constant 0 : i32
    %dma_wait3A_1449 = arith.constant 0 : i32
    %dma_wait3A_1450 = arith.constant 2 : i32
    %dma_wait3A_1451 = arith.constant 0 : i32
    %dma_wait3A_1452 = arith.constant 0 : i32
    %dma_wait3A_1453 = tpu.memref_slice %arg6[%dma_wait3A_1449, %dma_wait3A_1450, %dma_wait3A_1451, %dma_wait3A_1452] : memref<2x8x50x64xf32, #tpu.memory_space<vmem>> -> memref<1x1x50x64xf32, #tpu.memory_space<vmem>>
    %dma_wait3A_1454 = tpu.memref_squeeze %dma_wait3A_1453 : memref<1x1x50x64xf32, #tpu.memory_space<vmem>> -> memref<50x64xf32, #tpu.memory_space<vmem>>
    %dma_wait3A_1455 = arith.constant 0 : i32
    %dma_wait3A_1456 = tpu.memref_slice %arg5[%dma_wait3A_1448, %dma_wait3A_1455] : memref<32x50xi32, #tpu.memory_space<vmem>> -> memref<1x50xi32, #tpu.memory_space<vmem>>
    %dma_wait3A_1457 = tpu.memref_squeeze %dma_wait3A_1456 : memref<1x50xi32, #tpu.memory_space<vmem>> -> memref<50xi32, #tpu.memory_space<vmem>>
    %dma_wait3A_1458 = arith.constant 0 : i32
    %dma_wait3A_1459 = arith.constant 0 : i32
    %dma_wait3A_1460 = tpu.memref_slice %arg3[%dma_wait3A_1458, %dma_wait3A_1459] : memref<100000x64xf32, #tpu.memory_space<hbm>> -> memref<100000x64xf32, #tpu.memory_space<hbm>>
    tpu.wait_indirect_dma semaphore(%arg8 : memref<!tpu.dma_semaphore, #tpu.memory_space<semaphore_mem>>) src(%dma_wait3A_1460 : memref<100000x64xf32, #tpu.memory_space<hbm>>) dst(%dma_wait3A_1454 : memref<50x64xf32, #tpu.memory_space<vmem>>)
    %dma_wait3A_1461 = arith.constant 0 : i32
    %dma_wait3A_1462 = arith.constant 0 : i32
    %dma_wait3A_1463 = arith.constant 3 : i32
    %dma_wait3A_1464 = arith.constant 0 : i32
    %dma_wait3A_1465 = arith.constant 0 : i32
    %dma_wait3A_1466 = tpu.memref_slice %arg6[%dma_wait3A_1462, %dma_wait3A_1463, %dma_wait3A_1464, %dma_wait3A_1465] : memref<2x8x50x64xf32, #tpu.memory_space<vmem>> -> memref<1x1x50x64xf32, #tpu.memory_space<vmem>>
    %dma_wait3A_1467 = tpu.memref_squeeze %dma_wait3A_1466 : memref<1x1x50x64xf32, #tpu.memory_space<vmem>> -> memref<50x64xf32, #tpu.memory_space<vmem>>
    %dma_wait3A_1468 = arith.constant 0 : i32
    %dma_wait3A_1469 = tpu.memref_slice %arg5[%dma_wait3A_1461, %dma_wait3A_1468] : memref<32x50xi32, #tpu.memory_space<vmem>> -> memref<1x50xi32, #tpu.memory_space<vmem>>
    %dma_wait3A_1470 = tpu.memref_squeeze %dma_wait3A_1469 : memref<1x50xi32, #tpu.memory_space<vmem>> -> memref<50xi32, #tpu.memory_space<vmem>>
    %dma_wait3A_1471 = arith.constant 0 : i32
    %dma_wait3A_1472 = arith.constant 0 : i32
    %dma_wait3A_1473 = tpu.memref_slice %arg3[%dma_wait3A_1471, %dma_wait3A_1472] : memref<100000x64xf32, #tpu.memory_space<hbm>> -> memref<100000x64xf32, #tpu.memory_space<hbm>>
    tpu.wait_indirect_dma semaphore(%arg8 : memref<!tpu.dma_semaphore, #tpu.memory_space<semaphore_mem>>) src(%dma_wait3A_1473 : memref<100000x64xf32, #tpu.memory_space<hbm>>) dst(%dma_wait3A_1467 : memref<50x64xf32, #tpu.memory_space<vmem>>)
    %dma_wait3A_1474 = arith.constant 0 : i32
    %dma_wait3A_1475 = arith.constant 0 : i32
    %dma_wait3A_1476 = arith.constant 4 : i32
    %dma_wait3A_1477 = arith.constant 0 : i32
    %dma_wait3A_1478 = arith.constant 0 : i32
    %dma_wait3A_1479 = tpu.memref_slice %arg6[%dma_wait3A_1475, %dma_wait3A_1476, %dma_wait3A_1477, %dma_wait3A_1478] : memref<2x8x50x64xf32, #tpu.memory_space<vmem>> -> memref<1x1x50x64xf32, #tpu.memory_space<vmem>>
    %dma_wait3A_1480 = tpu.memref_squeeze %dma_wait3A_1479 : memref<1x1x50x64xf32, #tpu.memory_space<vmem>> -> memref<50x64xf32, #tpu.memory_space<vmem>>
    %dma_wait3A_1481 = arith.constant 0 : i32
    %dma_wait3A_1482 = tpu.memref_slice %arg5[%dma_wait3A_1474, %dma_wait3A_1481] : memref<32x50xi32, #tpu.memory_space<vmem>> -> memref<1x50xi32, #tpu.memory_space<vmem>>
    %dma_wait3A_1483 = tpu.memref_squeeze %dma_wait3A_1482 : memref<1x50xi32, #tpu.memory_space<vmem>> -> memref<50xi32, #tpu.memory_space<vmem>>
    %dma_wait3A_1484 = arith.constant 0 : i32
    %dma_wait3A_1485 = arith.constant 0 : i32
    %dma_wait3A_1486 = tpu.memref_slice %arg3[%dma_wait3A_1484, %dma_wait3A_1485] : memref<100000x64xf32, #tpu.memory_space<hbm>> -> memref<100000x64xf32, #tpu.memory_space<hbm>>
    tpu.wait_indirect_dma semaphore(%arg8 : memref<!tpu.dma_semaphore, #tpu.memory_space<semaphore_mem>>) src(%dma_wait3A_1486 : memref<100000x64xf32, #tpu.memory_space<hbm>>) dst(%dma_wait3A_1480 : memref<50x64xf32, #tpu.memory_space<vmem>>)
    %dma_wait3A_1487 = arith.constant 0 : i32
    %dma_wait3A_1488 = arith.constant 0 : i32
    %dma_wait3A_1489 = arith.constant 5 : i32
    %dma_wait3A_1490 = arith.constant 0 : i32
    %dma_wait3A_1491 = arith.constant 0 : i32
    %dma_wait3A_1492 = tpu.memref_slice %arg6[%dma_wait3A_1488, %dma_wait3A_1489, %dma_wait3A_1490, %dma_wait3A_1491] : memref<2x8x50x64xf32, #tpu.memory_space<vmem>> -> memref<1x1x50x64xf32, #tpu.memory_space<vmem>>
    %dma_wait3A_1493 = tpu.memref_squeeze %dma_wait3A_1492 : memref<1x1x50x64xf32, #tpu.memory_space<vmem>> -> memref<50x64xf32, #tpu.memory_space<vmem>>
    %dma_wait3A_1494 = arith.constant 0 : i32
    %dma_wait3A_1495 = tpu.memref_slice %arg5[%dma_wait3A_1487, %dma_wait3A_1494] : memref<32x50xi32, #tpu.memory_space<vmem>> -> memref<1x50xi32, #tpu.memory_space<vmem>>
    %dma_wait3A_1496 = tpu.memref_squeeze %dma_wait3A_1495 : memref<1x50xi32, #tpu.memory_space<vmem>> -> memref<50xi32, #tpu.memory_space<vmem>>
    %dma_wait3A_1497 = arith.constant 0 : i32
    %dma_wait3A_1498 = arith.constant 0 : i32
    %dma_wait3A_1499 = tpu.memref_slice %arg3[%dma_wait3A_1497, %dma_wait3A_1498] : memref<100000x64xf32, #tpu.memory_space<hbm>> -> memref<100000x64xf32, #tpu.memory_space<hbm>>
    tpu.wait_indirect_dma semaphore(%arg8 : memref<!tpu.dma_semaphore, #tpu.memory_space<semaphore_mem>>) src(%dma_wait3A_1499 : memref<100000x64xf32, #tpu.memory_space<hbm>>) dst(%dma_wait3A_1493 : memref<50x64xf32, #tpu.memory_space<vmem>>)
    %dma_wait3A_1500 = arith.constant 0 : i32
    %dma_wait3A_1501 = arith.constant 0 : i32
    %dma_wait3A_1502 = arith.constant 6 : i32
    %dma_wait3A_1503 = arith.constant 0 : i32
    %dma_wait3A_1504 = arith.constant 0 : i32
    %dma_wait3A_1505 = tpu.memref_slice %arg6[%dma_wait3A_1501, %dma_wait3A_1502, %dma_wait3A_1503, %dma_wait3A_1504] : memref<2x8x50x64xf32, #tpu.memory_space<vmem>> -> memref<1x1x50x64xf32, #tpu.memory_space<vmem>>
    %dma_wait3A_1506 = tpu.memref_squeeze %dma_wait3A_1505 : memref<1x1x50x64xf32, #tpu.memory_space<vmem>> -> memref<50x64xf32, #tpu.memory_space<vmem>>
    %dma_wait3A_1507 = arith.constant 0 : i32
    %dma_wait3A_1508 = tpu.memref_slice %arg5[%dma_wait3A_1500, %dma_wait3A_1507] : memref<32x50xi32, #tpu.memory_space<vmem>> -> memref<1x50xi32, #tpu.memory_space<vmem>>
    %dma_wait3A_1509 = tpu.memref_squeeze %dma_wait3A_1508 : memref<1x50xi32, #tpu.memory_space<vmem>> -> memref<50xi32, #tpu.memory_space<vmem>>
    %dma_wait3A_1510 = arith.constant 0 : i32
    %dma_wait3A_1511 = arith.constant 0 : i32
    %dma_wait3A_1512 = tpu.memref_slice %arg3[%dma_wait3A_1510, %dma_wait3A_1511] : memref<100000x64xf32, #tpu.memory_space<hbm>> -> memref<100000x64xf32, #tpu.memory_space<hbm>>
    tpu.wait_indirect_dma semaphore(%arg8 : memref<!tpu.dma_semaphore, #tpu.memory_space<semaphore_mem>>) src(%dma_wait3A_1512 : memref<100000x64xf32, #tpu.memory_space<hbm>>) dst(%dma_wait3A_1506 : memref<50x64xf32, #tpu.memory_space<vmem>>)
    %dma_wait3A_1513 = arith.constant 0 : i32
    %dma_wait3A_1514 = arith.constant 0 : i32
    %dma_wait3A_1515 = arith.constant 7 : i32
    %dma_wait3A_1516 = arith.constant 0 : i32
    %dma_wait3A_1517 = arith.constant 0 : i32
    %dma_wait3A_1518 = tpu.memref_slice %arg6[%dma_wait3A_1514, %dma_wait3A_1515, %dma_wait3A_1516, %dma_wait3A_1517] : memref<2x8x50x64xf32, #tpu.memory_space<vmem>> -> memref<1x1x50x64xf32, #tpu.memory_space<vmem>>
    %dma_wait3A_1519 = tpu.memref_squeeze %dma_wait3A_1518 : memref<1x1x50x64xf32, #tpu.memory_space<vmem>> -> memref<50x64xf32, #tpu.memory_space<vmem>>
    %dma_wait3A_1520 = arith.constant 0 : i32
    %dma_wait3A_1521 = tpu.memref_slice %arg5[%dma_wait3A_1513, %dma_wait3A_1520] : memref<32x50xi32, #tpu.memory_space<vmem>> -> memref<1x50xi32, #tpu.memory_space<vmem>>
    %dma_wait3A_1522 = tpu.memref_squeeze %dma_wait3A_1521 : memref<1x50xi32, #tpu.memory_space<vmem>> -> memref<50xi32, #tpu.memory_space<vmem>>
    %dma_wait3A_1523 = arith.constant 0 : i32
    %dma_wait3A_1524 = arith.constant 0 : i32
    %dma_wait3A_1525 = tpu.memref_slice %arg3[%dma_wait3A_1523, %dma_wait3A_1524] : memref<100000x64xf32, #tpu.memory_space<hbm>> -> memref<100000x64xf32, #tpu.memory_space<hbm>>
    tpu.wait_indirect_dma semaphore(%arg8 : memref<!tpu.dma_semaphore, #tpu.memory_space<semaphore_mem>>) src(%dma_wait3A_1525 : memref<100000x64xf32, #tpu.memory_space<hbm>>) dst(%dma_wait3A_1519 : memref<50x64xf32, #tpu.memory_space<vmem>>)
    %broadcast_in_dim3A_1526 = arith.constant 0.000000e+00 : f32
    %broadcast_in_dim3A_1527 = vector.broadcast %broadcast_in_dim3A_1526 : f32 to vector<16xf32>
    %broadcast_in_dim3A_1528 = arith.constant 0.000000e+00 : f32
    %broadcast_in_dim3A_1529 = vector.broadcast %broadcast_in_dim3A_1528 : f32 to vector<16xf32>
    %broadcast_in_dim3A_1530 = arith.constant 0.000000e+00 : f32
    %broadcast_in_dim3A_1531 = vector.broadcast %broadcast_in_dim3A_1530 : f32 to vector<16xf32>
    %broadcast_in_dim3A_1532 = arith.constant 0.000000e+00 : f32
    %broadcast_in_dim3A_1533 = vector.broadcast %broadcast_in_dim3A_1532 : f32 to vector<16xf32>
    %scan3A_1534 = arith.constant 0 : i32
    %scan3A_1535 = arith.constant 50 : i32
    %scan3A_1536 = arith.addi %scan3A_1534, %scan3A_1535 : i32
    %scan3A_1537 = arith.constant 1 : i32
    %scan3A_1538:4 = scf.for %scan3A_2430 = %scan3A_1534 to %scan3A_1536 step %scan3A_1537 iter_args(%scan3A_2431 = %broadcast_in_dim3A_1527, %scan3A_2432 = %broadcast_in_dim3A_1529, %scan3A_2433 = %broadcast_in_dim3A_1531, %scan3A_2434 = %broadcast_in_dim3A_1533) -> (vector<16xf32>, vector<16xf32>, vector<16xf32>, vector<16xf32>)  : i32 {
      %get3A = arith.constant 0 : i32
      %get3A_2435 = arith.constant 0 : i32
      %get3A_2436 = arith.index_cast %get3A : i32 to index
      %get3A_2437 = arith.index_cast %get3A_2435 : i32 to index
      %get3A_2438 = arith.index_cast %scan3A_2430 : i32 to index
      %get3A_2439 = arith.constant 0 : index
      %get3A_2440 = tpu.vector_load %arg6[%get3A_2436, %get3A_2437, %get3A_2438, %get3A_2439] {strides = array<i32>} : memref<2x8x50x64xf32, #tpu.memory_space<vmem>>, vector<1x1x1x16xf32>,
      %get3A_2441 = vector.shape_cast %get3A_2440 : vector<1x1x1x16xf32> to vector<16xf32>
      %add3A_2442 = arith.addf %scan3A_2431, %get3A_2441 : vector<16xf32>
      %get3A_2443 = arith.constant 0 : i32
      %get3A_2444 = arith.constant 0 : i32
      %get3A_2445 = arith.index_cast %get3A_2443 : i32 to index
      %get3A_2446 = arith.index_cast %get3A_2444 : i32 to index
      %get3A_2447 = arith.index_cast %scan3A_2430 : i32 to index
      %get3A_2448 = arith.constant 16 : index
      %get3A_2449 = tpu.vector_load %arg6[%get3A_2445, %get3A_2446, %get3A_2447, %get3A_2448] {strides = array<i32>} : memref<2x8x50x64xf32, #tpu.memory_space<vmem>>, vector<1x1x1x16xf32>,
      %get3A_2450 = vector.shape_cast %get3A_2449 : vector<1x1x1x16xf32> to vector<16xf32>
      %add3A_2451 = arith.addf %scan3A_2432, %get3A_2450 : vector<16xf32>
      %get3A_2452 = arith.constant 0 : i32
      %get3A_2453 = arith.constant 0 : i32
      %get3A_2454 = arith.index_cast %get3A_2452 : i32 to index
      %get3A_2455 = arith.index_cast %get3A_2453 : i32 to index
      %get3A_2456 = arith.index_cast %scan3A_2430 : i32 to index
      %get3A_2457 = arith.constant 32 : index
      %get3A_2458 = tpu.vector_load %arg6[%get3A_2454, %get3A_2455, %get3A_2456, %get3A_2457] {strides = array<i32>} : memref<2x8x50x64xf32, #tpu.memory_space<vmem>>, vector<1x1x1x16xf32>,
      %get3A_2459 = vector.shape_cast %get3A_2458 : vector<1x1x1x16xf32> to vector<16xf32>
      %add3A_2460 = arith.addf %scan3A_2433, %get3A_2459 : vector<16xf32>
      %get3A_2461 = arith.constant 0 : i32
      %get3A_2462 = arith.constant 0 : i32
      %get3A_2463 = arith.index_cast %get3A_2461 : i32 to index
      %get3A_2464 = arith.index_cast %get3A_2462 : i32 to index
      %get3A_2465 = arith.index_cast %scan3A_2430 : i32 to index
      %get3A_2466 = arith.constant 48 : index
      %get3A_2467 = tpu.vector_load %arg6[%get3A_2463, %get3A_2464, %get3A_2465, %get3A_2466] {strides = array<i32>} : memref<2x8x50x64xf32, #tpu.memory_space<vmem>>, vector<1x1x1x16xf32>,
      %get3A_2468 = vector.shape_cast %get3A_2467 : vector<1x1x1x16xf32> to vector<16xf32>
      %add3A_2469 = arith.addf %scan3A_2434, %get3A_2468 : vector<16xf32>
      scf.yield %add3A_2442, %add3A_2451, %add3A_2460, %add3A_2469 : vector<16xf32>, vector<16xf32>, vector<16xf32>, vector<16xf32>
    }
    %scan3A_1539 = arith.constant 50 : i32
    %mul3A_1540 = arith.constant 2.000000e-02 : f32
    %mul3A_1541 = vector.broadcast %mul3A_1540 : f32 to vector<16xf32>
    %mul3A_1542 = arith.mulf %scan3A_1538#0, %mul3A_1541 : vector<16xf32>
    %swap3A_1543 = arith.constant 16 : i32
    %swap3A_1544 = arith.index_cast %swap3A_1543 : i32 to index
    %swap3A_1545 = arith.constant 0 : index
    %swap3A_1546 = tpu.vector_load %arg7[%swap3A_1544, %swap3A_1545] {strides = array<i32>} : memref<32x64xf32, #tpu.memory_space<vmem>>, vector<1x16xf32>,
    %swap3A_1547 = vector.shape_cast %swap3A_1546 : vector<1x16xf32> to vector<16xf32>
    %swap3A_1548 = vector.shape_cast %mul3A_1542 : vector<16xf32> to vector<1x16xf32>
    tpu.vector_store %arg7[%swap3A_1544, %swap3A_1545], %swap3A_1548 {strides = array<i32>} : memref<32x64xf32, #tpu.memory_space<vmem>>, vector<1x16xf32>,
    %mul3A_1549 = arith.constant 2.000000e-02 : f32
    %mul3A_1550 = vector.broadcast %mul3A_1549 : f32 to vector<16xf32>
    %mul3A_1551 = arith.mulf %scan3A_1538#1, %mul3A_1550 : vector<16xf32>
    %swap3A_1552 = arith.constant 16 : i32
    %swap3A_1553 = arith.index_cast %swap3A_1552 : i32 to index
    %swap3A_1554 = arith.constant 16 : index
    %swap3A_1555 = tpu.vector_load %arg7[%swap3A_1553, %swap3A_1554] {strides = array<i32>} : memref<32x64xf32, #tpu.memory_space<vmem>>, vector<1x16xf32>,
    %swap3A_1556 = vector.shape_cast %swap3A_1555 : vector<1x16xf32> to vector<16xf32>
    %swap3A_1557 = vector.shape_cast %mul3A_1551 : vector<16xf32> to vector<1x16xf32>
    tpu.vector_store %arg7[%swap3A_1553, %swap3A_1554], %swap3A_1557 {strides = array<i32>} : memref<32x64xf32, #tpu.memory_space<vmem>>, vector<1x16xf32>,
    %mul3A_1558 = arith.constant 2.000000e-02 : f32
    %mul3A_1559 = vector.broadcast %mul3A_1558 : f32 to vector<16xf32>
    %mul3A_1560 = arith.mulf %scan3A_1538#2, %mul3A_1559 : vector<16xf32>
    %swap3A_1561 = arith.constant 16 : i32
    %swap3A_1562 = arith.index_cast %swap3A_1561 : i32 to index
    %swap3A_1563 = arith.constant 32 : index
    %swap3A_1564 = tpu.vector_load %arg7[%swap3A_1562, %swap3A_1563] {strides = array<i32>} : memref<32x64xf32, #tpu.memory_space<vmem>>, vector<1x16xf32>,
    %swap3A_1565 = vector.shape_cast %swap3A_1564 : vector<1x16xf32> to vector<16xf32>
    %swap3A_1566 = vector.shape_cast %mul3A_1560 : vector<16xf32> to vector<1x16xf32>
    tpu.vector_store %arg7[%swap3A_1562, %swap3A_1563], %swap3A_1566 {strides = array<i32>} : memref<32x64xf32, #tpu.memory_space<vmem>>, vector<1x16xf32>,
    %mul3A_1567 = arith.constant 2.000000e-02 : f32
    %mul3A_1568 = vector.broadcast %mul3A_1567 : f32 to vector<16xf32>
    %mul3A_1569 = arith.mulf %scan3A_1538#3, %mul3A_1568 : vector<16xf32>
    %swap3A_1570 = arith.constant 16 : i32
    %swap3A_1571 = arith.index_cast %swap3A_1570 : i32 to index
    %swap3A_1572 = arith.constant 48 : index
    %swap3A_1573 = tpu.vector_load %arg7[%swap3A_1571, %swap3A_1572] {strides = array<i32>} : memref<32x64xf32, #tpu.memory_space<vmem>>, vector<1x16xf32>,
    %swap3A_1574 = vector.shape_cast %swap3A_1573 : vector<1x16xf32> to vector<16xf32>
    %swap3A_1575 = vector.shape_cast %mul3A_1569 : vector<16xf32> to vector<1x16xf32>
    tpu.vector_store %arg7[%swap3A_1571, %swap3A_1572], %swap3A_1575 {strides = array<i32>} : memref<32x64xf32, #tpu.memory_space<vmem>>, vector<1x16xf32>,
    %broadcast_in_dim3A_1576 = arith.constant 0.000000e+00 : f32
    %broadcast_in_dim3A_1577 = vector.broadcast %broadcast_in_dim3A_1576 : f32 to vector<16xf32>
    %broadcast_in_dim3A_1578 = arith.constant 0.000000e+00 : f32
    %broadcast_in_dim3A_1579 = vector.broadcast %broadcast_in_dim3A_1578 : f32 to vector<16xf32>
    %broadcast_in_dim3A_1580 = arith.constant 0.000000e+00 : f32
    %broadcast_in_dim3A_1581 = vector.broadcast %broadcast_in_dim3A_1580 : f32 to vector<16xf32>
    %broadcast_in_dim3A_1582 = arith.constant 0.000000e+00 : f32
    %broadcast_in_dim3A_1583 = vector.broadcast %broadcast_in_dim3A_1582 : f32 to vector<16xf32>
    %scan3A_1584 = arith.constant 0 : i32
    %scan3A_1585 = arith.constant 50 : i32
    %scan3A_1586 = arith.addi %scan3A_1584, %scan3A_1585 : i32
    %scan3A_1587 = arith.constant 1 : i32
    %scan3A_1588:4 = scf.for %scan3A_2430 = %scan3A_1584 to %scan3A_1586 step %scan3A_1587 iter_args(%scan3A_2431 = %broadcast_in_dim3A_1577, %scan3A_2432 = %broadcast_in_dim3A_1579, %scan3A_2433 = %broadcast_in_dim3A_1581, %scan3A_2434 = %broadcast_in_dim3A_1583) -> (vector<16xf32>, vector<16xf32>, vector<16xf32>, vector<16xf32>)  : i32 {
      %get3A = arith.constant 0 : i32
      %get3A_2435 = arith.constant 1 : i32
      %get3A_2436 = arith.index_cast %get3A : i32 to index
      %get3A_2437 = arith.index_cast %get3A_2435 : i32 to index
      %get3A_2438 = arith.index_cast %scan3A_2430 : i32 to index
      %get3A_2439 = arith.constant 0 : index
      %get3A_2440 = tpu.vector_load %arg6[%get3A_2436, %get3A_2437, %get3A_2438, %get3A_2439] {strides = array<i32>} : memref<2x8x50x64xf32, #tpu.memory_space<vmem>>, vector<1x1x1x16xf32>,
      %get3A_2441 = vector.shape_cast %get3A_2440 : vector<1x1x1x16xf32> to vector<16xf32>
      %add3A_2442 = arith.addf %scan3A_2431, %get3A_2441 : vector<16xf32>
      %get3A_2443 = arith.constant 0 : i32
      %get3A_2444 = arith.constant 1 : i32
      %get3A_2445 = arith.index_cast %get3A_2443 : i32 to index
      %get3A_2446 = arith.index_cast %get3A_2444 : i32 to index
      %get3A_2447 = arith.index_cast %scan3A_2430 : i32 to index
      %get3A_2448 = arith.constant 16 : index
      %get3A_2449 = tpu.vector_load %arg6[%get3A_2445, %get3A_2446, %get3A_2447, %get3A_2448] {strides = array<i32>} : memref<2x8x50x64xf32, #tpu.memory_space<vmem>>, vector<1x1x1x16xf32>,
      %get3A_2450 = vector.shape_cast %get3A_2449 : vector<1x1x1x16xf32> to vector<16xf32>
      %add3A_2451 = arith.addf %scan3A_2432, %get3A_2450 : vector<16xf32>
      %get3A_2452 = arith.constant 0 : i32
      %get3A_2453 = arith.constant 1 : i32
      %get3A_2454 = arith.index_cast %get3A_2452 : i32 to index
      %get3A_2455 = arith.index_cast %get3A_2453 : i32 to index
      %get3A_2456 = arith.index_cast %scan3A_2430 : i32 to index
      %get3A_2457 = arith.constant 32 : index
      %get3A_2458 = tpu.vector_load %arg6[%get3A_2454, %get3A_2455, %get3A_2456, %get3A_2457] {strides = array<i32>} : memref<2x8x50x64xf32, #tpu.memory_space<vmem>>, vector<1x1x1x16xf32>,
      %get3A_2459 = vector.shape_cast %get3A_2458 : vector<1x1x1x16xf32> to vector<16xf32>
      %add3A_2460 = arith.addf %scan3A_2433, %get3A_2459 : vector<16xf32>
      %get3A_2461 = arith.constant 0 : i32
      %get3A_2462 = arith.constant 1 : i32
      %get3A_2463 = arith.index_cast %get3A_2461 : i32 to index
      %get3A_2464 = arith.index_cast %get3A_2462 : i32 to index
      %get3A_2465 = arith.index_cast %scan3A_2430 : i32 to index
      %get3A_2466 = arith.constant 48 : index
      %get3A_2467 = tpu.vector_load %arg6[%get3A_2463, %get3A_2464, %get3A_2465, %get3A_2466] {strides = array<i32>} : memref<2x8x50x64xf32, #tpu.memory_space<vmem>>, vector<1x1x1x16xf32>,
      %get3A_2468 = vector.shape_cast %get3A_2467 : vector<1x1x1x16xf32> to vector<16xf32>
      %add3A_2469 = arith.addf %scan3A_2434, %get3A_2468 : vector<16xf32>
      scf.yield %add3A_2442, %add3A_2451, %add3A_2460, %add3A_2469 : vector<16xf32>, vector<16xf32>, vector<16xf32>, vector<16xf32>
    }
    %scan3A_1589 = arith.constant 50 : i32
    %mul3A_1590 = arith.constant 2.000000e-02 : f32
    %mul3A_1591 = vector.broadcast %mul3A_1590 : f32 to vector<16xf32>
    %mul3A_1592 = arith.mulf %scan3A_1588#0, %mul3A_1591 : vector<16xf32>
    %swap3A_1593 = arith.constant 17 : i32
    %swap3A_1594 = arith.index_cast %swap3A_1593 : i32 to index
    %swap3A_1595 = arith.constant 0 : index
    %swap3A_1596 = tpu.vector_load %arg7[%swap3A_1594, %swap3A_1595] {strides = array<i32>} : memref<32x64xf32, #tpu.memory_space<vmem>>, vector<1x16xf32>,
    %swap3A_1597 = vector.shape_cast %swap3A_1596 : vector<1x16xf32> to vector<16xf32>
    %swap3A_1598 = vector.shape_cast %mul3A_1592 : vector<16xf32> to vector<1x16xf32>
    tpu.vector_store %arg7[%swap3A_1594, %swap3A_1595], %swap3A_1598 {strides = array<i32>} : memref<32x64xf32, #tpu.memory_space<vmem>>, vector<1x16xf32>,
    %mul3A_1599 = arith.constant 2.000000e-02 : f32
    %mul3A_1600 = vector.broadcast %mul3A_1599 : f32 to vector<16xf32>
    %mul3A_1601 = arith.mulf %scan3A_1588#1, %mul3A_1600 : vector<16xf32>
    %swap3A_1602 = arith.constant 17 : i32
    %swap3A_1603 = arith.index_cast %swap3A_1602 : i32 to index
    %swap3A_1604 = arith.constant 16 : index
    %swap3A_1605 = tpu.vector_load %arg7[%swap3A_1603, %swap3A_1604] {strides = array<i32>} : memref<32x64xf32, #tpu.memory_space<vmem>>, vector<1x16xf32>,
    %swap3A_1606 = vector.shape_cast %swap3A_1605 : vector<1x16xf32> to vector<16xf32>
    %swap3A_1607 = vector.shape_cast %mul3A_1601 : vector<16xf32> to vector<1x16xf32>
    tpu.vector_store %arg7[%swap3A_1603, %swap3A_1604], %swap3A_1607 {strides = array<i32>} : memref<32x64xf32, #tpu.memory_space<vmem>>, vector<1x16xf32>,
    %mul3A_1608 = arith.constant 2.000000e-02 : f32
    %mul3A_1609 = vector.broadcast %mul3A_1608 : f32 to vector<16xf32>
    %mul3A_1610 = arith.mulf %scan3A_1588#2, %mul3A_1609 : vector<16xf32>
    %swap3A_1611 = arith.constant 17 : i32
    %swap3A_1612 = arith.index_cast %swap3A_1611 : i32 to index
    %swap3A_1613 = arith.constant 32 : index
    %swap3A_1614 = tpu.vector_load %arg7[%swap3A_1612, %swap3A_1613] {strides = array<i32>} : memref<32x64xf32, #tpu.memory_space<vmem>>, vector<1x16xf32>,
    %swap3A_1615 = vector.shape_cast %swap3A_1614 : vector<1x16xf32> to vector<16xf32>
    %swap3A_1616 = vector.shape_cast %mul3A_1610 : vector<16xf32> to vector<1x16xf32>
    tpu.vector_store %arg7[%swap3A_1612, %swap3A_1613], %swap3A_1616 {strides = array<i32>} : memref<32x64xf32, #tpu.memory_space<vmem>>, vector<1x16xf32>,
    %mul3A_1617 = arith.constant 2.000000e-02 : f32
    %mul3A_1618 = vector.broadcast %mul3A_1617 : f32 to vector<16xf32>
    %mul3A_1619 = arith.mulf %scan3A_1588#3, %mul3A_1618 : vector<16xf32>
    %swap3A_1620 = arith.constant 17 : i32
    %swap3A_1621 = arith.index_cast %swap3A_1620 : i32 to index
    %swap3A_1622 = arith.constant 48 : index
    %swap3A_1623 = tpu.vector_load %arg7[%swap3A_1621, %swap3A_1622] {strides = array<i32>} : memref<32x64xf32, #tpu.memory_space<vmem>>, vector<1x16xf32>,
    %swap3A_1624 = vector.shape_cast %swap3A_1623 : vector<1x16xf32> to vector<16xf32>
    %swap3A_1625 = vector.shape_cast %mul3A_1619 : vector<16xf32> to vector<1x16xf32>
    tpu.vector_store %arg7[%swap3A_1621, %swap3A_1622], %swap3A_1625 {strides = array<i32>} : memref<32x64xf32, #tpu.memory_space<vmem>>, vector<1x16xf32>,
    %broadcast_in_dim3A_1626 = arith.constant 0.000000e+00 : f32
    %broadcast_in_dim3A_1627 = vector.broadcast %broadcast_in_dim3A_1626 : f32 to vector<16xf32>
    %broadcast_in_dim3A_1628 = arith.constant 0.000000e+00 : f32
    %broadcast_in_dim3A_1629 = vector.broadcast %broadcast_in_dim3A_1628 : f32 to vector<16xf32>
    %broadcast_in_dim3A_1630 = arith.constant 0.000000e+00 : f32
    %broadcast_in_dim3A_1631 = vector.broadcast %broadcast_in_dim3A_1630 : f32 to vector<16xf32>
    %broadcast_in_dim3A_1632 = arith.constant 0.000000e+00 : f32
    %broadcast_in_dim3A_1633 = vector.broadcast %broadcast_in_dim3A_1632 : f32 to vector<16xf32>
    %scan3A_1634 = arith.constant 0 : i32
    %scan3A_1635 = arith.constant 50 : i32
    %scan3A_1636 = arith.addi %scan3A_1634, %scan3A_1635 : i32
    %scan3A_1637 = arith.constant 1 : i32
    %scan3A_1638:4 = scf.for %scan3A_2430 = %scan3A_1634 to %scan3A_1636 step %scan3A_1637 iter_args(%scan3A_2431 = %broadcast_in_dim3A_1627, %scan3A_2432 = %broadcast_in_dim3A_1629, %scan3A_2433 = %broadcast_in_dim3A_1631, %scan3A_2434 = %broadcast_in_dim3A_1633) -> (vector<16xf32>, vector<16xf32>, vector<16xf32>, vector<16xf32>)  : i32 {
      %get3A = arith.constant 0 : i32
      %get3A_2435 = arith.constant 2 : i32
      %get3A_2436 = arith.index_cast %get3A : i32 to index
      %get3A_2437 = arith.index_cast %get3A_2435 : i32 to index
      %get3A_2438 = arith.index_cast %scan3A_2430 : i32 to index
      %get3A_2439 = arith.constant 0 : index
      %get3A_2440 = tpu.vector_load %arg6[%get3A_2436, %get3A_2437, %get3A_2438, %get3A_2439] {strides = array<i32>} : memref<2x8x50x64xf32, #tpu.memory_space<vmem>>, vector<1x1x1x16xf32>,
      %get3A_2441 = vector.shape_cast %get3A_2440 : vector<1x1x1x16xf32> to vector<16xf32>
      %add3A_2442 = arith.addf %scan3A_2431, %get3A_2441 : vector<16xf32>
      %get3A_2443 = arith.constant 0 : i32
      %get3A_2444 = arith.constant 2 : i32
      %get3A_2445 = arith.index_cast %get3A_2443 : i32 to index
      %get3A_2446 = arith.index_cast %get3A_2444 : i32 to index
      %get3A_2447 = arith.index_cast %scan3A_2430 : i32 to index
      %get3A_2448 = arith.constant 16 : index
      %get3A_2449 = tpu.vector_load %arg6[%get3A_2445, %get3A_2446, %get3A_2447, %get3A_2448] {strides = array<i32>} : memref<2x8x50x64xf32, #tpu.memory_space<vmem>>, vector<1x1x1x16xf32>,
      %get3A_2450 = vector.shape_cast %get3A_2449 : vector<1x1x1x16xf32> to vector<16xf32>
      %add3A_2451 = arith.addf %scan3A_2432, %get3A_2450 : vector<16xf32>
      %get3A_2452 = arith.constant 0 : i32
      %get3A_2453 = arith.constant 2 : i32
      %get3A_2454 = arith.index_cast %get3A_2452 : i32 to index
      %get3A_2455 = arith.index_cast %get3A_2453 : i32 to index
      %get3A_2456 = arith.index_cast %scan3A_2430 : i32 to index
      %get3A_2457 = arith.constant 32 : index
      %get3A_2458 = tpu.vector_load %arg6[%get3A_2454, %get3A_2455, %get3A_2456, %get3A_2457] {strides = array<i32>} : memref<2x8x50x64xf32, #tpu.memory_space<vmem>>, vector<1x1x1x16xf32>,
      %get3A_2459 = vector.shape_cast %get3A_2458 : vector<1x1x1x16xf32> to vector<16xf32>
      %add3A_2460 = arith.addf %scan3A_2433, %get3A_2459 : vector<16xf32>
      %get3A_2461 = arith.constant 0 : i32
      %get3A_2462 = arith.constant 2 : i32
      %get3A_2463 = arith.index_cast %get3A_2461 : i32 to index
      %get3A_2464 = arith.index_cast %get3A_2462 : i32 to index
      %get3A_2465 = arith.index_cast %scan3A_2430 : i32 to index
      %get3A_2466 = arith.constant 48 : index
      %get3A_2467 = tpu.vector_load %arg6[%get3A_2463, %get3A_2464, %get3A_2465, %get3A_2466] {strides = array<i32>} : memref<2x8x50x64xf32, #tpu.memory_space<vmem>>, vector<1x1x1x16xf32>,
      %get3A_2468 = vector.shape_cast %get3A_2467 : vector<1x1x1x16xf32> to vector<16xf32>
      %add3A_2469 = arith.addf %scan3A_2434, %get3A_2468 : vector<16xf32>
      scf.yield %add3A_2442, %add3A_2451, %add3A_2460, %add3A_2469 : vector<16xf32>, vector<16xf32>, vector<16xf32>, vector<16xf32>
    }
    %scan3A_1639 = arith.constant 50 : i32
    %mul3A_1640 = arith.constant 2.000000e-02 : f32
    %mul3A_1641 = vector.broadcast %mul3A_1640 : f32 to vector<16xf32>
    %mul3A_1642 = arith.mulf %scan3A_1638#0, %mul3A_1641 : vector<16xf32>
    %swap3A_1643 = arith.constant 18 : i32
    %swap3A_1644 = arith.index_cast %swap3A_1643 : i32 to index
    %swap3A_1645 = arith.constant 0 : index
    %swap3A_1646 = tpu.vector_load %arg7[%swap3A_1644, %swap3A_1645] {strides = array<i32>} : memref<32x64xf32, #tpu.memory_space<vmem>>, vector<1x16xf32>,
    %swap3A_1647 = vector.shape_cast %swap3A_1646 : vector<1x16xf32> to vector<16xf32>
    %swap3A_1648 = vector.shape_cast %mul3A_1642 : vector<16xf32> to vector<1x16xf32>
    tpu.vector_store %arg7[%swap3A_1644, %swap3A_1645], %swap3A_1648 {strides = array<i32>} : memref<32x64xf32, #tpu.memory_space<vmem>>, vector<1x16xf32>,
    %mul3A_1649 = arith.constant 2.000000e-02 : f32
    %mul3A_1650 = vector.broadcast %mul3A_1649 : f32 to vector<16xf32>
    %mul3A_1651 = arith.mulf %scan3A_1638#1, %mul3A_1650 : vector<16xf32>
    %swap3A_1652 = arith.constant 18 : i32
    %swap3A_1653 = arith.index_cast %swap3A_1652 : i32 to index
    %swap3A_1654 = arith.constant 16 : index
    %swap3A_1655 = tpu.vector_load %arg7[%swap3A_1653, %swap3A_1654] {strides = array<i32>} : memref<32x64xf32, #tpu.memory_space<vmem>>, vector<1x16xf32>,
    %swap3A_1656 = vector.shape_cast %swap3A_1655 : vector<1x16xf32> to vector<16xf32>
    %swap3A_1657 = vector.shape_cast %mul3A_1651 : vector<16xf32> to vector<1x16xf32>
    tpu.vector_store %arg7[%swap3A_1653, %swap3A_1654], %swap3A_1657 {strides = array<i32>} : memref<32x64xf32, #tpu.memory_space<vmem>>, vector<1x16xf32>,
    %mul3A_1658 = arith.constant 2.000000e-02 : f32
    %mul3A_1659 = vector.broadcast %mul3A_1658 : f32 to vector<16xf32>
    %mul3A_1660 = arith.mulf %scan3A_1638#2, %mul3A_1659 : vector<16xf32>
    %swap3A_1661 = arith.constant 18 : i32
    %swap3A_1662 = arith.index_cast %swap3A_1661 : i32 to index
    %swap3A_1663 = arith.constant 32 : index
    %swap3A_1664 = tpu.vector_load %arg7[%swap3A_1662, %swap3A_1663] {strides = array<i32>} : memref<32x64xf32, #tpu.memory_space<vmem>>, vector<1x16xf32>,
    %swap3A_1665 = vector.shape_cast %swap3A_1664 : vector<1x16xf32> to vector<16xf32>
    %swap3A_1666 = vector.shape_cast %mul3A_1660 : vector<16xf32> to vector<1x16xf32>
    tpu.vector_store %arg7[%swap3A_1662, %swap3A_1663], %swap3A_1666 {strides = array<i32>} : memref<32x64xf32, #tpu.memory_space<vmem>>, vector<1x16xf32>,
    %mul3A_1667 = arith.constant 2.000000e-02 : f32
    %mul3A_1668 = vector.broadcast %mul3A_1667 : f32 to vector<16xf32>
    %mul3A_1669 = arith.mulf %scan3A_1638#3, %mul3A_1668 : vector<16xf32>
    %swap3A_1670 = arith.constant 18 : i32
    %swap3A_1671 = arith.index_cast %swap3A_1670 : i32 to index
    %swap3A_1672 = arith.constant 48 : index
    %swap3A_1673 = tpu.vector_load %arg7[%swap3A_1671, %swap3A_1672] {strides = array<i32>} : memref<32x64xf32, #tpu.memory_space<vmem>>, vector<1x16xf32>,
    %swap3A_1674 = vector.shape_cast %swap3A_1673 : vector<1x16xf32> to vector<16xf32>
    %swap3A_1675 = vector.shape_cast %mul3A_1669 : vector<16xf32> to vector<1x16xf32>
    tpu.vector_store %arg7[%swap3A_1671, %swap3A_1672], %swap3A_1675 {strides = array<i32>} : memref<32x64xf32, #tpu.memory_space<vmem>>, vector<1x16xf32>,
    %broadcast_in_dim3A_1676 = arith.constant 0.000000e+00 : f32
    %broadcast_in_dim3A_1677 = vector.broadcast %broadcast_in_dim3A_1676 : f32 to vector<16xf32>
    %broadcast_in_dim3A_1678 = arith.constant 0.000000e+00 : f32
    %broadcast_in_dim3A_1679 = vector.broadcast %broadcast_in_dim3A_1678 : f32 to vector<16xf32>
    %broadcast_in_dim3A_1680 = arith.constant 0.000000e+00 : f32
    %broadcast_in_dim3A_1681 = vector.broadcast %broadcast_in_dim3A_1680 : f32 to vector<16xf32>
    %broadcast_in_dim3A_1682 = arith.constant 0.000000e+00 : f32
    %broadcast_in_dim3A_1683 = vector.broadcast %broadcast_in_dim3A_1682 : f32 to vector<16xf32>
    %scan3A_1684 = arith.constant 0 : i32
    %scan3A_1685 = arith.constant 50 : i32
    %scan3A_1686 = arith.addi %scan3A_1684, %scan3A_1685 : i32
    %scan3A_1687 = arith.constant 1 : i32
    %scan3A_1688:4 = scf.for %scan3A_2430 = %scan3A_1684 to %scan3A_1686 step %scan3A_1687 iter_args(%scan3A_2431 = %broadcast_in_dim3A_1677, %scan3A_2432 = %broadcast_in_dim3A_1679, %scan3A_2433 = %broadcast_in_dim3A_1681, %scan3A_2434 = %broadcast_in_dim3A_1683) -> (vector<16xf32>, vector<16xf32>, vector<16xf32>, vector<16xf32>)  : i32 {
      %get3A = arith.constant 0 : i32
      %get3A_2435 = arith.constant 3 : i32
      %get3A_2436 = arith.index_cast %get3A : i32 to index
      %get3A_2437 = arith.index_cast %get3A_2435 : i32 to index
      %get3A_2438 = arith.index_cast %scan3A_2430 : i32 to index
      %get3A_2439 = arith.constant 0 : index
      %get3A_2440 = tpu.vector_load %arg6[%get3A_2436, %get3A_2437, %get3A_2438, %get3A_2439] {strides = array<i32>} : memref<2x8x50x64xf32, #tpu.memory_space<vmem>>, vector<1x1x1x16xf32>,
      %get3A_2441 = vector.shape_cast %get3A_2440 : vector<1x1x1x16xf32> to vector<16xf32>
      %add3A_2442 = arith.addf %scan3A_2431, %get3A_2441 : vector<16xf32>
      %get3A_2443 = arith.constant 0 : i32
      %get3A_2444 = arith.constant 3 : i32
      %get3A_2445 = arith.index_cast %get3A_2443 : i32 to index
      %get3A_2446 = arith.index_cast %get3A_2444 : i32 to index
      %get3A_2447 = arith.index_cast %scan3A_2430 : i32 to index
      %get3A_2448 = arith.constant 16 : index
      %get3A_2449 = tpu.vector_load %arg6[%get3A_2445, %get3A_2446, %get3A_2447, %get3A_2448] {strides = array<i32>} : memref<2x8x50x64xf32, #tpu.memory_space<vmem>>, vector<1x1x1x16xf32>,
      %get3A_2450 = vector.shape_cast %get3A_2449 : vector<1x1x1x16xf32> to vector<16xf32>
      %add3A_2451 = arith.addf %scan3A_2432, %get3A_2450 : vector<16xf32>
      %get3A_2452 = arith.constant 0 : i32
      %get3A_2453 = arith.constant 3 : i32
      %get3A_2454 = arith.index_cast %get3A_2452 : i32 to index
      %get3A_2455 = arith.index_cast %get3A_2453 : i32 to index
      %get3A_2456 = arith.index_cast %scan3A_2430 : i32 to index
      %get3A_2457 = arith.constant 32 : index
      %get3A_2458 = tpu.vector_load %arg6[%get3A_2454, %get3A_2455, %get3A_2456, %get3A_2457] {strides = array<i32>} : memref<2x8x50x64xf32, #tpu.memory_space<vmem>>, vector<1x1x1x16xf32>,
      %get3A_2459 = vector.shape_cast %get3A_2458 : vector<1x1x1x16xf32> to vector<16xf32>
      %add3A_2460 = arith.addf %scan3A_2433, %get3A_2459 : vector<16xf32>
      %get3A_2461 = arith.constant 0 : i32
      %get3A_2462 = arith.constant 3 : i32
      %get3A_2463 = arith.index_cast %get3A_2461 : i32 to index
      %get3A_2464 = arith.index_cast %get3A_2462 : i32 to index
      %get3A_2465 = arith.index_cast %scan3A_2430 : i32 to index
      %get3A_2466 = arith.constant 48 : index
      %get3A_2467 = tpu.vector_load %arg6[%get3A_2463, %get3A_2464, %get3A_2465, %get3A_2466] {strides = array<i32>} : memref<2x8x50x64xf32, #tpu.memory_space<vmem>>, vector<1x1x1x16xf32>,
      %get3A_2468 = vector.shape_cast %get3A_2467 : vector<1x1x1x16xf32> to vector<16xf32>
      %add3A_2469 = arith.addf %scan3A_2434, %get3A_2468 : vector<16xf32>
      scf.yield %add3A_2442, %add3A_2451, %add3A_2460, %add3A_2469 : vector<16xf32>, vector<16xf32>, vector<16xf32>, vector<16xf32>
    }
    %scan3A_1689 = arith.constant 50 : i32
    %mul3A_1690 = arith.constant 2.000000e-02 : f32
    %mul3A_1691 = vector.broadcast %mul3A_1690 : f32 to vector<16xf32>
    %mul3A_1692 = arith.mulf %scan3A_1688#0, %mul3A_1691 : vector<16xf32>
    %swap3A_1693 = arith.constant 19 : i32
    %swap3A_1694 = arith.index_cast %swap3A_1693 : i32 to index
    %swap3A_1695 = arith.constant 0 : index
    %swap3A_1696 = tpu.vector_load %arg7[%swap3A_1694, %swap3A_1695] {strides = array<i32>} : memref<32x64xf32, #tpu.memory_space<vmem>>, vector<1x16xf32>,
    %swap3A_1697 = vector.shape_cast %swap3A_1696 : vector<1x16xf32> to vector<16xf32>
    %swap3A_1698 = vector.shape_cast %mul3A_1692 : vector<16xf32> to vector<1x16xf32>
    tpu.vector_store %arg7[%swap3A_1694, %swap3A_1695], %swap3A_1698 {strides = array<i32>} : memref<32x64xf32, #tpu.memory_space<vmem>>, vector<1x16xf32>,
    %mul3A_1699 = arith.constant 2.000000e-02 : f32
    %mul3A_1700 = vector.broadcast %mul3A_1699 : f32 to vector<16xf32>
    %mul3A_1701 = arith.mulf %scan3A_1688#1, %mul3A_1700 : vector<16xf32>
    %swap3A_1702 = arith.constant 19 : i32
    %swap3A_1703 = arith.index_cast %swap3A_1702 : i32 to index
    %swap3A_1704 = arith.constant 16 : index
    %swap3A_1705 = tpu.vector_load %arg7[%swap3A_1703, %swap3A_1704] {strides = array<i32>} : memref<32x64xf32, #tpu.memory_space<vmem>>, vector<1x16xf32>,
    %swap3A_1706 = vector.shape_cast %swap3A_1705 : vector<1x16xf32> to vector<16xf32>
    %swap3A_1707 = vector.shape_cast %mul3A_1701 : vector<16xf32> to vector<1x16xf32>
    tpu.vector_store %arg7[%swap3A_1703, %swap3A_1704], %swap3A_1707 {strides = array<i32>} : memref<32x64xf32, #tpu.memory_space<vmem>>, vector<1x16xf32>,
    %mul3A_1708 = arith.constant 2.000000e-02 : f32
    %mul3A_1709 = vector.broadcast %mul3A_1708 : f32 to vector<16xf32>
    %mul3A_1710 = arith.mulf %scan3A_1688#2, %mul3A_1709 : vector<16xf32>
    %swap3A_1711 = arith.constant 19 : i32
    %swap3A_1712 = arith.index_cast %swap3A_1711 : i32 to index
    %swap3A_1713 = arith.constant 32 : index
    %swap3A_1714 = tpu.vector_load %arg7[%swap3A_1712, %swap3A_1713] {strides = array<i32>} : memref<32x64xf32, #tpu.memory_space<vmem>>, vector<1x16xf32>,
    %swap3A_1715 = vector.shape_cast %swap3A_1714 : vector<1x16xf32> to vector<16xf32>
    %swap3A_1716 = vector.shape_cast %mul3A_1710 : vector<16xf32> to vector<1x16xf32>
    tpu.vector_store %arg7[%swap3A_1712, %swap3A_1713], %swap3A_1716 {strides = array<i32>} : memref<32x64xf32, #tpu.memory_space<vmem>>, vector<1x16xf32>,
    %mul3A_1717 = arith.constant 2.000000e-02 : f32
    %mul3A_1718 = vector.broadcast %mul3A_1717 : f32 to vector<16xf32>
    %mul3A_1719 = arith.mulf %scan3A_1688#3, %mul3A_1718 : vector<16xf32>
    %swap3A_1720 = arith.constant 19 : i32
    %swap3A_1721 = arith.index_cast %swap3A_1720 : i32 to index
    %swap3A_1722 = arith.constant 48 : index
    %swap3A_1723 = tpu.vector_load %arg7[%swap3A_1721, %swap3A_1722] {strides = array<i32>} : memref<32x64xf32, #tpu.memory_space<vmem>>, vector<1x16xf32>,
    %swap3A_1724 = vector.shape_cast %swap3A_1723 : vector<1x16xf32> to vector<16xf32>
    %swap3A_1725 = vector.shape_cast %mul3A_1719 : vector<16xf32> to vector<1x16xf32>
    tpu.vector_store %arg7[%swap3A_1721, %swap3A_1722], %swap3A_1725 {strides = array<i32>} : memref<32x64xf32, #tpu.memory_space<vmem>>, vector<1x16xf32>,
    %broadcast_in_dim3A_1726 = arith.constant 0.000000e+00 : f32
    %broadcast_in_dim3A_1727 = vector.broadcast %broadcast_in_dim3A_1726 : f32 to vector<16xf32>
    %broadcast_in_dim3A_1728 = arith.constant 0.000000e+00 : f32
    %broadcast_in_dim3A_1729 = vector.broadcast %broadcast_in_dim3A_1728 : f32 to vector<16xf32>
    %broadcast_in_dim3A_1730 = arith.constant 0.000000e+00 : f32
    %broadcast_in_dim3A_1731 = vector.broadcast %broadcast_in_dim3A_1730 : f32 to vector<16xf32>
    %broadcast_in_dim3A_1732 = arith.constant 0.000000e+00 : f32
    %broadcast_in_dim3A_1733 = vector.broadcast %broadcast_in_dim3A_1732 : f32 to vector<16xf32>
    %scan3A_1734 = arith.constant 0 : i32
    %scan3A_1735 = arith.constant 50 : i32
    %scan3A_1736 = arith.addi %scan3A_1734, %scan3A_1735 : i32
    %scan3A_1737 = arith.constant 1 : i32
    %scan3A_1738:4 = scf.for %scan3A_2430 = %scan3A_1734 to %scan3A_1736 step %scan3A_1737 iter_args(%scan3A_2431 = %broadcast_in_dim3A_1727, %scan3A_2432 = %broadcast_in_dim3A_1729, %scan3A_2433 = %broadcast_in_dim3A_1731, %scan3A_2434 = %broadcast_in_dim3A_1733) -> (vector<16xf32>, vector<16xf32>, vector<16xf32>, vector<16xf32>)  : i32 {
      %get3A = arith.constant 0 : i32
      %get3A_2435 = arith.constant 4 : i32
      %get3A_2436 = arith.index_cast %get3A : i32 to index
      %get3A_2437 = arith.index_cast %get3A_2435 : i32 to index
      %get3A_2438 = arith.index_cast %scan3A_2430 : i32 to index
      %get3A_2439 = arith.constant 0 : index
      %get3A_2440 = tpu.vector_load %arg6[%get3A_2436, %get3A_2437, %get3A_2438, %get3A_2439] {strides = array<i32>} : memref<2x8x50x64xf32, #tpu.memory_space<vmem>>, vector<1x1x1x16xf32>,
      %get3A_2441 = vector.shape_cast %get3A_2440 : vector<1x1x1x16xf32> to vector<16xf32>
      %add3A_2442 = arith.addf %scan3A_2431, %get3A_2441 : vector<16xf32>
      %get3A_2443 = arith.constant 0 : i32
      %get3A_2444 = arith.constant 4 : i32
      %get3A_2445 = arith.index_cast %get3A_2443 : i32 to index
      %get3A_2446 = arith.index_cast %get3A_2444 : i32 to index
      %get3A_2447 = arith.index_cast %scan3A_2430 : i32 to index
      %get3A_2448 = arith.constant 16 : index
      %get3A_2449 = tpu.vector_load %arg6[%get3A_2445, %get3A_2446, %get3A_2447, %get3A_2448] {strides = array<i32>} : memref<2x8x50x64xf32, #tpu.memory_space<vmem>>, vector<1x1x1x16xf32>,
      %get3A_2450 = vector.shape_cast %get3A_2449 : vector<1x1x1x16xf32> to vector<16xf32>
      %add3A_2451 = arith.addf %scan3A_2432, %get3A_2450 : vector<16xf32>
      %get3A_2452 = arith.constant 0 : i32
      %get3A_2453 = arith.constant 4 : i32
      %get3A_2454 = arith.index_cast %get3A_2452 : i32 to index
      %get3A_2455 = arith.index_cast %get3A_2453 : i32 to index
      %get3A_2456 = arith.index_cast %scan3A_2430 : i32 to index
      %get3A_2457 = arith.constant 32 : index
      %get3A_2458 = tpu.vector_load %arg6[%get3A_2454, %get3A_2455, %get3A_2456, %get3A_2457] {strides = array<i32>} : memref<2x8x50x64xf32, #tpu.memory_space<vmem>>, vector<1x1x1x16xf32>,
      %get3A_2459 = vector.shape_cast %get3A_2458 : vector<1x1x1x16xf32> to vector<16xf32>
      %add3A_2460 = arith.addf %scan3A_2433, %get3A_2459 : vector<16xf32>
      %get3A_2461 = arith.constant 0 : i32
      %get3A_2462 = arith.constant 4 : i32
      %get3A_2463 = arith.index_cast %get3A_2461 : i32 to index
      %get3A_2464 = arith.index_cast %get3A_2462 : i32 to index
      %get3A_2465 = arith.index_cast %scan3A_2430 : i32 to index
      %get3A_2466 = arith.constant 48 : index
      %get3A_2467 = tpu.vector_load %arg6[%get3A_2463, %get3A_2464, %get3A_2465, %get3A_2466] {strides = array<i32>} : memref<2x8x50x64xf32, #tpu.memory_space<vmem>>, vector<1x1x1x16xf32>,
      %get3A_2468 = vector.shape_cast %get3A_2467 : vector<1x1x1x16xf32> to vector<16xf32>
      %add3A_2469 = arith.addf %scan3A_2434, %get3A_2468 : vector<16xf32>
      scf.yield %add3A_2442, %add3A_2451, %add3A_2460, %add3A_2469 : vector<16xf32>, vector<16xf32>, vector<16xf32>, vector<16xf32>
    }
    %scan3A_1739 = arith.constant 50 : i32
    %mul3A_1740 = arith.constant 2.000000e-02 : f32
    %mul3A_1741 = vector.broadcast %mul3A_1740 : f32 to vector<16xf32>
    %mul3A_1742 = arith.mulf %scan3A_1738#0, %mul3A_1741 : vector<16xf32>
    %swap3A_1743 = arith.constant 20 : i32
    %swap3A_1744 = arith.index_cast %swap3A_1743 : i32 to index
    %swap3A_1745 = arith.constant 0 : index
    %swap3A_1746 = tpu.vector_load %arg7[%swap3A_1744, %swap3A_1745] {strides = array<i32>} : memref<32x64xf32, #tpu.memory_space<vmem>>, vector<1x16xf32>,
    %swap3A_1747 = vector.shape_cast %swap3A_1746 : vector<1x16xf32> to vector<16xf32>
    %swap3A_1748 = vector.shape_cast %mul3A_1742 : vector<16xf32> to vector<1x16xf32>
    tpu.vector_store %arg7[%swap3A_1744, %swap3A_1745], %swap3A_1748 {strides = array<i32>} : memref<32x64xf32, #tpu.memory_space<vmem>>, vector<1x16xf32>,
    %mul3A_1749 = arith.constant 2.000000e-02 : f32
    %mul3A_1750 = vector.broadcast %mul3A_1749 : f32 to vector<16xf32>
    %mul3A_1751 = arith.mulf %scan3A_1738#1, %mul3A_1750 : vector<16xf32>
    %swap3A_1752 = arith.constant 20 : i32
    %swap3A_1753 = arith.index_cast %swap3A_1752 : i32 to index
    %swap3A_1754 = arith.constant 16 : index
    %swap3A_1755 = tpu.vector_load %arg7[%swap3A_1753, %swap3A_1754] {strides = array<i32>} : memref<32x64xf32, #tpu.memory_space<vmem>>, vector<1x16xf32>,
    %swap3A_1756 = vector.shape_cast %swap3A_1755 : vector<1x16xf32> to vector<16xf32>
    %swap3A_1757 = vector.shape_cast %mul3A_1751 : vector<16xf32> to vector<1x16xf32>
    tpu.vector_store %arg7[%swap3A_1753, %swap3A_1754], %swap3A_1757 {strides = array<i32>} : memref<32x64xf32, #tpu.memory_space<vmem>>, vector<1x16xf32>,
    %mul3A_1758 = arith.constant 2.000000e-02 : f32
    %mul3A_1759 = vector.broadcast %mul3A_1758 : f32 to vector<16xf32>
    %mul3A_1760 = arith.mulf %scan3A_1738#2, %mul3A_1759 : vector<16xf32>
    %swap3A_1761 = arith.constant 20 : i32
    %swap3A_1762 = arith.index_cast %swap3A_1761 : i32 to index
    %swap3A_1763 = arith.constant 32 : index
    %swap3A_1764 = tpu.vector_load %arg7[%swap3A_1762, %swap3A_1763] {strides = array<i32>} : memref<32x64xf32, #tpu.memory_space<vmem>>, vector<1x16xf32>,
    %swap3A_1765 = vector.shape_cast %swap3A_1764 : vector<1x16xf32> to vector<16xf32>
    %swap3A_1766 = vector.shape_cast %mul3A_1760 : vector<16xf32> to vector<1x16xf32>
    tpu.vector_store %arg7[%swap3A_1762, %swap3A_1763], %swap3A_1766 {strides = array<i32>} : memref<32x64xf32, #tpu.memory_space<vmem>>, vector<1x16xf32>,
    %mul3A_1767 = arith.constant 2.000000e-02 : f32
    %mul3A_1768 = vector.broadcast %mul3A_1767 : f32 to vector<16xf32>
    %mul3A_1769 = arith.mulf %scan3A_1738#3, %mul3A_1768 : vector<16xf32>
    %swap3A_1770 = arith.constant 20 : i32
    %swap3A_1771 = arith.index_cast %swap3A_1770 : i32 to index
    %swap3A_1772 = arith.constant 48 : index
    %swap3A_1773 = tpu.vector_load %arg7[%swap3A_1771, %swap3A_1772] {strides = array<i32>} : memref<32x64xf32, #tpu.memory_space<vmem>>, vector<1x16xf32>,
    %swap3A_1774 = vector.shape_cast %swap3A_1773 : vector<1x16xf32> to vector<16xf32>
    %swap3A_1775 = vector.shape_cast %mul3A_1769 : vector<16xf32> to vector<1x16xf32>
    tpu.vector_store %arg7[%swap3A_1771, %swap3A_1772], %swap3A_1775 {strides = array<i32>} : memref<32x64xf32, #tpu.memory_space<vmem>>, vector<1x16xf32>,
    %broadcast_in_dim3A_1776 = arith.constant 0.000000e+00 : f32
    %broadcast_in_dim3A_1777 = vector.broadcast %broadcast_in_dim3A_1776 : f32 to vector<16xf32>
    %broadcast_in_dim3A_1778 = arith.constant 0.000000e+00 : f32
    %broadcast_in_dim3A_1779 = vector.broadcast %broadcast_in_dim3A_1778 : f32 to vector<16xf32>
    %broadcast_in_dim3A_1780 = arith.constant 0.000000e+00 : f32
    %broadcast_in_dim3A_1781 = vector.broadcast %broadcast_in_dim3A_1780 : f32 to vector<16xf32>
    %broadcast_in_dim3A_1782 = arith.constant 0.000000e+00 : f32
    %broadcast_in_dim3A_1783 = vector.broadcast %broadcast_in_dim3A_1782 : f32 to vector<16xf32>
    %scan3A_1784 = arith.constant 0 : i32
    %scan3A_1785 = arith.constant 50 : i32
    %scan3A_1786 = arith.addi %scan3A_1784, %scan3A_1785 : i32
    %scan3A_1787 = arith.constant 1 : i32
    %scan3A_1788:4 = scf.for %scan3A_2430 = %scan3A_1784 to %scan3A_1786 step %scan3A_1787 iter_args(%scan3A_2431 = %broadcast_in_dim3A_1777, %scan3A_2432 = %broadcast_in_dim3A_1779, %scan3A_2433 = %broadcast_in_dim3A_1781, %scan3A_2434 = %broadcast_in_dim3A_1783) -> (vector<16xf32>, vector<16xf32>, vector<16xf32>, vector<16xf32>)  : i32 {
      %get3A = arith.constant 0 : i32
      %get3A_2435 = arith.constant 5 : i32
      %get3A_2436 = arith.index_cast %get3A : i32 to index
      %get3A_2437 = arith.index_cast %get3A_2435 : i32 to index
      %get3A_2438 = arith.index_cast %scan3A_2430 : i32 to index
      %get3A_2439 = arith.constant 0 : index
      %get3A_2440 = tpu.vector_load %arg6[%get3A_2436, %get3A_2437, %get3A_2438, %get3A_2439] {strides = array<i32>} : memref<2x8x50x64xf32, #tpu.memory_space<vmem>>, vector<1x1x1x16xf32>,
      %get3A_2441 = vector.shape_cast %get3A_2440 : vector<1x1x1x16xf32> to vector<16xf32>
      %add3A_2442 = arith.addf %scan3A_2431, %get3A_2441 : vector<16xf32>
      %get3A_2443 = arith.constant 0 : i32
      %get3A_2444 = arith.constant 5 : i32
      %get3A_2445 = arith.index_cast %get3A_2443 : i32 to index
      %get3A_2446 = arith.index_cast %get3A_2444 : i32 to index
      %get3A_2447 = arith.index_cast %scan3A_2430 : i32 to index
      %get3A_2448 = arith.constant 16 : index
      %get3A_2449 = tpu.vector_load %arg6[%get3A_2445, %get3A_2446, %get3A_2447, %get3A_2448] {strides = array<i32>} : memref<2x8x50x64xf32, #tpu.memory_space<vmem>>, vector<1x1x1x16xf32>,
      %get3A_2450 = vector.shape_cast %get3A_2449 : vector<1x1x1x16xf32> to vector<16xf32>
      %add3A_2451 = arith.addf %scan3A_2432, %get3A_2450 : vector<16xf32>
      %get3A_2452 = arith.constant 0 : i32
      %get3A_2453 = arith.constant 5 : i32
      %get3A_2454 = arith.index_cast %get3A_2452 : i32 to index
      %get3A_2455 = arith.index_cast %get3A_2453 : i32 to index
      %get3A_2456 = arith.index_cast %scan3A_2430 : i32 to index
      %get3A_2457 = arith.constant 32 : index
      %get3A_2458 = tpu.vector_load %arg6[%get3A_2454, %get3A_2455, %get3A_2456, %get3A_2457] {strides = array<i32>} : memref<2x8x50x64xf32, #tpu.memory_space<vmem>>, vector<1x1x1x16xf32>,
      %get3A_2459 = vector.shape_cast %get3A_2458 : vector<1x1x1x16xf32> to vector<16xf32>
      %add3A_2460 = arith.addf %scan3A_2433, %get3A_2459 : vector<16xf32>
      %get3A_2461 = arith.constant 0 : i32
      %get3A_2462 = arith.constant 5 : i32
      %get3A_2463 = arith.index_cast %get3A_2461 : i32 to index
      %get3A_2464 = arith.index_cast %get3A_2462 : i32 to index
      %get3A_2465 = arith.index_cast %scan3A_2430 : i32 to index
      %get3A_2466 = arith.constant 48 : index
      %get3A_2467 = tpu.vector_load %arg6[%get3A_2463, %get3A_2464, %get3A_2465, %get3A_2466] {strides = array<i32>} : memref<2x8x50x64xf32, #tpu.memory_space<vmem>>, vector<1x1x1x16xf32>,
      %get3A_2468 = vector.shape_cast %get3A_2467 : vector<1x1x1x16xf32> to vector<16xf32>
      %add3A_2469 = arith.addf %scan3A_2434, %get3A_2468 : vector<16xf32>
      scf.yield %add3A_2442, %add3A_2451, %add3A_2460, %add3A_2469 : vector<16xf32>, vector<16xf32>, vector<16xf32>, vector<16xf32>
    }
    %scan3A_1789 = arith.constant 50 : i32
    %mul3A_1790 = arith.constant 2.000000e-02 : f32
    %mul3A_1791 = vector.broadcast %mul3A_1790 : f32 to vector<16xf32>
    %mul3A_1792 = arith.mulf %scan3A_1788#0, %mul3A_1791 : vector<16xf32>
    %swap3A_1793 = arith.constant 21 : i32
    %swap3A_1794 = arith.index_cast %swap3A_1793 : i32 to index
    %swap3A_1795 = arith.constant 0 : index
    %swap3A_1796 = tpu.vector_load %arg7[%swap3A_1794, %swap3A_1795] {strides = array<i32>} : memref<32x64xf32, #tpu.memory_space<vmem>>, vector<1x16xf32>,
    %swap3A_1797 = vector.shape_cast %swap3A_1796 : vector<1x16xf32> to vector<16xf32>
    %swap3A_1798 = vector.shape_cast %mul3A_1792 : vector<16xf32> to vector<1x16xf32>
    tpu.vector_store %arg7[%swap3A_1794, %swap3A_1795], %swap3A_1798 {strides = array<i32>} : memref<32x64xf32, #tpu.memory_space<vmem>>, vector<1x16xf32>,
    %mul3A_1799 = arith.constant 2.000000e-02 : f32
    %mul3A_1800 = vector.broadcast %mul3A_1799 : f32 to vector<16xf32>
    %mul3A_1801 = arith.mulf %scan3A_1788#1, %mul3A_1800 : vector<16xf32>
    %swap3A_1802 = arith.constant 21 : i32
    %swap3A_1803 = arith.index_cast %swap3A_1802 : i32 to index
    %swap3A_1804 = arith.constant 16 : index
    %swap3A_1805 = tpu.vector_load %arg7[%swap3A_1803, %swap3A_1804] {strides = array<i32>} : memref<32x64xf32, #tpu.memory_space<vmem>>, vector<1x16xf32>,
    %swap3A_1806 = vector.shape_cast %swap3A_1805 : vector<1x16xf32> to vector<16xf32>
    %swap3A_1807 = vector.shape_cast %mul3A_1801 : vector<16xf32> to vector<1x16xf32>
    tpu.vector_store %arg7[%swap3A_1803, %swap3A_1804], %swap3A_1807 {strides = array<i32>} : memref<32x64xf32, #tpu.memory_space<vmem>>, vector<1x16xf32>,
    %mul3A_1808 = arith.constant 2.000000e-02 : f32
    %mul3A_1809 = vector.broadcast %mul3A_1808 : f32 to vector<16xf32>
    %mul3A_1810 = arith.mulf %scan3A_1788#2, %mul3A_1809 : vector<16xf32>
    %swap3A_1811 = arith.constant 21 : i32
    %swap3A_1812 = arith.index_cast %swap3A_1811 : i32 to index
    %swap3A_1813 = arith.constant 32 : index
    %swap3A_1814 = tpu.vector_load %arg7[%swap3A_1812, %swap3A_1813] {strides = array<i32>} : memref<32x64xf32, #tpu.memory_space<vmem>>, vector<1x16xf32>,
    %swap3A_1815 = vector.shape_cast %swap3A_1814 : vector<1x16xf32> to vector<16xf32>
    %swap3A_1816 = vector.shape_cast %mul3A_1810 : vector<16xf32> to vector<1x16xf32>
    tpu.vector_store %arg7[%swap3A_1812, %swap3A_1813], %swap3A_1816 {strides = array<i32>} : memref<32x64xf32, #tpu.memory_space<vmem>>, vector<1x16xf32>,
    %mul3A_1817 = arith.constant 2.000000e-02 : f32
    %mul3A_1818 = vector.broadcast %mul3A_1817 : f32 to vector<16xf32>
    %mul3A_1819 = arith.mulf %scan3A_1788#3, %mul3A_1818 : vector<16xf32>
    %swap3A_1820 = arith.constant 21 : i32
    %swap3A_1821 = arith.index_cast %swap3A_1820 : i32 to index
    %swap3A_1822 = arith.constant 48 : index
    %swap3A_1823 = tpu.vector_load %arg7[%swap3A_1821, %swap3A_1822] {strides = array<i32>} : memref<32x64xf32, #tpu.memory_space<vmem>>, vector<1x16xf32>,
    %swap3A_1824 = vector.shape_cast %swap3A_1823 : vector<1x16xf32> to vector<16xf32>
    %swap3A_1825 = vector.shape_cast %mul3A_1819 : vector<16xf32> to vector<1x16xf32>
    tpu.vector_store %arg7[%swap3A_1821, %swap3A_1822], %swap3A_1825 {strides = array<i32>} : memref<32x64xf32, #tpu.memory_space<vmem>>, vector<1x16xf32>,
    %broadcast_in_dim3A_1826 = arith.constant 0.000000e+00 : f32
    %broadcast_in_dim3A_1827 = vector.broadcast %broadcast_in_dim3A_1826 : f32 to vector<16xf32>
    %broadcast_in_dim3A_1828 = arith.constant 0.000000e+00 : f32
    %broadcast_in_dim3A_1829 = vector.broadcast %broadcast_in_dim3A_1828 : f32 to vector<16xf32>
    %broadcast_in_dim3A_1830 = arith.constant 0.000000e+00 : f32
    %broadcast_in_dim3A_1831 = vector.broadcast %broadcast_in_dim3A_1830 : f32 to vector<16xf32>
    %broadcast_in_dim3A_1832 = arith.constant 0.000000e+00 : f32
    %broadcast_in_dim3A_1833 = vector.broadcast %broadcast_in_dim3A_1832 : f32 to vector<16xf32>
    %scan3A_1834 = arith.constant 0 : i32
    %scan3A_1835 = arith.constant 50 : i32
    %scan3A_1836 = arith.addi %scan3A_1834, %scan3A_1835 : i32
    %scan3A_1837 = arith.constant 1 : i32
    %scan3A_1838:4 = scf.for %scan3A_2430 = %scan3A_1834 to %scan3A_1836 step %scan3A_1837 iter_args(%scan3A_2431 = %broadcast_in_dim3A_1827, %scan3A_2432 = %broadcast_in_dim3A_1829, %scan3A_2433 = %broadcast_in_dim3A_1831, %scan3A_2434 = %broadcast_in_dim3A_1833) -> (vector<16xf32>, vector<16xf32>, vector<16xf32>, vector<16xf32>)  : i32 {
      %get3A = arith.constant 0 : i32
      %get3A_2435 = arith.constant 6 : i32
      %get3A_2436 = arith.index_cast %get3A : i32 to index
      %get3A_2437 = arith.index_cast %get3A_2435 : i32 to index
      %get3A_2438 = arith.index_cast %scan3A_2430 : i32 to index
      %get3A_2439 = arith.constant 0 : index
      %get3A_2440 = tpu.vector_load %arg6[%get3A_2436, %get3A_2437, %get3A_2438, %get3A_2439] {strides = array<i32>} : memref<2x8x50x64xf32, #tpu.memory_space<vmem>>, vector<1x1x1x16xf32>,
      %get3A_2441 = vector.shape_cast %get3A_2440 : vector<1x1x1x16xf32> to vector<16xf32>
      %add3A_2442 = arith.addf %scan3A_2431, %get3A_2441 : vector<16xf32>
      %get3A_2443 = arith.constant 0 : i32
      %get3A_2444 = arith.constant 6 : i32
      %get3A_2445 = arith.index_cast %get3A_2443 : i32 to index
      %get3A_2446 = arith.index_cast %get3A_2444 : i32 to index
      %get3A_2447 = arith.index_cast %scan3A_2430 : i32 to index
      %get3A_2448 = arith.constant 16 : index
      %get3A_2449 = tpu.vector_load %arg6[%get3A_2445, %get3A_2446, %get3A_2447, %get3A_2448] {strides = array<i32>} : memref<2x8x50x64xf32, #tpu.memory_space<vmem>>, vector<1x1x1x16xf32>,
      %get3A_2450 = vector.shape_cast %get3A_2449 : vector<1x1x1x16xf32> to vector<16xf32>
      %add3A_2451 = arith.addf %scan3A_2432, %get3A_2450 : vector<16xf32>
      %get3A_2452 = arith.constant 0 : i32
      %get3A_2453 = arith.constant 6 : i32
      %get3A_2454 = arith.index_cast %get3A_2452 : i32 to index
      %get3A_2455 = arith.index_cast %get3A_2453 : i32 to index
      %get3A_2456 = arith.index_cast %scan3A_2430 : i32 to index
      %get3A_2457 = arith.constant 32 : index
      %get3A_2458 = tpu.vector_load %arg6[%get3A_2454, %get3A_2455, %get3A_2456, %get3A_2457] {strides = array<i32>} : memref<2x8x50x64xf32, #tpu.memory_space<vmem>>, vector<1x1x1x16xf32>,
      %get3A_2459 = vector.shape_cast %get3A_2458 : vector<1x1x1x16xf32> to vector<16xf32>
      %add3A_2460 = arith.addf %scan3A_2433, %get3A_2459 : vector<16xf32>
      %get3A_2461 = arith.constant 0 : i32
      %get3A_2462 = arith.constant 6 : i32
      %get3A_2463 = arith.index_cast %get3A_2461 : i32 to index
      %get3A_2464 = arith.index_cast %get3A_2462 : i32 to index
      %get3A_2465 = arith.index_cast %scan3A_2430 : i32 to index
      %get3A_2466 = arith.constant 48 : index
      %get3A_2467 = tpu.vector_load %arg6[%get3A_2463, %get3A_2464, %get3A_2465, %get3A_2466] {strides = array<i32>} : memref<2x8x50x64xf32, #tpu.memory_space<vmem>>, vector<1x1x1x16xf32>,
      %get3A_2468 = vector.shape_cast %get3A_2467 : vector<1x1x1x16xf32> to vector<16xf32>
      %add3A_2469 = arith.addf %scan3A_2434, %get3A_2468 : vector<16xf32>
      scf.yield %add3A_2442, %add3A_2451, %add3A_2460, %add3A_2469 : vector<16xf32>, vector<16xf32>, vector<16xf32>, vector<16xf32>
    }
    %scan3A_1839 = arith.constant 50 : i32
    %mul3A_1840 = arith.constant 2.000000e-02 : f32
    %mul3A_1841 = vector.broadcast %mul3A_1840 : f32 to vector<16xf32>
    %mul3A_1842 = arith.mulf %scan3A_1838#0, %mul3A_1841 : vector<16xf32>
    %swap3A_1843 = arith.constant 22 : i32
    %swap3A_1844 = arith.index_cast %swap3A_1843 : i32 to index
    %swap3A_1845 = arith.constant 0 : index
    %swap3A_1846 = tpu.vector_load %arg7[%swap3A_1844, %swap3A_1845] {strides = array<i32>} : memref<32x64xf32, #tpu.memory_space<vmem>>, vector<1x16xf32>,
    %swap3A_1847 = vector.shape_cast %swap3A_1846 : vector<1x16xf32> to vector<16xf32>
    %swap3A_1848 = vector.shape_cast %mul3A_1842 : vector<16xf32> to vector<1x16xf32>
    tpu.vector_store %arg7[%swap3A_1844, %swap3A_1845], %swap3A_1848 {strides = array<i32>} : memref<32x64xf32, #tpu.memory_space<vmem>>, vector<1x16xf32>,
    %mul3A_1849 = arith.constant 2.000000e-02 : f32
    %mul3A_1850 = vector.broadcast %mul3A_1849 : f32 to vector<16xf32>
    %mul3A_1851 = arith.mulf %scan3A_1838#1, %mul3A_1850 : vector<16xf32>
    %swap3A_1852 = arith.constant 22 : i32
    %swap3A_1853 = arith.index_cast %swap3A_1852 : i32 to index
    %swap3A_1854 = arith.constant 16 : index
    %swap3A_1855 = tpu.vector_load %arg7[%swap3A_1853, %swap3A_1854] {strides = array<i32>} : memref<32x64xf32, #tpu.memory_space<vmem>>, vector<1x16xf32>,
    %swap3A_1856 = vector.shape_cast %swap3A_1855 : vector<1x16xf32> to vector<16xf32>
    %swap3A_1857 = vector.shape_cast %mul3A_1851 : vector<16xf32> to vector<1x16xf32>
    tpu.vector_store %arg7[%swap3A_1853, %swap3A_1854], %swap3A_1857 {strides = array<i32>} : memref<32x64xf32, #tpu.memory_space<vmem>>, vector<1x16xf32>,
    %mul3A_1858 = arith.constant 2.000000e-02 : f32
    %mul3A_1859 = vector.broadcast %mul3A_1858 : f32 to vector<16xf32>
    %mul3A_1860 = arith.mulf %scan3A_1838#2, %mul3A_1859 : vector<16xf32>
    %swap3A_1861 = arith.constant 22 : i32
    %swap3A_1862 = arith.index_cast %swap3A_1861 : i32 to index
    %swap3A_1863 = arith.constant 32 : index
    %swap3A_1864 = tpu.vector_load %arg7[%swap3A_1862, %swap3A_1863] {strides = array<i32>} : memref<32x64xf32, #tpu.memory_space<vmem>>, vector<1x16xf32>,
    %swap3A_1865 = vector.shape_cast %swap3A_1864 : vector<1x16xf32> to vector<16xf32>
    %swap3A_1866 = vector.shape_cast %mul3A_1860 : vector<16xf32> to vector<1x16xf32>
    tpu.vector_store %arg7[%swap3A_1862, %swap3A_1863], %swap3A_1866 {strides = array<i32>} : memref<32x64xf32, #tpu.memory_space<vmem>>, vector<1x16xf32>,
    %mul3A_1867 = arith.constant 2.000000e-02 : f32
    %mul3A_1868 = vector.broadcast %mul3A_1867 : f32 to vector<16xf32>
    %mul3A_1869 = arith.mulf %scan3A_1838#3, %mul3A_1868 : vector<16xf32>
    %swap3A_1870 = arith.constant 22 : i32
    %swap3A_1871 = arith.index_cast %swap3A_1870 : i32 to index
    %swap3A_1872 = arith.constant 48 : index
    %swap3A_1873 = tpu.vector_load %arg7[%swap3A_1871, %swap3A_1872] {strides = array<i32>} : memref<32x64xf32, #tpu.memory_space<vmem>>, vector<1x16xf32>,
    %swap3A_1874 = vector.shape_cast %swap3A_1873 : vector<1x16xf32> to vector<16xf32>
    %swap3A_1875 = vector.shape_cast %mul3A_1869 : vector<16xf32> to vector<1x16xf32>
    tpu.vector_store %arg7[%swap3A_1871, %swap3A_1872], %swap3A_1875 {strides = array<i32>} : memref<32x64xf32, #tpu.memory_space<vmem>>, vector<1x16xf32>,
    %broadcast_in_dim3A_1876 = arith.constant 0.000000e+00 : f32
    %broadcast_in_dim3A_1877 = vector.broadcast %broadcast_in_dim3A_1876 : f32 to vector<16xf32>
    %broadcast_in_dim3A_1878 = arith.constant 0.000000e+00 : f32
    %broadcast_in_dim3A_1879 = vector.broadcast %broadcast_in_dim3A_1878 : f32 to vector<16xf32>
    %broadcast_in_dim3A_1880 = arith.constant 0.000000e+00 : f32
    %broadcast_in_dim3A_1881 = vector.broadcast %broadcast_in_dim3A_1880 : f32 to vector<16xf32>
    %broadcast_in_dim3A_1882 = arith.constant 0.000000e+00 : f32
    %broadcast_in_dim3A_1883 = vector.broadcast %broadcast_in_dim3A_1882 : f32 to vector<16xf32>
    %scan3A_1884 = arith.constant 0 : i32
    %scan3A_1885 = arith.constant 50 : i32
    %scan3A_1886 = arith.addi %scan3A_1884, %scan3A_1885 : i32
    %scan3A_1887 = arith.constant 1 : i32
    %scan3A_1888:4 = scf.for %scan3A_2430 = %scan3A_1884 to %scan3A_1886 step %scan3A_1887 iter_args(%scan3A_2431 = %broadcast_in_dim3A_1877, %scan3A_2432 = %broadcast_in_dim3A_1879, %scan3A_2433 = %broadcast_in_dim3A_1881, %scan3A_2434 = %broadcast_in_dim3A_1883) -> (vector<16xf32>, vector<16xf32>, vector<16xf32>, vector<16xf32>)  : i32 {
      %get3A = arith.constant 0 : i32
      %get3A_2435 = arith.constant 7 : i32
      %get3A_2436 = arith.index_cast %get3A : i32 to index
      %get3A_2437 = arith.index_cast %get3A_2435 : i32 to index
      %get3A_2438 = arith.index_cast %scan3A_2430 : i32 to index
      %get3A_2439 = arith.constant 0 : index
      %get3A_2440 = tpu.vector_load %arg6[%get3A_2436, %get3A_2437, %get3A_2438, %get3A_2439] {strides = array<i32>} : memref<2x8x50x64xf32, #tpu.memory_space<vmem>>, vector<1x1x1x16xf32>,
      %get3A_2441 = vector.shape_cast %get3A_2440 : vector<1x1x1x16xf32> to vector<16xf32>
      %add3A_2442 = arith.addf %scan3A_2431, %get3A_2441 : vector<16xf32>
      %get3A_2443 = arith.constant 0 : i32
      %get3A_2444 = arith.constant 7 : i32
      %get3A_2445 = arith.index_cast %get3A_2443 : i32 to index
      %get3A_2446 = arith.index_cast %get3A_2444 : i32 to index
      %get3A_2447 = arith.index_cast %scan3A_2430 : i32 to index
      %get3A_2448 = arith.constant 16 : index
      %get3A_2449 = tpu.vector_load %arg6[%get3A_2445, %get3A_2446, %get3A_2447, %get3A_2448] {strides = array<i32>} : memref<2x8x50x64xf32, #tpu.memory_space<vmem>>, vector<1x1x1x16xf32>,
      %get3A_2450 = vector.shape_cast %get3A_2449 : vector<1x1x1x16xf32> to vector<16xf32>
      %add3A_2451 = arith.addf %scan3A_2432, %get3A_2450 : vector<16xf32>
      %get3A_2452 = arith.constant 0 : i32
      %get3A_2453 = arith.constant 7 : i32
      %get3A_2454 = arith.index_cast %get3A_2452 : i32 to index
      %get3A_2455 = arith.index_cast %get3A_2453 : i32 to index
      %get3A_2456 = arith.index_cast %scan3A_2430 : i32 to index
      %get3A_2457 = arith.constant 32 : index
      %get3A_2458 = tpu.vector_load %arg6[%get3A_2454, %get3A_2455, %get3A_2456, %get3A_2457] {strides = array<i32>} : memref<2x8x50x64xf32, #tpu.memory_space<vmem>>, vector<1x1x1x16xf32>,
      %get3A_2459 = vector.shape_cast %get3A_2458 : vector<1x1x1x16xf32> to vector<16xf32>
      %add3A_2460 = arith.addf %scan3A_2433, %get3A_2459 : vector<16xf32>
      %get3A_2461 = arith.constant 0 : i32
      %get3A_2462 = arith.constant 7 : i32
      %get3A_2463 = arith.index_cast %get3A_2461 : i32 to index
      %get3A_2464 = arith.index_cast %get3A_2462 : i32 to index
      %get3A_2465 = arith.index_cast %scan3A_2430 : i32 to index
      %get3A_2466 = arith.constant 48 : index
      %get3A_2467 = tpu.vector_load %arg6[%get3A_2463, %get3A_2464, %get3A_2465, %get3A_2466] {strides = array<i32>} : memref<2x8x50x64xf32, #tpu.memory_space<vmem>>, vector<1x1x1x16xf32>,
      %get3A_2468 = vector.shape_cast %get3A_2467 : vector<1x1x1x16xf32> to vector<16xf32>
      %add3A_2469 = arith.addf %scan3A_2434, %get3A_2468 : vector<16xf32>
      scf.yield %add3A_2442, %add3A_2451, %add3A_2460, %add3A_2469 : vector<16xf32>, vector<16xf32>, vector<16xf32>, vector<16xf32>
    }
    %scan3A_1889 = arith.constant 50 : i32
    %mul3A_1890 = arith.constant 2.000000e-02 : f32
    %mul3A_1891 = vector.broadcast %mul3A_1890 : f32 to vector<16xf32>
    %mul3A_1892 = arith.mulf %scan3A_1888#0, %mul3A_1891 : vector<16xf32>
    %swap3A_1893 = arith.constant 23 : i32
    %swap3A_1894 = arith.index_cast %swap3A_1893 : i32 to index
    %swap3A_1895 = arith.constant 0 : index
    %swap3A_1896 = tpu.vector_load %arg7[%swap3A_1894, %swap3A_1895] {strides = array<i32>} : memref<32x64xf32, #tpu.memory_space<vmem>>, vector<1x16xf32>,
    %swap3A_1897 = vector.shape_cast %swap3A_1896 : vector<1x16xf32> to vector<16xf32>
    %swap3A_1898 = vector.shape_cast %mul3A_1892 : vector<16xf32> to vector<1x16xf32>
    tpu.vector_store %arg7[%swap3A_1894, %swap3A_1895], %swap3A_1898 {strides = array<i32>} : memref<32x64xf32, #tpu.memory_space<vmem>>, vector<1x16xf32>,
    %mul3A_1899 = arith.constant 2.000000e-02 : f32
    %mul3A_1900 = vector.broadcast %mul3A_1899 : f32 to vector<16xf32>
    %mul3A_1901 = arith.mulf %scan3A_1888#1, %mul3A_1900 : vector<16xf32>
    %swap3A_1902 = arith.constant 23 : i32
    %swap3A_1903 = arith.index_cast %swap3A_1902 : i32 to index
    %swap3A_1904 = arith.constant 16 : index
    %swap3A_1905 = tpu.vector_load %arg7[%swap3A_1903, %swap3A_1904] {strides = array<i32>} : memref<32x64xf32, #tpu.memory_space<vmem>>, vector<1x16xf32>,
    %swap3A_1906 = vector.shape_cast %swap3A_1905 : vector<1x16xf32> to vector<16xf32>
    %swap3A_1907 = vector.shape_cast %mul3A_1901 : vector<16xf32> to vector<1x16xf32>
    tpu.vector_store %arg7[%swap3A_1903, %swap3A_1904], %swap3A_1907 {strides = array<i32>} : memref<32x64xf32, #tpu.memory_space<vmem>>, vector<1x16xf32>,
    %mul3A_1908 = arith.constant 2.000000e-02 : f32
    %mul3A_1909 = vector.broadcast %mul3A_1908 : f32 to vector<16xf32>
    %mul3A_1910 = arith.mulf %scan3A_1888#2, %mul3A_1909 : vector<16xf32>
    %swap3A_1911 = arith.constant 23 : i32
    %swap3A_1912 = arith.index_cast %swap3A_1911 : i32 to index
    %swap3A_1913 = arith.constant 32 : index
    %swap3A_1914 = tpu.vector_load %arg7[%swap3A_1912, %swap3A_1913] {strides = array<i32>} : memref<32x64xf32, #tpu.memory_space<vmem>>, vector<1x16xf32>,
    %swap3A_1915 = vector.shape_cast %swap3A_1914 : vector<1x16xf32> to vector<16xf32>
    %swap3A_1916 = vector.shape_cast %mul3A_1910 : vector<16xf32> to vector<1x16xf32>
    tpu.vector_store %arg7[%swap3A_1912, %swap3A_1913], %swap3A_1916 {strides = array<i32>} : memref<32x64xf32, #tpu.memory_space<vmem>>, vector<1x16xf32>,
    %mul3A_1917 = arith.constant 2.000000e-02 : f32
    %mul3A_1918 = vector.broadcast %mul3A_1917 : f32 to vector<16xf32>
    %mul3A_1919 = arith.mulf %scan3A_1888#3, %mul3A_1918 : vector<16xf32>
    %swap3A_1920 = arith.constant 23 : i32
    %swap3A_1921 = arith.index_cast %swap3A_1920 : i32 to index
    %swap3A_1922 = arith.constant 48 : index
    %swap3A_1923 = tpu.vector_load %arg7[%swap3A_1921, %swap3A_1922] {strides = array<i32>} : memref<32x64xf32, #tpu.memory_space<vmem>>, vector<1x16xf32>,
    %swap3A_1924 = vector.shape_cast %swap3A_1923 : vector<1x16xf32> to vector<16xf32>
    %swap3A_1925 = vector.shape_cast %mul3A_1919 : vector<16xf32> to vector<1x16xf32>
    tpu.vector_store %arg7[%swap3A_1921, %swap3A_1922], %swap3A_1925 {strides = array<i32>} : memref<32x64xf32, #tpu.memory_space<vmem>>, vector<1x16xf32>,
    %dma_wait3A_1926 = arith.constant 0 : i32
    %dma_wait3A_1927 = arith.constant 1 : i32
    %dma_wait3A_1928 = arith.constant 0 : i32
    %dma_wait3A_1929 = arith.constant 0 : i32
    %dma_wait3A_1930 = arith.constant 0 : i32
    %dma_wait3A_1931 = tpu.memref_slice %arg6[%dma_wait3A_1927, %dma_wait3A_1928, %dma_wait3A_1929, %dma_wait3A_1930] : memref<2x8x50x64xf32, #tpu.memory_space<vmem>> -> memref<1x1x50x64xf32, #tpu.memory_space<vmem>>
    %dma_wait3A_1932 = tpu.memref_squeeze %dma_wait3A_1931 : memref<1x1x50x64xf32, #tpu.memory_space<vmem>> -> memref<50x64xf32, #tpu.memory_space<vmem>>
    %dma_wait3A_1933 = arith.constant 0 : i32
    %dma_wait3A_1934 = tpu.memref_slice %arg5[%dma_wait3A_1926, %dma_wait3A_1933] : memref<32x50xi32, #tpu.memory_space<vmem>> -> memref<1x50xi32, #tpu.memory_space<vmem>>
    %dma_wait3A_1935 = tpu.memref_squeeze %dma_wait3A_1934 : memref<1x50xi32, #tpu.memory_space<vmem>> -> memref<50xi32, #tpu.memory_space<vmem>>
    %dma_wait3A_1936 = arith.constant 0 : i32
    %dma_wait3A_1937 = arith.constant 0 : i32
    %dma_wait3A_1938 = tpu.memref_slice %arg3[%dma_wait3A_1936, %dma_wait3A_1937] : memref<100000x64xf32, #tpu.memory_space<hbm>> -> memref<100000x64xf32, #tpu.memory_space<hbm>>
    tpu.wait_indirect_dma semaphore(%arg8 : memref<!tpu.dma_semaphore, #tpu.memory_space<semaphore_mem>>) src(%dma_wait3A_1938 : memref<100000x64xf32, #tpu.memory_space<hbm>>) dst(%dma_wait3A_1932 : memref<50x64xf32, #tpu.memory_space<vmem>>)
    %dma_wait3A_1939 = arith.constant 0 : i32
    %dma_wait3A_1940 = arith.constant 1 : i32
    %dma_wait3A_1941 = arith.constant 1 : i32
    %dma_wait3A_1942 = arith.constant 0 : i32
    %dma_wait3A_1943 = arith.constant 0 : i32
    %dma_wait3A_1944 = tpu.memref_slice %arg6[%dma_wait3A_1940, %dma_wait3A_1941, %dma_wait3A_1942, %dma_wait3A_1943] : memref<2x8x50x64xf32, #tpu.memory_space<vmem>> -> memref<1x1x50x64xf32, #tpu.memory_space<vmem>>
    %dma_wait3A_1945 = tpu.memref_squeeze %dma_wait3A_1944 : memref<1x1x50x64xf32, #tpu.memory_space<vmem>> -> memref<50x64xf32, #tpu.memory_space<vmem>>
    %dma_wait3A_1946 = arith.constant 0 : i32
    %dma_wait3A_1947 = tpu.memref_slice %arg5[%dma_wait3A_1939, %dma_wait3A_1946] : memref<32x50xi32, #tpu.memory_space<vmem>> -> memref<1x50xi32, #tpu.memory_space<vmem>>
    %dma_wait3A_1948 = tpu.memref_squeeze %dma_wait3A_1947 : memref<1x50xi32, #tpu.memory_space<vmem>> -> memref<50xi32, #tpu.memory_space<vmem>>
    %dma_wait3A_1949 = arith.constant 0 : i32
    %dma_wait3A_1950 = arith.constant 0 : i32
    %dma_wait3A_1951 = tpu.memref_slice %arg3[%dma_wait3A_1949, %dma_wait3A_1950] : memref<100000x64xf32, #tpu.memory_space<hbm>> -> memref<100000x64xf32, #tpu.memory_space<hbm>>
    tpu.wait_indirect_dma semaphore(%arg8 : memref<!tpu.dma_semaphore, #tpu.memory_space<semaphore_mem>>) src(%dma_wait3A_1951 : memref<100000x64xf32, #tpu.memory_space<hbm>>) dst(%dma_wait3A_1945 : memref<50x64xf32, #tpu.memory_space<vmem>>)
    %dma_wait3A_1952 = arith.constant 0 : i32
    %dma_wait3A_1953 = arith.constant 1 : i32
    %dma_wait3A_1954 = arith.constant 2 : i32
    %dma_wait3A_1955 = arith.constant 0 : i32
    %dma_wait3A_1956 = arith.constant 0 : i32
    %dma_wait3A_1957 = tpu.memref_slice %arg6[%dma_wait3A_1953, %dma_wait3A_1954, %dma_wait3A_1955, %dma_wait3A_1956] : memref<2x8x50x64xf32, #tpu.memory_space<vmem>> -> memref<1x1x50x64xf32, #tpu.memory_space<vmem>>
    %dma_wait3A_1958 = tpu.memref_squeeze %dma_wait3A_1957 : memref<1x1x50x64xf32, #tpu.memory_space<vmem>> -> memref<50x64xf32, #tpu.memory_space<vmem>>
    %dma_wait3A_1959 = arith.constant 0 : i32
    %dma_wait3A_1960 = tpu.memref_slice %arg5[%dma_wait3A_1952, %dma_wait3A_1959] : memref<32x50xi32, #tpu.memory_space<vmem>> -> memref<1x50xi32, #tpu.memory_space<vmem>>
    %dma_wait3A_1961 = tpu.memref_squeeze %dma_wait3A_1960 : memref<1x50xi32, #tpu.memory_space<vmem>> -> memref<50xi32, #tpu.memory_space<vmem>>
    %dma_wait3A_1962 = arith.constant 0 : i32
    %dma_wait3A_1963 = arith.constant 0 : i32
    %dma_wait3A_1964 = tpu.memref_slice %arg3[%dma_wait3A_1962, %dma_wait3A_1963] : memref<100000x64xf32, #tpu.memory_space<hbm>> -> memref<100000x64xf32, #tpu.memory_space<hbm>>
    tpu.wait_indirect_dma semaphore(%arg8 : memref<!tpu.dma_semaphore, #tpu.memory_space<semaphore_mem>>) src(%dma_wait3A_1964 : memref<100000x64xf32, #tpu.memory_space<hbm>>) dst(%dma_wait3A_1958 : memref<50x64xf32, #tpu.memory_space<vmem>>)
    %dma_wait3A_1965 = arith.constant 0 : i32
    %dma_wait3A_1966 = arith.constant 1 : i32
    %dma_wait3A_1967 = arith.constant 3 : i32
    %dma_wait3A_1968 = arith.constant 0 : i32
    %dma_wait3A_1969 = arith.constant 0 : i32
    %dma_wait3A_1970 = tpu.memref_slice %arg6[%dma_wait3A_1966, %dma_wait3A_1967, %dma_wait3A_1968, %dma_wait3A_1969] : memref<2x8x50x64xf32, #tpu.memory_space<vmem>> -> memref<1x1x50x64xf32, #tpu.memory_space<vmem>>
    %dma_wait3A_1971 = tpu.memref_squeeze %dma_wait3A_1970 : memref<1x1x50x64xf32, #tpu.memory_space<vmem>> -> memref<50x64xf32, #tpu.memory_space<vmem>>
    %dma_wait3A_1972 = arith.constant 0 : i32
    %dma_wait3A_1973 = tpu.memref_slice %arg5[%dma_wait3A_1965, %dma_wait3A_1972] : memref<32x50xi32, #tpu.memory_space<vmem>> -> memref<1x50xi32, #tpu.memory_space<vmem>>
    %dma_wait3A_1974 = tpu.memref_squeeze %dma_wait3A_1973 : memref<1x50xi32, #tpu.memory_space<vmem>> -> memref<50xi32, #tpu.memory_space<vmem>>
    %dma_wait3A_1975 = arith.constant 0 : i32
    %dma_wait3A_1976 = arith.constant 0 : i32
    %dma_wait3A_1977 = tpu.memref_slice %arg3[%dma_wait3A_1975, %dma_wait3A_1976] : memref<100000x64xf32, #tpu.memory_space<hbm>> -> memref<100000x64xf32, #tpu.memory_space<hbm>>
    tpu.wait_indirect_dma semaphore(%arg8 : memref<!tpu.dma_semaphore, #tpu.memory_space<semaphore_mem>>) src(%dma_wait3A_1977 : memref<100000x64xf32, #tpu.memory_space<hbm>>) dst(%dma_wait3A_1971 : memref<50x64xf32, #tpu.memory_space<vmem>>)
    %dma_wait3A_1978 = arith.constant 0 : i32
    %dma_wait3A_1979 = arith.constant 1 : i32
    %dma_wait3A_1980 = arith.constant 4 : i32
    %dma_wait3A_1981 = arith.constant 0 : i32
    %dma_wait3A_1982 = arith.constant 0 : i32
    %dma_wait3A_1983 = tpu.memref_slice %arg6[%dma_wait3A_1979, %dma_wait3A_1980, %dma_wait3A_1981, %dma_wait3A_1982] : memref<2x8x50x64xf32, #tpu.memory_space<vmem>> -> memref<1x1x50x64xf32, #tpu.memory_space<vmem>>
    %dma_wait3A_1984 = tpu.memref_squeeze %dma_wait3A_1983 : memref<1x1x50x64xf32, #tpu.memory_space<vmem>> -> memref<50x64xf32, #tpu.memory_space<vmem>>
    %dma_wait3A_1985 = arith.constant 0 : i32
    %dma_wait3A_1986 = tpu.memref_slice %arg5[%dma_wait3A_1978, %dma_wait3A_1985] : memref<32x50xi32, #tpu.memory_space<vmem>> -> memref<1x50xi32, #tpu.memory_space<vmem>>
    %dma_wait3A_1987 = tpu.memref_squeeze %dma_wait3A_1986 : memref<1x50xi32, #tpu.memory_space<vmem>> -> memref<50xi32, #tpu.memory_space<vmem>>
    %dma_wait3A_1988 = arith.constant 0 : i32
    %dma_wait3A_1989 = arith.constant 0 : i32
    %dma_wait3A_1990 = tpu.memref_slice %arg3[%dma_wait3A_1988, %dma_wait3A_1989] : memref<100000x64xf32, #tpu.memory_space<hbm>> -> memref<100000x64xf32, #tpu.memory_space<hbm>>
    tpu.wait_indirect_dma semaphore(%arg8 : memref<!tpu.dma_semaphore, #tpu.memory_space<semaphore_mem>>) src(%dma_wait3A_1990 : memref<100000x64xf32, #tpu.memory_space<hbm>>) dst(%dma_wait3A_1984 : memref<50x64xf32, #tpu.memory_space<vmem>>)
    %dma_wait3A_1991 = arith.constant 0 : i32
    %dma_wait3A_1992 = arith.constant 1 : i32
    %dma_wait3A_1993 = arith.constant 5 : i32
    %dma_wait3A_1994 = arith.constant 0 : i32
    %dma_wait3A_1995 = arith.constant 0 : i32
    %dma_wait3A_1996 = tpu.memref_slice %arg6[%dma_wait3A_1992, %dma_wait3A_1993, %dma_wait3A_1994, %dma_wait3A_1995] : memref<2x8x50x64xf32, #tpu.memory_space<vmem>> -> memref<1x1x50x64xf32, #tpu.memory_space<vmem>>
    %dma_wait3A_1997 = tpu.memref_squeeze %dma_wait3A_1996 : memref<1x1x50x64xf32, #tpu.memory_space<vmem>> -> memref<50x64xf32, #tpu.memory_space<vmem>>
    %dma_wait3A_1998 = arith.constant 0 : i32
    %dma_wait3A_1999 = tpu.memref_slice %arg5[%dma_wait3A_1991, %dma_wait3A_1998] : memref<32x50xi32, #tpu.memory_space<vmem>> -> memref<1x50xi32, #tpu.memory_space<vmem>>
    %dma_wait3A_2000 = tpu.memref_squeeze %dma_wait3A_1999 : memref<1x50xi32, #tpu.memory_space<vmem>> -> memref<50xi32, #tpu.memory_space<vmem>>
    %dma_wait3A_2001 = arith.constant 0 : i32
    %dma_wait3A_2002 = arith.constant 0 : i32
    %dma_wait3A_2003 = tpu.memref_slice %arg3[%dma_wait3A_2001, %dma_wait3A_2002] : memref<100000x64xf32, #tpu.memory_space<hbm>> -> memref<100000x64xf32, #tpu.memory_space<hbm>>
    tpu.wait_indirect_dma semaphore(%arg8 : memref<!tpu.dma_semaphore, #tpu.memory_space<semaphore_mem>>) src(%dma_wait3A_2003 : memref<100000x64xf32, #tpu.memory_space<hbm>>) dst(%dma_wait3A_1997 : memref<50x64xf32, #tpu.memory_space<vmem>>)
    %dma_wait3A_2004 = arith.constant 0 : i32
    %dma_wait3A_2005 = arith.constant 1 : i32
    %dma_wait3A_2006 = arith.constant 6 : i32
    %dma_wait3A_2007 = arith.constant 0 : i32
    %dma_wait3A_2008 = arith.constant 0 : i32
    %dma_wait3A_2009 = tpu.memref_slice %arg6[%dma_wait3A_2005, %dma_wait3A_2006, %dma_wait3A_2007, %dma_wait3A_2008] : memref<2x8x50x64xf32, #tpu.memory_space<vmem>> -> memref<1x1x50x64xf32, #tpu.memory_space<vmem>>
    %dma_wait3A_2010 = tpu.memref_squeeze %dma_wait3A_2009 : memref<1x1x50x64xf32, #tpu.memory_space<vmem>> -> memref<50x64xf32, #tpu.memory_space<vmem>>
    %dma_wait3A_2011 = arith.constant 0 : i32
    %dma_wait3A_2012 = tpu.memref_slice %arg5[%dma_wait3A_2004, %dma_wait3A_2011] : memref<32x50xi32, #tpu.memory_space<vmem>> -> memref<1x50xi32, #tpu.memory_space<vmem>>
    %dma_wait3A_2013 = tpu.memref_squeeze %dma_wait3A_2012 : memref<1x50xi32, #tpu.memory_space<vmem>> -> memref<50xi32, #tpu.memory_space<vmem>>
    %dma_wait3A_2014 = arith.constant 0 : i32
    %dma_wait3A_2015 = arith.constant 0 : i32
    %dma_wait3A_2016 = tpu.memref_slice %arg3[%dma_wait3A_2014, %dma_wait3A_2015] : memref<100000x64xf32, #tpu.memory_space<hbm>> -> memref<100000x64xf32, #tpu.memory_space<hbm>>
    tpu.wait_indirect_dma semaphore(%arg8 : memref<!tpu.dma_semaphore, #tpu.memory_space<semaphore_mem>>) src(%dma_wait3A_2016 : memref<100000x64xf32, #tpu.memory_space<hbm>>) dst(%dma_wait3A_2010 : memref<50x64xf32, #tpu.memory_space<vmem>>)
    %dma_wait3A_2017 = arith.constant 0 : i32
    %dma_wait3A_2018 = arith.constant 1 : i32
    %dma_wait3A_2019 = arith.constant 7 : i32
    %dma_wait3A_2020 = arith.constant 0 : i32
    %dma_wait3A_2021 = arith.constant 0 : i32
    %dma_wait3A_2022 = tpu.memref_slice %arg6[%dma_wait3A_2018, %dma_wait3A_2019, %dma_wait3A_2020, %dma_wait3A_2021] : memref<2x8x50x64xf32, #tpu.memory_space<vmem>> -> memref<1x1x50x64xf32, #tpu.memory_space<vmem>>
    %dma_wait3A_2023 = tpu.memref_squeeze %dma_wait3A_2022 : memref<1x1x50x64xf32, #tpu.memory_space<vmem>> -> memref<50x64xf32, #tpu.memory_space<vmem>>
    %dma_wait3A_2024 = arith.constant 0 : i32
    %dma_wait3A_2025 = tpu.memref_slice %arg5[%dma_wait3A_2017, %dma_wait3A_2024] : memref<32x50xi32, #tpu.memory_space<vmem>> -> memref<1x50xi32, #tpu.memory_space<vmem>>
    %dma_wait3A_2026 = tpu.memref_squeeze %dma_wait3A_2025 : memref<1x50xi32, #tpu.memory_space<vmem>> -> memref<50xi32, #tpu.memory_space<vmem>>
    %dma_wait3A_2027 = arith.constant 0 : i32
    %dma_wait3A_2028 = arith.constant 0 : i32
    %dma_wait3A_2029 = tpu.memref_slice %arg3[%dma_wait3A_2027, %dma_wait3A_2028] : memref<100000x64xf32, #tpu.memory_space<hbm>> -> memref<100000x64xf32, #tpu.memory_space<hbm>>
    tpu.wait_indirect_dma semaphore(%arg8 : memref<!tpu.dma_semaphore, #tpu.memory_space<semaphore_mem>>) src(%dma_wait3A_2029 : memref<100000x64xf32, #tpu.memory_space<hbm>>) dst(%dma_wait3A_2023 : memref<50x64xf32, #tpu.memory_space<vmem>>)
    %broadcast_in_dim3A_2030 = arith.constant 0.000000e+00 : f32
    %broadcast_in_dim3A_2031 = vector.broadcast %broadcast_in_dim3A_2030 : f32 to vector<16xf32>
    %broadcast_in_dim3A_2032 = arith.constant 0.000000e+00 : f32
    %broadcast_in_dim3A_2033 = vector.broadcast %broadcast_in_dim3A_2032 : f32 to vector<16xf32>
    %broadcast_in_dim3A_2034 = arith.constant 0.000000e+00 : f32
    %broadcast_in_dim3A_2035 = vector.broadcast %broadcast_in_dim3A_2034 : f32 to vector<16xf32>
    %broadcast_in_dim3A_2036 = arith.constant 0.000000e+00 : f32
    %broadcast_in_dim3A_2037 = vector.broadcast %broadcast_in_dim3A_2036 : f32 to vector<16xf32>
    %scan3A_2038 = arith.constant 0 : i32
    %scan3A_2039 = arith.constant 50 : i32
    %scan3A_2040 = arith.addi %scan3A_2038, %scan3A_2039 : i32
    %scan3A_2041 = arith.constant 1 : i32
    %scan3A_2042:4 = scf.for %scan3A_2430 = %scan3A_2038 to %scan3A_2040 step %scan3A_2041 iter_args(%scan3A_2431 = %broadcast_in_dim3A_2031, %scan3A_2432 = %broadcast_in_dim3A_2033, %scan3A_2433 = %broadcast_in_dim3A_2035, %scan3A_2434 = %broadcast_in_dim3A_2037) -> (vector<16xf32>, vector<16xf32>, vector<16xf32>, vector<16xf32>)  : i32 {
      %get3A = arith.constant 1 : i32
      %get3A_2435 = arith.constant 0 : i32
      %get3A_2436 = arith.index_cast %get3A : i32 to index
      %get3A_2437 = arith.index_cast %get3A_2435 : i32 to index
      %get3A_2438 = arith.index_cast %scan3A_2430 : i32 to index
      %get3A_2439 = arith.constant 0 : index
      %get3A_2440 = tpu.vector_load %arg6[%get3A_2436, %get3A_2437, %get3A_2438, %get3A_2439] {strides = array<i32>} : memref<2x8x50x64xf32, #tpu.memory_space<vmem>>, vector<1x1x1x16xf32>,
      %get3A_2441 = vector.shape_cast %get3A_2440 : vector<1x1x1x16xf32> to vector<16xf32>
      %add3A_2442 = arith.addf %scan3A_2431, %get3A_2441 : vector<16xf32>
      %get3A_2443 = arith.constant 1 : i32
      %get3A_2444 = arith.constant 0 : i32
      %get3A_2445 = arith.index_cast %get3A_2443 : i32 to index
      %get3A_2446 = arith.index_cast %get3A_2444 : i32 to index
      %get3A_2447 = arith.index_cast %scan3A_2430 : i32 to index
      %get3A_2448 = arith.constant 16 : index
      %get3A_2449 = tpu.vector_load %arg6[%get3A_2445, %get3A_2446, %get3A_2447, %get3A_2448] {strides = array<i32>} : memref<2x8x50x64xf32, #tpu.memory_space<vmem>>, vector<1x1x1x16xf32>,
      %get3A_2450 = vector.shape_cast %get3A_2449 : vector<1x1x1x16xf32> to vector<16xf32>
      %add3A_2451 = arith.addf %scan3A_2432, %get3A_2450 : vector<16xf32>
      %get3A_2452 = arith.constant 1 : i32
      %get3A_2453 = arith.constant 0 : i32
      %get3A_2454 = arith.index_cast %get3A_2452 : i32 to index
      %get3A_2455 = arith.index_cast %get3A_2453 : i32 to index
      %get3A_2456 = arith.index_cast %scan3A_2430 : i32 to index
      %get3A_2457 = arith.constant 32 : index
      %get3A_2458 = tpu.vector_load %arg6[%get3A_2454, %get3A_2455, %get3A_2456, %get3A_2457] {strides = array<i32>} : memref<2x8x50x64xf32, #tpu.memory_space<vmem>>, vector<1x1x1x16xf32>,
      %get3A_2459 = vector.shape_cast %get3A_2458 : vector<1x1x1x16xf32> to vector<16xf32>
      %add3A_2460 = arith.addf %scan3A_2433, %get3A_2459 : vector<16xf32>
      %get3A_2461 = arith.constant 1 : i32
      %get3A_2462 = arith.constant 0 : i32
      %get3A_2463 = arith.index_cast %get3A_2461 : i32 to index
      %get3A_2464 = arith.index_cast %get3A_2462 : i32 to index
      %get3A_2465 = arith.index_cast %scan3A_2430 : i32 to index
      %get3A_2466 = arith.constant 48 : index
      %get3A_2467 = tpu.vector_load %arg6[%get3A_2463, %get3A_2464, %get3A_2465, %get3A_2466] {strides = array<i32>} : memref<2x8x50x64xf32, #tpu.memory_space<vmem>>, vector<1x1x1x16xf32>,
      %get3A_2468 = vector.shape_cast %get3A_2467 : vector<1x1x1x16xf32> to vector<16xf32>
      %add3A_2469 = arith.addf %scan3A_2434, %get3A_2468 : vector<16xf32>
      scf.yield %add3A_2442, %add3A_2451, %add3A_2460, %add3A_2469 : vector<16xf32>, vector<16xf32>, vector<16xf32>, vector<16xf32>
    }
    %scan3A_2043 = arith.constant 50 : i32
    %mul3A_2044 = arith.constant 2.000000e-02 : f32
    %mul3A_2045 = vector.broadcast %mul3A_2044 : f32 to vector<16xf32>
    %mul3A_2046 = arith.mulf %scan3A_2042#0, %mul3A_2045 : vector<16xf32>
    %swap3A_2047 = arith.constant 24 : i32
    %swap3A_2048 = arith.index_cast %swap3A_2047 : i32 to index
    %swap3A_2049 = arith.constant 0 : index
    %swap3A_2050 = tpu.vector_load %arg7[%swap3A_2048, %swap3A_2049] {strides = array<i32>} : memref<32x64xf32, #tpu.memory_space<vmem>>, vector<1x16xf32>,
    %swap3A_2051 = vector.shape_cast %swap3A_2050 : vector<1x16xf32> to vector<16xf32>
    %swap3A_2052 = vector.shape_cast %mul3A_2046 : vector<16xf32> to vector<1x16xf32>
    tpu.vector_store %arg7[%swap3A_2048, %swap3A_2049], %swap3A_2052 {strides = array<i32>} : memref<32x64xf32, #tpu.memory_space<vmem>>, vector<1x16xf32>,
    %mul3A_2053 = arith.constant 2.000000e-02 : f32
    %mul3A_2054 = vector.broadcast %mul3A_2053 : f32 to vector<16xf32>
    %mul3A_2055 = arith.mulf %scan3A_2042#1, %mul3A_2054 : vector<16xf32>
    %swap3A_2056 = arith.constant 24 : i32
    %swap3A_2057 = arith.index_cast %swap3A_2056 : i32 to index
    %swap3A_2058 = arith.constant 16 : index
    %swap3A_2059 = tpu.vector_load %arg7[%swap3A_2057, %swap3A_2058] {strides = array<i32>} : memref<32x64xf32, #tpu.memory_space<vmem>>, vector<1x16xf32>,
    %swap3A_2060 = vector.shape_cast %swap3A_2059 : vector<1x16xf32> to vector<16xf32>
    %swap3A_2061 = vector.shape_cast %mul3A_2055 : vector<16xf32> to vector<1x16xf32>
    tpu.vector_store %arg7[%swap3A_2057, %swap3A_2058], %swap3A_2061 {strides = array<i32>} : memref<32x64xf32, #tpu.memory_space<vmem>>, vector<1x16xf32>,
    %mul3A_2062 = arith.constant 2.000000e-02 : f32
    %mul3A_2063 = vector.broadcast %mul3A_2062 : f32 to vector<16xf32>
    %mul3A_2064 = arith.mulf %scan3A_2042#2, %mul3A_2063 : vector<16xf32>
    %swap3A_2065 = arith.constant 24 : i32
    %swap3A_2066 = arith.index_cast %swap3A_2065 : i32 to index
    %swap3A_2067 = arith.constant 32 : index
    %swap3A_2068 = tpu.vector_load %arg7[%swap3A_2066, %swap3A_2067] {strides = array<i32>} : memref<32x64xf32, #tpu.memory_space<vmem>>, vector<1x16xf32>,
    %swap3A_2069 = vector.shape_cast %swap3A_2068 : vector<1x16xf32> to vector<16xf32>
    %swap3A_2070 = vector.shape_cast %mul3A_2064 : vector<16xf32> to vector<1x16xf32>
    tpu.vector_store %arg7[%swap3A_2066, %swap3A_2067], %swap3A_2070 {strides = array<i32>} : memref<32x64xf32, #tpu.memory_space<vmem>>, vector<1x16xf32>,
    %mul3A_2071 = arith.constant 2.000000e-02 : f32
    %mul3A_2072 = vector.broadcast %mul3A_2071 : f32 to vector<16xf32>
    %mul3A_2073 = arith.mulf %scan3A_2042#3, %mul3A_2072 : vector<16xf32>
    %swap3A_2074 = arith.constant 24 : i32
    %swap3A_2075 = arith.index_cast %swap3A_2074 : i32 to index
    %swap3A_2076 = arith.constant 48 : index
    %swap3A_2077 = tpu.vector_load %arg7[%swap3A_2075, %swap3A_2076] {strides = array<i32>} : memref<32x64xf32, #tpu.memory_space<vmem>>, vector<1x16xf32>,
    %swap3A_2078 = vector.shape_cast %swap3A_2077 : vector<1x16xf32> to vector<16xf32>
    %swap3A_2079 = vector.shape_cast %mul3A_2073 : vector<16xf32> to vector<1x16xf32>
    tpu.vector_store %arg7[%swap3A_2075, %swap3A_2076], %swap3A_2079 {strides = array<i32>} : memref<32x64xf32, #tpu.memory_space<vmem>>, vector<1x16xf32>,
    %broadcast_in_dim3A_2080 = arith.constant 0.000000e+00 : f32
    %broadcast_in_dim3A_2081 = vector.broadcast %broadcast_in_dim3A_2080 : f32 to vector<16xf32>
    %broadcast_in_dim3A_2082 = arith.constant 0.000000e+00 : f32
    %broadcast_in_dim3A_2083 = vector.broadcast %broadcast_in_dim3A_2082 : f32 to vector<16xf32>
    %broadcast_in_dim3A_2084 = arith.constant 0.000000e+00 : f32
    %broadcast_in_dim3A_2085 = vector.broadcast %broadcast_in_dim3A_2084 : f32 to vector<16xf32>
    %broadcast_in_dim3A_2086 = arith.constant 0.000000e+00 : f32
    %broadcast_in_dim3A_2087 = vector.broadcast %broadcast_in_dim3A_2086 : f32 to vector<16xf32>
    %scan3A_2088 = arith.constant 0 : i32
    %scan3A_2089 = arith.constant 50 : i32
    %scan3A_2090 = arith.addi %scan3A_2088, %scan3A_2089 : i32
    %scan3A_2091 = arith.constant 1 : i32
    %scan3A_2092:4 = scf.for %scan3A_2430 = %scan3A_2088 to %scan3A_2090 step %scan3A_2091 iter_args(%scan3A_2431 = %broadcast_in_dim3A_2081, %scan3A_2432 = %broadcast_in_dim3A_2083, %scan3A_2433 = %broadcast_in_dim3A_2085, %scan3A_2434 = %broadcast_in_dim3A_2087) -> (vector<16xf32>, vector<16xf32>, vector<16xf32>, vector<16xf32>)  : i32 {
      %get3A = arith.constant 1 : i32
      %get3A_2435 = arith.constant 1 : i32
      %get3A_2436 = arith.index_cast %get3A : i32 to index
      %get3A_2437 = arith.index_cast %get3A_2435 : i32 to index
      %get3A_2438 = arith.index_cast %scan3A_2430 : i32 to index
      %get3A_2439 = arith.constant 0 : index
      %get3A_2440 = tpu.vector_load %arg6[%get3A_2436, %get3A_2437, %get3A_2438, %get3A_2439] {strides = array<i32>} : memref<2x8x50x64xf32, #tpu.memory_space<vmem>>, vector<1x1x1x16xf32>,
      %get3A_2441 = vector.shape_cast %get3A_2440 : vector<1x1x1x16xf32> to vector<16xf32>
      %add3A_2442 = arith.addf %scan3A_2431, %get3A_2441 : vector<16xf32>
      %get3A_2443 = arith.constant 1 : i32
      %get3A_2444 = arith.constant 1 : i32
      %get3A_2445 = arith.index_cast %get3A_2443 : i32 to index
      %get3A_2446 = arith.index_cast %get3A_2444 : i32 to index
      %get3A_2447 = arith.index_cast %scan3A_2430 : i32 to index
      %get3A_2448 = arith.constant 16 : index
      %get3A_2449 = tpu.vector_load %arg6[%get3A_2445, %get3A_2446, %get3A_2447, %get3A_2448] {strides = array<i32>} : memref<2x8x50x64xf32, #tpu.memory_space<vmem>>, vector<1x1x1x16xf32>,
      %get3A_2450 = vector.shape_cast %get3A_2449 : vector<1x1x1x16xf32> to vector<16xf32>
      %add3A_2451 = arith.addf %scan3A_2432, %get3A_2450 : vector<16xf32>
      %get3A_2452 = arith.constant 1 : i32
      %get3A_2453 = arith.constant 1 : i32
      %get3A_2454 = arith.index_cast %get3A_2452 : i32 to index
      %get3A_2455 = arith.index_cast %get3A_2453 : i32 to index
      %get3A_2456 = arith.index_cast %scan3A_2430 : i32 to index
      %get3A_2457 = arith.constant 32 : index
      %get3A_2458 = tpu.vector_load %arg6[%get3A_2454, %get3A_2455, %get3A_2456, %get3A_2457] {strides = array<i32>} : memref<2x8x50x64xf32, #tpu.memory_space<vmem>>, vector<1x1x1x16xf32>,
      %get3A_2459 = vector.shape_cast %get3A_2458 : vector<1x1x1x16xf32> to vector<16xf32>
      %add3A_2460 = arith.addf %scan3A_2433, %get3A_2459 : vector<16xf32>
      %get3A_2461 = arith.constant 1 : i32
      %get3A_2462 = arith.constant 1 : i32
      %get3A_2463 = arith.index_cast %get3A_2461 : i32 to index
      %get3A_2464 = arith.index_cast %get3A_2462 : i32 to index
      %get3A_2465 = arith.index_cast %scan3A_2430 : i32 to index
      %get3A_2466 = arith.constant 48 : index
      %get3A_2467 = tpu.vector_load %arg6[%get3A_2463, %get3A_2464, %get3A_2465, %get3A_2466] {strides = array<i32>} : memref<2x8x50x64xf32, #tpu.memory_space<vmem>>, vector<1x1x1x16xf32>,
      %get3A_2468 = vector.shape_cast %get3A_2467 : vector<1x1x1x16xf32> to vector<16xf32>
      %add3A_2469 = arith.addf %scan3A_2434, %get3A_2468 : vector<16xf32>
      scf.yield %add3A_2442, %add3A_2451, %add3A_2460, %add3A_2469 : vector<16xf32>, vector<16xf32>, vector<16xf32>, vector<16xf32>
    }
    %scan3A_2093 = arith.constant 50 : i32
    %mul3A_2094 = arith.constant 2.000000e-02 : f32
    %mul3A_2095 = vector.broadcast %mul3A_2094 : f32 to vector<16xf32>
    %mul3A_2096 = arith.mulf %scan3A_2092#0, %mul3A_2095 : vector<16xf32>
    %swap3A_2097 = arith.constant 25 : i32
    %swap3A_2098 = arith.index_cast %swap3A_2097 : i32 to index
    %swap3A_2099 = arith.constant 0 : index
    %swap3A_2100 = tpu.vector_load %arg7[%swap3A_2098, %swap3A_2099] {strides = array<i32>} : memref<32x64xf32, #tpu.memory_space<vmem>>, vector<1x16xf32>,
    %swap3A_2101 = vector.shape_cast %swap3A_2100 : vector<1x16xf32> to vector<16xf32>
    %swap3A_2102 = vector.shape_cast %mul3A_2096 : vector<16xf32> to vector<1x16xf32>
    tpu.vector_store %arg7[%swap3A_2098, %swap3A_2099], %swap3A_2102 {strides = array<i32>} : memref<32x64xf32, #tpu.memory_space<vmem>>, vector<1x16xf32>,
    %mul3A_2103 = arith.constant 2.000000e-02 : f32
    %mul3A_2104 = vector.broadcast %mul3A_2103 : f32 to vector<16xf32>
    %mul3A_2105 = arith.mulf %scan3A_2092#1, %mul3A_2104 : vector<16xf32>
    %swap3A_2106 = arith.constant 25 : i32
    %swap3A_2107 = arith.index_cast %swap3A_2106 : i32 to index
    %swap3A_2108 = arith.constant 16 : index
    %swap3A_2109 = tpu.vector_load %arg7[%swap3A_2107, %swap3A_2108] {strides = array<i32>} : memref<32x64xf32, #tpu.memory_space<vmem>>, vector<1x16xf32>,
    %swap3A_2110 = vector.shape_cast %swap3A_2109 : vector<1x16xf32> to vector<16xf32>
    %swap3A_2111 = vector.shape_cast %mul3A_2105 : vector<16xf32> to vector<1x16xf32>
    tpu.vector_store %arg7[%swap3A_2107, %swap3A_2108], %swap3A_2111 {strides = array<i32>} : memref<32x64xf32, #tpu.memory_space<vmem>>, vector<1x16xf32>,
    %mul3A_2112 = arith.constant 2.000000e-02 : f32
    %mul3A_2113 = vector.broadcast %mul3A_2112 : f32 to vector<16xf32>
    %mul3A_2114 = arith.mulf %scan3A_2092#2, %mul3A_2113 : vector<16xf32>
    %swap3A_2115 = arith.constant 25 : i32
    %swap3A_2116 = arith.index_cast %swap3A_2115 : i32 to index
    %swap3A_2117 = arith.constant 32 : index
    %swap3A_2118 = tpu.vector_load %arg7[%swap3A_2116, %swap3A_2117] {strides = array<i32>} : memref<32x64xf32, #tpu.memory_space<vmem>>, vector<1x16xf32>,
    %swap3A_2119 = vector.shape_cast %swap3A_2118 : vector<1x16xf32> to vector<16xf32>
    %swap3A_2120 = vector.shape_cast %mul3A_2114 : vector<16xf32> to vector<1x16xf32>
    tpu.vector_store %arg7[%swap3A_2116, %swap3A_2117], %swap3A_2120 {strides = array<i32>} : memref<32x64xf32, #tpu.memory_space<vmem>>, vector<1x16xf32>,
    %mul3A_2121 = arith.constant 2.000000e-02 : f32
    %mul3A_2122 = vector.broadcast %mul3A_2121 : f32 to vector<16xf32>
    %mul3A_2123 = arith.mulf %scan3A_2092#3, %mul3A_2122 : vector<16xf32>
    %swap3A_2124 = arith.constant 25 : i32
    %swap3A_2125 = arith.index_cast %swap3A_2124 : i32 to index
    %swap3A_2126 = arith.constant 48 : index
    %swap3A_2127 = tpu.vector_load %arg7[%swap3A_2125, %swap3A_2126] {strides = array<i32>} : memref<32x64xf32, #tpu.memory_space<vmem>>, vector<1x16xf32>,
    %swap3A_2128 = vector.shape_cast %swap3A_2127 : vector<1x16xf32> to vector<16xf32>
    %swap3A_2129 = vector.shape_cast %mul3A_2123 : vector<16xf32> to vector<1x16xf32>
    tpu.vector_store %arg7[%swap3A_2125, %swap3A_2126], %swap3A_2129 {strides = array<i32>} : memref<32x64xf32, #tpu.memory_space<vmem>>, vector<1x16xf32>,
    %broadcast_in_dim3A_2130 = arith.constant 0.000000e+00 : f32
    %broadcast_in_dim3A_2131 = vector.broadcast %broadcast_in_dim3A_2130 : f32 to vector<16xf32>
    %broadcast_in_dim3A_2132 = arith.constant 0.000000e+00 : f32
    %broadcast_in_dim3A_2133 = vector.broadcast %broadcast_in_dim3A_2132 : f32 to vector<16xf32>
    %broadcast_in_dim3A_2134 = arith.constant 0.000000e+00 : f32
    %broadcast_in_dim3A_2135 = vector.broadcast %broadcast_in_dim3A_2134 : f32 to vector<16xf32>
    %broadcast_in_dim3A_2136 = arith.constant 0.000000e+00 : f32
    %broadcast_in_dim3A_2137 = vector.broadcast %broadcast_in_dim3A_2136 : f32 to vector<16xf32>
    %scan3A_2138 = arith.constant 0 : i32
    %scan3A_2139 = arith.constant 50 : i32
    %scan3A_2140 = arith.addi %scan3A_2138, %scan3A_2139 : i32
    %scan3A_2141 = arith.constant 1 : i32
    %scan3A_2142:4 = scf.for %scan3A_2430 = %scan3A_2138 to %scan3A_2140 step %scan3A_2141 iter_args(%scan3A_2431 = %broadcast_in_dim3A_2131, %scan3A_2432 = %broadcast_in_dim3A_2133, %scan3A_2433 = %broadcast_in_dim3A_2135, %scan3A_2434 = %broadcast_in_dim3A_2137) -> (vector<16xf32>, vector<16xf32>, vector<16xf32>, vector<16xf32>)  : i32 {
      %get3A = arith.constant 1 : i32
      %get3A_2435 = arith.constant 2 : i32
      %get3A_2436 = arith.index_cast %get3A : i32 to index
      %get3A_2437 = arith.index_cast %get3A_2435 : i32 to index
      %get3A_2438 = arith.index_cast %scan3A_2430 : i32 to index
      %get3A_2439 = arith.constant 0 : index
      %get3A_2440 = tpu.vector_load %arg6[%get3A_2436, %get3A_2437, %get3A_2438, %get3A_2439] {strides = array<i32>} : memref<2x8x50x64xf32, #tpu.memory_space<vmem>>, vector<1x1x1x16xf32>,
      %get3A_2441 = vector.shape_cast %get3A_2440 : vector<1x1x1x16xf32> to vector<16xf32>
      %add3A_2442 = arith.addf %scan3A_2431, %get3A_2441 : vector<16xf32>
      %get3A_2443 = arith.constant 1 : i32
      %get3A_2444 = arith.constant 2 : i32
      %get3A_2445 = arith.index_cast %get3A_2443 : i32 to index
      %get3A_2446 = arith.index_cast %get3A_2444 : i32 to index
      %get3A_2447 = arith.index_cast %scan3A_2430 : i32 to index
      %get3A_2448 = arith.constant 16 : index
      %get3A_2449 = tpu.vector_load %arg6[%get3A_2445, %get3A_2446, %get3A_2447, %get3A_2448] {strides = array<i32>} : memref<2x8x50x64xf32, #tpu.memory_space<vmem>>, vector<1x1x1x16xf32>,
      %get3A_2450 = vector.shape_cast %get3A_2449 : vector<1x1x1x16xf32> to vector<16xf32>
      %add3A_2451 = arith.addf %scan3A_2432, %get3A_2450 : vector<16xf32>
      %get3A_2452 = arith.constant 1 : i32
      %get3A_2453 = arith.constant 2 : i32
      %get3A_2454 = arith.index_cast %get3A_2452 : i32 to index
      %get3A_2455 = arith.index_cast %get3A_2453 : i32 to index
      %get3A_2456 = arith.index_cast %scan3A_2430 : i32 to index
      %get3A_2457 = arith.constant 32 : index
      %get3A_2458 = tpu.vector_load %arg6[%get3A_2454, %get3A_2455, %get3A_2456, %get3A_2457] {strides = array<i32>} : memref<2x8x50x64xf32, #tpu.memory_space<vmem>>, vector<1x1x1x16xf32>,
      %get3A_2459 = vector.shape_cast %get3A_2458 : vector<1x1x1x16xf32> to vector<16xf32>
      %add3A_2460 = arith.addf %scan3A_2433, %get3A_2459 : vector<16xf32>
      %get3A_2461 = arith.constant 1 : i32
      %get3A_2462 = arith.constant 2 : i32
      %get3A_2463 = arith.index_cast %get3A_2461 : i32 to index
      %get3A_2464 = arith.index_cast %get3A_2462 : i32 to index
      %get3A_2465 = arith.index_cast %scan3A_2430 : i32 to index
      %get3A_2466 = arith.constant 48 : index
      %get3A_2467 = tpu.vector_load %arg6[%get3A_2463, %get3A_2464, %get3A_2465, %get3A_2466] {strides = array<i32>} : memref<2x8x50x64xf32, #tpu.memory_space<vmem>>, vector<1x1x1x16xf32>,
      %get3A_2468 = vector.shape_cast %get3A_2467 : vector<1x1x1x16xf32> to vector<16xf32>
      %add3A_2469 = arith.addf %scan3A_2434, %get3A_2468 : vector<16xf32>
      scf.yield %add3A_2442, %add3A_2451, %add3A_2460, %add3A_2469 : vector<16xf32>, vector<16xf32>, vector<16xf32>, vector<16xf32>
    }
    %scan3A_2143 = arith.constant 50 : i32
    %mul3A_2144 = arith.constant 2.000000e-02 : f32
    %mul3A_2145 = vector.broadcast %mul3A_2144 : f32 to vector<16xf32>
    %mul3A_2146 = arith.mulf %scan3A_2142#0, %mul3A_2145 : vector<16xf32>
    %swap3A_2147 = arith.constant 26 : i32
    %swap3A_2148 = arith.index_cast %swap3A_2147 : i32 to index
    %swap3A_2149 = arith.constant 0 : index
    %swap3A_2150 = tpu.vector_load %arg7[%swap3A_2148, %swap3A_2149] {strides = array<i32>} : memref<32x64xf32, #tpu.memory_space<vmem>>, vector<1x16xf32>,
    %swap3A_2151 = vector.shape_cast %swap3A_2150 : vector<1x16xf32> to vector<16xf32>
    %swap3A_2152 = vector.shape_cast %mul3A_2146 : vector<16xf32> to vector<1x16xf32>
    tpu.vector_store %arg7[%swap3A_2148, %swap3A_2149], %swap3A_2152 {strides = array<i32>} : memref<32x64xf32, #tpu.memory_space<vmem>>, vector<1x16xf32>,
    %mul3A_2153 = arith.constant 2.000000e-02 : f32
    %mul3A_2154 = vector.broadcast %mul3A_2153 : f32 to vector<16xf32>
    %mul3A_2155 = arith.mulf %scan3A_2142#1, %mul3A_2154 : vector<16xf32>
    %swap3A_2156 = arith.constant 26 : i32
    %swap3A_2157 = arith.index_cast %swap3A_2156 : i32 to index
    %swap3A_2158 = arith.constant 16 : index
    %swap3A_2159 = tpu.vector_load %arg7[%swap3A_2157, %swap3A_2158] {strides = array<i32>} : memref<32x64xf32, #tpu.memory_space<vmem>>, vector<1x16xf32>,
    %swap3A_2160 = vector.shape_cast %swap3A_2159 : vector<1x16xf32> to vector<16xf32>
    %swap3A_2161 = vector.shape_cast %mul3A_2155 : vector<16xf32> to vector<1x16xf32>
    tpu.vector_store %arg7[%swap3A_2157, %swap3A_2158], %swap3A_2161 {strides = array<i32>} : memref<32x64xf32, #tpu.memory_space<vmem>>, vector<1x16xf32>,
    %mul3A_2162 = arith.constant 2.000000e-02 : f32
    %mul3A_2163 = vector.broadcast %mul3A_2162 : f32 to vector<16xf32>
    %mul3A_2164 = arith.mulf %scan3A_2142#2, %mul3A_2163 : vector<16xf32>
    %swap3A_2165 = arith.constant 26 : i32
    %swap3A_2166 = arith.index_cast %swap3A_2165 : i32 to index
    %swap3A_2167 = arith.constant 32 : index
    %swap3A_2168 = tpu.vector_load %arg7[%swap3A_2166, %swap3A_2167] {strides = array<i32>} : memref<32x64xf32, #tpu.memory_space<vmem>>, vector<1x16xf32>,
    %swap3A_2169 = vector.shape_cast %swap3A_2168 : vector<1x16xf32> to vector<16xf32>
    %swap3A_2170 = vector.shape_cast %mul3A_2164 : vector<16xf32> to vector<1x16xf32>
    tpu.vector_store %arg7[%swap3A_2166, %swap3A_2167], %swap3A_2170 {strides = array<i32>} : memref<32x64xf32, #tpu.memory_space<vmem>>, vector<1x16xf32>,
    %mul3A_2171 = arith.constant 2.000000e-02 : f32
    %mul3A_2172 = vector.broadcast %mul3A_2171 : f32 to vector<16xf32>
    %mul3A_2173 = arith.mulf %scan3A_2142#3, %mul3A_2172 : vector<16xf32>
    %swap3A_2174 = arith.constant 26 : i32
    %swap3A_2175 = arith.index_cast %swap3A_2174 : i32 to index
    %swap3A_2176 = arith.constant 48 : index
    %swap3A_2177 = tpu.vector_load %arg7[%swap3A_2175, %swap3A_2176] {strides = array<i32>} : memref<32x64xf32, #tpu.memory_space<vmem>>, vector<1x16xf32>,
    %swap3A_2178 = vector.shape_cast %swap3A_2177 : vector<1x16xf32> to vector<16xf32>
    %swap3A_2179 = vector.shape_cast %mul3A_2173 : vector<16xf32> to vector<1x16xf32>
    tpu.vector_store %arg7[%swap3A_2175, %swap3A_2176], %swap3A_2179 {strides = array<i32>} : memref<32x64xf32, #tpu.memory_space<vmem>>, vector<1x16xf32>,
    %broadcast_in_dim3A_2180 = arith.constant 0.000000e+00 : f32
    %broadcast_in_dim3A_2181 = vector.broadcast %broadcast_in_dim3A_2180 : f32 to vector<16xf32>
    %broadcast_in_dim3A_2182 = arith.constant 0.000000e+00 : f32
    %broadcast_in_dim3A_2183 = vector.broadcast %broadcast_in_dim3A_2182 : f32 to vector<16xf32>
    %broadcast_in_dim3A_2184 = arith.constant 0.000000e+00 : f32
    %broadcast_in_dim3A_2185 = vector.broadcast %broadcast_in_dim3A_2184 : f32 to vector<16xf32>
    %broadcast_in_dim3A_2186 = arith.constant 0.000000e+00 : f32
    %broadcast_in_dim3A_2187 = vector.broadcast %broadcast_in_dim3A_2186 : f32 to vector<16xf32>
    %scan3A_2188 = arith.constant 0 : i32
    %scan3A_2189 = arith.constant 50 : i32
    %scan3A_2190 = arith.addi %scan3A_2188, %scan3A_2189 : i32
    %scan3A_2191 = arith.constant 1 : i32
    %scan3A_2192:4 = scf.for %scan3A_2430 = %scan3A_2188 to %scan3A_2190 step %scan3A_2191 iter_args(%scan3A_2431 = %broadcast_in_dim3A_2181, %scan3A_2432 = %broadcast_in_dim3A_2183, %scan3A_2433 = %broadcast_in_dim3A_2185, %scan3A_2434 = %broadcast_in_dim3A_2187) -> (vector<16xf32>, vector<16xf32>, vector<16xf32>, vector<16xf32>)  : i32 {
      %get3A = arith.constant 1 : i32
      %get3A_2435 = arith.constant 3 : i32
      %get3A_2436 = arith.index_cast %get3A : i32 to index
      %get3A_2437 = arith.index_cast %get3A_2435 : i32 to index
      %get3A_2438 = arith.index_cast %scan3A_2430 : i32 to index
      %get3A_2439 = arith.constant 0 : index
      %get3A_2440 = tpu.vector_load %arg6[%get3A_2436, %get3A_2437, %get3A_2438, %get3A_2439] {strides = array<i32>} : memref<2x8x50x64xf32, #tpu.memory_space<vmem>>, vector<1x1x1x16xf32>,
      %get3A_2441 = vector.shape_cast %get3A_2440 : vector<1x1x1x16xf32> to vector<16xf32>
      %add3A_2442 = arith.addf %scan3A_2431, %get3A_2441 : vector<16xf32>
      %get3A_2443 = arith.constant 1 : i32
      %get3A_2444 = arith.constant 3 : i32
      %get3A_2445 = arith.index_cast %get3A_2443 : i32 to index
      %get3A_2446 = arith.index_cast %get3A_2444 : i32 to index
      %get3A_2447 = arith.index_cast %scan3A_2430 : i32 to index
      %get3A_2448 = arith.constant 16 : index
      %get3A_2449 = tpu.vector_load %arg6[%get3A_2445, %get3A_2446, %get3A_2447, %get3A_2448] {strides = array<i32>} : memref<2x8x50x64xf32, #tpu.memory_space<vmem>>, vector<1x1x1x16xf32>,
      %get3A_2450 = vector.shape_cast %get3A_2449 : vector<1x1x1x16xf32> to vector<16xf32>
      %add3A_2451 = arith.addf %scan3A_2432, %get3A_2450 : vector<16xf32>
      %get3A_2452 = arith.constant 1 : i32
      %get3A_2453 = arith.constant 3 : i32
      %get3A_2454 = arith.index_cast %get3A_2452 : i32 to index
      %get3A_2455 = arith.index_cast %get3A_2453 : i32 to index
      %get3A_2456 = arith.index_cast %scan3A_2430 : i32 to index
      %get3A_2457 = arith.constant 32 : index
      %get3A_2458 = tpu.vector_load %arg6[%get3A_2454, %get3A_2455, %get3A_2456, %get3A_2457] {strides = array<i32>} : memref<2x8x50x64xf32, #tpu.memory_space<vmem>>, vector<1x1x1x16xf32>,
      %get3A_2459 = vector.shape_cast %get3A_2458 : vector<1x1x1x16xf32> to vector<16xf32>
      %add3A_2460 = arith.addf %scan3A_2433, %get3A_2459 : vector<16xf32>
      %get3A_2461 = arith.constant 1 : i32
      %get3A_2462 = arith.constant 3 : i32
      %get3A_2463 = arith.index_cast %get3A_2461 : i32 to index
      %get3A_2464 = arith.index_cast %get3A_2462 : i32 to index
      %get3A_2465 = arith.index_cast %scan3A_2430 : i32 to index
      %get3A_2466 = arith.constant 48 : index
      %get3A_2467 = tpu.vector_load %arg6[%get3A_2463, %get3A_2464, %get3A_2465, %get3A_2466] {strides = array<i32>} : memref<2x8x50x64xf32, #tpu.memory_space<vmem>>, vector<1x1x1x16xf32>,
      %get3A_2468 = vector.shape_cast %get3A_2467 : vector<1x1x1x16xf32> to vector<16xf32>
      %add3A_2469 = arith.addf %scan3A_2434, %get3A_2468 : vector<16xf32>
      scf.yield %add3A_2442, %add3A_2451, %add3A_2460, %add3A_2469 : vector<16xf32>, vector<16xf32>, vector<16xf32>, vector<16xf32>
    }
    %scan3A_2193 = arith.constant 50 : i32
    %mul3A_2194 = arith.constant 2.000000e-02 : f32
    %mul3A_2195 = vector.broadcast %mul3A_2194 : f32 to vector<16xf32>
    %mul3A_2196 = arith.mulf %scan3A_2192#0, %mul3A_2195 : vector<16xf32>
    %swap3A_2197 = arith.constant 27 : i32
    %swap3A_2198 = arith.index_cast %swap3A_2197 : i32 to index
    %swap3A_2199 = arith.constant 0 : index
    %swap3A_2200 = tpu.vector_load %arg7[%swap3A_2198, %swap3A_2199] {strides = array<i32>} : memref<32x64xf32, #tpu.memory_space<vmem>>, vector<1x16xf32>,
    %swap3A_2201 = vector.shape_cast %swap3A_2200 : vector<1x16xf32> to vector<16xf32>
    %swap3A_2202 = vector.shape_cast %mul3A_2196 : vector<16xf32> to vector<1x16xf32>
    tpu.vector_store %arg7[%swap3A_2198, %swap3A_2199], %swap3A_2202 {strides = array<i32>} : memref<32x64xf32, #tpu.memory_space<vmem>>, vector<1x16xf32>,
    %mul3A_2203 = arith.constant 2.000000e-02 : f32
    %mul3A_2204 = vector.broadcast %mul3A_2203 : f32 to vector<16xf32>
    %mul3A_2205 = arith.mulf %scan3A_2192#1, %mul3A_2204 : vector<16xf32>
    %swap3A_2206 = arith.constant 27 : i32
    %swap3A_2207 = arith.index_cast %swap3A_2206 : i32 to index
    %swap3A_2208 = arith.constant 16 : index
    %swap3A_2209 = tpu.vector_load %arg7[%swap3A_2207, %swap3A_2208] {strides = array<i32>} : memref<32x64xf32, #tpu.memory_space<vmem>>, vector<1x16xf32>,
    %swap3A_2210 = vector.shape_cast %swap3A_2209 : vector<1x16xf32> to vector<16xf32>
    %swap3A_2211 = vector.shape_cast %mul3A_2205 : vector<16xf32> to vector<1x16xf32>
    tpu.vector_store %arg7[%swap3A_2207, %swap3A_2208], %swap3A_2211 {strides = array<i32>} : memref<32x64xf32, #tpu.memory_space<vmem>>, vector<1x16xf32>,
    %mul3A_2212 = arith.constant 2.000000e-02 : f32
    %mul3A_2213 = vector.broadcast %mul3A_2212 : f32 to vector<16xf32>
    %mul3A_2214 = arith.mulf %scan3A_2192#2, %mul3A_2213 : vector<16xf32>
    %swap3A_2215 = arith.constant 27 : i32
    %swap3A_2216 = arith.index_cast %swap3A_2215 : i32 to index
    %swap3A_2217 = arith.constant 32 : index
    %swap3A_2218 = tpu.vector_load %arg7[%swap3A_2216, %swap3A_2217] {strides = array<i32>} : memref<32x64xf32, #tpu.memory_space<vmem>>, vector<1x16xf32>,
    %swap3A_2219 = vector.shape_cast %swap3A_2218 : vector<1x16xf32> to vector<16xf32>
    %swap3A_2220 = vector.shape_cast %mul3A_2214 : vector<16xf32> to vector<1x16xf32>
    tpu.vector_store %arg7[%swap3A_2216, %swap3A_2217], %swap3A_2220 {strides = array<i32>} : memref<32x64xf32, #tpu.memory_space<vmem>>, vector<1x16xf32>,
    %mul3A_2221 = arith.constant 2.000000e-02 : f32
    %mul3A_2222 = vector.broadcast %mul3A_2221 : f32 to vector<16xf32>
    %mul3A_2223 = arith.mulf %scan3A_2192#3, %mul3A_2222 : vector<16xf32>
    %swap3A_2224 = arith.constant 27 : i32
    %swap3A_2225 = arith.index_cast %swap3A_2224 : i32 to index
    %swap3A_2226 = arith.constant 48 : index
    %swap3A_2227 = tpu.vector_load %arg7[%swap3A_2225, %swap3A_2226] {strides = array<i32>} : memref<32x64xf32, #tpu.memory_space<vmem>>, vector<1x16xf32>,
    %swap3A_2228 = vector.shape_cast %swap3A_2227 : vector<1x16xf32> to vector<16xf32>
    %swap3A_2229 = vector.shape_cast %mul3A_2223 : vector<16xf32> to vector<1x16xf32>
    tpu.vector_store %arg7[%swap3A_2225, %swap3A_2226], %swap3A_2229 {strides = array<i32>} : memref<32x64xf32, #tpu.memory_space<vmem>>, vector<1x16xf32>,
    %broadcast_in_dim3A_2230 = arith.constant 0.000000e+00 : f32
    %broadcast_in_dim3A_2231 = vector.broadcast %broadcast_in_dim3A_2230 : f32 to vector<16xf32>
    %broadcast_in_dim3A_2232 = arith.constant 0.000000e+00 : f32
    %broadcast_in_dim3A_2233 = vector.broadcast %broadcast_in_dim3A_2232 : f32 to vector<16xf32>
    %broadcast_in_dim3A_2234 = arith.constant 0.000000e+00 : f32
    %broadcast_in_dim3A_2235 = vector.broadcast %broadcast_in_dim3A_2234 : f32 to vector<16xf32>
    %broadcast_in_dim3A_2236 = arith.constant 0.000000e+00 : f32
    %broadcast_in_dim3A_2237 = vector.broadcast %broadcast_in_dim3A_2236 : f32 to vector<16xf32>
    %scan3A_2238 = arith.constant 0 : i32
    %scan3A_2239 = arith.constant 50 : i32
    %scan3A_2240 = arith.addi %scan3A_2238, %scan3A_2239 : i32
    %scan3A_2241 = arith.constant 1 : i32
    %scan3A_2242:4 = scf.for %scan3A_2430 = %scan3A_2238 to %scan3A_2240 step %scan3A_2241 iter_args(%scan3A_2431 = %broadcast_in_dim3A_2231, %scan3A_2432 = %broadcast_in_dim3A_2233, %scan3A_2433 = %broadcast_in_dim3A_2235, %scan3A_2434 = %broadcast_in_dim3A_2237) -> (vector<16xf32>, vector<16xf32>, vector<16xf32>, vector<16xf32>)  : i32 {
      %get3A = arith.constant 1 : i32
      %get3A_2435 = arith.constant 4 : i32
      %get3A_2436 = arith.index_cast %get3A : i32 to index
      %get3A_2437 = arith.index_cast %get3A_2435 : i32 to index
      %get3A_2438 = arith.index_cast %scan3A_2430 : i32 to index
      %get3A_2439 = arith.constant 0 : index
      %get3A_2440 = tpu.vector_load %arg6[%get3A_2436, %get3A_2437, %get3A_2438, %get3A_2439] {strides = array<i32>} : memref<2x8x50x64xf32, #tpu.memory_space<vmem>>, vector<1x1x1x16xf32>,
      %get3A_2441 = vector.shape_cast %get3A_2440 : vector<1x1x1x16xf32> to vector<16xf32>
      %add3A_2442 = arith.addf %scan3A_2431, %get3A_2441 : vector<16xf32>
      %get3A_2443 = arith.constant 1 : i32
      %get3A_2444 = arith.constant 4 : i32
      %get3A_2445 = arith.index_cast %get3A_2443 : i32 to index
      %get3A_2446 = arith.index_cast %get3A_2444 : i32 to index
      %get3A_2447 = arith.index_cast %scan3A_2430 : i32 to index
      %get3A_2448 = arith.constant 16 : index
      %get3A_2449 = tpu.vector_load %arg6[%get3A_2445, %get3A_2446, %get3A_2447, %get3A_2448] {strides = array<i32>} : memref<2x8x50x64xf32, #tpu.memory_space<vmem>>, vector<1x1x1x16xf32>,
      %get3A_2450 = vector.shape_cast %get3A_2449 : vector<1x1x1x16xf32> to vector<16xf32>
      %add3A_2451 = arith.addf %scan3A_2432, %get3A_2450 : vector<16xf32>
      %get3A_2452 = arith.constant 1 : i32
      %get3A_2453 = arith.constant 4 : i32
      %get3A_2454 = arith.index_cast %get3A_2452 : i32 to index
      %get3A_2455 = arith.index_cast %get3A_2453 : i32 to index
      %get3A_2456 = arith.index_cast %scan3A_2430 : i32 to index
      %get3A_2457 = arith.constant 32 : index
      %get3A_2458 = tpu.vector_load %arg6[%get3A_2454, %get3A_2455, %get3A_2456, %get3A_2457] {strides = array<i32>} : memref<2x8x50x64xf32, #tpu.memory_space<vmem>>, vector<1x1x1x16xf32>,
      %get3A_2459 = vector.shape_cast %get3A_2458 : vector<1x1x1x16xf32> to vector<16xf32>
      %add3A_2460 = arith.addf %scan3A_2433, %get3A_2459 : vector<16xf32>
      %get3A_2461 = arith.constant 1 : i32
      %get3A_2462 = arith.constant 4 : i32
      %get3A_2463 = arith.index_cast %get3A_2461 : i32 to index
      %get3A_2464 = arith.index_cast %get3A_2462 : i32 to index
      %get3A_2465 = arith.index_cast %scan3A_2430 : i32 to index
      %get3A_2466 = arith.constant 48 : index
      %get3A_2467 = tpu.vector_load %arg6[%get3A_2463, %get3A_2464, %get3A_2465, %get3A_2466] {strides = array<i32>} : memref<2x8x50x64xf32, #tpu.memory_space<vmem>>, vector<1x1x1x16xf32>,
      %get3A_2468 = vector.shape_cast %get3A_2467 : vector<1x1x1x16xf32> to vector<16xf32>
      %add3A_2469 = arith.addf %scan3A_2434, %get3A_2468 : vector<16xf32>
      scf.yield %add3A_2442, %add3A_2451, %add3A_2460, %add3A_2469 : vector<16xf32>, vector<16xf32>, vector<16xf32>, vector<16xf32>
    }
    %scan3A_2243 = arith.constant 50 : i32
    %mul3A_2244 = arith.constant 2.000000e-02 : f32
    %mul3A_2245 = vector.broadcast %mul3A_2244 : f32 to vector<16xf32>
    %mul3A_2246 = arith.mulf %scan3A_2242#0, %mul3A_2245 : vector<16xf32>
    %swap3A_2247 = arith.constant 28 : i32
    %swap3A_2248 = arith.index_cast %swap3A_2247 : i32 to index
    %swap3A_2249 = arith.constant 0 : index
    %swap3A_2250 = tpu.vector_load %arg7[%swap3A_2248, %swap3A_2249] {strides = array<i32>} : memref<32x64xf32, #tpu.memory_space<vmem>>, vector<1x16xf32>,
    %swap3A_2251 = vector.shape_cast %swap3A_2250 : vector<1x16xf32> to vector<16xf32>
    %swap3A_2252 = vector.shape_cast %mul3A_2246 : vector<16xf32> to vector<1x16xf32>
    tpu.vector_store %arg7[%swap3A_2248, %swap3A_2249], %swap3A_2252 {strides = array<i32>} : memref<32x64xf32, #tpu.memory_space<vmem>>, vector<1x16xf32>,
    %mul3A_2253 = arith.constant 2.000000e-02 : f32
    %mul3A_2254 = vector.broadcast %mul3A_2253 : f32 to vector<16xf32>
    %mul3A_2255 = arith.mulf %scan3A_2242#1, %mul3A_2254 : vector<16xf32>
    %swap3A_2256 = arith.constant 28 : i32
    %swap3A_2257 = arith.index_cast %swap3A_2256 : i32 to index
    %swap3A_2258 = arith.constant 16 : index
    %swap3A_2259 = tpu.vector_load %arg7[%swap3A_2257, %swap3A_2258] {strides = array<i32>} : memref<32x64xf32, #tpu.memory_space<vmem>>, vector<1x16xf32>,
    %swap3A_2260 = vector.shape_cast %swap3A_2259 : vector<1x16xf32> to vector<16xf32>
    %swap3A_2261 = vector.shape_cast %mul3A_2255 : vector<16xf32> to vector<1x16xf32>
    tpu.vector_store %arg7[%swap3A_2257, %swap3A_2258], %swap3A_2261 {strides = array<i32>} : memref<32x64xf32, #tpu.memory_space<vmem>>, vector<1x16xf32>,
    %mul3A_2262 = arith.constant 2.000000e-02 : f32
    %mul3A_2263 = vector.broadcast %mul3A_2262 : f32 to vector<16xf32>
    %mul3A_2264 = arith.mulf %scan3A_2242#2, %mul3A_2263 : vector<16xf32>
    %swap3A_2265 = arith.constant 28 : i32
    %swap3A_2266 = arith.index_cast %swap3A_2265 : i32 to index
    %swap3A_2267 = arith.constant 32 : index
    %swap3A_2268 = tpu.vector_load %arg7[%swap3A_2266, %swap3A_2267] {strides = array<i32>} : memref<32x64xf32, #tpu.memory_space<vmem>>, vector<1x16xf32>,
    %swap3A_2269 = vector.shape_cast %swap3A_2268 : vector<1x16xf32> to vector<16xf32>
    %swap3A_2270 = vector.shape_cast %mul3A_2264 : vector<16xf32> to vector<1x16xf32>
    tpu.vector_store %arg7[%swap3A_2266, %swap3A_2267], %swap3A_2270 {strides = array<i32>} : memref<32x64xf32, #tpu.memory_space<vmem>>, vector<1x16xf32>,
    %mul3A_2271 = arith.constant 2.000000e-02 : f32
    %mul3A_2272 = vector.broadcast %mul3A_2271 : f32 to vector<16xf32>
    %mul3A_2273 = arith.mulf %scan3A_2242#3, %mul3A_2272 : vector<16xf32>
    %swap3A_2274 = arith.constant 28 : i32
    %swap3A_2275 = arith.index_cast %swap3A_2274 : i32 to index
    %swap3A_2276 = arith.constant 48 : index
    %swap3A_2277 = tpu.vector_load %arg7[%swap3A_2275, %swap3A_2276] {strides = array<i32>} : memref<32x64xf32, #tpu.memory_space<vmem>>, vector<1x16xf32>,
    %swap3A_2278 = vector.shape_cast %swap3A_2277 : vector<1x16xf32> to vector<16xf32>
    %swap3A_2279 = vector.shape_cast %mul3A_2273 : vector<16xf32> to vector<1x16xf32>
    tpu.vector_store %arg7[%swap3A_2275, %swap3A_2276], %swap3A_2279 {strides = array<i32>} : memref<32x64xf32, #tpu.memory_space<vmem>>, vector<1x16xf32>,
    %broadcast_in_dim3A_2280 = arith.constant 0.000000e+00 : f32
    %broadcast_in_dim3A_2281 = vector.broadcast %broadcast_in_dim3A_2280 : f32 to vector<16xf32>
    %broadcast_in_dim3A_2282 = arith.constant 0.000000e+00 : f32
    %broadcast_in_dim3A_2283 = vector.broadcast %broadcast_in_dim3A_2282 : f32 to vector<16xf32>
    %broadcast_in_dim3A_2284 = arith.constant 0.000000e+00 : f32
    %broadcast_in_dim3A_2285 = vector.broadcast %broadcast_in_dim3A_2284 : f32 to vector<16xf32>
    %broadcast_in_dim3A_2286 = arith.constant 0.000000e+00 : f32
    %broadcast_in_dim3A_2287 = vector.broadcast %broadcast_in_dim3A_2286 : f32 to vector<16xf32>
    %scan3A_2288 = arith.constant 0 : i32
    %scan3A_2289 = arith.constant 50 : i32
    %scan3A_2290 = arith.addi %scan3A_2288, %scan3A_2289 : i32
    %scan3A_2291 = arith.constant 1 : i32
    %scan3A_2292:4 = scf.for %scan3A_2430 = %scan3A_2288 to %scan3A_2290 step %scan3A_2291 iter_args(%scan3A_2431 = %broadcast_in_dim3A_2281, %scan3A_2432 = %broadcast_in_dim3A_2283, %scan3A_2433 = %broadcast_in_dim3A_2285, %scan3A_2434 = %broadcast_in_dim3A_2287) -> (vector<16xf32>, vector<16xf32>, vector<16xf32>, vector<16xf32>)  : i32 {
      %get3A = arith.constant 1 : i32
      %get3A_2435 = arith.constant 5 : i32
      %get3A_2436 = arith.index_cast %get3A : i32 to index
      %get3A_2437 = arith.index_cast %get3A_2435 : i32 to index
      %get3A_2438 = arith.index_cast %scan3A_2430 : i32 to index
      %get3A_2439 = arith.constant 0 : index
      %get3A_2440 = tpu.vector_load %arg6[%get3A_2436, %get3A_2437, %get3A_2438, %get3A_2439] {strides = array<i32>} : memref<2x8x50x64xf32, #tpu.memory_space<vmem>>, vector<1x1x1x16xf32>,
      %get3A_2441 = vector.shape_cast %get3A_2440 : vector<1x1x1x16xf32> to vector<16xf32>
      %add3A_2442 = arith.addf %scan3A_2431, %get3A_2441 : vector<16xf32>
      %get3A_2443 = arith.constant 1 : i32
      %get3A_2444 = arith.constant 5 : i32
      %get3A_2445 = arith.index_cast %get3A_2443 : i32 to index
      %get3A_2446 = arith.index_cast %get3A_2444 : i32 to index
      %get3A_2447 = arith.index_cast %scan3A_2430 : i32 to index
      %get3A_2448 = arith.constant 16 : index
      %get3A_2449 = tpu.vector_load %arg6[%get3A_2445, %get3A_2446, %get3A_2447, %get3A_2448] {strides = array<i32>} : memref<2x8x50x64xf32, #tpu.memory_space<vmem>>, vector<1x1x1x16xf32>,
      %get3A_2450 = vector.shape_cast %get3A_2449 : vector<1x1x1x16xf32> to vector<16xf32>
      %add3A_2451 = arith.addf %scan3A_2432, %get3A_2450 : vector<16xf32>
      %get3A_2452 = arith.constant 1 : i32
      %get3A_2453 = arith.constant 5 : i32
      %get3A_2454 = arith.index_cast %get3A_2452 : i32 to index
      %get3A_2455 = arith.index_cast %get3A_2453 : i32 to index
      %get3A_2456 = arith.index_cast %scan3A_2430 : i32 to index
      %get3A_2457 = arith.constant 32 : index
      %get3A_2458 = tpu.vector_load %arg6[%get3A_2454, %get3A_2455, %get3A_2456, %get3A_2457] {strides = array<i32>} : memref<2x8x50x64xf32, #tpu.memory_space<vmem>>, vector<1x1x1x16xf32>,
      %get3A_2459 = vector.shape_cast %get3A_2458 : vector<1x1x1x16xf32> to vector<16xf32>
      %add3A_2460 = arith.addf %scan3A_2433, %get3A_2459 : vector<16xf32>
      %get3A_2461 = arith.constant 1 : i32
      %get3A_2462 = arith.constant 5 : i32
      %get3A_2463 = arith.index_cast %get3A_2461 : i32 to index
      %get3A_2464 = arith.index_cast %get3A_2462 : i32 to index
      %get3A_2465 = arith.index_cast %scan3A_2430 : i32 to index
      %get3A_2466 = arith.constant 48 : index
      %get3A_2467 = tpu.vector_load %arg6[%get3A_2463, %get3A_2464, %get3A_2465, %get3A_2466] {strides = array<i32>} : memref<2x8x50x64xf32, #tpu.memory_space<vmem>>, vector<1x1x1x16xf32>,
      %get3A_2468 = vector.shape_cast %get3A_2467 : vector<1x1x1x16xf32> to vector<16xf32>
      %add3A_2469 = arith.addf %scan3A_2434, %get3A_2468 : vector<16xf32>
      scf.yield %add3A_2442, %add3A_2451, %add3A_2460, %add3A_2469 : vector<16xf32>, vector<16xf32>, vector<16xf32>, vector<16xf32>
    }
    %scan3A_2293 = arith.constant 50 : i32
    %mul3A_2294 = arith.constant 2.000000e-02 : f32
    %mul3A_2295 = vector.broadcast %mul3A_2294 : f32 to vector<16xf32>
    %mul3A_2296 = arith.mulf %scan3A_2292#0, %mul3A_2295 : vector<16xf32>
    %swap3A_2297 = arith.constant 29 : i32
    %swap3A_2298 = arith.index_cast %swap3A_2297 : i32 to index
    %swap3A_2299 = arith.constant 0 : index
    %swap3A_2300 = tpu.vector_load %arg7[%swap3A_2298, %swap3A_2299] {strides = array<i32>} : memref<32x64xf32, #tpu.memory_space<vmem>>, vector<1x16xf32>,
    %swap3A_2301 = vector.shape_cast %swap3A_2300 : vector<1x16xf32> to vector<16xf32>
    %swap3A_2302 = vector.shape_cast %mul3A_2296 : vector<16xf32> to vector<1x16xf32>
    tpu.vector_store %arg7[%swap3A_2298, %swap3A_2299], %swap3A_2302 {strides = array<i32>} : memref<32x64xf32, #tpu.memory_space<vmem>>, vector<1x16xf32>,
    %mul3A_2303 = arith.constant 2.000000e-02 : f32
    %mul3A_2304 = vector.broadcast %mul3A_2303 : f32 to vector<16xf32>
    %mul3A_2305 = arith.mulf %scan3A_2292#1, %mul3A_2304 : vector<16xf32>
    %swap3A_2306 = arith.constant 29 : i32
    %swap3A_2307 = arith.index_cast %swap3A_2306 : i32 to index
    %swap3A_2308 = arith.constant 16 : index
    %swap3A_2309 = tpu.vector_load %arg7[%swap3A_2307, %swap3A_2308] {strides = array<i32>} : memref<32x64xf32, #tpu.memory_space<vmem>>, vector<1x16xf32>,
    %swap3A_2310 = vector.shape_cast %swap3A_2309 : vector<1x16xf32> to vector<16xf32>
    %swap3A_2311 = vector.shape_cast %mul3A_2305 : vector<16xf32> to vector<1x16xf32>
    tpu.vector_store %arg7[%swap3A_2307, %swap3A_2308], %swap3A_2311 {strides = array<i32>} : memref<32x64xf32, #tpu.memory_space<vmem>>, vector<1x16xf32>,
    %mul3A_2312 = arith.constant 2.000000e-02 : f32
    %mul3A_2313 = vector.broadcast %mul3A_2312 : f32 to vector<16xf32>
    %mul3A_2314 = arith.mulf %scan3A_2292#2, %mul3A_2313 : vector<16xf32>
    %swap3A_2315 = arith.constant 29 : i32
    %swap3A_2316 = arith.index_cast %swap3A_2315 : i32 to index
    %swap3A_2317 = arith.constant 32 : index
    %swap3A_2318 = tpu.vector_load %arg7[%swap3A_2316, %swap3A_2317] {strides = array<i32>} : memref<32x64xf32, #tpu.memory_space<vmem>>, vector<1x16xf32>,
    %swap3A_2319 = vector.shape_cast %swap3A_2318 : vector<1x16xf32> to vector<16xf32>
    %swap3A_2320 = vector.shape_cast %mul3A_2314 : vector<16xf32> to vector<1x16xf32>
    tpu.vector_store %arg7[%swap3A_2316, %swap3A_2317], %swap3A_2320 {strides = array<i32>} : memref<32x64xf32, #tpu.memory_space<vmem>>, vector<1x16xf32>,
    %mul3A_2321 = arith.constant 2.000000e-02 : f32
    %mul3A_2322 = vector.broadcast %mul3A_2321 : f32 to vector<16xf32>
    %mul3A_2323 = arith.mulf %scan3A_2292#3, %mul3A_2322 : vector<16xf32>
    %swap3A_2324 = arith.constant 29 : i32
    %swap3A_2325 = arith.index_cast %swap3A_2324 : i32 to index
    %swap3A_2326 = arith.constant 48 : index
    %swap3A_2327 = tpu.vector_load %arg7[%swap3A_2325, %swap3A_2326] {strides = array<i32>} : memref<32x64xf32, #tpu.memory_space<vmem>>, vector<1x16xf32>,
    %swap3A_2328 = vector.shape_cast %swap3A_2327 : vector<1x16xf32> to vector<16xf32>
    %swap3A_2329 = vector.shape_cast %mul3A_2323 : vector<16xf32> to vector<1x16xf32>
    tpu.vector_store %arg7[%swap3A_2325, %swap3A_2326], %swap3A_2329 {strides = array<i32>} : memref<32x64xf32, #tpu.memory_space<vmem>>, vector<1x16xf32>,
    %broadcast_in_dim3A_2330 = arith.constant 0.000000e+00 : f32
    %broadcast_in_dim3A_2331 = vector.broadcast %broadcast_in_dim3A_2330 : f32 to vector<16xf32>
    %broadcast_in_dim3A_2332 = arith.constant 0.000000e+00 : f32
    %broadcast_in_dim3A_2333 = vector.broadcast %broadcast_in_dim3A_2332 : f32 to vector<16xf32>
    %broadcast_in_dim3A_2334 = arith.constant 0.000000e+00 : f32
    %broadcast_in_dim3A_2335 = vector.broadcast %broadcast_in_dim3A_2334 : f32 to vector<16xf32>
    %broadcast_in_dim3A_2336 = arith.constant 0.000000e+00 : f32
    %broadcast_in_dim3A_2337 = vector.broadcast %broadcast_in_dim3A_2336 : f32 to vector<16xf32>
    %scan3A_2338 = arith.constant 0 : i32
    %scan3A_2339 = arith.constant 50 : i32
    %scan3A_2340 = arith.addi %scan3A_2338, %scan3A_2339 : i32
    %scan3A_2341 = arith.constant 1 : i32
    %scan3A_2342:4 = scf.for %scan3A_2430 = %scan3A_2338 to %scan3A_2340 step %scan3A_2341 iter_args(%scan3A_2431 = %broadcast_in_dim3A_2331, %scan3A_2432 = %broadcast_in_dim3A_2333, %scan3A_2433 = %broadcast_in_dim3A_2335, %scan3A_2434 = %broadcast_in_dim3A_2337) -> (vector<16xf32>, vector<16xf32>, vector<16xf32>, vector<16xf32>)  : i32 {
      %get3A = arith.constant 1 : i32
      %get3A_2435 = arith.constant 6 : i32
      %get3A_2436 = arith.index_cast %get3A : i32 to index
      %get3A_2437 = arith.index_cast %get3A_2435 : i32 to index
      %get3A_2438 = arith.index_cast %scan3A_2430 : i32 to index
      %get3A_2439 = arith.constant 0 : index
      %get3A_2440 = tpu.vector_load %arg6[%get3A_2436, %get3A_2437, %get3A_2438, %get3A_2439] {strides = array<i32>} : memref<2x8x50x64xf32, #tpu.memory_space<vmem>>, vector<1x1x1x16xf32>,
      %get3A_2441 = vector.shape_cast %get3A_2440 : vector<1x1x1x16xf32> to vector<16xf32>
      %add3A_2442 = arith.addf %scan3A_2431, %get3A_2441 : vector<16xf32>
      %get3A_2443 = arith.constant 1 : i32
      %get3A_2444 = arith.constant 6 : i32
      %get3A_2445 = arith.index_cast %get3A_2443 : i32 to index
      %get3A_2446 = arith.index_cast %get3A_2444 : i32 to index
      %get3A_2447 = arith.index_cast %scan3A_2430 : i32 to index
      %get3A_2448 = arith.constant 16 : index
      %get3A_2449 = tpu.vector_load %arg6[%get3A_2445, %get3A_2446, %get3A_2447, %get3A_2448] {strides = array<i32>} : memref<2x8x50x64xf32, #tpu.memory_space<vmem>>, vector<1x1x1x16xf32>,
      %get3A_2450 = vector.shape_cast %get3A_2449 : vector<1x1x1x16xf32> to vector<16xf32>
      %add3A_2451 = arith.addf %scan3A_2432, %get3A_2450 : vector<16xf32>
      %get3A_2452 = arith.constant 1 : i32
      %get3A_2453 = arith.constant 6 : i32
      %get3A_2454 = arith.index_cast %get3A_2452 : i32 to index
      %get3A_2455 = arith.index_cast %get3A_2453 : i32 to index
      %get3A_2456 = arith.index_cast %scan3A_2430 : i32 to index
      %get3A_2457 = arith.constant 32 : index
      %get3A_2458 = tpu.vector_load %arg6[%get3A_2454, %get3A_2455, %get3A_2456, %get3A_2457] {strides = array<i32>} : memref<2x8x50x64xf32, #tpu.memory_space<vmem>>, vector<1x1x1x16xf32>,
      %get3A_2459 = vector.shape_cast %get3A_2458 : vector<1x1x1x16xf32> to vector<16xf32>
      %add3A_2460 = arith.addf %scan3A_2433, %get3A_2459 : vector<16xf32>
      %get3A_2461 = arith.constant 1 : i32
      %get3A_2462 = arith.constant 6 : i32
      %get3A_2463 = arith.index_cast %get3A_2461 : i32 to index
      %get3A_2464 = arith.index_cast %get3A_2462 : i32 to index
      %get3A_2465 = arith.index_cast %scan3A_2430 : i32 to index
      %get3A_2466 = arith.constant 48 : index
      %get3A_2467 = tpu.vector_load %arg6[%get3A_2463, %get3A_2464, %get3A_2465, %get3A_2466] {strides = array<i32>} : memref<2x8x50x64xf32, #tpu.memory_space<vmem>>, vector<1x1x1x16xf32>,
      %get3A_2468 = vector.shape_cast %get3A_2467 : vector<1x1x1x16xf32> to vector<16xf32>
      %add3A_2469 = arith.addf %scan3A_2434, %get3A_2468 : vector<16xf32>
      scf.yield %add3A_2442, %add3A_2451, %add3A_2460, %add3A_2469 : vector<16xf32>, vector<16xf32>, vector<16xf32>, vector<16xf32>
    }
    %scan3A_2343 = arith.constant 50 : i32
    %mul3A_2344 = arith.constant 2.000000e-02 : f32
    %mul3A_2345 = vector.broadcast %mul3A_2344 : f32 to vector<16xf32>
    %mul3A_2346 = arith.mulf %scan3A_2342#0, %mul3A_2345 : vector<16xf32>
    %swap3A_2347 = arith.constant 30 : i32
    %swap3A_2348 = arith.index_cast %swap3A_2347 : i32 to index
    %swap3A_2349 = arith.constant 0 : index
    %swap3A_2350 = tpu.vector_load %arg7[%swap3A_2348, %swap3A_2349] {strides = array<i32>} : memref<32x64xf32, #tpu.memory_space<vmem>>, vector<1x16xf32>,
    %swap3A_2351 = vector.shape_cast %swap3A_2350 : vector<1x16xf32> to vector<16xf32>
    %swap3A_2352 = vector.shape_cast %mul3A_2346 : vector<16xf32> to vector<1x16xf32>
    tpu.vector_store %arg7[%swap3A_2348, %swap3A_2349], %swap3A_2352 {strides = array<i32>} : memref<32x64xf32, #tpu.memory_space<vmem>>, vector<1x16xf32>,
    %mul3A_2353 = arith.constant 2.000000e-02 : f32
    %mul3A_2354 = vector.broadcast %mul3A_2353 : f32 to vector<16xf32>
    %mul3A_2355 = arith.mulf %scan3A_2342#1, %mul3A_2354 : vector<16xf32>
    %swap3A_2356 = arith.constant 30 : i32
    %swap3A_2357 = arith.index_cast %swap3A_2356 : i32 to index
    %swap3A_2358 = arith.constant 16 : index
    %swap3A_2359 = tpu.vector_load %arg7[%swap3A_2357, %swap3A_2358] {strides = array<i32>} : memref<32x64xf32, #tpu.memory_space<vmem>>, vector<1x16xf32>,
    %swap3A_2360 = vector.shape_cast %swap3A_2359 : vector<1x16xf32> to vector<16xf32>
    %swap3A_2361 = vector.shape_cast %mul3A_2355 : vector<16xf32> to vector<1x16xf32>
    tpu.vector_store %arg7[%swap3A_2357, %swap3A_2358], %swap3A_2361 {strides = array<i32>} : memref<32x64xf32, #tpu.memory_space<vmem>>, vector<1x16xf32>,
    %mul3A_2362 = arith.constant 2.000000e-02 : f32
    %mul3A_2363 = vector.broadcast %mul3A_2362 : f32 to vector<16xf32>
    %mul3A_2364 = arith.mulf %scan3A_2342#2, %mul3A_2363 : vector<16xf32>
    %swap3A_2365 = arith.constant 30 : i32
    %swap3A_2366 = arith.index_cast %swap3A_2365 : i32 to index
    %swap3A_2367 = arith.constant 32 : index
    %swap3A_2368 = tpu.vector_load %arg7[%swap3A_2366, %swap3A_2367] {strides = array<i32>} : memref<32x64xf32, #tpu.memory_space<vmem>>, vector<1x16xf32>,
    %swap3A_2369 = vector.shape_cast %swap3A_2368 : vector<1x16xf32> to vector<16xf32>
    %swap3A_2370 = vector.shape_cast %mul3A_2364 : vector<16xf32> to vector<1x16xf32>
    tpu.vector_store %arg7[%swap3A_2366, %swap3A_2367], %swap3A_2370 {strides = array<i32>} : memref<32x64xf32, #tpu.memory_space<vmem>>, vector<1x16xf32>,
    %mul3A_2371 = arith.constant 2.000000e-02 : f32
    %mul3A_2372 = vector.broadcast %mul3A_2371 : f32 to vector<16xf32>
    %mul3A_2373 = arith.mulf %scan3A_2342#3, %mul3A_2372 : vector<16xf32>
    %swap3A_2374 = arith.constant 30 : i32
    %swap3A_2375 = arith.index_cast %swap3A_2374 : i32 to index
    %swap3A_2376 = arith.constant 48 : index
    %swap3A_2377 = tpu.vector_load %arg7[%swap3A_2375, %swap3A_2376] {strides = array<i32>} : memref<32x64xf32, #tpu.memory_space<vmem>>, vector<1x16xf32>,
    %swap3A_2378 = vector.shape_cast %swap3A_2377 : vector<1x16xf32> to vector<16xf32>
    %swap3A_2379 = vector.shape_cast %mul3A_2373 : vector<16xf32> to vector<1x16xf32>
    tpu.vector_store %arg7[%swap3A_2375, %swap3A_2376], %swap3A_2379 {strides = array<i32>} : memref<32x64xf32, #tpu.memory_space<vmem>>, vector<1x16xf32>,
    %broadcast_in_dim3A_2380 = arith.constant 0.000000e+00 : f32
    %broadcast_in_dim3A_2381 = vector.broadcast %broadcast_in_dim3A_2380 : f32 to vector<16xf32>
    %broadcast_in_dim3A_2382 = arith.constant 0.000000e+00 : f32
    %broadcast_in_dim3A_2383 = vector.broadcast %broadcast_in_dim3A_2382 : f32 to vector<16xf32>
    %broadcast_in_dim3A_2384 = arith.constant 0.000000e+00 : f32
    %broadcast_in_dim3A_2385 = vector.broadcast %broadcast_in_dim3A_2384 : f32 to vector<16xf32>
    %broadcast_in_dim3A_2386 = arith.constant 0.000000e+00 : f32
    %broadcast_in_dim3A_2387 = vector.broadcast %broadcast_in_dim3A_2386 : f32 to vector<16xf32>
    %scan3A_2388 = arith.constant 0 : i32
    %scan3A_2389 = arith.constant 50 : i32
    %scan3A_2390 = arith.addi %scan3A_2388, %scan3A_2389 : i32
    %scan3A_2391 = arith.constant 1 : i32
    %scan3A_2392:4 = scf.for %scan3A_2430 = %scan3A_2388 to %scan3A_2390 step %scan3A_2391 iter_args(%scan3A_2431 = %broadcast_in_dim3A_2381, %scan3A_2432 = %broadcast_in_dim3A_2383, %scan3A_2433 = %broadcast_in_dim3A_2385, %scan3A_2434 = %broadcast_in_dim3A_2387) -> (vector<16xf32>, vector<16xf32>, vector<16xf32>, vector<16xf32>)  : i32 {
      %get3A = arith.constant 1 : i32
      %get3A_2435 = arith.constant 7 : i32
      %get3A_2436 = arith.index_cast %get3A : i32 to index
      %get3A_2437 = arith.index_cast %get3A_2435 : i32 to index
      %get3A_2438 = arith.index_cast %scan3A_2430 : i32 to index
      %get3A_2439 = arith.constant 0 : index
      %get3A_2440 = tpu.vector_load %arg6[%get3A_2436, %get3A_2437, %get3A_2438, %get3A_2439] {strides = array<i32>} : memref<2x8x50x64xf32, #tpu.memory_space<vmem>>, vector<1x1x1x16xf32>,
      %get3A_2441 = vector.shape_cast %get3A_2440 : vector<1x1x1x16xf32> to vector<16xf32>
      %add3A_2442 = arith.addf %scan3A_2431, %get3A_2441 : vector<16xf32>
      %get3A_2443 = arith.constant 1 : i32
      %get3A_2444 = arith.constant 7 : i32
      %get3A_2445 = arith.index_cast %get3A_2443 : i32 to index
      %get3A_2446 = arith.index_cast %get3A_2444 : i32 to index
      %get3A_2447 = arith.index_cast %scan3A_2430 : i32 to index
      %get3A_2448 = arith.constant 16 : index
      %get3A_2449 = tpu.vector_load %arg6[%get3A_2445, %get3A_2446, %get3A_2447, %get3A_2448] {strides = array<i32>} : memref<2x8x50x64xf32, #tpu.memory_space<vmem>>, vector<1x1x1x16xf32>,
      %get3A_2450 = vector.shape_cast %get3A_2449 : vector<1x1x1x16xf32> to vector<16xf32>
      %add3A_2451 = arith.addf %scan3A_2432, %get3A_2450 : vector<16xf32>
      %get3A_2452 = arith.constant 1 : i32
      %get3A_2453 = arith.constant 7 : i32
      %get3A_2454 = arith.index_cast %get3A_2452 : i32 to index
      %get3A_2455 = arith.index_cast %get3A_2453 : i32 to index
      %get3A_2456 = arith.index_cast %scan3A_2430 : i32 to index
      %get3A_2457 = arith.constant 32 : index
      %get3A_2458 = tpu.vector_load %arg6[%get3A_2454, %get3A_2455, %get3A_2456, %get3A_2457] {strides = array<i32>} : memref<2x8x50x64xf32, #tpu.memory_space<vmem>>, vector<1x1x1x16xf32>,
      %get3A_2459 = vector.shape_cast %get3A_2458 : vector<1x1x1x16xf32> to vector<16xf32>
      %add3A_2460 = arith.addf %scan3A_2433, %get3A_2459 : vector<16xf32>
      %get3A_2461 = arith.constant 1 : i32
      %get3A_2462 = arith.constant 7 : i32
      %get3A_2463 = arith.index_cast %get3A_2461 : i32 to index
      %get3A_2464 = arith.index_cast %get3A_2462 : i32 to index
      %get3A_2465 = arith.index_cast %scan3A_2430 : i32 to index
      %get3A_2466 = arith.constant 48 : index
      %get3A_2467 = tpu.vector_load %arg6[%get3A_2463, %get3A_2464, %get3A_2465, %get3A_2466] {strides = array<i32>} : memref<2x8x50x64xf32, #tpu.memory_space<vmem>>, vector<1x1x1x16xf32>,
      %get3A_2468 = vector.shape_cast %get3A_2467 : vector<1x1x1x16xf32> to vector<16xf32>
      %add3A_2469 = arith.addf %scan3A_2434, %get3A_2468 : vector<16xf32>
      scf.yield %add3A_2442, %add3A_2451, %add3A_2460, %add3A_2469 : vector<16xf32>, vector<16xf32>, vector<16xf32>, vector<16xf32>
    }
    %scan3A_2393 = arith.constant 50 : i32
    %mul3A_2394 = arith.constant 2.000000e-02 : f32
    %mul3A_2395 = vector.broadcast %mul3A_2394 : f32 to vector<16xf32>
    %mul3A_2396 = arith.mulf %scan3A_2392#0, %mul3A_2395 : vector<16xf32>
    %swap3A_2397 = arith.constant 31 : i32
    %swap3A_2398 = arith.index_cast %swap3A_2397 : i32 to index
    %swap3A_2399 = arith.constant 0 : index
    %swap3A_2400 = tpu.vector_load %arg7[%swap3A_2398, %swap3A_2399] {strides = array<i32>} : memref<32x64xf32, #tpu.memory_space<vmem>>, vector<1x16xf32>,
    %swap3A_2401 = vector.shape_cast %swap3A_2400 : vector<1x16xf32> to vector<16xf32>
    %swap3A_2402 = vector.shape_cast %mul3A_2396 : vector<16xf32> to vector<1x16xf32>
    tpu.vector_store %arg7[%swap3A_2398, %swap3A_2399], %swap3A_2402 {strides = array<i32>} : memref<32x64xf32, #tpu.memory_space<vmem>>, vector<1x16xf32>,
    %mul3A_2403 = arith.constant 2.000000e-02 : f32
    %mul3A_2404 = vector.broadcast %mul3A_2403 : f32 to vector<16xf32>
    %mul3A_2405 = arith.mulf %scan3A_2392#1, %mul3A_2404 : vector<16xf32>
    %swap3A_2406 = arith.constant 31 : i32
    %swap3A_2407 = arith.index_cast %swap3A_2406 : i32 to index
    %swap3A_2408 = arith.constant 16 : index
    %swap3A_2409 = tpu.vector_load %arg7[%swap3A_2407, %swap3A_2408] {strides = array<i32>} : memref<32x64xf32, #tpu.memory_space<vmem>>, vector<1x16xf32>,
    %swap3A_2410 = vector.shape_cast %swap3A_2409 : vector<1x16xf32> to vector<16xf32>
    %swap3A_2411 = vector.shape_cast %mul3A_2405 : vector<16xf32> to vector<1x16xf32>
    tpu.vector_store %arg7[%swap3A_2407, %swap3A_2408], %swap3A_2411 {strides = array<i32>} : memref<32x64xf32, #tpu.memory_space<vmem>>, vector<1x16xf32>,
    %mul3A_2412 = arith.constant 2.000000e-02 : f32
    %mul3A_2413 = vector.broadcast %mul3A_2412 : f32 to vector<16xf32>
    %mul3A_2414 = arith.mulf %scan3A_2392#2, %mul3A_2413 : vector<16xf32>
    %swap3A_2415 = arith.constant 31 : i32
    %swap3A_2416 = arith.index_cast %swap3A_2415 : i32 to index
    %swap3A_2417 = arith.constant 32 : index
    %swap3A_2418 = tpu.vector_load %arg7[%swap3A_2416, %swap3A_2417] {strides = array<i32>} : memref<32x64xf32, #tpu.memory_space<vmem>>, vector<1x16xf32>,
    %swap3A_2419 = vector.shape_cast %swap3A_2418 : vector<1x16xf32> to vector<16xf32>
    %swap3A_2420 = vector.shape_cast %mul3A_2414 : vector<16xf32> to vector<1x16xf32>
    tpu.vector_store %arg7[%swap3A_2416, %swap3A_2417], %swap3A_2420 {strides = array<i32>} : memref<32x64xf32, #tpu.memory_space<vmem>>, vector<1x16xf32>,
    %mul3A_2421 = arith.constant 2.000000e-02 : f32
    %mul3A_2422 = vector.broadcast %mul3A_2421 : f32 to vector<16xf32>
    %mul3A_2423 = arith.mulf %scan3A_2392#3, %mul3A_2422 : vector<16xf32>
    %swap3A_2424 = arith.constant 31 : i32
    %swap3A_2425 = arith.index_cast %swap3A_2424 : i32 to index
    %swap3A_2426 = arith.constant 48 : index
    %swap3A_2427 = tpu.vector_load %arg7[%swap3A_2425, %swap3A_2426] {strides = array<i32>} : memref<32x64xf32, #tpu.memory_space<vmem>>, vector<1x16xf32>,
    %swap3A_2428 = vector.shape_cast %swap3A_2427 : vector<1x16xf32> to vector<16xf32>
    %swap3A_2429 = vector.shape_cast %mul3A_2423 : vector<16xf32> to vector<1x16xf32>
    tpu.vector_store %arg7[%swap3A_2425, %swap3A_2426], %swap3A_2429 {strides = array<i32>} : memref<32x64xf32, #tpu.memory_space<vmem>>, vector<1x16xf32>,
    "tpu.region"() ({
      %run_scoped3A = tpu.sem_alloc : memref<!tpu.dma_semaphore, #tpu.memory_space<semaphore_mem>>
      %dma_start3A_2430 = arith.constant 0 : i32
      %dma_start3A_2431 = tpu.memref_slice %arg4[%mul3A_2, %dma_start3A_2430] : memref<1024x64xf32, #tpu.memory_space<hbm>> -> memref<32x64xf32, #tpu.memory_space<hbm>>
      %dma_start3A_2432 = arith.constant 0 : i32
      %dma_start3A_2433 = tpu.memref_slice %arg4[%mul3A_2, %dma_start3A_2432] : memref<1024x64xf32, #tpu.memory_space<hbm>> -> memref<32x64xf32, #tpu.memory_space<hbm>>
      tpu.enqueue_dma source(%arg7 : memref<32x64xf32, #tpu.memory_space<vmem>>) target(%dma_start3A_2433 : memref<32x64xf32, #tpu.memory_space<hbm>>) target_semaphore(%run_scoped3A : memref<!tpu.dma_semaphore, #tpu.memory_space<semaphore_mem>>)
      %dma_wait3A_2434 = arith.constant 0 : i32
      %dma_wait3A_2435 = tpu.memref_slice %arg4[%mul3A_2, %dma_wait3A_2434] : memref<1024x64xf32, #tpu.memory_space<hbm>> -> memref<32x64xf32, #tpu.memory_space<hbm>>
      %dma_wait3A_2436 = arith.constant 0 : i32
      %dma_wait3A_2437 = tpu.memref_slice %arg4[%mul3A_2, %dma_wait3A_2436] : memref<1024x64xf32, #tpu.memory_space<hbm>> -> memref<32x64xf32, #tpu.memory_space<hbm>>
      tpu.wait_dma2 semaphore(%run_scoped3A : memref<!tpu.dma_semaphore, #tpu.memory_space<semaphore_mem>>) src(%arg7 : memref<32x64xf32, #tpu.memory_space<vmem>>) dst(%dma_wait3A_2437 : memref<32x64xf32, #tpu.memory_space<hbm>>)
      tpu.yield
    }) : () -> ()
    return
  }
}

module attributes {stable_mosaic.version = 14 : i64} {
  func.func @_softmax_body(%arg0: i32, %arg1: memref<32x64xf32, #tpu.memory_space<vmem>>, %arg2: memref<64x100000xf32, #tpu.memory_space<vmem>>, %arg3: memref<1x100000xf32, #tpu.memory_space<vmem>>, %arg4: memref<32x100000xf32, #tpu.memory_space<vmem>>) attributes {dimension_semantics = [#tpu.dimension_semantics<parallel>], iteration_bounds = array<i64: 32>, scalar_prefetch = 0 : i64, scratch_operands = 0 : i64, tpu.core_type = #tpu.core_type<tc>, window_params = [{transform_indices = @transform_0, window_bounds = array<i64: 32, 64>}, {pipeline_mode = #tpu.pipeline_mode<synchronous>, transform_indices = @transform_1, window_bounds = array<i64: 64, 100000>}, {pipeline_mode = #tpu.pipeline_mode<synchronous>, transform_indices = @transform_2, window_bounds = array<i64: 1, 100000>}, {transform_indices = @transform_3, window_bounds = array<i64: 32, 100000>}]} {
    %get3A = arith.constant 0 : index
    %get3A_0 = arith.constant 0 : index
    %get3A_1 = vector.load %arg1[%get3A, %get3A_0] : memref<32x64xf32, #tpu.memory_space<vmem>>, vector<32x64xf32>
    %get3A_2 = arith.constant 0 : index
    %get3A_3 = arith.constant 0 : index
    %get3A_4 = vector.load %arg2[%get3A_2, %get3A_3] : memref<64x100000xf32, #tpu.memory_space<vmem>>, vector<64x100000xf32>
    %dot_general3A = arith.constant dense<0.000000e+00> : vector<32x100000xf32>
    %dot_general3A_5 = tpu.matmul %get3A_1, %get3A_4, %dot_general3A {dimension_numbers = #tpu.dot_dimension_numbers<[1], [0], [0], [1], [0, 0, 1, 1], [], []>, transpose_lhs_hint = false} : vector<32x64xf32>, vector<64x100000xf32>, vector<32x100000xf32> -> vector<32x100000xf32>
    %get3A_6 = arith.constant 0 : index
    %get3A_7 = arith.constant 0 : index
    %get3A_8 = vector.load %arg3[%get3A_6, %get3A_7] : memref<1x100000xf32, #tpu.memory_space<vmem>>, vector<1x100000xf32>
    %add3A = vector.broadcast %get3A_8 : vector<1x100000xf32> to vector<32x100000xf32>
    %add3A_9 = arith.addf %dot_general3A_5, %add3A : vector<32x100000xf32>
    %exp3A = math.exp %add3A_9 : vector<32x100000xf32>
    %reduce_sum3A = arith.constant dense<0.000000e+00> : vector<32xf32>
    %reduce_sum3A_10 = vector.multi_reduction <add>, %exp3A, %reduce_sum3A [1] : vector<32x100000xf32> to vector<32xf32>
    %broadcast_in_dim3A = vector.shape_cast %reduce_sum3A_10 : vector<32xf32> to vector<32x1xf32>
    %div3A = arith.constant 1.000000e+00 : f32
    %div3A_11 = vector.broadcast %div3A : f32 to vector<32x1xf32>
    %div3A_12 = arith.divf %div3A_11, %broadcast_in_dim3A : vector<32x1xf32>
    %mul3A = vector.broadcast %div3A_12 : vector<32x1xf32> to vector<32x100000xf32>
    %mul3A_13 = arith.mulf %exp3A, %mul3A : vector<32x100000xf32>
    %swap3A = arith.constant 0 : index
    %swap3A_14 = arith.constant 0 : index
    %swap3A_15 = vector.load %arg4[%swap3A, %swap3A_14] : memref<32x100000xf32, #tpu.memory_space<vmem>>, vector<32x100000xf32>
    tpu.vector_store %arg4[%swap3A, %swap3A_14], %mul3A_13 {strides = array<i32>} : memref<32x100000xf32, #tpu.memory_space<vmem>>, vector<32x100000xf32>,
    return
  }
  func.func @transform_0(%arg0: i32) -> (i32, i32) {
    %c0_i32 = arith.constant 0 : i32
    %c0_i32_0 = arith.constant 0 : i32
    return %arg0, %c0_i32 : i32, i32
  }
  func.func @transform_1(%arg0: i32) -> (i32, i32) {
    %c0_i32 = arith.constant 0 : i32
    %c0_i32_0 = arith.constant 0 : i32
    %c0_i32_1 = arith.constant 0 : i32
    return %c0_i32, %c0_i32_0 : i32, i32
  }
  func.func @transform_2(%arg0: i32) -> (i32, i32) {
    %c0_i32 = arith.constant 0 : i32
    %c0_i32_0 = arith.constant 0 : i32
    %c0_i32_1 = arith.constant 0 : i32
    return %c0_i32, %c0_i32_0 : i32, i32
  }
  func.func @transform_3(%arg0: i32) -> (i32, i32) {
    %c0_i32 = arith.constant 0 : i32
    %c0_i32_0 = arith.constant 0 : i32
    return %arg0, %c0_i32 : i32, i32
  }
}

</mosaic_0001>

<sc_bundles>
// kernel: kernel.4.cloned.1.call-start
scs
__scs_entry_jumppad:
0x0: {  	(pc) =	sbr.rel $0x88, $3  }
0x1: {  	(tag) =	ssettag $0x0;
	lr =	simm.s32 $0x1  }
0x2: {  	[smem:$0x3F9D] =	sst lr;
	_ =	strace $0xD0000000  }
0x3: {  	_ = 	snop  }
0x4: {  	_ = 	snop  }
0x5: {  	_ = 	snop  }
0x6: {  	_ = 	snop  }
0x7: {  	_ = 	snop  }
__scs_overlays_trampoline_lowered:
0x8: {  	[smem:$0x3FAC] =	sst s0  }
0x9: {  	[smem:$0x3FAD] =	sst s1  }
0xa: {  	[smem:$0x3FAE] =	sst s2  }
0xb: {  	[smem:$0x3FAF] =	sst s3  }
0xc: {  	[smem:$0x3FB0] =	sst s4  }
0xd: {  	[smem:$0x3FB1] =	sst s5  }
0xe: {  	[smem:$0x3FB2] =	sst s6  }
0xf: {  	[smem:$0x3FB3] =	sst s7  }
0x10: {  	[smem:$0x3FB4] =	sst s8  }
0x11: {  	[smem:$0x3FB5] =	sst s9;
	s0 =	simm.s32 @!p0 $0x0  }
0x12: {  	s1 =	sld [smem:$0x3F9B];
	s0 =	simm.s32 @p0 $0x1  }
0x13: {  	[smem:$0x3FB6] =	sst s0;
	s0 =	simm.s32 @!p1 $0x0  }
0x14: {  	s2 =	sld [smem:$0x3F9A];
	s0 =	simm.s32 @p1 $0x1  }
0x15: {  	[smem:$0x3FB7] =	sst s0;
	s0 =	simm.s32 @!p2 $0x0  }
0x16: {  	s3 =	sld [smem:$0x3FDB];
	s0 =	simm.s32 @p2 $0x1  }
0x17: {  	s4 =	simm.s32 $0x1BF5;
	[smem:$0x3FB9] =	sst s0  }
0x18: {  	s0 =	sld [smem:$0x3F9C];
	_ =	swait.ge [sflag:s4], $0x0  }
0x19: {  	s7 =	sld [smem:$0x3F9D]  }
0x1a: {  	s8 =	sadd.s32 $0xFFFFE003, lr  }
0x1b: {  	s9 =	sadd.s32 $0xFFFFFEF7, lr;
	s5 =	simm.s32 $0xFFFFFFFF;
	p2 =	slt.u32 s8, $0xFFFFF086  }
0x1c: {  	p1 =	slt.u32 s9, $0xF7A;
	s5 =	simm.s32 @!p2 $0x0  }
0x1d: {  	s5 =	simm.s32 @p1 $0x1;
	p0 =	seq.s32 s7, s2  }
0x1e: {  	s7 =	smul.u32 @!p0 $0xF7A, s2;
	p2 =	seq.s32 @!p0 s5, $0x0  }
0x1f: {  	s9 =	smul.u32 $0xF7A, s1;
	s8 =	simm.s32 @!p0 $0x1BF5;
	p2 =	por !p2, p0  }
0x20: {  	[sflag:s8] =	ssyncset.s32 @!p0 $0xFFFFF086;
	s6 =	sadd.s32 @!p0 s3, s7;
	s7 =	simm.s32 @!p0 $0x108  }
0x21: {  	s3 =	sadd.s32 s3, s9;
	s6 =	sadd.s32 @!p0 $0x88, s6;
	s7 =	simm.s32 @p2 $0x1082  }
0x22: {  	[simem:s7], [sflag:s8] =	dma.local @!p0 [hbm:s6], $0xF7A  }
0x23: {  	s9 =	sor.u32 $0xD0000000, s2;
	s6 =	simm.s32 $0x108;
	_ =	swait.ge @!p0 [sflag:s8], $0x0  }
0x24: {  	s3 =	sadd.s32 $0x88, s3;
	s6 =	simm.s32 @!p1 $0x1082;
	[sflag:s4] =	ssyncset.s32 $0xFFFFF086  }
0x25: {  	[simem:s6], [sflag:s4] =	dma.local [hbm:s3], $0xF7A  }
0x26: {  	[smem:$0x3F9D] =	sst s1;
	(tag) =	ssettag s2;
	_ =	strace s9  }
0x27: {  	s1 =	sld [smem:$0x3FAD]  }
0x28: {  	s2 =	sld [smem:$0x3FAE]  }
0x29: {  	s4 =	sld [smem:$0x3FB0]  }
0x2a: {  	p0 =	seq.s32 s5, $0x0;
	s5 =	sld [smem:$0x3FB1]  }
0x2b: {  	s6 =	sld [smem:$0x3FB2]  }
0x2c: {  	s7 =	sld [smem:$0x3FB3]  }
0x2d: {  	s3 =	simm.s32 $0x108;
	s8 =	sld [smem:$0x3FB4]  }
0x2e: {  	s3 =	simm.s32 @!p0 $0x1082;
	s9 =	sld [smem:$0x3FB5]  }
0x2f: {  	lr =	sadd.s32 s0, s3;
	s0 =	sld [smem:$0x3FAC]  }
0x30: {  	s3 =	sld [smem:$0x3FAF]  }
0x31: {  	[smem:$0x3FB8] =	sst s10  }
0x32: {  	s10 =	sld [smem:$0x3FB6];
	_ =	sdelay $0x3  }
0x33: {  	p0 =	seq.s32 s10, $0x1;
	s10 =	sld [smem:$0x3FB8];
	_ =	sdelay $0x3  }
0x34: {  	[smem:$0x3FB8] =	sst s10  }
0x35: {  	s10 =	sld [smem:$0x3FB7];
	_ =	sdelay $0x3  }
0x36: {  	p1 =	seq.s32 s10, $0x1;
	s10 =	sld [smem:$0x3FB8];
	_ =	sdelay $0x3  }
0x37: {  	[smem:$0x3FB8] =	sst s10  }
0x38: {  	s10 =	sld [smem:$0x3FB9]  }
0x39: {  	_ = 	snop;
	(pc) =	sbr.ind lr, $3  }
0x3a: {  	_ = 	snop  }
0x3b: {  	_ = 	snop  }
0x3c: {  	p2 =	seq.s32 s10, $0x1;
	s10 =	sld [smem:$0x3FB8]  }
0x3d: {  	_ =	shalt  }
0x3e: {  	_ =	shalt  }
0x3f: {  	_ =	shalt  }
0x40: {  	_ =	shalt  }
0x41: {  	_ =	shalt  }
0x42: {  	_ =	shalt  }
0x43: {  	_ =	shalt  }
0x44: {  	_ =	shalt  }
0x45: {  	_ =	shalt  }
0x46: {  	_ =	shalt  }
0x47: {  	_ =	shalt  }
0x48: {  	_ =	shalt  }
0x49: {  	_ =	shalt  }
0x4a: {  	_ =	shalt  }
0x4b: {  	_ =	shalt  }
0x4c: {  	_ =	shalt  }
0x4d: {  	_ =	shalt  }
0x4e: {  	_ =	shalt  }
0x4f: {  	_ =	shalt  }
0x50: {  	_ =	shalt  }
0x51: {  	_ =	shalt  }
0x52: {  	_ =	shalt  }
0x53: {  	_ =	shalt  }
0x54: {  	_ =	shalt  }
0x55: {  	_ =	shalt  }
0x56: {  	_ =	shalt  }
0x57: {  	_ =	shalt  }
0x58: {  	_ =	shalt  }
0x59: {  	_ =	shalt  }
0x5a: {  	_ =	shalt  }
0x5b: {  	_ =	shalt  }
0x5c: {  	_ =	shalt  }
0x5d: {  	_ =	shalt  }
0x5e: {  	_ =	shalt  }
0x5f: {  	_ =	shalt  }
0x60: {  	_ =	shalt  }
0x61: {  	_ =	shalt  }
0x62: {  	_ =	shalt  }
0x63: {  	_ =	shalt  }
0x64: {  	_ =	shalt  }
0x65: {  	_ =	shalt  }
0x66: {  	_ =	shalt  }
0x67: {  	_ =	shalt  }
0x68: {  	_ =	shalt  }
0x69: {  	_ =	shalt  }
0x6a: {  	_ =	shalt  }
0x6b: {  	_ =	shalt  }
0x6c: {  	_ =	shalt  }
0x6d: {  	_ =	shalt  }
0x6e: {  	_ =	shalt  }
0x6f: {  	_ =	shalt  }
0x70: {  	_ =	shalt  }
0x71: {  	_ =	shalt  }
0x72: {  	_ =	shalt  }
0x73: {  	_ =	shalt  }
0x74: {  	_ =	shalt  }
0x75: {  	_ =	shalt  }
0x76: {  	_ =	shalt  }
0x77: {  	_ =	shalt  }
0x78: {  	_ =	shalt  }
0x79: {  	_ =	shalt  }
0x7a: {  	_ =	shalt  }
0x7b: {  	_ =	shalt  }
0x7c: {  	_ =	shalt  }
0x7d: {  	_ =	shalt  }
0x7e: {  	_ =	shalt  }
0x7f: {  	_ =	shalt  }
0x80: {  	_ =	shalt  }
0x81: {  	_ =	shalt  }
0x82: {  	_ =	shalt  }
0x83: {  	_ =	shalt  }
0x84: {  	_ =	shalt  }
0x85: {  	_ =	shalt  }
0x86: {  	_ =	shalt  }
0x87: {  	_ =	shalt  }
.Lfunc_end0:
.L_simem_size_0:
called_computation_lowered:
.L_overlay_start_0:
0x88: {  	s2 =	sld [smem:$0x3FD9]  }
0x89: {  	s3 =	sld [smem:$0x3FFE];
	_ =	sdelay $0x1  }
0x8a: {  	s1 =	srdreg.scid  }
0x8b: {  	s0 =	sand.u32 $0x1, s1  }
0x8c: {  	s16 =	sshll.u32 s0, $0xA;
	s2 =	sadd.s32 s3, s2  }
0x8d: {  	s2 =	sadd.s32 s2, s16  }
0x8e: {  	[smem:$0x3FC4] =	sst s2  }
0x8f: {  	_ = 	snop  }
0x90: {  	(tm) =	ssettm $0x1  }
0x91: {  	s17 =	sld [smem:$0x3FFB];
	_ =	sdelay $0x3  }
0x92: {  	_ =	strace s17  }
0x93: {  	s2 =	sld [smem:$0x3FFC];
	_ =	sdelay $0x3  }
0x94: {  	_ =	strace s2  }
0x95: {  	s2 =	sld [smem:$0x3FFD];
	_ =	sdelay $0x3  }
0x96: {  	_ =	strace s2  }
0x97: {  	_ =	strace $0x8FFFFFFF  }
0x98: {  	s18 =	sld [smem:$0x3FDB];
	_ =	sdelay $0x1  }
0x99: {  	s19 =	simm.s32 $_scs_section_size  }
0x9a: {  	s4 =	simm.s32 $_size__tile_overlayer_lowered;
	s5 =	simm.s32 $_tile_overlayer_lowered  }
0x9b: {  	s22 =	simm.s32 $0x1BFF;
	s21 =	sshll.u32 s5, $0x1;
	s2 =	sadd.s32 s19, s18  }
0x9c: {  	s6 =	simm.s32 $0x0;
	s20 =	sshll.u32 s4, $0x1;
	s4 =	sadd.s32 s21, s2  }
0x9d: {  	[timem:s6], [sflag:s22] =	dma.local [hbm:s4], s20  }
0x9e: {  	_ =	swait.ge [sflag:s22], s20  }
0x9f: {  	s3 =	ssub.s32 $0x0, s20;
	[sflag:s22] =	ssyncset.done $0x0  }
0xa0: {  	[sflag:s22] =	ssyncadd.s32 s3;
	_ =	sdelay $0x1  }
0xa1: {  	s23 =	simm.s32 $0x1B8B  }
0xa2: {  	_ =	swait.ge [sflag:s23], $0x1  }
0xa3: {  	[sflag:s23] =	ssyncset.done $0x0  }
0xa4: {  	s25 =	simm.s32 $0x1B8E;
	s24 =	sld [smem:$0x3FFE];
	[sflag:s23] =	ssyncadd.s32 $0xFFFFFFFF  }
0xa5: {  	s26 =	simm.s32 $execute0_lowered;
	[smem:$0x3FD2] =	sst s25  }
0xa6: {  	s4 =	sshll.u32 s26, $0x1;
	_ =	strace $0x80000046;
	[dreg:$0x1] =	wrdreg $0xFFFFFFFF  }
0xa7: {  	s28 =	simm.s32 $_size_execute0_lowered;
	s2 =	sadd.s32 s2, s4;
	[dreg:$0x0] =	wrdreg $0x0  }
0xa8: {  	s4 =	sshll.u32 s28, $0x1;
	[dreg:$0x2] =	wrdreg s2  }
0xa9: {  	[dreg:$0x3] =	wrdreg s4  }
0xaa: {  	[dreg:$0x4] =	wrdreg $0xC0  }
0xab: {  	_ =	task [dreg:s6], $0x5FFFF  }
0xac: {  	[dreg:$0x1] =	wrdreg $0xFFFFFFFF  }
0xad: {  	[dreg:$0x0] =	wrdreg $0x60  }
0xae: {  	[dreg:$0x2] =	wrdreg s24  }
0xaf: {  	[dreg:$0x3] =	wrdreg $0x9  }
0xb0: {  	_ =	task.clear_ibuf [dreg:s6], $0x4FFFF;
	_ =	strace $0x90000046  }
0xb1: {  	s29 =	simm.s32 $0x9;
	_ =	strace $0x80000048  }
0xb2: {  	_ =	swait.ge [sflag:s29], $0x1  }
0xb3: {  	[sflag:s29] =	ssyncadd.s32 $0xFFFFFFFF  }
0xb4: {  	_ =	strace $0x90000048  }
0xb5: {  	_ =	sfence  }
0xb6: {  	s30 =	sld [smem:$0x0];
	_ =	sdelay $0x2  }
0xb7: {  	s31 =	sshll.u32 s1, $0xD;
	s1 =	sshrl.u32 s1, $0x2  }
0xb8: {  	s3 =	sand.u32 $0x4000, s31;
	s1 =	sadd.s32 s1, s30  }
0xb9: {  	s0 =	sor.u32 s3, s0;
	s1 =	sshll.u32 s1, $0x11  }
0xba: {  	s0 =	sor.u32 s1, s0  }
0xbb: {  	s0 =	sadd.s32 $0x8F2B, s0  }
0xbc: {  	[sflag:s0] =	ssyncadd.remote.s32 $0x1  }
0xbd: {  	_ =	sfence.sel $0xFFFF  }
0xbe: {  	[dreg:$0x0] =	wrdreg $0xFFFFFFFF;
	(pc) =	sbr.abs _section_cstart, $3  }
0xbf: {  	[dreg:$0x1] =	wrdreg $0xFFFFFFFF  }
0xc0: {  	_ =	task.clear_ibuf [dreg:s6], $0x2FFFF;
	_ =	strace $0x9FFFFFFF  }
0xc1: {  	(tm) =	ssettm $0x7FFFFFFF  }
tec
execute0_lowered:
.L_overlay_start_1:
0x0: {  	(tag) =	ssettag $0x1  }
0x1: {  	s0 =	srdreg.scid  }
0x2: {  	s1 =	stileid.u32;
	s4 =	rddreg [dreg:$0x0]  }
0x3: {  	s7 =	simm.s32 $0x2;
	s8 =	simm.s32 $0x32;
	s9 =	simm.s32 $0x700  }
0x4: {  	s11 =	simm.s32 $0x1380;
	s13 =	simm.s32 $0x2000;
	s15 =	simm.s32 $0x2C80  }
0x5: {  	s17 =	simm.s32 $0x3900;
	s19 =	simm.s32 $0x4580;
	s21 =	simm.s32 $0x5200  }
0x6: {  	s23 =	simm.s32 $0x5E80;
	s25 =	simm.s32 $0x6B00;
	s28 =	simm.s32 $0x7780  }
0x7: {  	s30 =	simm.s32 $0x8400;
	s10 =	simm.s32 $0x9D00;
	s14 =	simm.s32 $0xA980  }
0x8: {  	s18 =	simm.s32 $0xB600;
	s22 =	simm.s32 $0xC280;
	s24 =	simm.s32 $0x1  }
0x9: {  	s20 =	simm.s32 $0x658;
	s26 =	simm.s32 $0x690;
	s0 =	sand.u32 $0x1, s0  }
0xa: {  	s29 =	simm.s32 $0x6C8;
	s1 =	sshll.u32 s1, $0x6;
	s2 =	sshll.u32 s0, $0x5  }
0xb: {  	s31 =	simm.s32 $0xCF00;
	s0 =	ssub.s32 $0x2, s0;
	s1 =	sor.u32 s2, s1  }
0xc: {  	s2 =	simm.s32 $0x0;
	s6 =	sshrl.u32 s0, $0x1;
	s3 =	smul.u32 $0x7, s1  }
0xd: {  	[smem:$0x7FF] =	sst s2;
	s1 =	sshll.u32 s1, $0x3;
	s0 =	ssub.s32 s0, s6  }
0xe: {  	_ =	strace $0x80000047;
	s1 =	sadd.s32 s1, s4;
	s6 =	smax.u32 s0, $0x1  }
0xf: {  	s0 =	simm.s32 $0x0;
	s5 =	sadd.s32 s3, s4;
	s3 =	sadd.s32 $0x2200, s4  }
0x10: {  	s4 =	sadd.s32 $0x600, s5;
	s5 =	sadd.s32 $0xC5800, s1;
	s1 =	simm.s32 $0x9080  }
.LBB2_1:
0x11: {  	[tilespmem:s2], [sflag:$0x2] =	stream.linear.gather [hbm4b:s4+s2], $0x700, $0x38;
	[tilespmem:$0xD700] =	vst v63  }
0x12: {  	_ =	swait.ge [sflag:s7], $0x700  }
0x13: {  	[sflag:s7] =	ssyncset.done $0x0  }
0x14: {  	[sflag:s7] =	ssyncadd.s32 $0xFFFFF900  }
0x15: {  	[tilespmem:s9], [sflag:$0x1] =	stream.indirect.gather [hbm4b:s3+s8], $0x40, s2, s8, $0xb8;
	[tilespmem:$0xD700] =	vst v63  }
0x16: {  	s12 =	simm.s32 $0x38  }
0x17: {  	[tilespmem:s11], [sflag:$0x1] =	stream.indirect.gather [hbm4b:s3+s8], $0x40, s12, s8, $0xb8;
	[tilespmem:$0xD700] =	vst v63  }
0x18: {  	s16 =	simm.s32 $0x70  }
0x19: {  	[tilespmem:s13], [sflag:$0x1] =	stream.indirect.gather [hbm4b:s3+s8], $0x40, s16, s8, $0xb8;
	[tilespmem:$0xD700] =	vst v63  }
0x1a: {  	s16 =	simm.s32 $0xA8  }
0x1b: {  	[tilespmem:s15], [sflag:$0x1] =	stream.indirect.gather [hbm4b:s3+s8], $0x40, s16, s8, $0xb8;
	[tilespmem:$0xD700] =	vst v63  }
0x1c: {  	s16 =	simm.s32 $0xE0  }
0x1d: {  	[tilespmem:s17], [sflag:$0x1] =	stream.indirect.gather [hbm4b:s3+s8], $0x40, s16, s8, $0xb8;
	[tilespmem:$0xD700] =	vst v63  }
0x1e: {  	s16 =	simm.s32 $0x118  }
0x1f: {  	[tilespmem:s19], [sflag:$0x1] =	stream.indirect.gather [hbm4b:s3+s8], $0x40, s16, s8, $0xb8;
	[tilespmem:$0xD700] =	vst v63  }
0x20: {  	s16 =	simm.s32 $0x150  }
0x21: {  	[tilespmem:s21], [sflag:$0x1] =	stream.indirect.gather [hbm4b:s3+s8], $0x40, s16, s8, $0xb8;
	[tilespmem:$0xD700] =	vst v63  }
0x22: {  	s16 =	simm.s32 $0x188  }
0x23: {  	[tilespmem:s23], [sflag:$0x1] =	stream.indirect.gather [hbm4b:s3+s8], $0x40, s16, s8, $0xb8;
	[tilespmem:$0xD700] =	vst v63  }
0x24: {  	s16 =	simm.s32 $0x1C0  }
0x25: {  	[tilespmem:s25], [sflag:$0x1] =	stream.indirect.gather [hbm4b:s3+s8], $0x40, s16, s8, $0xb8;
	[tilespmem:$0xD700] =	vst v63  }
0x26: {  	s16 =	simm.s32 $0x1F8  }
0x27: {  	[tilespmem:s28], [sflag:$0x1] =	stream.indirect.gather [hbm4b:s3+s8], $0x40, s16, s8, $0xb8;
	[tilespmem:$0xD700] =	vst v63  }
0x28: {  	s16 =	simm.s32 $0x230  }
0x29: {  	[tilespmem:s30], [sflag:$0x1] =	stream.indirect.gather [hbm4b:s3+s8], $0x40, s16, s8, $0xb8;
	[tilespmem:$0xD700] =	vst v63  }
0x2a: {  	s16 =	simm.s32 $0x268  }
0x2b: {  	[tilespmem:s1], [sflag:$0x1] =	stream.indirect.gather [hbm4b:s3+s8], $0x40, s16, s8, $0xb8;
	[tilespmem:$0xD700] =	vst v63  }
0x2c: {  	s16 =	simm.s32 $0x2A0  }
0x2d: {  	[tilespmem:s10], [sflag:$0x1] =	stream.indirect.gather [hbm4b:s3+s8], $0x40, s16, s8, $0xb8;
	[tilespmem:$0xD700] =	vst v63  }
0x2e: {  	s16 =	simm.s32 $0x2D8  }
0x2f: {  	[tilespmem:s14], [sflag:$0x1] =	stream.indirect.gather [hbm4b:s3+s8], $0x40, s16, s8, $0xb8;
	[tilespmem:$0xD700] =	vst v63  }
0x30: {  	s16 =	simm.s32 $0x310  }
0x31: {  	[tilespmem:s18], [sflag:$0x1] =	stream.indirect.gather [hbm4b:s3+s8], $0x40, s16, s8, $0xb8;
	[tilespmem:$0xD700] =	vst v63  }
0x32: {  	s16 =	simm.s32 $0x348  }
0x33: {  	[tilespmem:s22], [sflag:$0x1] =	stream.indirect.gather [hbm4b:s3+s8], $0x40, s16, s8, $0xb8;
	[tilespmem:$0xD700] =	vst v63  }
0x34: {  	_ =	swait.ge [sflag:s24], $0xC80  }
0x35: {  	[sflag:s24] =	ssyncset.done $0x0  }
0x36: {  	[sflag:s24] =	ssyncadd.s32 $0xFFFFF380  }
0x37: {  	_ =	swait.ge [sflag:s24], $0xC80  }
0x38: {  	[sflag:s24] =	ssyncset.done $0x0  }
0x39: {  	[sflag:s24] =	ssyncadd.s32 $0xFFFFF380  }
0x3a: {  	_ =	swait.ge [sflag:s24], $0xC80  }
0x3b: {  	[sflag:s24] =	ssyncset.done $0x0  }
0x3c: {  	[sflag:s24] =	ssyncadd.s32 $0xFFFFF380  }
0x3d: {  	_ =	swait.ge [sflag:s24], $0xC80  }
0x3e: {  	[sflag:s24] =	ssyncset.done $0x0  }
0x3f: {  	[sflag:s24] =	ssyncadd.s32 $0xFFFFF380  }
0x40: {  	_ =	swait.ge [sflag:s24], $0xC80  }
0x41: {  	[sflag:s24] =	ssyncset.done $0x0  }
0x42: {  	[sflag:s24] =	ssyncadd.s32 $0xFFFFF380  }
0x43: {  	_ =	swait.ge [sflag:s24], $0xC80  }
0x44: {  	[sflag:s24] =	ssyncset.done $0x0  }
0x45: {  	[sflag:s24] =	ssyncadd.s32 $0xFFFFF380  }
0x46: {  	_ =	swait.ge [sflag:s24], $0xC80  }
0x47: {  	[sflag:s24] =	ssyncset.done $0x0  }
0x48: {  	[sflag:s24] =	ssyncadd.s32 $0xFFFFF380  }
0x49: {  	_ =	swait.ge [sflag:s24], $0xC80  }
0x4a: {  	[sflag:s24] =	ssyncset.done $0x0  }
0x4b: {  	s16 =	simm.s32 $0x0;
	[sflag:s24] =	ssyncadd.s32 $0xFFFFF380  }
0x4c: {  	v1 =	vld [tilespmem:s16+$0x730]  }
0x4d: {  	v2 =	vld [tilespmem:s16+$0x700]  }
0x4e: {  	v0 =	vimm.f32 $0.0e+00;
	v3 =	vld [tilespmem:s16+$0x710]  }
0x4f: {  	v5 =	vimm.f32 $0.0e+00;
	v6 =	vimm.f32 $0.0e+00;
	v7 =	vimm.f32 $0.0e+00;
	s12 =	simm.s32 $0x100;
	v4 =	vld [tilespmem:s16+$0x720]  }
.LBB2_2:
0x50: {  	p0 =	sne.s32 s12, $0x3100  }
.Ltmp0:
0x51: {  	s16 =	sshra.s32 s12, $0x2;
	s12 =	sadd.s32 $0x100, s12;
	v0 =	vadd.f32 v1, v0;
	(pc) =	sbr.rel @p0 .LBB2_2-.Ltmp0, $4  }
0x52: {  	v1 =	vld [tilespmem:s16+$0x730];
	v5 =	vadd.f32 v2, v5  }
0x53: {  	v2 =	vld [tilespmem:s16+$0x700];
	v6 =	vadd.f32 v3, v6  }
0x54: {  	v3 =	vld [tilespmem:s16+$0x710];
	v7 =	vadd.f32 v4, v7  }
0x55: {  	v4 =	vld [tilespmem:s16+$0x720]  }
0x56: {  	_ = 	snop  }
0x57: {  	v0 =	vadd.f32 v1, v0  }
0x58: {  	v2 =	vadd.f32 v2, v5  }
0x59: {  	v3 =	vadd.f32 v3, v6;
	v0 =	vmul.f32 $1.999999960e-02, v0  }
0x5a: {  	v4 =	vadd.f32 v4, v7;
	v2 =	vmul.f32 $1.999999960e-02, v2  }
0x5b: {  	v1 =	vmul.f32 $1.999999960e-02, v3;
	[tilespmem:$0xCF30] =	vst v0  }
0x5c: {  	[tilespmem:$0xCF00] =	vst v2;
	v2 =	vmul.f32 $1.999999960e-02, v4  }
0x5d: {  	[tilespmem:$0xCF10] =	vst v1  }
0x5e: {  	s16 =	simm.s32 $0x0;
	[tilespmem:$0xCF20] =	vst v2  }
0x5f: {  	v1 =	vld [tilespmem:s16+$0x13B0]  }
0x60: {  	v2 =	vld [tilespmem:s16+$0x1380]  }
0x61: {  	v5 =	vimm.f32 $0.0e+00;
	v3 =	vld [tilespmem:s16+$0x1390]  }
0x62: {  	s12 =	simm.s32 $0x100;
	v6 =	vimm.f32 $0.0e+00;
	v7 =	vimm.f32 $0.0e+00;
	v0 =	vimm.f32 $0.0e+00;
	v4 =	vld [tilespmem:s16+$0x13A0]  }
.LBB2_4:
0x63: {  	p0 =	sne.s32 s12, $0x3100  }
.Ltmp1:
0x64: {  	s16 =	sshra.s32 s12, $0x2;
	s12 =	sadd.s32 $0x100, s12;
	v0 =	vadd.f32 v1, v0;
	(pc) =	sbr.rel @p0 .LBB2_4-.Ltmp1, $4  }
0x65: {  	v1 =	vld [tilespmem:s16+$0x13B0];
	v5 =	vadd.f32 v2, v5  }
0x66: {  	v2 =	vld [tilespmem:s16+$0x1380];
	v6 =	vadd.f32 v3, v6  }
0x67: {  	v3 =	vld [tilespmem:s16+$0x1390];
	v7 =	vadd.f32 v4, v7  }
0x68: {  	v4 =	vld [tilespmem:s16+$0x13A0]  }
0x69: {  	_ = 	snop  }
0x6a: {  	v0 =	vadd.f32 v1, v0  }
0x6b: {  	v2 =	vadd.f32 v2, v5  }
0x6c: {  	v3 =	vadd.f32 v3, v6;
	v0 =	vmul.f32 $1.999999960e-02, v0  }
0x6d: {  	v4 =	vadd.f32 v4, v7;
	v2 =	vmul.f32 $1.999999960e-02, v2  }
0x6e: {  	v1 =	vmul.f32 $1.999999960e-02, v3;
	[tilespmem:$0xCF70] =	vst v0  }
0x6f: {  	[tilespmem:$0xCF40] =	vst v2;
	v2 =	vmul.f32 $1.999999960e-02, v4  }
0x70: {  	[tilespmem:$0xCF50] =	vst v1  }
0x71: {  	s16 =	simm.s32 $0x0;
	[tilespmem:$0xCF60] =	vst v2  }
0x72: {  	v1 =	vld [tilespmem:s16+$0x2030]  }
0x73: {  	v2 =	vld [tilespmem:s16+$0x2000]  }
0x74: {  	v5 =	vimm.f32 $0.0e+00;
	v3 =	vld [tilespmem:s16+$0x2010]  }
0x75: {  	s12 =	simm.s32 $0x100;
	v6 =	vimm.f32 $0.0e+00;
	v7 =	vimm.f32 $0.0e+00;
	v0 =	vimm.f32 $0.0e+00;
	v4 =	vld [tilespmem:s16+$0x2020]  }
.LBB2_6:
0x76: {  	p0 =	sne.s32 s12, $0x3100  }
.Ltmp2:
0x77: {  	s16 =	sshra.s32 s12, $0x2;
	s12 =	sadd.s32 $0x100, s12;
	v0 =	vadd.f32 v1, v0;
	(pc) =	sbr.rel @p0 .LBB2_6-.Ltmp2, $4  }
0x78: {  	v1 =	vld [tilespmem:s16+$0x2030];
	v5 =	vadd.f32 v2, v5  }
0x79: {  	v2 =	vld [tilespmem:s16+$0x2000];
	v6 =	vadd.f32 v3, v6  }
0x7a: {  	v3 =	vld [tilespmem:s16+$0x2010];
	v7 =	vadd.f32 v4, v7  }
0x7b: {  	v4 =	vld [tilespmem:s16+$0x2020]  }
0x7c: {  	_ = 	snop  }
0x7d: {  	v0 =	vadd.f32 v1, v0  }
0x7e: {  	v2 =	vadd.f32 v2, v5  }
0x7f: {  	v3 =	vadd.f32 v3, v6;
	v0 =	vmul.f32 $1.999999960e-02, v0  }
0x80: {  	v4 =	vadd.f32 v4, v7;
	v2 =	vmul.f32 $1.999999960e-02, v2  }
0x81: {  	v1 =	vmul.f32 $1.999999960e-02, v3;
	[tilespmem:$0xCFB0] =	vst v0  }
0x82: {  	[tilespmem:$0xCF80] =	vst v2;
	v2 =	vmul.f32 $1.999999960e-02, v4  }
0x83: {  	[tilespmem:$0xCF90] =	vst v1  }
0x84: {  	s16 =	simm.s32 $0x0;
	[tilespmem:$0xCFA0] =	vst v2  }
0x85: {  	v1 =	vld [tilespmem:s16+$0x2CB0]  }
0x86: {  	v2 =	vld [tilespmem:s16+$0x2C80]  }
0x87: {  	v5 =	vimm.f32 $0.0e+00;
	v3 =	vld [tilespmem:s16+$0x2C90]  }
0x88: {  	s12 =	simm.s32 $0x100;
	v6 =	vimm.f32 $0.0e+00;
	v7 =	vimm.f32 $0.0e+00;
	v0 =	vimm.f32 $0.0e+00;
	v4 =	vld [tilespmem:s16+$0x2CA0]  }
.LBB2_8:
0x89: {  	p0 =	sne.s32 s12, $0x3100  }
.Ltmp3:
0x8a: {  	s16 =	sshra.s32 s12, $0x2;
	s12 =	sadd.s32 $0x100, s12;
	v0 =	vadd.f32 v1, v0;
	(pc) =	sbr.rel @p0 .LBB2_8-.Ltmp3, $4  }
0x8b: {  	v1 =	vld [tilespmem:s16+$0x2CB0];
	v5 =	vadd.f32 v2, v5  }
0x8c: {  	v2 =	vld [tilespmem:s16+$0x2C80];
	v6 =	vadd.f32 v3, v6  }
0x8d: {  	v3 =	vld [tilespmem:s16+$0x2C90];
	v7 =	vadd.f32 v4, v7  }
0x8e: {  	v4 =	vld [tilespmem:s16+$0x2CA0]  }
0x8f: {  	_ = 	snop  }
0x90: {  	v0 =	vadd.f32 v1, v0  }
0x91: {  	v2 =	vadd.f32 v2, v5  }
0x92: {  	v3 =	vadd.f32 v3, v6;
	v0 =	vmul.f32 $1.999999960e-02, v0  }
0x93: {  	v4 =	vadd.f32 v4, v7;
	v2 =	vmul.f32 $1.999999960e-02, v2  }
0x94: {  	v1 =	vmul.f32 $1.999999960e-02, v3;
	[tilespmem:$0xCFF0] =	vst v0  }
0x95: {  	[tilespmem:$0xCFC0] =	vst v2;
	v2 =	vmul.f32 $1.999999960e-02, v4  }
0x96: {  	[tilespmem:$0xCFD0] =	vst v1  }
0x97: {  	s16 =	simm.s32 $0x0;
	[tilespmem:$0xCFE0] =	vst v2  }
0x98: {  	v1 =	vld [tilespmem:s16+$0x3930]  }
0x99: {  	v2 =	vld [tilespmem:s16+$0x3900]  }
0x9a: {  	v5 =	vimm.f32 $0.0e+00;
	v3 =	vld [tilespmem:s16+$0x3910]  }
0x9b: {  	s12 =	simm.s32 $0x100;
	v6 =	vimm.f32 $0.0e+00;
	v7 =	vimm.f32 $0.0e+00;
	v0 =	vimm.f32 $0.0e+00;
	v4 =	vld [tilespmem:s16+$0x3920]  }
.LBB2_10:
0x9c: {  	p0 =	sne.s32 s12, $0x3100  }
.Ltmp4:
0x9d: {  	s16 =	sshra.s32 s12, $0x2;
	s12 =	sadd.s32 $0x100, s12;
	v0 =	vadd.f32 v1, v0;
	(pc) =	sbr.rel @p0 .LBB2_10-.Ltmp4, $4  }
0x9e: {  	v1 =	vld [tilespmem:s16+$0x3930];
	v5 =	vadd.f32 v2, v5  }
0x9f: {  	v2 =	vld [tilespmem:s16+$0x3900];
	v6 =	vadd.f32 v3, v6  }
0xa0: {  	v3 =	vld [tilespmem:s16+$0x3910];
	v7 =	vadd.f32 v4, v7  }
0xa1: {  	v4 =	vld [tilespmem:s16+$0x3920]  }
0xa2: {  	_ = 	snop  }
0xa3: {  	v0 =	vadd.f32 v1, v0  }
0xa4: {  	v2 =	vadd.f32 v2, v5  }
0xa5: {  	v3 =	vadd.f32 v3, v6;
	v0 =	vmul.f32 $1.999999960e-02, v0  }
0xa6: {  	v4 =	vadd.f32 v4, v7;
	v2 =	vmul.f32 $1.999999960e-02, v2  }
0xa7: {  	v1 =	vmul.f32 $1.999999960e-02, v3;
	[tilespmem:$0xD030] =	vst v0  }
0xa8: {  	[tilespmem:$0xD000] =	vst v2;
	v2 =	vmul.f32 $1.999999960e-02, v4  }
0xa9: {  	[tilespmem:$0xD010] =	vst v1  }
0xaa: {  	s16 =	simm.s32 $0x0;
	[tilespmem:$0xD020] =	vst v2  }
0xab: {  	v1 =	vld [tilespmem:s16+$0x45B0]  }
0xac: {  	v2 =	vld [tilespmem:s16+$0x4580]  }
0xad: {  	v5 =	vimm.f32 $0.0e+00;
	v3 =	vld [tilespmem:s16+$0x4590]  }
0xae: {  	s12 =	simm.s32 $0x100;
	v6 =	vimm.f32 $0.0e+00;
	v7 =	vimm.f32 $0.0e+00;
	v0 =	vimm.f32 $0.0e+00;
	v4 =	vld [tilespmem:s16+$0x45A0]  }
.LBB2_12:
0xaf: {  	p0 =	sne.s32 s12, $0x3100  }
.Ltmp5:
0xb0: {  	s16 =	sshra.s32 s12, $0x2;
	s12 =	sadd.s32 $0x100, s12;
	v0 =	vadd.f32 v1, v0;
	(pc) =	sbr.rel @p0 .LBB2_12-.Ltmp5, $4  }
0xb1: {  	v1 =	vld [tilespmem:s16+$0x45B0];
	v5 =	vadd.f32 v2, v5  }
0xb2: {  	v2 =	vld [tilespmem:s16+$0x4580];
	v6 =	vadd.f32 v3, v6  }
0xb3: {  	v3 =	vld [tilespmem:s16+$0x4590];
	v7 =	vadd.f32 v4, v7  }
0xb4: {  	v4 =	vld [tilespmem:s16+$0x45A0]  }
0xb5: {  	_ = 	snop  }
0xb6: {  	v0 =	vadd.f32 v1, v0  }
0xb7: {  	v2 =	vadd.f32 v2, v5  }
0xb8: {  	v3 =	vadd.f32 v3, v6;
	v0 =	vmul.f32 $1.999999960e-02, v0  }
0xb9: {  	v4 =	vadd.f32 v4, v7;
	v2 =	vmul.f32 $1.999999960e-02, v2  }
0xba: {  	v1 =	vmul.f32 $1.999999960e-02, v3;
	[tilespmem:$0xD070] =	vst v0  }
0xbb: {  	[tilespmem:$0xD040] =	vst v2;
	v2 =	vmul.f32 $1.999999960e-02, v4  }
0xbc: {  	[tilespmem:$0xD050] =	vst v1  }
0xbd: {  	s16 =	simm.s32 $0x0;
	[tilespmem:$0xD060] =	vst v2  }
0xbe: {  	v1 =	vld [tilespmem:s16+$0x5230]  }
0xbf: {  	v2 =	vld [tilespmem:s16+$0x5200]  }
0xc0: {  	v5 =	vimm.f32 $0.0e+00;
	v3 =	vld [tilespmem:s16+$0x5210]  }
0xc1: {  	s12 =	simm.s32 $0x100;
	v6 =	vimm.f32 $0.0e+00;
	v7 =	vimm.f32 $0.0e+00;
	v0 =	vimm.f32 $0.0e+00;
	v4 =	vld [tilespmem:s16+$0x5220]  }
.LBB2_14:
0xc2: {  	p0 =	sne.s32 s12, $0x3100  }
.Ltmp6:
0xc3: {  	s16 =	sshra.s32 s12, $0x2;
	s12 =	sadd.s32 $0x100, s12;
	v0 =	vadd.f32 v1, v0;
	(pc) =	sbr.rel @p0 .LBB2_14-.Ltmp6, $4  }
0xc4: {  	v1 =	vld [tilespmem:s16+$0x5230];
	v5 =	vadd.f32 v2, v5  }
0xc5: {  	v2 =	vld [tilespmem:s16+$0x5200];
	v6 =	vadd.f32 v3, v6  }
0xc6: {  	v3 =	vld [tilespmem:s16+$0x5210];
	v7 =	vadd.f32 v4, v7  }
0xc7: {  	v4 =	vld [tilespmem:s16+$0x5220]  }
0xc8: {  	_ = 	snop  }
0xc9: {  	v0 =	vadd.f32 v1, v0  }
0xca: {  	v2 =	vadd.f32 v2, v5  }
0xcb: {  	v3 =	vadd.f32 v3, v6;
	v0 =	vmul.f32 $1.999999960e-02, v0  }
0xcc: {  	v4 =	vadd.f32 v4, v7;
	v2 =	vmul.f32 $1.999999960e-02, v2  }
0xcd: {  	v1 =	vmul.f32 $1.999999960e-02, v3;
	[tilespmem:$0xD0B0] =	vst v0  }
0xce: {  	[tilespmem:$0xD080] =	vst v2;
	v2 =	vmul.f32 $1.999999960e-02, v4  }
0xcf: {  	[tilespmem:$0xD090] =	vst v1  }
0xd0: {  	s16 =	simm.s32 $0x0;
	[tilespmem:$0xD0A0] =	vst v2  }
0xd1: {  	v1 =	vld [tilespmem:s16+$0x5EB0]  }
0xd2: {  	v2 =	vld [tilespmem:s16+$0x5E80]  }
0xd3: {  	v5 =	vimm.f32 $0.0e+00;
	v3 =	vld [tilespmem:s16+$0x5E90]  }
0xd4: {  	s12 =	simm.s32 $0x100;
	v6 =	vimm.f32 $0.0e+00;
	v7 =	vimm.f32 $0.0e+00;
	v0 =	vimm.f32 $0.0e+00;
	v4 =	vld [tilespmem:s16+$0x5EA0]  }
.LBB2_16:
0xd5: {  	p0 =	sne.s32 s12, $0x3100  }
.Ltmp7:
0xd6: {  	s16 =	sshra.s32 s12, $0x2;
	s12 =	sadd.s32 $0x100, s12;
	v0 =	vadd.f32 v1, v0;
	(pc) =	sbr.rel @p0 .LBB2_16-.Ltmp7, $4  }
0xd7: {  	v1 =	vld [tilespmem:s16+$0x5EB0];
	v5 =	vadd.f32 v2, v5  }
0xd8: {  	v2 =	vld [tilespmem:s16+$0x5E80];
	v6 =	vadd.f32 v3, v6  }
0xd9: {  	v3 =	vld [tilespmem:s16+$0x5E90];
	v7 =	vadd.f32 v4, v7  }
0xda: {  	v4 =	vld [tilespmem:s16+$0x5EA0]  }
0xdb: {  	_ = 	snop  }
0xdc: {  	v0 =	vadd.f32 v1, v0  }
0xdd: {  	v2 =	vadd.f32 v2, v5  }
0xde: {  	v3 =	vadd.f32 v3, v6;
	v0 =	vmul.f32 $1.999999960e-02, v0  }
0xdf: {  	v4 =	vadd.f32 v4, v7;
	v2 =	vmul.f32 $1.999999960e-02, v2  }
0xe0: {  	v1 =	vmul.f32 $1.999999960e-02, v3;
	[tilespmem:$0xD0F0] =	vst v0  }
0xe1: {  	[tilespmem:$0xD0C0] =	vst v2;
	v2 =	vmul.f32 $1.999999960e-02, v4  }
0xe2: {  	[tilespmem:$0xD0D0] =	vst v1  }
0xe3: {  	s12 =	simm.s32 $0x380;
	[tilespmem:$0xD0E0] =	vst v2  }
0xe4: {  	[tilespmem:s9], [sflag:$0x1] =	stream.indirect.gather [hbm4b:s3+s8], $0x40, s12, s8, $0xb8;
	[tilespmem:$0xD700] =	vst v63  }
0xe5: {  	s16 =	simm.s32 $0x3B8  }
0xe6: {  	[tilespmem:s11], [sflag:$0x1] =	stream.indirect.gather [hbm4b:s3+s8], $0x40, s16, s8, $0xb8;
	[tilespmem:$0xD700] =	vst v63  }
0xe7: {  	s16 =	simm.s32 $0x3F0  }
0xe8: {  	[tilespmem:s13], [sflag:$0x1] =	stream.indirect.gather [hbm4b:s3+s8], $0x40, s16, s8, $0xb8;
	[tilespmem:$0xD700] =	vst v63  }
0xe9: {  	s16 =	simm.s32 $0x428  }
0xea: {  	[tilespmem:s15], [sflag:$0x1] =	stream.indirect.gather [hbm4b:s3+s8], $0x40, s16, s8, $0xb8;
	[tilespmem:$0xD700] =	vst v63  }
0xeb: {  	s16 =	simm.s32 $0x460  }
0xec: {  	[tilespmem:s17], [sflag:$0x1] =	stream.indirect.gather [hbm4b:s3+s8], $0x40, s16, s8, $0xb8;
	[tilespmem:$0xD700] =	vst v63  }
0xed: {  	s16 =	simm.s32 $0x498  }
0xee: {  	[tilespmem:s19], [sflag:$0x1] =	stream.indirect.gather [hbm4b:s3+s8], $0x40, s16, s8, $0xb8;
	[tilespmem:$0xD700] =	vst v63  }
0xef: {  	s16 =	simm.s32 $0x4D0  }
0xf0: {  	[tilespmem:s21], [sflag:$0x1] =	stream.indirect.gather [hbm4b:s3+s8], $0x40, s16, s8, $0xb8;
	[tilespmem:$0xD700] =	vst v63  }
0xf1: {  	s16 =	simm.s32 $0x508  }
0xf2: {  	[tilespmem:s23], [sflag:$0x1] =	stream.indirect.gather [hbm4b:s3+s8], $0x40, s16, s8, $0xb8;
	[tilespmem:$0xD700] =	vst v63  }
0xf3: {  	_ =	swait.ge [sflag:s24], $0xC80  }
0xf4: {  	[sflag:s24] =	ssyncset.done $0x0  }
0xf5: {  	[sflag:s24] =	ssyncadd.s32 $0xFFFFF380  }
0xf6: {  	_ =	swait.ge [sflag:s24], $0xC80  }
0xf7: {  	[sflag:s24] =	ssyncset.done $0x0  }
0xf8: {  	[sflag:s24] =	ssyncadd.s32 $0xFFFFF380  }
0xf9: {  	_ =	swait.ge [sflag:s24], $0xC80  }
0xfa: {  	[sflag:s24] =	ssyncset.done $0x0  }
0xfb: {  	[sflag:s24] =	ssyncadd.s32 $0xFFFFF380  }
0xfc: {  	_ =	swait.ge [sflag:s24], $0xC80  }
0xfd: {  	[sflag:s24] =	ssyncset.done $0x0  }
0xfe: {  	[sflag:s24] =	ssyncadd.s32 $0xFFFFF380  }
0xff: {  	_ =	swait.ge [sflag:s24], $0xC80  }
0x100: {  	[sflag:s24] =	ssyncset.done $0x0  }
0x101: {  	[sflag:s24] =	ssyncadd.s32 $0xFFFFF380  }
0x102: {  	_ =	swait.ge [sflag:s24], $0xC80  }
0x103: {  	[sflag:s24] =	ssyncset.done $0x0  }
0x104: {  	[sflag:s24] =	ssyncadd.s32 $0xFFFFF380  }
0x105: {  	_ =	swait.ge [sflag:s24], $0xC80  }
0x106: {  	[sflag:s24] =	ssyncset.done $0x0  }
0x107: {  	[sflag:s24] =	ssyncadd.s32 $0xFFFFF380  }
0x108: {  	_ =	swait.ge [sflag:s24], $0xC80  }
0x109: {  	[sflag:s24] =	ssyncset.done $0x0  }
0x10a: {  	s16 =	simm.s32 $0x0;
	[sflag:s24] =	ssyncadd.s32 $0xFFFFF380  }
0x10b: {  	v1 =	vld [tilespmem:s16+$0x6B30]  }
0x10c: {  	v2 =	vld [tilespmem:s16+$0x6B00]  }
0x10d: {  	v5 =	vimm.f32 $0.0e+00;
	v3 =	vld [tilespmem:s16+$0x6B10]  }
0x10e: {  	v6 =	vimm.f32 $0.0e+00;
	v7 =	vimm.f32 $0.0e+00;
	v0 =	vimm.f32 $0.0e+00;
	s12 =	simm.s32 $0x100;
	v4 =	vld [tilespmem:s16+$0x6B20]  }
.LBB2_18:
0x10f: {  	p0 =	sne.s32 s12, $0x3100  }
.Ltmp8:
0x110: {  	s16 =	sshra.s32 s12, $0x2;
	s12 =	sadd.s32 $0x100, s12;
	v0 =	vadd.f32 v1, v0;
	(pc) =	sbr.rel @p0 .LBB2_18-.Ltmp8, $4  }
0x111: {  	v1 =	vld [tilespmem:s16+$0x6B30];
	v5 =	vadd.f32 v2, v5  }
0x112: {  	v2 =	vld [tilespmem:s16+$0x6B00];
	v6 =	vadd.f32 v3, v6  }
0x113: {  	v3 =	vld [tilespmem:s16+$0x6B10];
	v7 =	vadd.f32 v4, v7  }
0x114: {  	v4 =	vld [tilespmem:s16+$0x6B20]  }
0x115: {  	_ = 	snop  }
0x116: {  	v0 =	vadd.f32 v1, v0  }
0x117: {  	v2 =	vadd.f32 v2, v5  }
0x118: {  	v3 =	vadd.f32 v3, v6;
	v0 =	vmul.f32 $1.999999960e-02, v0  }
0x119: {  	v4 =	vadd.f32 v4, v7;
	v2 =	vmul.f32 $1.999999960e-02, v2  }
0x11a: {  	v1 =	vmul.f32 $1.999999960e-02, v3;
	[tilespmem:$0xD130] =	vst v0  }
0x11b: {  	[tilespmem:$0xD100] =	vst v2;
	v2 =	vmul.f32 $1.999999960e-02, v4  }
0x11c: {  	[tilespmem:$0xD110] =	vst v1  }
0x11d: {  	s16 =	simm.s32 $0x0;
	[tilespmem:$0xD120] =	vst v2  }
0x11e: {  	v1 =	vld [tilespmem:s16+$0x77B0]  }
0x11f: {  	v2 =	vld [tilespmem:s16+$0x7780]  }
0x120: {  	v5 =	vimm.f32 $0.0e+00;
	v3 =	vld [tilespmem:s16+$0x7790]  }
0x121: {  	s12 =	simm.s32 $0x100;
	v6 =	vimm.f32 $0.0e+00;
	v7 =	vimm.f32 $0.0e+00;
	v0 =	vimm.f32 $0.0e+00;
	v4 =	vld [tilespmem:s16+$0x77A0]  }
.LBB2_20:
0x122: {  	p0 =	sne.s32 s12, $0x3100  }
.Ltmp9:
0x123: {  	s16 =	sshra.s32 s12, $0x2;
	s12 =	sadd.s32 $0x100, s12;
	v0 =	vadd.f32 v1, v0;
	(pc) =	sbr.rel @p0 .LBB2_20-.Ltmp9, $4  }
0x124: {  	v1 =	vld [tilespmem:s16+$0x77B0];
	v5 =	vadd.f32 v2, v5  }
0x125: {  	v2 =	vld [tilespmem:s16+$0x7780];
	v6 =	vadd.f32 v3, v6  }
0x126: {  	v3 =	vld [tilespmem:s16+$0x7790];
	v7 =	vadd.f32 v4, v7  }
0x127: {  	v4 =	vld [tilespmem:s16+$0x77A0]  }
0x128: {  	_ = 	snop  }
0x129: {  	v0 =	vadd.f32 v1, v0  }
0x12a: {  	v2 =	vadd.f32 v2, v5  }
0x12b: {  	v3 =	vadd.f32 v3, v6;
	v0 =	vmul.f32 $1.999999960e-02, v0  }
0x12c: {  	v4 =	vadd.f32 v4, v7;
	v2 =	vmul.f32 $1.999999960e-02, v2  }
0x12d: {  	v1 =	vmul.f32 $1.999999960e-02, v3;
	[tilespmem:$0xD170] =	vst v0  }
0x12e: {  	[tilespmem:$0xD140] =	vst v2;
	v2 =	vmul.f32 $1.999999960e-02, v4  }
0x12f: {  	[tilespmem:$0xD150] =	vst v1  }
0x130: {  	s16 =	simm.s32 $0x0;
	[tilespmem:$0xD160] =	vst v2  }
0x131: {  	v1 =	vld [tilespmem:s16+$0x8430]  }
0x132: {  	v2 =	vld [tilespmem:s16+$0x8400]  }
0x133: {  	v5 =	vimm.f32 $0.0e+00;
	v3 =	vld [tilespmem:s16+$0x8410]  }
0x134: {  	s12 =	simm.s32 $0x100;
	v6 =	vimm.f32 $0.0e+00;
	v7 =	vimm.f32 $0.0e+00;
	v0 =	vimm.f32 $0.0e+00;
	v4 =	vld [tilespmem:s16+$0x8420]  }
.LBB2_22:
0x135: {  	p0 =	sne.s32 s12, $0x3100  }
.Ltmp10:
0x136: {  	s16 =	sshra.s32 s12, $0x2;
	s12 =	sadd.s32 $0x100, s12;
	v0 =	vadd.f32 v1, v0;
	(pc) =	sbr.rel @p0 .LBB2_22-.Ltmp10, $4  }
0x137: {  	v1 =	vld [tilespmem:s16+$0x8430];
	v5 =	vadd.f32 v2, v5  }
0x138: {  	v2 =	vld [tilespmem:s16+$0x8400];
	v6 =	vadd.f32 v3, v6  }
0x139: {  	v3 =	vld [tilespmem:s16+$0x8410];
	v7 =	vadd.f32 v4, v7  }
0x13a: {  	v4 =	vld [tilespmem:s16+$0x8420]  }
0x13b: {  	_ = 	snop  }
0x13c: {  	v0 =	vadd.f32 v1, v0  }
0x13d: {  	v2 =	vadd.f32 v2, v5  }
0x13e: {  	v3 =	vadd.f32 v3, v6;
	v0 =	vmul.f32 $1.999999960e-02, v0  }
0x13f: {  	v4 =	vadd.f32 v4, v7;
	v2 =	vmul.f32 $1.999999960e-02, v2  }
0x140: {  	v1 =	vmul.f32 $1.999999960e-02, v3;
	[tilespmem:$0xD1B0] =	vst v0  }
0x141: {  	[tilespmem:$0xD180] =	vst v2;
	v2 =	vmul.f32 $1.999999960e-02, v4  }
0x142: {  	[tilespmem:$0xD190] =	vst v1  }
0x143: {  	s16 =	simm.s32 $0x0;
	[tilespmem:$0xD1A0] =	vst v2  }
0x144: {  	v1 =	vld [tilespmem:s16+$0x90B0]  }
0x145: {  	v2 =	vld [tilespmem:s16+$0x9080]  }
0x146: {  	v5 =	vimm.f32 $0.0e+00;
	v3 =	vld [tilespmem:s16+$0x9090]  }
0x147: {  	s12 =	simm.s32 $0x100;
	v6 =	vimm.f32 $0.0e+00;
	v7 =	vimm.f32 $0.0e+00;
	v0 =	vimm.f32 $0.0e+00;
	v4 =	vld [tilespmem:s16+$0x90A0]  }
.LBB2_24:
0x148: {  	p0 =	sne.s32 s12, $0x3100  }
.Ltmp11:
0x149: {  	s16 =	sshra.s32 s12, $0x2;
	s12 =	sadd.s32 $0x100, s12;
	v0 =	vadd.f32 v1, v0;
	(pc) =	sbr.rel @p0 .LBB2_24-.Ltmp11, $4  }
0x14a: {  	v1 =	vld [tilespmem:s16+$0x90B0];
	v5 =	vadd.f32 v2, v5  }
0x14b: {  	v2 =	vld [tilespmem:s16+$0x9080];
	v6 =	vadd.f32 v3, v6  }
0x14c: {  	v3 =	vld [tilespmem:s16+$0x9090];
	v7 =	vadd.f32 v4, v7  }
0x14d: {  	v4 =	vld [tilespmem:s16+$0x90A0]  }
0x14e: {  	_ = 	snop  }
0x14f: {  	v0 =	vadd.f32 v1, v0  }
0x150: {  	v2 =	vadd.f32 v2, v5  }
0x151: {  	v3 =	vadd.f32 v3, v6;
	v0 =	vmul.f32 $1.999999960e-02, v0  }
0x152: {  	v4 =	vadd.f32 v4, v7;
	v2 =	vmul.f32 $1.999999960e-02, v2  }
0x153: {  	v1 =	vmul.f32 $1.999999960e-02, v3;
	[tilespmem:$0xD1F0] =	vst v0  }
0x154: {  	[tilespmem:$0xD1C0] =	vst v2;
	v2 =	vmul.f32 $1.999999960e-02, v4  }
0x155: {  	[tilespmem:$0xD1D0] =	vst v1  }
0x156: {  	s16 =	simm.s32 $0x0;
	[tilespmem:$0xD1E0] =	vst v2  }
0x157: {  	v1 =	vld [tilespmem:s16+$0x9D30]  }
0x158: {  	v2 =	vld [tilespmem:s16+$0x9D00]  }
0x159: {  	v5 =	vimm.f32 $0.0e+00;
	v3 =	vld [tilespmem:s16+$0x9D10]  }
0x15a: {  	s12 =	simm.s32 $0x100;
	v6 =	vimm.f32 $0.0e+00;
	v7 =	vimm.f32 $0.0e+00;
	v0 =	vimm.f32 $0.0e+00;
	v4 =	vld [tilespmem:s16+$0x9D20]  }
.LBB2_26:
0x15b: {  	p0 =	sne.s32 s12, $0x3100  }
.Ltmp12:
0x15c: {  	s16 =	sshra.s32 s12, $0x2;
	s12 =	sadd.s32 $0x100, s12;
	v0 =	vadd.f32 v1, v0;
	(pc) =	sbr.rel @p0 .LBB2_26-.Ltmp12, $4  }
0x15d: {  	v1 =	vld [tilespmem:s16+$0x9D30];
	v5 =	vadd.f32 v2, v5  }
0x15e: {  	v2 =	vld [tilespmem:s16+$0x9D00];
	v6 =	vadd.f32 v3, v6  }
0x15f: {  	v3 =	vld [tilespmem:s16+$0x9D10];
	v7 =	vadd.f32 v4, v7  }
0x160: {  	v4 =	vld [tilespmem:s16+$0x9D20]  }
0x161: {  	_ = 	snop  }
0x162: {  	v0 =	vadd.f32 v1, v0  }
0x163: {  	v2 =	vadd.f32 v2, v5  }
0x164: {  	v3 =	vadd.f32 v3, v6;
	v0 =	vmul.f32 $1.999999960e-02, v0  }
0x165: {  	v4 =	vadd.f32 v4, v7;
	v2 =	vmul.f32 $1.999999960e-02, v2  }
0x166: {  	v1 =	vmul.f32 $1.999999960e-02, v3;
	[tilespmem:$0xD230] =	vst v0  }
0x167: {  	[tilespmem:$0xD200] =	vst v2;
	v2 =	vmul.f32 $1.999999960e-02, v4  }
0x168: {  	[tilespmem:$0xD210] =	vst v1  }
0x169: {  	s16 =	simm.s32 $0x0;
	[tilespmem:$0xD220] =	vst v2  }
0x16a: {  	v1 =	vld [tilespmem:s16+$0xA9B0]  }
0x16b: {  	v2 =	vld [tilespmem:s16+$0xA980]  }
0x16c: {  	v5 =	vimm.f32 $0.0e+00;
	v3 =	vld [tilespmem:s16+$0xA990]  }
0x16d: {  	s12 =	simm.s32 $0x100;
	v6 =	vimm.f32 $0.0e+00;
	v7 =	vimm.f32 $0.0e+00;
	v0 =	vimm.f32 $0.0e+00;
	v4 =	vld [tilespmem:s16+$0xA9A0]  }
.LBB2_28:
0x16e: {  	p0 =	sne.s32 s12, $0x3100  }
.Ltmp13:
0x16f: {  	s16 =	sshra.s32 s12, $0x2;
	s12 =	sadd.s32 $0x100, s12;
	v0 =	vadd.f32 v1, v0;
	(pc) =	sbr.rel @p0 .LBB2_28-.Ltmp13, $4  }
0x170: {  	v1 =	vld [tilespmem:s16+$0xA9B0];
	v5 =	vadd.f32 v2, v5  }
0x171: {  	v2 =	vld [tilespmem:s16+$0xA980];
	v6 =	vadd.f32 v3, v6  }
0x172: {  	v3 =	vld [tilespmem:s16+$0xA990];
	v7 =	vadd.f32 v4, v7  }
0x173: {  	v4 =	vld [tilespmem:s16+$0xA9A0]  }
0x174: {  	_ = 	snop  }
0x175: {  	v0 =	vadd.f32 v1, v0  }
0x176: {  	v2 =	vadd.f32 v2, v5  }
0x177: {  	v3 =	vadd.f32 v3, v6;
	v0 =	vmul.f32 $1.999999960e-02, v0  }
0x178: {  	v4 =	vadd.f32 v4, v7;
	v2 =	vmul.f32 $1.999999960e-02, v2  }
0x179: {  	v1 =	vmul.f32 $1.999999960e-02, v3;
	[tilespmem:$0xD270] =	vst v0  }
0x17a: {  	[tilespmem:$0xD240] =	vst v2;
	v2 =	vmul.f32 $1.999999960e-02, v4  }
0x17b: {  	[tilespmem:$0xD250] =	vst v1  }
0x17c: {  	s16 =	simm.s32 $0x0;
	[tilespmem:$0xD260] =	vst v2  }
0x17d: {  	v1 =	vld [tilespmem:s16+$0xB630]  }
0x17e: {  	v2 =	vld [tilespmem:s16+$0xB600]  }
0x17f: {  	v5 =	vimm.f32 $0.0e+00;
	v3 =	vld [tilespmem:s16+$0xB610]  }
0x180: {  	s12 =	simm.s32 $0x100;
	v6 =	vimm.f32 $0.0e+00;
	v7 =	vimm.f32 $0.0e+00;
	v0 =	vimm.f32 $0.0e+00;
	v4 =	vld [tilespmem:s16+$0xB620]  }
.LBB2_30:
0x181: {  	p0 =	sne.s32 s12, $0x3100  }
.Ltmp14:
0x182: {  	s16 =	sshra.s32 s12, $0x2;
	s12 =	sadd.s32 $0x100, s12;
	v0 =	vadd.f32 v1, v0;
	(pc) =	sbr.rel @p0 .LBB2_30-.Ltmp14, $4  }
0x183: {  	v1 =	vld [tilespmem:s16+$0xB630];
	v5 =	vadd.f32 v2, v5  }
0x184: {  	v2 =	vld [tilespmem:s16+$0xB600];
	v6 =	vadd.f32 v3, v6  }
0x185: {  	v3 =	vld [tilespmem:s16+$0xB610];
	v7 =	vadd.f32 v4, v7  }
0x186: {  	v4 =	vld [tilespmem:s16+$0xB620]  }
0x187: {  	_ = 	snop  }
0x188: {  	v0 =	vadd.f32 v1, v0  }
0x189: {  	v2 =	vadd.f32 v2, v5  }
0x18a: {  	v3 =	vadd.f32 v3, v6;
	v0 =	vmul.f32 $1.999999960e-02, v0  }
0x18b: {  	v4 =	vadd.f32 v4, v7;
	v2 =	vmul.f32 $1.999999960e-02, v2  }
0x18c: {  	v1 =	vmul.f32 $1.999999960e-02, v3;
	[tilespmem:$0xD2B0] =	vst v0  }
0x18d: {  	[tilespmem:$0xD280] =	vst v2;
	v2 =	vmul.f32 $1.999999960e-02, v4  }
0x18e: {  	[tilespmem:$0xD290] =	vst v1  }
0x18f: {  	s16 =	simm.s32 $0x0;
	[tilespmem:$0xD2A0] =	vst v2  }
0x190: {  	v1 =	vld [tilespmem:s16+$0xC2B0]  }
0x191: {  	v2 =	vld [tilespmem:s16+$0xC280]  }
0x192: {  	v5 =	vimm.f32 $0.0e+00;
	v3 =	vld [tilespmem:s16+$0xC290]  }
0x193: {  	s12 =	simm.s32 $0x100;
	v6 =	vimm.f32 $0.0e+00;
	v7 =	vimm.f32 $0.0e+00;
	v0 =	vimm.f32 $0.0e+00;
	v4 =	vld [tilespmem:s16+$0xC2A0]  }
.LBB2_32:
0x194: {  	p0 =	sne.s32 s12, $0x3100  }
.Ltmp15:
0x195: {  	s16 =	sshra.s32 s12, $0x2;
	s12 =	sadd.s32 $0x100, s12;
	v0 =	vadd.f32 v1, v0;
	(pc) =	sbr.rel @p0 .LBB2_32-.Ltmp15, $4  }
0x196: {  	v1 =	vld [tilespmem:s16+$0xC2B0];
	v5 =	vadd.f32 v2, v5  }
0x197: {  	v2 =	vld [tilespmem:s16+$0xC280];
	v6 =	vadd.f32 v3, v6  }
0x198: {  	v3 =	vld [tilespmem:s16+$0xC290];
	v7 =	vadd.f32 v4, v7  }
0x199: {  	v4 =	vld [tilespmem:s16+$0xC2A0]  }
0x19a: {  	_ = 	snop  }
0x19b: {  	v0 =	vadd.f32 v1, v0  }
0x19c: {  	v2 =	vadd.f32 v2, v5  }
0x19d: {  	v3 =	vadd.f32 v3, v6;
	v0 =	vmul.f32 $1.999999960e-02, v0  }
0x19e: {  	v4 =	vadd.f32 v4, v7;
	v2 =	vmul.f32 $1.999999960e-02, v2  }
0x19f: {  	v1 =	vmul.f32 $1.999999960e-02, v3;
	[tilespmem:$0xD2F0] =	vst v0  }
0x1a0: {  	[tilespmem:$0xD2C0] =	vst v2;
	v2 =	vmul.f32 $1.999999960e-02, v4  }
0x1a1: {  	[tilespmem:$0xD2D0] =	vst v1  }
0x1a2: {  	s12 =	simm.s32 $0x540;
	[tilespmem:$0xD2E0] =	vst v2  }
0x1a3: {  	[tilespmem:s25], [sflag:$0x1] =	stream.indirect.gather [hbm4b:s3+s8], $0x40, s12, s8, $0xb8;
	[tilespmem:$0xD700] =	vst v63  }
0x1a4: {  	s16 =	simm.s32 $0x578  }
0x1a5: {  	[tilespmem:s28], [sflag:$0x1] =	stream.indirect.gather [hbm4b:s3+s8], $0x40, s16, s8, $0xb8;
	[tilespmem:$0xD700] =	vst v63  }
0x1a6: {  	s16 =	simm.s32 $0x5B0  }
0x1a7: {  	[tilespmem:s30], [sflag:$0x1] =	stream.indirect.gather [hbm4b:s3+s8], $0x40, s16, s8, $0xb8;
	[tilespmem:$0xD700] =	vst v63  }
0x1a8: {  	s16 =	simm.s32 $0x5E8  }
0x1a9: {  	[tilespmem:s1], [sflag:$0x1] =	stream.indirect.gather [hbm4b:s3+s8], $0x40, s16, s8, $0xb8;
	[tilespmem:$0xD700] =	vst v63  }
0x1aa: {  	s16 =	simm.s32 $0x620  }
0x1ab: {  	[tilespmem:s10], [sflag:$0x1] =	stream.indirect.gather [hbm4b:s3+s8], $0x40, s16, s8, $0xb8;
	[tilespmem:$0xD700] =	vst v63  }
0x1ac: {  	_ = 	snop  }
0x1ad: {  	[tilespmem:s14], [sflag:$0x1] =	stream.indirect.gather [hbm4b:s3+s8], $0x40, s20, s8, $0xb8;
	[tilespmem:$0xD700] =	vst v63  }
0x1ae: {  	_ = 	snop  }
0x1af: {  	[tilespmem:s18], [sflag:$0x1] =	stream.indirect.gather [hbm4b:s3+s8], $0x40, s26, s8, $0xb8;
	[tilespmem:$0xD700] =	vst v63  }
0x1b0: {  	_ = 	snop  }
0x1b1: {  	[tilespmem:s22], [sflag:$0x1] =	stream.indirect.gather [hbm4b:s3+s8], $0x40, s29, s8, $0xb8;
	[tilespmem:$0xD700] =	vst v63  }
0x1b2: {  	_ =	swait.ge [sflag:s24], $0xC80  }
0x1b3: {  	[sflag:s24] =	ssyncset.done $0x0  }
0x1b4: {  	[sflag:s24] =	ssyncadd.s32 $0xFFFFF380  }
0x1b5: {  	_ =	swait.ge [sflag:s24], $0xC80  }
0x1b6: {  	[sflag:s24] =	ssyncset.done $0x0  }
0x1b7: {  	[sflag:s24] =	ssyncadd.s32 $0xFFFFF380  }
0x1b8: {  	_ =	swait.ge [sflag:s24], $0xC80  }
0x1b9: {  	[sflag:s24] =	ssyncset.done $0x0  }
0x1ba: {  	[sflag:s24] =	ssyncadd.s32 $0xFFFFF380  }
0x1bb: {  	_ =	swait.ge [sflag:s24], $0xC80  }
0x1bc: {  	[sflag:s24] =	ssyncset.done $0x0  }
0x1bd: {  	[sflag:s24] =	ssyncadd.s32 $0xFFFFF380  }
0x1be: {  	_ =	swait.ge [sflag:s24], $0xC80  }
0x1bf: {  	[sflag:s24] =	ssyncset.done $0x0  }
0x1c0: {  	[sflag:s24] =	ssyncadd.s32 $0xFFFFF380  }
0x1c1: {  	_ =	swait.ge [sflag:s24], $0xC80  }
0x1c2: {  	[sflag:s24] =	ssyncset.done $0x0  }
0x1c3: {  	[sflag:s24] =	ssyncadd.s32 $0xFFFFF380  }
0x1c4: {  	_ =	swait.ge [sflag:s24], $0xC80  }
0x1c5: {  	[sflag:s24] =	ssyncset.done $0x0  }
0x1c6: {  	[sflag:s24] =	ssyncadd.s32 $0xFFFFF380  }
0x1c7: {  	_ =	swait.ge [sflag:s24], $0xC80  }
0x1c8: {  	[sflag:s24] =	ssyncset.done $0x0  }
0x1c9: {  	s16 =	simm.s32 $0x0;
	[sflag:s24] =	ssyncadd.s32 $0xFFFFF380  }
0x1ca: {  	v1 =	vld [tilespmem:s16+$0x730]  }
0x1cb: {  	v2 =	vld [tilespmem:s16+$0x700]  }
0x1cc: {  	v5 =	vimm.f32 $0.0e+00;
	v3 =	vld [tilespmem:s16+$0x710]  }
0x1cd: {  	v6 =	vimm.f32 $0.0e+00;
	v7 =	vimm.f32 $0.0e+00;
	v0 =	vimm.f32 $0.0e+00;
	s12 =	simm.s32 $0x100;
	v4 =	vld [tilespmem:s16+$0x720]  }
.LBB2_34:
0x1ce: {  	p0 =	sne.s32 s12, $0x3100  }
.Ltmp16:
0x1cf: {  	s16 =	sshra.s32 s12, $0x2;
	s12 =	sadd.s32 $0x100, s12;
	v0 =	vadd.f32 v1, v0;
	(pc) =	sbr.rel @p0 .LBB2_34-.Ltmp16, $4  }
0x1d0: {  	v1 =	vld [tilespmem:s16+$0x730];
	v5 =	vadd.f32 v2, v5  }
0x1d1: {  	v2 =	vld [tilespmem:s16+$0x700];
	v6 =	vadd.f32 v3, v6  }
0x1d2: {  	v3 =	vld [tilespmem:s16+$0x710];
	v7 =	vadd.f32 v4, v7  }
0x1d3: {  	v4 =	vld [tilespmem:s16+$0x720]  }
0x1d4: {  	_ = 	snop  }
0x1d5: {  	v0 =	vadd.f32 v1, v0  }
0x1d6: {  	v2 =	vadd.f32 v2, v5  }
0x1d7: {  	v3 =	vadd.f32 v3, v6;
	v0 =	vmul.f32 $1.999999960e-02, v0  }
0x1d8: {  	v4 =	vadd.f32 v4, v7;
	v2 =	vmul.f32 $1.999999960e-02, v2  }
0x1d9: {  	v1 =	vmul.f32 $1.999999960e-02, v3;
	[tilespmem:$0xD330] =	vst v0  }
0x1da: {  	[tilespmem:$0xD300] =	vst v2;
	v2 =	vmul.f32 $1.999999960e-02, v4  }
0x1db: {  	[tilespmem:$0xD310] =	vst v1  }
0x1dc: {  	s16 =	simm.s32 $0x0;
	[tilespmem:$0xD320] =	vst v2  }
0x1dd: {  	v1 =	vld [tilespmem:s16+$0x13B0]  }
0x1de: {  	v2 =	vld [tilespmem:s16+$0x1380]  }
0x1df: {  	v5 =	vimm.f32 $0.0e+00;
	v3 =	vld [tilespmem:s16+$0x1390]  }
0x1e0: {  	s12 =	simm.s32 $0x100;
	v6 =	vimm.f32 $0.0e+00;
	v7 =	vimm.f32 $0.0e+00;
	v0 =	vimm.f32 $0.0e+00;
	v4 =	vld [tilespmem:s16+$0x13A0]  }
.LBB2_36:
0x1e1: {  	p0 =	sne.s32 s12, $0x3100  }
.Ltmp17:
0x1e2: {  	s16 =	sshra.s32 s12, $0x2;
	s12 =	sadd.s32 $0x100, s12;
	v0 =	vadd.f32 v1, v0;
	(pc) =	sbr.rel @p0 .LBB2_36-.Ltmp17, $4  }
0x1e3: {  	v1 =	vld [tilespmem:s16+$0x13B0];
	v5 =	vadd.f32 v2, v5  }
0x1e4: {  	v2 =	vld [tilespmem:s16+$0x1380];
	v6 =	vadd.f32 v3, v6  }
0x1e5: {  	v3 =	vld [tilespmem:s16+$0x1390];
	v7 =	vadd.f32 v4, v7  }
0x1e6: {  	v4 =	vld [tilespmem:s16+$0x13A0]  }
0x1e7: {  	_ = 	snop  }
0x1e8: {  	v0 =	vadd.f32 v1, v0  }
0x1e9: {  	v2 =	vadd.f32 v2, v5  }
0x1ea: {  	v3 =	vadd.f32 v3, v6;
	v0 =	vmul.f32 $1.999999960e-02, v0  }
0x1eb: {  	v4 =	vadd.f32 v4, v7;
	v2 =	vmul.f32 $1.999999960e-02, v2  }
0x1ec: {  	v1 =	vmul.f32 $1.999999960e-02, v3;
	[tilespmem:$0xD370] =	vst v0  }
0x1ed: {  	[tilespmem:$0xD340] =	vst v2;
	v2 =	vmul.f32 $1.999999960e-02, v4  }
0x1ee: {  	[tilespmem:$0xD350] =	vst v1  }
0x1ef: {  	s16 =	simm.s32 $0x0;
	[tilespmem:$0xD360] =	vst v2  }
0x1f0: {  	v1 =	vld [tilespmem:s16+$0x2030]  }
0x1f1: {  	v2 =	vld [tilespmem:s16+$0x2000]  }
0x1f2: {  	v5 =	vimm.f32 $0.0e+00;
	v3 =	vld [tilespmem:s16+$0x2010]  }
0x1f3: {  	s12 =	simm.s32 $0x100;
	v6 =	vimm.f32 $0.0e+00;
	v7 =	vimm.f32 $0.0e+00;
	v0 =	vimm.f32 $0.0e+00;
	v4 =	vld [tilespmem:s16+$0x2020]  }
.LBB2_38:
0x1f4: {  	p0 =	sne.s32 s12, $0x3100  }
.Ltmp18:
0x1f5: {  	s16 =	sshra.s32 s12, $0x2;
	s12 =	sadd.s32 $0x100, s12;
	v0 =	vadd.f32 v1, v0;
	(pc) =	sbr.rel @p0 .LBB2_38-.Ltmp18, $4  }
0x1f6: {  	v1 =	vld [tilespmem:s16+$0x2030];
	v5 =	vadd.f32 v2, v5  }
0x1f7: {  	v2 =	vld [tilespmem:s16+$0x2000];
	v6 =	vadd.f32 v3, v6  }
0x1f8: {  	v3 =	vld [tilespmem:s16+$0x2010];
	v7 =	vadd.f32 v4, v7  }
0x1f9: {  	v4 =	vld [tilespmem:s16+$0x2020]  }
0x1fa: {  	_ = 	snop  }
0x1fb: {  	v0 =	vadd.f32 v1, v0  }
0x1fc: {  	v2 =	vadd.f32 v2, v5  }
0x1fd: {  	v3 =	vadd.f32 v3, v6;
	v0 =	vmul.f32 $1.999999960e-02, v0  }
0x1fe: {  	v4 =	vadd.f32 v4, v7;
	v2 =	vmul.f32 $1.999999960e-02, v2  }
0x1ff: {  	v1 =	vmul.f32 $1.999999960e-02, v3;
	[tilespmem:$0xD3B0] =	vst v0  }
0x200: {  	[tilespmem:$0xD380] =	vst v2;
	v2 =	vmul.f32 $1.999999960e-02, v4  }
0x201: {  	[tilespmem:$0xD390] =	vst v1  }
0x202: {  	s16 =	simm.s32 $0x0;
	[tilespmem:$0xD3A0] =	vst v2  }
0x203: {  	v1 =	vld [tilespmem:s16+$0x2CB0]  }
0x204: {  	v2 =	vld [tilespmem:s16+$0x2C80]  }
0x205: {  	v5 =	vimm.f32 $0.0e+00;
	v3 =	vld [tilespmem:s16+$0x2C90]  }
0x206: {  	s12 =	simm.s32 $0x100;
	v6 =	vimm.f32 $0.0e+00;
	v7 =	vimm.f32 $0.0e+00;
	v0 =	vimm.f32 $0.0e+00;
	v4 =	vld [tilespmem:s16+$0x2CA0]  }
.LBB2_40:
0x207: {  	p0 =	sne.s32 s12, $0x3100  }
.Ltmp19:
0x208: {  	s16 =	sshra.s32 s12, $0x2;
	s12 =	sadd.s32 $0x100, s12;
	v0 =	vadd.f32 v1, v0;
	(pc) =	sbr.rel @p0 .LBB2_40-.Ltmp19, $4  }
0x209: {  	v1 =	vld [tilespmem:s16+$0x2CB0];
	v5 =	vadd.f32 v2, v5  }
0x20a: {  	v2 =	vld [tilespmem:s16+$0x2C80];
	v6 =	vadd.f32 v3, v6  }
0x20b: {  	v3 =	vld [tilespmem:s16+$0x2C90];
	v7 =	vadd.f32 v4, v7  }
0x20c: {  	v4 =	vld [tilespmem:s16+$0x2CA0]  }
0x20d: {  	_ = 	snop  }
0x20e: {  	v0 =	vadd.f32 v1, v0  }
0x20f: {  	v2 =	vadd.f32 v2, v5  }
0x210: {  	v3 =	vadd.f32 v3, v6;
	v0 =	vmul.f32 $1.999999960e-02, v0  }
0x211: {  	v4 =	vadd.f32 v4, v7;
	v2 =	vmul.f32 $1.999999960e-02, v2  }
0x212: {  	v1 =	vmul.f32 $1.999999960e-02, v3;
	[tilespmem:$0xD3F0] =	vst v0  }
0x213: {  	[tilespmem:$0xD3C0] =	vst v2;
	v2 =	vmul.f32 $1.999999960e-02, v4  }
0x214: {  	[tilespmem:$0xD3D0] =	vst v1  }
0x215: {  	s16 =	simm.s32 $0x0;
	[tilespmem:$0xD3E0] =	vst v2  }
0x216: {  	v1 =	vld [tilespmem:s16+$0x3930]  }
0x217: {  	v2 =	vld [tilespmem:s16+$0x3900]  }
0x218: {  	v5 =	vimm.f32 $0.0e+00;
	v3 =	vld [tilespmem:s16+$0x3910]  }
0x219: {  	s12 =	simm.s32 $0x100;
	v6 =	vimm.f32 $0.0e+00;
	v7 =	vimm.f32 $0.0e+00;
	v0 =	vimm.f32 $0.0e+00;
	v4 =	vld [tilespmem:s16+$0x3920]  }
.LBB2_42:
0x21a: {  	p0 =	sne.s32 s12, $0x3100  }
.Ltmp20:
0x21b: {  	s16 =	sshra.s32 s12, $0x2;
	s12 =	sadd.s32 $0x100, s12;
	v0 =	vadd.f32 v1, v0;
	(pc) =	sbr.rel @p0 .LBB2_42-.Ltmp20, $4  }
0x21c: {  	v1 =	vld [tilespmem:s16+$0x3930];
	v5 =	vadd.f32 v2, v5  }
0x21d: {  	v2 =	vld [tilespmem:s16+$0x3900];
	v6 =	vadd.f32 v3, v6  }
0x21e: {  	v3 =	vld [tilespmem:s16+$0x3910];
	v7 =	vadd.f32 v4, v7  }
0x21f: {  	v4 =	vld [tilespmem:s16+$0x3920]  }
0x220: {  	_ = 	snop  }
0x221: {  	v0 =	vadd.f32 v1, v0  }
0x222: {  	v2 =	vadd.f32 v2, v5  }
0x223: {  	v3 =	vadd.f32 v3, v6;
	v0 =	vmul.f32 $1.999999960e-02, v0  }
0x224: {  	v4 =	vadd.f32 v4, v7;
	v2 =	vmul.f32 $1.999999960e-02, v2  }
0x225: {  	v1 =	vmul.f32 $1.999999960e-02, v3;
	[tilespmem:$0xD430] =	vst v0  }
0x226: {  	[tilespmem:$0xD400] =	vst v2;
	v2 =	vmul.f32 $1.999999960e-02, v4  }
0x227: {  	[tilespmem:$0xD410] =	vst v1  }
0x228: {  	s16 =	simm.s32 $0x0;
	[tilespmem:$0xD420] =	vst v2  }
0x229: {  	v1 =	vld [tilespmem:s16+$0x45B0]  }
0x22a: {  	v2 =	vld [tilespmem:s16+$0x4580]  }
0x22b: {  	v5 =	vimm.f32 $0.0e+00;
	v3 =	vld [tilespmem:s16+$0x4590]  }
0x22c: {  	s12 =	simm.s32 $0x100;
	v6 =	vimm.f32 $0.0e+00;
	v7 =	vimm.f32 $0.0e+00;
	v0 =	vimm.f32 $0.0e+00;
	v4 =	vld [tilespmem:s16+$0x45A0]  }
.LBB2_44:
0x22d: {  	p0 =	sne.s32 s12, $0x3100  }
.Ltmp21:
0x22e: {  	s16 =	sshra.s32 s12, $0x2;
	s12 =	sadd.s32 $0x100, s12;
	v0 =	vadd.f32 v1, v0;
	(pc) =	sbr.rel @p0 .LBB2_44-.Ltmp21, $4  }
0x22f: {  	v1 =	vld [tilespmem:s16+$0x45B0];
	v5 =	vadd.f32 v2, v5  }
0x230: {  	v2 =	vld [tilespmem:s16+$0x4580];
	v6 =	vadd.f32 v3, v6  }
0x231: {  	v3 =	vld [tilespmem:s16+$0x4590];
	v7 =	vadd.f32 v4, v7  }
0x232: {  	v4 =	vld [tilespmem:s16+$0x45A0]  }
0x233: {  	_ = 	snop  }
0x234: {  	v0 =	vadd.f32 v1, v0  }
0x235: {  	v2 =	vadd.f32 v2, v5  }
0x236: {  	v3 =	vadd.f32 v3, v6;
	v0 =	vmul.f32 $1.999999960e-02, v0  }
0x237: {  	v4 =	vadd.f32 v4, v7;
	v2 =	vmul.f32 $1.999999960e-02, v2  }
0x238: {  	v1 =	vmul.f32 $1.999999960e-02, v3;
	[tilespmem:$0xD470] =	vst v0  }
0x239: {  	[tilespmem:$0xD440] =	vst v2;
	v2 =	vmul.f32 $1.999999960e-02, v4  }
0x23a: {  	[tilespmem:$0xD450] =	vst v1  }
0x23b: {  	s16 =	simm.s32 $0x0;
	[tilespmem:$0xD460] =	vst v2  }
0x23c: {  	v1 =	vld [tilespmem:s16+$0x5230]  }
0x23d: {  	v2 =	vld [tilespmem:s16+$0x5200]  }
0x23e: {  	v5 =	vimm.f32 $0.0e+00;
	v3 =	vld [tilespmem:s16+$0x5210]  }
0x23f: {  	s12 =	simm.s32 $0x100;
	v6 =	vimm.f32 $0.0e+00;
	v7 =	vimm.f32 $0.0e+00;
	v0 =	vimm.f32 $0.0e+00;
	v4 =	vld [tilespmem:s16+$0x5220]  }
.LBB2_46:
0x240: {  	p0 =	sne.s32 s12, $0x3100  }
.Ltmp22:
0x241: {  	s16 =	sshra.s32 s12, $0x2;
	s12 =	sadd.s32 $0x100, s12;
	v0 =	vadd.f32 v1, v0;
	(pc) =	sbr.rel @p0 .LBB2_46-.Ltmp22, $4  }
0x242: {  	v1 =	vld [tilespmem:s16+$0x5230];
	v5 =	vadd.f32 v2, v5  }
0x243: {  	v2 =	vld [tilespmem:s16+$0x5200];
	v6 =	vadd.f32 v3, v6  }
0x244: {  	v3 =	vld [tilespmem:s16+$0x5210];
	v7 =	vadd.f32 v4, v7  }
0x245: {  	v4 =	vld [tilespmem:s16+$0x5220]  }
0x246: {  	_ = 	snop  }
0x247: {  	v0 =	vadd.f32 v1, v0  }
0x248: {  	v2 =	vadd.f32 v2, v5  }
0x249: {  	v3 =	vadd.f32 v3, v6;
	v0 =	vmul.f32 $1.999999960e-02, v0  }
0x24a: {  	v4 =	vadd.f32 v4, v7;
	v2 =	vmul.f32 $1.999999960e-02, v2  }
0x24b: {  	v1 =	vmul.f32 $1.999999960e-02, v3;
	[tilespmem:$0xD4B0] =	vst v0  }
0x24c: {  	[tilespmem:$0xD480] =	vst v2;
	v2 =	vmul.f32 $1.999999960e-02, v4  }
0x24d: {  	[tilespmem:$0xD490] =	vst v1  }
0x24e: {  	s16 =	simm.s32 $0x0;
	[tilespmem:$0xD4A0] =	vst v2  }
0x24f: {  	v1 =	vld [tilespmem:s16+$0x5EB0]  }
0x250: {  	v2 =	vld [tilespmem:s16+$0x5E80]  }
0x251: {  	v5 =	vimm.f32 $0.0e+00;
	v3 =	vld [tilespmem:s16+$0x5E90]  }
0x252: {  	s12 =	simm.s32 $0x100;
	v6 =	vimm.f32 $0.0e+00;
	v7 =	vimm.f32 $0.0e+00;
	v0 =	vimm.f32 $0.0e+00;
	v4 =	vld [tilespmem:s16+$0x5EA0]  }
.LBB2_48:
0x253: {  	p0 =	sne.s32 s12, $0x3100  }
.Ltmp23:
0x254: {  	s16 =	sshra.s32 s12, $0x2;
	s12 =	sadd.s32 $0x100, s12;
	v0 =	vadd.f32 v1, v0;
	(pc) =	sbr.rel @p0 .LBB2_48-.Ltmp23, $4  }
0x255: {  	v1 =	vld [tilespmem:s16+$0x5EB0];
	v5 =	vadd.f32 v2, v5  }
0x256: {  	v2 =	vld [tilespmem:s16+$0x5E80];
	v6 =	vadd.f32 v3, v6  }
0x257: {  	v3 =	vld [tilespmem:s16+$0x5E90];
	v7 =	vadd.f32 v4, v7  }
0x258: {  	v4 =	vld [tilespmem:s16+$0x5EA0]  }
0x259: {  	_ = 	snop  }
0x25a: {  	v0 =	vadd.f32 v1, v0  }
0x25b: {  	v2 =	vadd.f32 v2, v5  }
0x25c: {  	v3 =	vadd.f32 v3, v6;
	v0 =	vmul.f32 $1.999999960e-02, v0  }
0x25d: {  	v4 =	vadd.f32 v4, v7;
	v2 =	vmul.f32 $1.999999960e-02, v2  }
0x25e: {  	v1 =	vmul.f32 $1.999999960e-02, v3;
	[tilespmem:$0xD4F0] =	vst v0  }
0x25f: {  	[tilespmem:$0xD4C0] =	vst v2;
	v2 =	vmul.f32 $1.999999960e-02, v4  }
0x260: {  	[tilespmem:$0xD4D0] =	vst v1  }
0x261: {  	[tilespmem:$0xD4E0] =	vst v2  }
0x262: {  	_ =	swait.ge [sflag:s24], $0xC80  }
0x263: {  	[sflag:s24] =	ssyncset.done $0x0  }
0x264: {  	[sflag:s24] =	ssyncadd.s32 $0xFFFFF380  }
0x265: {  	_ =	swait.ge [sflag:s24], $0xC80  }
0x266: {  	[sflag:s24] =	ssyncset.done $0x0  }
0x267: {  	[sflag:s24] =	ssyncadd.s32 $0xFFFFF380  }
0x268: {  	_ =	swait.ge [sflag:s24], $0xC80  }
0x269: {  	[sflag:s24] =	ssyncset.done $0x0  }
0x26a: {  	[sflag:s24] =	ssyncadd.s32 $0xFFFFF380  }
0x26b: {  	_ =	swait.ge [sflag:s24], $0xC80  }
0x26c: {  	[sflag:s24] =	ssyncset.done $0x0  }
0x26d: {  	[sflag:s24] =	ssyncadd.s32 $0xFFFFF380  }
0x26e: {  	_ =	swait.ge [sflag:s24], $0xC80  }
0x26f: {  	[sflag:s24] =	ssyncset.done $0x0  }
0x270: {  	[sflag:s24] =	ssyncadd.s32 $0xFFFFF380  }
0x271: {  	_ =	swait.ge [sflag:s24], $0xC80  }
0x272: {  	[sflag:s24] =	ssyncset.done $0x0  }
0x273: {  	[sflag:s24] =	ssyncadd.s32 $0xFFFFF380  }
0x274: {  	_ =	swait.ge [sflag:s24], $0xC80  }
0x275: {  	[sflag:s24] =	ssyncset.done $0x0  }
0x276: {  	[sflag:s24] =	ssyncadd.s32 $0xFFFFF380  }
0x277: {  	_ =	swait.ge [sflag:s24], $0xC80  }
0x278: {  	[sflag:s24] =	ssyncset.done $0x0  }
0x279: {  	s16 =	simm.s32 $0x0;
	[sflag:s24] =	ssyncadd.s32 $0xFFFFF380  }
0x27a: {  	v1 =	vld [tilespmem:s16+$0x6B30]  }
0x27b: {  	v2 =	vld [tilespmem:s16+$0x6B00]  }
0x27c: {  	v5 =	vimm.f32 $0.0e+00;
	v3 =	vld [tilespmem:s16+$0x6B10]  }
0x27d: {  	s12 =	simm.s32 $0x100;
	v6 =	vimm.f32 $0.0e+00;
	v7 =	vimm.f32 $0.0e+00;
	v0 =	vimm.f32 $0.0e+00;
	v4 =	vld [tilespmem:s16+$0x6B20]  }
.LBB2_50:
0x27e: {  	p0 =	sne.s32 s12, $0x3100  }
.Ltmp24:
0x27f: {  	s16 =	sshra.s32 s12, $0x2;
	s12 =	sadd.s32 $0x100, s12;
	v0 =	vadd.f32 v1, v0;
	(pc) =	sbr.rel @p0 .LBB2_50-.Ltmp24, $4  }
0x280: {  	v1 =	vld [tilespmem:s16+$0x6B30];
	v5 =	vadd.f32 v2, v5  }
0x281: {  	v2 =	vld [tilespmem:s16+$0x6B00];
	v6 =	vadd.f32 v3, v6  }
0x282: {  	v3 =	vld [tilespmem:s16+$0x6B10];
	v7 =	vadd.f32 v4, v7  }
0x283: {  	v4 =	vld [tilespmem:s16+$0x6B20]  }
0x284: {  	_ = 	snop  }
0x285: {  	v0 =	vadd.f32 v1, v0  }
0x286: {  	v2 =	vadd.f32 v2, v5  }
0x287: {  	v3 =	vadd.f32 v3, v6;
	v0 =	vmul.f32 $1.999999960e-02, v0  }
0x288: {  	v4 =	vadd.f32 v4, v7;
	v2 =	vmul.f32 $1.999999960e-02, v2  }
0x289: {  	v1 =	vmul.f32 $1.999999960e-02, v3;
	[tilespmem:$0xD530] =	vst v0  }
0x28a: {  	[tilespmem:$0xD500] =	vst v2;
	v2 =	vmul.f32 $1.999999960e-02, v4  }
0x28b: {  	[tilespmem:$0xD510] =	vst v1  }
0x28c: {  	s16 =	simm.s32 $0x0;
	[tilespmem:$0xD520] =	vst v2  }
0x28d: {  	v1 =	vld [tilespmem:s16+$0x77B0]  }
0x28e: {  	v2 =	vld [tilespmem:s16+$0x7780]  }
0x28f: {  	v5 =	vimm.f32 $0.0e+00;
	v3 =	vld [tilespmem:s16+$0x7790]  }
0x290: {  	s12 =	simm.s32 $0x100;
	v6 =	vimm.f32 $0.0e+00;
	v7 =	vimm.f32 $0.0e+00;
	v0 =	vimm.f32 $0.0e+00;
	v4 =	vld [tilespmem:s16+$0x77A0]  }
.LBB2_52:
0x291: {  	p0 =	sne.s32 s12, $0x3100  }
.Ltmp25:
0x292: {  	s16 =	sshra.s32 s12, $0x2;
	s12 =	sadd.s32 $0x100, s12;
	v0 =	vadd.f32 v1, v0;
	(pc) =	sbr.rel @p0 .LBB2_52-.Ltmp25, $4  }
0x293: {  	v1 =	vld [tilespmem:s16+$0x77B0];
	v5 =	vadd.f32 v2, v5  }
0x294: {  	v2 =	vld [tilespmem:s16+$0x7780];
	v6 =	vadd.f32 v3, v6  }
0x295: {  	v3 =	vld [tilespmem:s16+$0x7790];
	v7 =	vadd.f32 v4, v7  }
0x296: {  	v4 =	vld [tilespmem:s16+$0x77A0]  }
0x297: {  	_ = 	snop  }
0x298: {  	v0 =	vadd.f32 v1, v0  }
0x299: {  	v2 =	vadd.f32 v2, v5  }
0x29a: {  	v3 =	vadd.f32 v3, v6;
	v0 =	vmul.f32 $1.999999960e-02, v0  }
0x29b: {  	v4 =	vadd.f32 v4, v7;
	v2 =	vmul.f32 $1.999999960e-02, v2  }
0x29c: {  	v1 =	vmul.f32 $1.999999960e-02, v3;
	[tilespmem:$0xD570] =	vst v0  }
0x29d: {  	[tilespmem:$0xD540] =	vst v2;
	v2 =	vmul.f32 $1.999999960e-02, v4  }
0x29e: {  	[tilespmem:$0xD550] =	vst v1  }
0x29f: {  	s16 =	simm.s32 $0x0;
	[tilespmem:$0xD560] =	vst v2  }
0x2a0: {  	v1 =	vld [tilespmem:s16+$0x8430]  }
0x2a1: {  	v2 =	vld [tilespmem:s16+$0x8400]  }
0x2a2: {  	v5 =	vimm.f32 $0.0e+00;
	v3 =	vld [tilespmem:s16+$0x8410]  }
0x2a3: {  	s12 =	simm.s32 $0x100;
	v6 =	vimm.f32 $0.0e+00;
	v7 =	vimm.f32 $0.0e+00;
	v0 =	vimm.f32 $0.0e+00;
	v4 =	vld [tilespmem:s16+$0x8420]  }
.LBB2_54:
0x2a4: {  	p0 =	sne.s32 s12, $0x3100  }
.Ltmp26:
0x2a5: {  	s16 =	sshra.s32 s12, $0x2;
	s12 =	sadd.s32 $0x100, s12;
	v0 =	vadd.f32 v1, v0;
	(pc) =	sbr.rel @p0 .LBB2_54-.Ltmp26, $4  }
0x2a6: {  	v1 =	vld [tilespmem:s16+$0x8430];
	v5 =	vadd.f32 v2, v5  }
0x2a7: {  	v2 =	vld [tilespmem:s16+$0x8400];
	v6 =	vadd.f32 v3, v6  }
0x2a8: {  	v3 =	vld [tilespmem:s16+$0x8410];
	v7 =	vadd.f32 v4, v7  }
0x2a9: {  	v4 =	vld [tilespmem:s16+$0x8420]  }
0x2aa: {  	_ = 	snop  }
0x2ab: {  	v0 =	vadd.f32 v1, v0  }
0x2ac: {  	v2 =	vadd.f32 v2, v5  }
0x2ad: {  	v3 =	vadd.f32 v3, v6;
	v0 =	vmul.f32 $1.999999960e-02, v0  }
0x2ae: {  	v4 =	vadd.f32 v4, v7;
	v2 =	vmul.f32 $1.999999960e-02, v2  }
0x2af: {  	v1 =	vmul.f32 $1.999999960e-02, v3;
	[tilespmem:$0xD5B0] =	vst v0  }
0x2b0: {  	[tilespmem:$0xD580] =	vst v2;
	v2 =	vmul.f32 $1.999999960e-02, v4  }
0x2b1: {  	[tilespmem:$0xD590] =	vst v1  }
0x2b2: {  	s16 =	simm.s32 $0x0;
	[tilespmem:$0xD5A0] =	vst v2  }
0x2b3: {  	v1 =	vld [tilespmem:s16+$0x90B0]  }
0x2b4: {  	v2 =	vld [tilespmem:s16+$0x9080]  }
0x2b5: {  	v5 =	vimm.f32 $0.0e+00;
	v3 =	vld [tilespmem:s16+$0x9090]  }
0x2b6: {  	s12 =	simm.s32 $0x100;
	v6 =	vimm.f32 $0.0e+00;
	v7 =	vimm.f32 $0.0e+00;
	v0 =	vimm.f32 $0.0e+00;
	v4 =	vld [tilespmem:s16+$0x90A0]  }
.LBB2_56:
0x2b7: {  	p0 =	sne.s32 s12, $0x3100  }
.Ltmp27:
0x2b8: {  	s16 =	sshra.s32 s12, $0x2;
	s12 =	sadd.s32 $0x100, s12;
	v0 =	vadd.f32 v1, v0;
	(pc) =	sbr.rel @p0 .LBB2_56-.Ltmp27, $4  }
0x2b9: {  	v1 =	vld [tilespmem:s16+$0x90B0];
	v5 =	vadd.f32 v2, v5  }
0x2ba: {  	v2 =	vld [tilespmem:s16+$0x9080];
	v6 =	vadd.f32 v3, v6  }
0x2bb: {  	v3 =	vld [tilespmem:s16+$0x9090];
	v7 =	vadd.f32 v4, v7  }
0x2bc: {  	v4 =	vld [tilespmem:s16+$0x90A0]  }
0x2bd: {  	_ = 	snop  }
0x2be: {  	v0 =	vadd.f32 v1, v0  }
0x2bf: {  	v2 =	vadd.f32 v2, v5  }
0x2c0: {  	v3 =	vadd.f32 v3, v6;
	v0 =	vmul.f32 $1.999999960e-02, v0  }
0x2c1: {  	v4 =	vadd.f32 v4, v7;
	v2 =	vmul.f32 $1.999999960e-02, v2  }
0x2c2: {  	v1 =	vmul.f32 $1.999999960e-02, v3;
	[tilespmem:$0xD5F0] =	vst v0  }
0x2c3: {  	[tilespmem:$0xD5C0] =	vst v2;
	v2 =	vmul.f32 $1.999999960e-02, v4  }
0x2c4: {  	[tilespmem:$0xD5D0] =	vst v1  }
0x2c5: {  	s16 =	simm.s32 $0x0;
	[tilespmem:$0xD5E0] =	vst v2  }
0x2c6: {  	v1 =	vld [tilespmem:s16+$0x9D30]  }
0x2c7: {  	v2 =	vld [tilespmem:s16+$0x9D00]  }
0x2c8: {  	v5 =	vimm.f32 $0.0e+00;
	v3 =	vld [tilespmem:s16+$0x9D10]  }
0x2c9: {  	s12 =	simm.s32 $0x100;
	v6 =	vimm.f32 $0.0e+00;
	v7 =	vimm.f32 $0.0e+00;
	v0 =	vimm.f32 $0.0e+00;
	v4 =	vld [tilespmem:s16+$0x9D20]  }
.LBB2_58:
0x2ca: {  	p0 =	sne.s32 s12, $0x3100  }
.Ltmp28:
0x2cb: {  	s16 =	sshra.s32 s12, $0x2;
	s12 =	sadd.s32 $0x100, s12;
	v0 =	vadd.f32 v1, v0;
	(pc) =	sbr.rel @p0 .LBB2_58-.Ltmp28, $4  }
0x2cc: {  	v1 =	vld [tilespmem:s16+$0x9D30];
	v5 =	vadd.f32 v2, v5  }
0x2cd: {  	v2 =	vld [tilespmem:s16+$0x9D00];
	v6 =	vadd.f32 v3, v6  }
0x2ce: {  	v3 =	vld [tilespmem:s16+$0x9D10];
	v7 =	vadd.f32 v4, v7  }
0x2cf: {  	v4 =	vld [tilespmem:s16+$0x9D20]  }
0x2d0: {  	_ = 	snop  }
0x2d1: {  	v0 =	vadd.f32 v1, v0  }
0x2d2: {  	v2 =	vadd.f32 v2, v5  }
0x2d3: {  	v3 =	vadd.f32 v3, v6;
	v0 =	vmul.f32 $1.999999960e-02, v0  }
0x2d4: {  	v4 =	vadd.f32 v4, v7;
	v2 =	vmul.f32 $1.999999960e-02, v2  }
0x2d5: {  	v1 =	vmul.f32 $1.999999960e-02, v3;
	[tilespmem:$0xD630] =	vst v0  }
0x2d6: {  	[tilespmem:$0xD600] =	vst v2;
	v2 =	vmul.f32 $1.999999960e-02, v4  }
0x2d7: {  	[tilespmem:$0xD610] =	vst v1  }
0x2d8: {  	s16 =	simm.s32 $0x0;
	[tilespmem:$0xD620] =	vst v2  }
0x2d9: {  	v1 =	vld [tilespmem:s16+$0xA9B0]  }
0x2da: {  	v2 =	vld [tilespmem:s16+$0xA980]  }
0x2db: {  	v5 =	vimm.f32 $0.0e+00;
	v3 =	vld [tilespmem:s16+$0xA990]  }
0x2dc: {  	s12 =	simm.s32 $0x100;
	v6 =	vimm.f32 $0.0e+00;
	v7 =	vimm.f32 $0.0e+00;
	v0 =	vimm.f32 $0.0e+00;
	v4 =	vld [tilespmem:s16+$0xA9A0]  }
.LBB2_60:
0x2dd: {  	p0 =	sne.s32 s12, $0x3100  }
.Ltmp29:
0x2de: {  	s16 =	sshra.s32 s12, $0x2;
	s12 =	sadd.s32 $0x100, s12;
	v0 =	vadd.f32 v1, v0;
	(pc) =	sbr.rel @p0 .LBB2_60-.Ltmp29, $4  }
0x2df: {  	v1 =	vld [tilespmem:s16+$0xA9B0];
	v5 =	vadd.f32 v2, v5  }
0x2e0: {  	v2 =	vld [tilespmem:s16+$0xA980];
	v6 =	vadd.f32 v3, v6  }
0x2e1: {  	v3 =	vld [tilespmem:s16+$0xA990];
	v7 =	vadd.f32 v4, v7  }
0x2e2: {  	v4 =	vld [tilespmem:s16+$0xA9A0]  }
0x2e3: {  	_ = 	snop  }
0x2e4: {  	v0 =	vadd.f32 v1, v0  }
0x2e5: {  	v2 =	vadd.f32 v2, v5  }
0x2e6: {  	v3 =	vadd.f32 v3, v6;
	v0 =	vmul.f32 $1.999999960e-02, v0  }
0x2e7: {  	v4 =	vadd.f32 v4, v7;
	v2 =	vmul.f32 $1.999999960e-02, v2  }
0x2e8: {  	v1 =	vmul.f32 $1.999999960e-02, v3;
	[tilespmem:$0xD670] =	vst v0  }
0x2e9: {  	[tilespmem:$0xD640] =	vst v2;
	v2 =	vmul.f32 $1.999999960e-02, v4  }
0x2ea: {  	[tilespmem:$0xD650] =	vst v1  }
0x2eb: {  	s16 =	simm.s32 $0x0;
	[tilespmem:$0xD660] =	vst v2  }
0x2ec: {  	v1 =	vld [tilespmem:s16+$0xB630]  }
0x2ed: {  	v2 =	vld [tilespmem:s16+$0xB600]  }
0x2ee: {  	v5 =	vimm.f32 $0.0e+00;
	v3 =	vld [tilespmem:s16+$0xB610]  }
0x2ef: {  	s12 =	simm.s32 $0x100;
	v6 =	vimm.f32 $0.0e+00;
	v7 =	vimm.f32 $0.0e+00;
	v0 =	vimm.f32 $0.0e+00;
	v4 =	vld [tilespmem:s16+$0xB620]  }
.LBB2_62:
0x2f0: {  	p0 =	sne.s32 s12, $0x3100  }
.Ltmp30:
0x2f1: {  	s16 =	sshra.s32 s12, $0x2;
	s12 =	sadd.s32 $0x100, s12;
	v0 =	vadd.f32 v1, v0;
	(pc) =	sbr.rel @p0 .LBB2_62-.Ltmp30, $4  }
0x2f2: {  	v1 =	vld [tilespmem:s16+$0xB630];
	v5 =	vadd.f32 v2, v5  }
0x2f3: {  	v2 =	vld [tilespmem:s16+$0xB600];
	v6 =	vadd.f32 v3, v6  }
0x2f4: {  	v3 =	vld [tilespmem:s16+$0xB610];
	v7 =	vadd.f32 v4, v7  }
0x2f5: {  	v4 =	vld [tilespmem:s16+$0xB620]  }
0x2f6: {  	_ = 	snop  }
0x2f7: {  	v0 =	vadd.f32 v1, v0  }
0x2f8: {  	v2 =	vadd.f32 v2, v5  }
0x2f9: {  	v3 =	vadd.f32 v3, v6;
	v0 =	vmul.f32 $1.999999960e-02, v0  }
0x2fa: {  	v4 =	vadd.f32 v4, v7;
	v2 =	vmul.f32 $1.999999960e-02, v2  }
0x2fb: {  	v1 =	vmul.f32 $1.999999960e-02, v3;
	[tilespmem:$0xD6B0] =	vst v0  }
0x2fc: {  	[tilespmem:$0xD680] =	vst v2;
	v2 =	vmul.f32 $1.999999960e-02, v4  }
0x2fd: {  	[tilespmem:$0xD690] =	vst v1  }
0x2fe: {  	s16 =	simm.s32 $0x0;
	[tilespmem:$0xD6A0] =	vst v2  }
0x2ff: {  	v1 =	vld [tilespmem:s16+$0xC2B0]  }
0x300: {  	v2 =	vld [tilespmem:s16+$0xC280]  }
0x301: {  	v5 =	vimm.f32 $0.0e+00;
	v3 =	vld [tilespmem:s16+$0xC290]  }
0x302: {  	s12 =	simm.s32 $0x100;
	v6 =	vimm.f32 $0.0e+00;
	v7 =	vimm.f32 $0.0e+00;
	v0 =	vimm.f32 $0.0e+00;
	v4 =	vld [tilespmem:s16+$0xC2A0]  }
.LBB2_64:
0x303: {  	p0 =	sne.s32 s12, $0x3100  }
.Ltmp31:
0x304: {  	s16 =	sshra.s32 s12, $0x2;
	s12 =	sadd.s32 $0x100, s12;
	v0 =	vadd.f32 v1, v0;
	(pc) =	sbr.rel @p0 .LBB2_64-.Ltmp31, $4  }
0x305: {  	v1 =	vld [tilespmem:s16+$0xC2B0];
	v5 =	vadd.f32 v2, v5  }
0x306: {  	v2 =	vld [tilespmem:s16+$0xC280];
	v6 =	vadd.f32 v3, v6  }
0x307: {  	v3 =	vld [tilespmem:s16+$0xC290];
	v7 =	vadd.f32 v4, v7  }
0x308: {  	v4 =	vld [tilespmem:s16+$0xC2A0]  }
0x309: {  	_ = 	snop  }
0x30a: {  	v0 =	vadd.f32 v1, v0  }
0x30b: {  	v2 =	vadd.f32 v2, v5  }
0x30c: {  	v3 =	vadd.f32 v3, v6;
	v0 =	vmul.f32 $1.999999960e-02, v0  }
0x30d: {  	v4 =	vadd.f32 v4, v7;
	v2 =	vmul.f32 $1.999999960e-02, v2  }
0x30e: {  	v62 =	vmul.f32 $1.999999960e-02, v3;
	[tilespmem:$0xD6F0] =	vst v0  }
0x30f: {  	s0 =	sadd.s32 $0x1, s0;
	[tilespmem:$0xD6C0] =	vst v2;
	v63 =	vmul.f32 $1.999999960e-02, v4  }
0x310: {  	p0 =	sne.s32 s0, s6;
	[tilespmem:$0xD6D0] =	vst v62  }
.Ltmp32:
0x311: {  	[tilespmem:$0xD6E0] =	vst v63;
	(pc) =	sbr.rel @p0 .LBB2_1-.Ltmp32, $4  }
0x312: {  	[hbm4b:s5+s2] =	stream.linear.scatter [tilespmem:s31], [sflag:$0x2], $0x800, $0x38;
	[tilespmem:$0xD700] =	vst v63  }
0x313: {  	_ =	swait.ge [sflag:s7], $0x800  }
0x314: {  	[sflag:s7] =	ssyncset.done $0x0  }
0x315: {  	[sflag:s7] =	ssyncadd.s32 $0xFFFFF800  }
0x316: {  	_ =	sfence.sel $0x180000  }
0x317: {  	[bflag:$0x0] =	sbarrier.arrive $0xFFFF  }
0x318: {  	_ =	strace $0x90000047  }
0x319: {  	s0 =	stileid.u32;
	[bflag:$0x2] =	sbarrier.arrive $0xFFFF  }
0x31a: {  	p0 =	sne.s32 s0, $0x0;
	s0 =	rddreg [dreg:$0x1]  }
0x31b: {  	s0 =	sadd.s32 @!p0 $0x100000, s0  }
0x31c: {  	[sflag:s0] =	ssyncadd.tile.s32 @!p0 $0x1;
	_ =	shalt  }
.Lfunc_end2:
_tile_overlayer_lowered:
.L_overlay_start_2:
0x31d: {  	(tag) =	ssettag $0x2  }
0x31e: {  	s0 =	rddreg [dreg:$0x0];
	s2 =	stileid.u32  }
0x31f: {  	s1 =	rddreg [dreg:$0x1];
	p0 =	sne.s32 s2, $0x0  }
0x320: {  	s3 =	rddreg [dreg:$0x2];
	[bflag:$0x3] =	sbarrier.arrive $0xFFFF;
	s2 =	simm.s32 @!p0 $0x1C02  }
0x321: {  	[timem:s3], [sflag:s2] =	dma.local @!p0 [hbm:s0], s1  }
0x322: {  	s0 =	simm.s32 @!p0 $0x2  }
0x323: {  	_ =	swait.ge @!p0 [sflag:s0], s1  }
0x324: {  	s1 =	ssub.s32 @!p0 $0x0, s1;
	[sflag:s0] =	ssyncset.done @!p0 $0x0  }
0x325: {  	[sflag:s0] =	ssyncadd.s32 @!p0 s1  }
0x326: {  	[bflag:$0x3] =	sbarrier.arrive $0xFFFF  }
0x327: {  	_ =	shalt  }

</sc_bundles>
